<compile_context>
chip_gen: v7x
topology: tpu7x:2x2x1
jax: 0.10.2.dev20260603
libtpu: 0.0.44.dev20260713+nightly
codegen_flags: <defaults>
</compile_context>

<pallas_src>
import functools

import jax
import jax.numpy as jnp
from jax import lax
from jax.experimental import pallas as pl
from jax.experimental.pallas import tpu as pltpu
from jax.experimental.pallas import tpu_sc as plsc

_B = 16384
_D = 128
_NC = 2
_NS = 16
_NW = _NC * _NS
_BPW = _B // _NW
_CH = 64
_NCHUNK = _BPW // _CH
_NPAIR = _NCHUNK // 2
_LANES = 8


def _rsqrt(x):
    i = lax.bitcast_convert_type(x, jnp.int32)
    i = jnp.int32(0x5F3759DF) - lax.shift_right_logical(i, 1)
    y = lax.bitcast_convert_type(i, jnp.float32)
    for _ in range(2):
        y = y * (jnp.float32(1.5) - jnp.float32(0.5) * x * y * y)
    return y


def _trans_d_body(heads, rels, invs, ent, entp, rel2, relp, out,
                  idxh, idxr, idxe,
                  hbufA, hpbufA, rbufA, rpbufA, obufA,
                  hbufB, hpbufB, rbufB, rpbufB, obufB,
                  semA, semB, wsemA, wsemB):
    wid = lax.axis_index("s") * _NC + lax.axis_index("c")
    base = wid * _BPW

    pltpu.sync_copy(heads.at[pl.ds(base, _BPW)], idxh)
    pltpu.sync_copy(rels.at[pl.ds(base, _BPW)], idxr)
    pltpu.sync_copy(invs.at[pl.ds(base, _BPW)], idxe)

    @plsc.parallel_loop(0, _BPW // 16, unroll=4)
    def _mix(k):
        s = pl.ds(k * 16, 16)
        idxe[s] = idxr[s] + jnp.int32(1000) * idxe[s]

    def fire(c, hb, hpb, rb, rpb, sem):
        cs = pl.ds(c * _CH, _CH)
        pltpu.async_copy(ent.at[idxh.at[cs]], hb, sem)
        pltpu.async_copy(entp.at[idxh.at[cs]], hpb, sem)
        pltpu.async_copy(rel2.at[idxe.at[cs]], rb, sem)
        pltpu.async_copy(relp.at[idxr.at[cs]], rpb, sem)

    def drain(c, hb, hpb, rb, rpb, sem):
        cs = pl.ds(c * _CH, _CH)
        pltpu.make_async_copy(ent.at[idxh.at[cs]], hb, sem).wait()
        pltpu.make_async_copy(entp.at[idxh.at[cs]], hpb, sem).wait()
        pltpu.make_async_copy(rel2.at[idxe.at[cs]], rb, sem).wait()
        pltpu.make_async_copy(relp.at[idxr.at[cs]], rpb, sem).wait()

    def compute(hb, hpb, rpb, rb, ob):
        @plsc.parallel_loop(0, _CH, unroll=4)
        def row(i):
            hv = [hb[i, pl.ds(d * 16, 16)] for d in range(_LANES)]
            hpv = [hpb[i, pl.ds(d * 16, 16)] for d in range(_LANES)]
            acc = hv[0] * hpv[0]
            for d in range(1, _LANES):
                acc = acc + hv[d] * hpv[d]
            inner = jnp.sum(acc)
            tv = [rpb[i, pl.ds(d * 16, 16)] * inner + hv[d]
                  for d in range(_LANES)]
            nacc = tv[0] * tv[0]
            for d in range(1, _LANES):
                nacc = nacc + tv[d] * tv[d]
            inv1 = _rsqrt(jnp.maximum(jnp.sum(nacc), jnp.float32(1e-24)))
            uv = [tv[d] * inv1 + rb[i, pl.ds(d * 16, 16)]
                  for d in range(_LANES)]
            n2 = uv[0] * uv[0]
            for d in range(1, _LANES):
                n2 = n2 + uv[d] * uv[d]
            inv2 = _rsqrt(jnp.maximum(jnp.sum(n2), jnp.float32(1e-24)))
            for d in range(_LANES):
                ob[i, pl.ds(d * 16, 16)] = uv[d] * inv2

    fire(0, hbufA, hpbufA, rbufA, rpbufA, semA)

    def pair(p, _):
        c0 = 2 * p
        fire(c0 + 1, hbufB, hpbufB, rbufB, rpbufB, semB)
        drain(c0, hbufA, hpbufA, rbufA, rpbufA, semA)
        compute(hbufA, hpbufA, rpbufA, rbufA, obufA)
        wbA = pltpu.async_copy(
            obufA, out.at[pl.ds(base + c0 * _CH, _CH)], wsemA)

        @pl.when(p < _NPAIR - 1)
        def _():
            fire(c0 + 2, hbufA, hpbufA, rbufA, rpbufA, semA)

        drain(c0 + 1, hbufB, hpbufB, rbufB, rpbufB, semB)
        compute(hbufB, hpbufB, rpbufB, rbufB, obufB)
        wbB = pltpu.async_copy(
            obufB, out.at[pl.ds(base + (c0 + 1) * _CH, _CH)], wsemB)
        wbA.wait()
        wbB.wait()
        return 0

    lax.fori_loop(0, _NPAIR, pair, 0)


@functools.partial(jax.jit, donate_argnums=())
def _trans_d(heads_i32, rels_i32, inv_i32, entity_emb, entity_emb_p,
             rel2, rel_emb_p):
    mesh = plsc.VectorSubcoreMesh(
        core_axis_name="c", subcore_axis_name="s",
        num_cores=_NC, num_subcores=_NS)
    buf = lambda: pltpu.VMEM((_CH, _D), jnp.float32)
    return pl.kernel(
        _trans_d_body,
        out_type=jax.ShapeDtypeStruct((_B, _D), jnp.float32),
        mesh=mesh,
        compiler_params=pltpu.CompilerParams(needs_layout_passes=False),
        scratch_types=[
            pltpu.VMEM((_BPW,), jnp.int32),
            pltpu.VMEM((_BPW,), jnp.int32),
            pltpu.VMEM((_BPW,), jnp.int32),
            buf(), buf(), buf(), buf(), buf(),
            buf(), buf(), buf(), buf(), buf(),
            pltpu.SemaphoreType.DMA,
            pltpu.SemaphoreType.DMA,
            pltpu.SemaphoreType.DMA,
            pltpu.SemaphoreType.DMA,
        ],
    )(heads_i32, rels_i32, inv_i32, entity_emb, entity_emb_p,
      rel2, rel_emb_p)


def kernel(heads, relations, inverse, entity_emb, entity_emb_p,
           rel_emb, rel_emb_p):
    heads_i32 = heads.astype(jnp.int32)
    rels_i32 = relations.astype(jnp.int32)
    inv_i32 = inverse.astype(jnp.int32)
    rel2 = jnp.concatenate([rel_emb, -rel_emb], axis=0)
    return _trans_d(heads_i32, rels_i32, inv_i32, entity_emb,
                    entity_emb_p, rel2, rel_emb_p)

# --- scband reference (transcript-rebuilt; emitter-appended) ---
"""Pipeline reference for scband-trans-d-25443386262342 (READ-ONLY COPY).

The authoritative reference and input builder live on the scoring server;
editing this copy changes nothing except your own understanding.
"""

import jax, jax.numpy as jnp
import numpy as np

NUM_ENTITIES = 1000000
NUM_RELATIONS = 1000
EMBED_DIM = 128
BATCH = 16384

def _xavier(key, shape):
    fan_in, fan_out = shape[1], shape[0]
    a = float(np.sqrt(6.0 / (fan_in + fan_out)))
    return jax.random.uniform(key, shape, dtype=jnp.float32, minval=-a, maxval=a)

def setup_inputs(seed: int = 0) -> dict:
    key = jax.random.key(seed)
    k1, k2, k3, k4, k5, k6, k7 = jax.random.split(key, 7)
    heads = jax.random.randint(k1, (BATCH,), 0, NUM_ENTITIES, dtype=jnp.int64) if jax.config.jax_enable_x64 else jax.random.randint(k1, (BATCH,), 0, NUM_ENTITIES).astype(jnp.int32)
    relations = jax.random.randint(k2, (BATCH,), 0, NUM_RELATIONS).astype(jnp.int32)
    inverse = jax.random.randint(k3, (BATCH,), 0, 2).astype(jnp.bool_)
    entity_emb = jax.random.normal(k4, (NUM_ENTITIES, EMBED_DIM), dtype=jnp.float32)
    entity_emb_p = _xavier(k5, (NUM_ENTITIES, EMBED_DIM))
    rel_emb = _xavier(k6, (NUM_RELATIONS, EMBED_DIM))
    rel_emb_p = _xavier(k7, (NUM_RELATIONS, EMBED_DIM))
    return {"heads": heads, "relations": relations, "inverse": inverse,
            "entity_emb": entity_emb, "entity_emb_p": entity_emb_p,
            "rel_emb": rel_emb, "rel_emb_p": rel_emb_p}

def _l2_normalize(x, eps=1e-12):
    n = jnp.linalg.norm(x, ord=2, axis=1, keepdims=True)
    return x / jnp.maximum(n, eps)

def reference(heads, relations, inverse, entity_emb, entity_emb_p, rel_emb, rel_emb_p):
    head_embeddings = jnp.take(entity_emb, heads, axis=0)
    head_embeddings_p = jnp.take(entity_emb_p, heads, axis=0)
    relation_embeddings = jnp.take(rel_emb, relations, axis=0)
    relation_embeddings_p = jnp.take(rel_emb_p, relations, axis=0)
    # relation_embeddings[inverse] *= -1
    relation_embeddings = jnp.where(inverse[:, None], -relation_embeddings, relation_embeddings)
    inner = jnp.sum(head_embeddings_p * head_embeddings, axis=1)[:, None]
    proj = _l2_normalize(relation_embeddings_p * inner + head_embeddings)
    out = proj + relation_embeddings
    out = _l2_normalize(out)  # self.norm truthy -> final normalize
    return out

if __name__ == "__main__":
    import jax
    _d = setup_inputs()
    print(jax.jit(kernel)(*tuple(_d.values())))

</pallas_src>

<mosaic_0001>
#map = affine_map<(d0, d1) -> (0)>
#map1 = affine_map<(d0, d1) -> (0, 0)>
module attributes {stable_mosaic.version = 14 : i64} {
  func.func @_trans_d_body(%arg0: i32, %arg1: i32, %arg2: memref<16384xi32, #tpu.memory_space<hbm>>, %arg3: memref<16384xi32, #tpu.memory_space<hbm>>, %arg4: memref<16384xi32, #tpu.memory_space<hbm>>, %arg5: memref<1000000x128xf32, #tpu.memory_space<hbm>>, %arg6: memref<1000000x128xf32, #tpu.memory_space<hbm>>, %arg7: memref<2000x128xf32, #tpu.memory_space<hbm>>, %arg8: memref<1000x128xf32, #tpu.memory_space<hbm>>, %arg9: memref<16384x128xf32, #tpu.memory_space<hbm>>, %arg10: memref<512xi32, #tpu.memory_space<vmem>>, %arg11: memref<512xi32, #tpu.memory_space<vmem>>, %arg12: memref<512xi32, #tpu.memory_space<vmem>>, %arg13: memref<64x128xf32, #tpu.memory_space<vmem>>, %arg14: memref<64x128xf32, #tpu.memory_space<vmem>>, %arg15: memref<64x128xf32, #tpu.memory_space<vmem>>, %arg16: memref<64x128xf32, #tpu.memory_space<vmem>>, %arg17: memref<64x128xf32, #tpu.memory_space<vmem>>, %arg18: memref<64x128xf32, #tpu.memory_space<vmem>>, %arg19: memref<64x128xf32, #tpu.memory_space<vmem>>, %arg20: memref<64x128xf32, #tpu.memory_space<vmem>>, %arg21: memref<64x128xf32, #tpu.memory_space<vmem>>, %arg22: memref<64x128xf32, #tpu.memory_space<vmem>>, %arg23: memref<!tpu.dma_semaphore, #tpu.memory_space<semaphore_mem>>, %arg24: memref<!tpu.dma_semaphore, #tpu.memory_space<semaphore_mem>>, %arg25: memref<!tpu.dma_semaphore, #tpu.memory_space<semaphore_mem>>, %arg26: memref<!tpu.dma_semaphore, #tpu.memory_space<semaphore_mem>>) attributes {dimension_semantics = [#tpu.dimension_semantics<core_parallel>, #tpu.dimension_semantics<subcore_parallel>], iteration_bounds = array<i64: 2, 16>, scalar_prefetch = 0 : i64, scratch_operands = 17 : i64, tpu.core_type = #tpu.core_type<sc_vector_subcore>, window_params = [{transform_indices = #map}, {transform_indices = #map}, {transform_indices = #map}, {transform_indices = #map1}, {transform_indices = #map1}, {transform_indices = #map1}, {transform_indices = #map1}, {transform_indices = #map1}]} {
    %mul3A = arith.constant 2 : i32
    %mul3A_0 = arith.muli %arg1, %mul3A : i32
    %add3A = arith.addi %mul3A_0, %arg0 : i32
    %mul3A_1 = arith.constant 512 : i32
    %mul3A_2 = arith.muli %add3A, %mul3A_1 : i32
    "tpu.region"() ({
      %run_scoped3A = tpu.sem_alloc : memref<!tpu.dma_semaphore, #tpu.memory_space<semaphore_mem>>
      %dma_start3A_30 = tpu.memref_slice %arg2[%mul3A_2] : memref<16384xi32, #tpu.memory_space<hbm>> -> memref<512xi32, #tpu.memory_space<hbm>>
      %dma_start3A_31 = tpu.memref_slice %arg2[%mul3A_2] : memref<16384xi32, #tpu.memory_space<hbm>> -> memref<512xi32, #tpu.memory_space<hbm>>
      tpu.enqueue_dma source(%dma_start3A_31 : memref<512xi32, #tpu.memory_space<hbm>>) target(%arg10 : memref<512xi32, #tpu.memory_space<vmem>>) target_semaphore(%run_scoped3A : memref<!tpu.dma_semaphore, #tpu.memory_space<semaphore_mem>>)
      %dma_wait3A = tpu.memref_slice %arg2[%mul3A_2] : memref<16384xi32, #tpu.memory_space<hbm>> -> memref<512xi32, #tpu.memory_space<hbm>>
      %dma_wait3A_32 = tpu.memref_slice %arg2[%mul3A_2] : memref<16384xi32, #tpu.memory_space<hbm>> -> memref<512xi32, #tpu.memory_space<hbm>>
      tpu.wait_dma2 semaphore(%run_scoped3A : memref<!tpu.dma_semaphore, #tpu.memory_space<semaphore_mem>>) src(%dma_wait3A_32 : memref<512xi32, #tpu.memory_space<hbm>>) dst(%arg10 : memref<512xi32, #tpu.memory_space<vmem>>)
      tpu.yield
    }) : () -> ()
    "tpu.region"() ({
      %run_scoped3A = tpu.sem_alloc : memref<!tpu.dma_semaphore, #tpu.memory_space<semaphore_mem>>
      %dma_start3A_30 = tpu.memref_slice %arg3[%mul3A_2] : memref<16384xi32, #tpu.memory_space<hbm>> -> memref<512xi32, #tpu.memory_space<hbm>>
      %dma_start3A_31 = tpu.memref_slice %arg3[%mul3A_2] : memref<16384xi32, #tpu.memory_space<hbm>> -> memref<512xi32, #tpu.memory_space<hbm>>
      tpu.enqueue_dma source(%dma_start3A_31 : memref<512xi32, #tpu.memory_space<hbm>>) target(%arg11 : memref<512xi32, #tpu.memory_space<vmem>>) target_semaphore(%run_scoped3A : memref<!tpu.dma_semaphore, #tpu.memory_space<semaphore_mem>>)
      %dma_wait3A = tpu.memref_slice %arg3[%mul3A_2] : memref<16384xi32, #tpu.memory_space<hbm>> -> memref<512xi32, #tpu.memory_space<hbm>>
      %dma_wait3A_32 = tpu.memref_slice %arg3[%mul3A_2] : memref<16384xi32, #tpu.memory_space<hbm>> -> memref<512xi32, #tpu.memory_space<hbm>>
      tpu.wait_dma2 semaphore(%run_scoped3A : memref<!tpu.dma_semaphore, #tpu.memory_space<semaphore_mem>>) src(%dma_wait3A_32 : memref<512xi32, #tpu.memory_space<hbm>>) dst(%arg11 : memref<512xi32, #tpu.memory_space<vmem>>)
      tpu.yield
    }) : () -> ()
    "tpu.region"() ({
      %run_scoped3A = tpu.sem_alloc : memref<!tpu.dma_semaphore, #tpu.memory_space<semaphore_mem>>
      %dma_start3A_30 = tpu.memref_slice %arg4[%mul3A_2] : memref<16384xi32, #tpu.memory_space<hbm>> -> memref<512xi32, #tpu.memory_space<hbm>>
      %dma_start3A_31 = tpu.memref_slice %arg4[%mul3A_2] : memref<16384xi32, #tpu.memory_space<hbm>> -> memref<512xi32, #tpu.memory_space<hbm>>
      tpu.enqueue_dma source(%dma_start3A_31 : memref<512xi32, #tpu.memory_space<hbm>>) target(%arg12 : memref<512xi32, #tpu.memory_space<vmem>>) target_semaphore(%run_scoped3A : memref<!tpu.dma_semaphore, #tpu.memory_space<semaphore_mem>>)
      %dma_wait3A = tpu.memref_slice %arg4[%mul3A_2] : memref<16384xi32, #tpu.memory_space<hbm>> -> memref<512xi32, #tpu.memory_space<hbm>>
      %dma_wait3A_32 = tpu.memref_slice %arg4[%mul3A_2] : memref<16384xi32, #tpu.memory_space<hbm>> -> memref<512xi32, #tpu.memory_space<hbm>>
      tpu.wait_dma2 semaphore(%run_scoped3A : memref<!tpu.dma_semaphore, #tpu.memory_space<semaphore_mem>>) src(%dma_wait3A_32 : memref<512xi32, #tpu.memory_space<hbm>>) dst(%arg12 : memref<512xi32, #tpu.memory_space<vmem>>)
      tpu.yield
    }) : () -> ()
    %parallel_loop3A = arith.constant 0 : i32
    %parallel_loop3A_3 = arith.constant 32 : i32
    %parallel_loop3A_4 = arith.constant 1 : i32
    scf.for %parallel_loop3A_30 = %parallel_loop3A to %parallel_loop3A_3 step %parallel_loop3A_4  : i32 {
      %parallel_loop3A_31 = arith.constant 16 : i32
      %parallel_loop3A_32 = arith.muli %parallel_loop3A_30, %parallel_loop3A_31 : i32
      %parallel_loop3A_33 = arith.index_cast %parallel_loop3A_32 : i32 to index
      %parallel_loop3A_34 = tpu.vector_load %arg11[%parallel_loop3A_33] {strides = array<i32>} : memref<512xi32, #tpu.memory_space<vmem>>, vector<16xi32>,
      %parallel_loop3A_35 = arith.index_cast %parallel_loop3A_32 : i32 to index
      %parallel_loop3A_36 = tpu.vector_load %arg12[%parallel_loop3A_35] {strides = array<i32>} : memref<512xi32, #tpu.memory_space<vmem>>, vector<16xi32>,
      %parallel_loop3A_37 = arith.constant 1000 : i32
      %parallel_loop3A_38 = vector.broadcast %parallel_loop3A_37 : i32 to vector<16xi32>
      %parallel_loop3A_39 = arith.muli %parallel_loop3A_38, %parallel_loop3A_36 : vector<16xi32>
      %parallel_loop3A_40 = arith.addi %parallel_loop3A_34, %parallel_loop3A_39 : vector<16xi32>
      %parallel_loop3A_41 = arith.index_cast %parallel_loop3A_32 : i32 to index
      %parallel_loop3A_42 = tpu.vector_load %arg12[%parallel_loop3A_41] {strides = array<i32>} : memref<512xi32, #tpu.memory_space<vmem>>, vector<16xi32>,
      tpu.vector_store %arg12[%parallel_loop3A_41], %parallel_loop3A_40 {strides = array<i32>} : memref<512xi32, #tpu.memory_space<vmem>>, vector<16xi32>,
    } {sc.loop_unroll_factor = 4 : i64, sc.parallel_access}
    %dma_start3A = arith.constant 0 : i32
    %dma_start3A_5 = tpu.memref_slice %arg10[%dma_start3A] : memref<512xi32, #tpu.memory_space<vmem>> -> memref<64xi32, #tpu.memory_space<vmem>>
    %dma_start3A_6 = arith.constant 0 : i32
    %dma_start3A_7 = arith.constant 0 : i32
    %dma_start3A_8 = tpu.memref_slice %arg5[%dma_start3A_6, %dma_start3A_7] : memref<1000000x128xf32, #tpu.memory_space<hbm>> -> memref<1000000x128xf32, #tpu.memory_space<hbm>>
    tpu.enqueue_indirect_dma source(%dma_start3A_8 : memref<1000000x128xf32, #tpu.memory_space<hbm>>) target(%arg13 : memref<64x128xf32, #tpu.memory_space<vmem>>) offsets(%dma_start3A_5 : memref<64xi32, #tpu.memory_space<vmem>>) semaphore(%arg23 : memref<!tpu.dma_semaphore, #tpu.memory_space<semaphore_mem>>)
    %dma_start3A_9 = arith.constant 0 : i32
    %dma_start3A_10 = tpu.memref_slice %arg10[%dma_start3A_9] : memref<512xi32, #tpu.memory_space<vmem>> -> memref<64xi32, #tpu.memory_space<vmem>>
    %dma_start3A_11 = arith.constant 0 : i32
    %dma_start3A_12 = arith.constant 0 : i32
    %dma_start3A_13 = tpu.memref_slice %arg6[%dma_start3A_11, %dma_start3A_12] : memref<1000000x128xf32, #tpu.memory_space<hbm>> -> memref<1000000x128xf32, #tpu.memory_space<hbm>>
    tpu.enqueue_indirect_dma source(%dma_start3A_13 : memref<1000000x128xf32, #tpu.memory_space<hbm>>) target(%arg14 : memref<64x128xf32, #tpu.memory_space<vmem>>) offsets(%dma_start3A_10 : memref<64xi32, #tpu.memory_space<vmem>>) semaphore(%arg23 : memref<!tpu.dma_semaphore, #tpu.memory_space<semaphore_mem>>)
    %dma_start3A_14 = arith.constant 0 : i32
    %dma_start3A_15 = tpu.memref_slice %arg12[%dma_start3A_14] : memref<512xi32, #tpu.memory_space<vmem>> -> memref<64xi32, #tpu.memory_space<vmem>>
    %dma_start3A_16 = arith.constant 0 : i32
    %dma_start3A_17 = arith.constant 0 : i32
    %dma_start3A_18 = tpu.memref_slice %arg7[%dma_start3A_16, %dma_start3A_17] : memref<2000x128xf32, #tpu.memory_space<hbm>> -> memref<2000x128xf32, #tpu.memory_space<hbm>>
    tpu.enqueue_indirect_dma source(%dma_start3A_18 : memref<2000x128xf32, #tpu.memory_space<hbm>>) target(%arg15 : memref<64x128xf32, #tpu.memory_space<vmem>>) offsets(%dma_start3A_15 : memref<64xi32, #tpu.memory_space<vmem>>) semaphore(%arg23 : memref<!tpu.dma_semaphore, #tpu.memory_space<semaphore_mem>>)
    %dma_start3A_19 = arith.constant 0 : i32
    %dma_start3A_20 = tpu.memref_slice %arg11[%dma_start3A_19] : memref<512xi32, #tpu.memory_space<vmem>> -> memref<64xi32, #tpu.memory_space<vmem>>
    %dma_start3A_21 = arith.constant 0 : i32
    %dma_start3A_22 = arith.constant 0 : i32
    %dma_start3A_23 = tpu.memref_slice %arg8[%dma_start3A_21, %dma_start3A_22] : memref<1000x128xf32, #tpu.memory_space<hbm>> -> memref<1000x128xf32, #tpu.memory_space<hbm>>
    tpu.enqueue_indirect_dma source(%dma_start3A_23 : memref<1000x128xf32, #tpu.memory_space<hbm>>) target(%arg16 : memref<64x128xf32, #tpu.memory_space<vmem>>) offsets(%dma_start3A_20 : memref<64xi32, #tpu.memory_space<vmem>>) semaphore(%arg23 : memref<!tpu.dma_semaphore, #tpu.memory_space<semaphore_mem>>)
    %scan3A = arith.constant 0 : i32
    %scan3A_24 = arith.constant 0 : i32
    %scan3A_25 = arith.constant 4 : i32
    %scan3A_26 = arith.addi %scan3A_24, %scan3A_25 : i32
    %scan3A_27 = arith.constant 1 : i32
    %scan3A_28 = scf.for %scan3A_30 = %scan3A_24 to %scan3A_26 step %scan3A_27 iter_args(%scan3A_31 = %scan3A) -> (i32)  : i32 {
      %mul3A_32 = arith.constant 2 : i32
      %mul3A_33 = arith.muli %mul3A_32, %scan3A_30 : i32
      %add3A_34 = arith.constant 1 : i32
      %add3A_35 = arith.addi %mul3A_33, %add3A_34 : i32
      %mul3A_36 = arith.constant 64 : i32
      %mul3A_37 = arith.muli %add3A_35, %mul3A_36 : i32
      %dma_start3A_38 = tpu.memref_slice %arg10[%mul3A_37] : memref<512xi32, #tpu.memory_space<vmem>> -> memref<64xi32, #tpu.memory_space<vmem>>
      %dma_start3A_39 = arith.constant 0 : i32
      %dma_start3A_40 = arith.constant 0 : i32
      %dma_start3A_41 = tpu.memref_slice %arg5[%dma_start3A_39, %dma_start3A_40] : memref<1000000x128xf32, #tpu.memory_space<hbm>> -> memref<1000000x128xf32, #tpu.memory_space<hbm>>
      tpu.enqueue_indirect_dma source(%dma_start3A_41 : memref<1000000x128xf32, #tpu.memory_space<hbm>>) target(%arg18 : memref<64x128xf32, #tpu.memory_space<vmem>>) offsets(%dma_start3A_38 : memref<64xi32, #tpu.memory_space<vmem>>) semaphore(%arg24 : memref<!tpu.dma_semaphore, #tpu.memory_space<semaphore_mem>>)
      %dma_start3A_42 = tpu.memref_slice %arg10[%mul3A_37] : memref<512xi32, #tpu.memory_space<vmem>> -> memref<64xi32, #tpu.memory_space<vmem>>
      %dma_start3A_43 = arith.constant 0 : i32
      %dma_start3A_44 = arith.constant 0 : i32
      %dma_start3A_45 = tpu.memref_slice %arg6[%dma_start3A_43, %dma_start3A_44] : memref<1000000x128xf32, #tpu.memory_space<hbm>> -> memref<1000000x128xf32, #tpu.memory_space<hbm>>
      tpu.enqueue_indirect_dma source(%dma_start3A_45 : memref<1000000x128xf32, #tpu.memory_space<hbm>>) target(%arg19 : memref<64x128xf32, #tpu.memory_space<vmem>>) offsets(%dma_start3A_42 : memref<64xi32, #tpu.memory_space<vmem>>) semaphore(%arg24 : memref<!tpu.dma_semaphore, #tpu.memory_space<semaphore_mem>>)
      %dma_start3A_46 = tpu.memref_slice %arg12[%mul3A_37] : memref<512xi32, #tpu.memory_space<vmem>> -> memref<64xi32, #tpu.memory_space<vmem>>
      %dma_start3A_47 = arith.constant 0 : i32
      %dma_start3A_48 = arith.constant 0 : i32
      %dma_start3A_49 = tpu.memref_slice %arg7[%dma_start3A_47, %dma_start3A_48] : memref<2000x128xf32, #tpu.memory_space<hbm>> -> memref<2000x128xf32, #tpu.memory_space<hbm>>
      tpu.enqueue_indirect_dma source(%dma_start3A_49 : memref<2000x128xf32, #tpu.memory_space<hbm>>) target(%arg20 : memref<64x128xf32, #tpu.memory_space<vmem>>) offsets(%dma_start3A_46 : memref<64xi32, #tpu.memory_space<vmem>>) semaphore(%arg24 : memref<!tpu.dma_semaphore, #tpu.memory_space<semaphore_mem>>)
      %dma_start3A_50 = tpu.memref_slice %arg11[%mul3A_37] : memref<512xi32, #tpu.memory_space<vmem>> -> memref<64xi32, #tpu.memory_space<vmem>>
      %dma_start3A_51 = arith.constant 0 : i32
      %dma_start3A_52 = arith.constant 0 : i32
      %dma_start3A_53 = tpu.memref_slice %arg8[%dma_start3A_51, %dma_start3A_52] : memref<1000x128xf32, #tpu.memory_space<hbm>> -> memref<1000x128xf32, #tpu.memory_space<hbm>>
      tpu.enqueue_indirect_dma source(%dma_start3A_53 : memref<1000x128xf32, #tpu.memory_space<hbm>>) target(%arg21 : memref<64x128xf32, #tpu.memory_space<vmem>>) offsets(%dma_start3A_50 : memref<64xi32, #tpu.memory_space<vmem>>) semaphore(%arg24 : memref<!tpu.dma_semaphore, #tpu.memory_space<semaphore_mem>>)
      %mul3A_54 = arith.constant 64 : i32
      %mul3A_55 = arith.muli %mul3A_33, %mul3A_54 : i32
      %dma_wait3A = tpu.memref_slice %arg10[%mul3A_55] : memref<512xi32, #tpu.memory_space<vmem>> -> memref<64xi32, #tpu.memory_space<vmem>>
      %dma_wait3A_56 = arith.constant 0 : i32
      %dma_wait3A_57 = arith.constant 0 : i32
      %dma_wait3A_58 = tpu.memref_slice %arg5[%dma_wait3A_56, %dma_wait3A_57] : memref<1000000x128xf32, #tpu.memory_space<hbm>> -> memref<1000000x128xf32, #tpu.memory_space<hbm>>
      tpu.wait_indirect_dma semaphore(%arg23 : memref<!tpu.dma_semaphore, #tpu.memory_space<semaphore_mem>>) src(%dma_wait3A_58 : memref<1000000x128xf32, #tpu.memory_space<hbm>>) dst(%arg13 : memref<64x128xf32, #tpu.memory_space<vmem>>)
      %dma_wait3A_59 = tpu.memref_slice %arg10[%mul3A_55] : memref<512xi32, #tpu.memory_space<vmem>> -> memref<64xi32, #tpu.memory_space<vmem>>
      %dma_wait3A_60 = arith.constant 0 : i32
      %dma_wait3A_61 = arith.constant 0 : i32
      %dma_wait3A_62 = tpu.memref_slice %arg6[%dma_wait3A_60, %dma_wait3A_61] : memref<1000000x128xf32, #tpu.memory_space<hbm>> -> memref<1000000x128xf32, #tpu.memory_space<hbm>>
      tpu.wait_indirect_dma semaphore(%arg23 : memref<!tpu.dma_semaphore, #tpu.memory_space<semaphore_mem>>) src(%dma_wait3A_62 : memref<1000000x128xf32, #tpu.memory_space<hbm>>) dst(%arg14 : memref<64x128xf32, #tpu.memory_space<vmem>>)
      %dma_wait3A_63 = tpu.memref_slice %arg12[%mul3A_55] : memref<512xi32, #tpu.memory_space<vmem>> -> memref<64xi32, #tpu.memory_space<vmem>>
      %dma_wait3A_64 = arith.constant 0 : i32
      %dma_wait3A_65 = arith.constant 0 : i32
      %dma_wait3A_66 = tpu.memref_slice %arg7[%dma_wait3A_64, %dma_wait3A_65] : memref<2000x128xf32, #tpu.memory_space<hbm>> -> memref<2000x128xf32, #tpu.memory_space<hbm>>
      tpu.wait_indirect_dma semaphore(%arg23 : memref<!tpu.dma_semaphore, #tpu.memory_space<semaphore_mem>>) src(%dma_wait3A_66 : memref<2000x128xf32, #tpu.memory_space<hbm>>) dst(%arg15 : memref<64x128xf32, #tpu.memory_space<vmem>>)
      %dma_wait3A_67 = tpu.memref_slice %arg11[%mul3A_55] : memref<512xi32, #tpu.memory_space<vmem>> -> memref<64xi32, #tpu.memory_space<vmem>>
      %dma_wait3A_68 = arith.constant 0 : i32
      %dma_wait3A_69 = arith.constant 0 : i32
      %dma_wait3A_70 = tpu.memref_slice %arg8[%dma_wait3A_68, %dma_wait3A_69] : memref<1000x128xf32, #tpu.memory_space<hbm>> -> memref<1000x128xf32, #tpu.memory_space<hbm>>
      tpu.wait_indirect_dma semaphore(%arg23 : memref<!tpu.dma_semaphore, #tpu.memory_space<semaphore_mem>>) src(%dma_wait3A_70 : memref<1000x128xf32, #tpu.memory_space<hbm>>) dst(%arg16 : memref<64x128xf32, #tpu.memory_space<vmem>>)
      %parallel_loop3A_71 = arith.constant 0 : i32
      %parallel_loop3A_72 = arith.constant 64 : i32
      %parallel_loop3A_73 = arith.constant 1 : i32
      scf.for %parallel_loop3A_124 = %parallel_loop3A_71 to %parallel_loop3A_72 step %parallel_loop3A_73  : i32 {
        %parallel_loop3A_125 = arith.index_cast %parallel_loop3A_124 : i32 to index
        %parallel_loop3A_126 = arith.constant 0 : index
        %parallel_loop3A_127 = tpu.vector_load %arg13[%parallel_loop3A_125, %parallel_loop3A_126] {strides = array<i32>} : memref<64x128xf32, #tpu.memory_space<vmem>>, vector<16xf32>,
        %parallel_loop3A_128 = arith.index_cast %parallel_loop3A_124 : i32 to index
        %parallel_loop3A_129 = arith.constant 16 : index
        %parallel_loop3A_130 = tpu.vector_load %arg13[%parallel_loop3A_128, %parallel_loop3A_129] {strides = array<i32>} : memref<64x128xf32, #tpu.memory_space<vmem>>, vector<16xf32>,
        %parallel_loop3A_131 = arith.index_cast %parallel_loop3A_124 : i32 to index
        %parallel_loop3A_132 = arith.constant 32 : index
        %parallel_loop3A_133 = tpu.vector_load %arg13[%parallel_loop3A_131, %parallel_loop3A_132] {strides = array<i32>} : memref<64x128xf32, #tpu.memory_space<vmem>>, vector<16xf32>,
        %parallel_loop3A_134 = arith.index_cast %parallel_loop3A_124 : i32 to index
        %parallel_loop3A_135 = arith.constant 48 : index
        %parallel_loop3A_136 = tpu.vector_load %arg13[%parallel_loop3A_134, %parallel_loop3A_135] {strides = array<i32>} : memref<64x128xf32, #tpu.memory_space<vmem>>, vector<16xf32>,
        %parallel_loop3A_137 = arith.index_cast %parallel_loop3A_124 : i32 to index
        %parallel_loop3A_138 = arith.constant 64 : index
        %parallel_loop3A_139 = tpu.vector_load %arg13[%parallel_loop3A_137, %parallel_loop3A_138] {strides = array<i32>} : memref<64x128xf32, #tpu.memory_space<vmem>>, vector<16xf32>,
        %parallel_loop3A_140 = arith.index_cast %parallel_loop3A_124 : i32 to index
        %parallel_loop3A_141 = arith.constant 80 : index
        %parallel_loop3A_142 = tpu.vector_load %arg13[%parallel_loop3A_140, %parallel_loop3A_141] {strides = array<i32>} : memref<64x128xf32, #tpu.memory_space<vmem>>, vector<16xf32>,
        %parallel_loop3A_143 = arith.index_cast %parallel_loop3A_124 : i32 to index
        %parallel_loop3A_144 = arith.constant 96 : index
        %parallel_loop3A_145 = tpu.vector_load %arg13[%parallel_loop3A_143, %parallel_loop3A_144] {strides = array<i32>} : memref<64x128xf32, #tpu.memory_space<vmem>>, vector<16xf32>,
        %parallel_loop3A_146 = arith.index_cast %parallel_loop3A_124 : i32 to index
        %parallel_loop3A_147 = arith.constant 112 : index
        %parallel_loop3A_148 = tpu.vector_load %arg13[%parallel_loop3A_146, %parallel_loop3A_147] {strides = array<i32>} : memref<64x128xf32, #tpu.memory_space<vmem>>, vector<16xf32>,
        %parallel_loop3A_149 = arith.index_cast %parallel_loop3A_124 : i32 to index
        %parallel_loop3A_150 = arith.constant 0 : index
        %parallel_loop3A_151 = tpu.vector_load %arg14[%parallel_loop3A_149, %parallel_loop3A_150] {strides = array<i32>} : memref<64x128xf32, #tpu.memory_space<vmem>>, vector<16xf32>,
        %parallel_loop3A_152 = arith.index_cast %parallel_loop3A_124 : i32 to index
        %parallel_loop3A_153 = arith.constant 16 : index
        %parallel_loop3A_154 = tpu.vector_load %arg14[%parallel_loop3A_152, %parallel_loop3A_153] {strides = array<i32>} : memref<64x128xf32, #tpu.memory_space<vmem>>, vector<16xf32>,
        %parallel_loop3A_155 = arith.index_cast %parallel_loop3A_124 : i32 to index
        %parallel_loop3A_156 = arith.constant 32 : index
        %parallel_loop3A_157 = tpu.vector_load %arg14[%parallel_loop3A_155, %parallel_loop3A_156] {strides = array<i32>} : memref<64x128xf32, #tpu.memory_space<vmem>>, vector<16xf32>,
        %parallel_loop3A_158 = arith.index_cast %parallel_loop3A_124 : i32 to index
        %parallel_loop3A_159 = arith.constant 48 : index
        %parallel_loop3A_160 = tpu.vector_load %arg14[%parallel_loop3A_158, %parallel_loop3A_159] {strides = array<i32>} : memref<64x128xf32, #tpu.memory_space<vmem>>, vector<16xf32>,
        %parallel_loop3A_161 = arith.index_cast %parallel_loop3A_124 : i32 to index
        %parallel_loop3A_162 = arith.constant 64 : index
        %parallel_loop3A_163 = tpu.vector_load %arg14[%parallel_loop3A_161, %parallel_loop3A_162] {strides = array<i32>} : memref<64x128xf32, #tpu.memory_space<vmem>>, vector<16xf32>,
        %parallel_loop3A_164 = arith.index_cast %parallel_loop3A_124 : i32 to index
        %parallel_loop3A_165 = arith.constant 80 : index
        %parallel_loop3A_166 = tpu.vector_load %arg14[%parallel_loop3A_164, %parallel_loop3A_165] {strides = array<i32>} : memref<64x128xf32, #tpu.memory_space<vmem>>, vector<16xf32>,
        %parallel_loop3A_167 = arith.index_cast %parallel_loop3A_124 : i32 to index
        %parallel_loop3A_168 = arith.constant 96 : index
        %parallel_loop3A_169 = tpu.vector_load %arg14[%parallel_loop3A_167, %parallel_loop3A_168] {strides = array<i32>} : memref<64x128xf32, #tpu.memory_space<vmem>>, vector<16xf32>,
        %parallel_loop3A_170 = arith.index_cast %parallel_loop3A_124 : i32 to index
        %parallel_loop3A_171 = arith.constant 112 : index
        %parallel_loop3A_172 = tpu.vector_load %arg14[%parallel_loop3A_170, %parallel_loop3A_171] {strides = array<i32>} : memref<64x128xf32, #tpu.memory_space<vmem>>, vector<16xf32>,
        %parallel_loop3A_173 = arith.mulf %parallel_loop3A_127, %parallel_loop3A_151 : vector<16xf32>
        %parallel_loop3A_174 = arith.mulf %parallel_loop3A_130, %parallel_loop3A_154 : vector<16xf32>
        %parallel_loop3A_175 = arith.addf %parallel_loop3A_173, %parallel_loop3A_174 : vector<16xf32>
        %parallel_loop3A_176 = arith.mulf %parallel_loop3A_133, %parallel_loop3A_157 : vector<16xf32>
        %parallel_loop3A_177 = arith.addf %parallel_loop3A_175, %parallel_loop3A_176 : vector<16xf32>
        %parallel_loop3A_178 = arith.mulf %parallel_loop3A_136, %parallel_loop3A_160 : vector<16xf32>
        %parallel_loop3A_179 = arith.addf %parallel_loop3A_177, %parallel_loop3A_178 : vector<16xf32>
        %parallel_loop3A_180 = arith.mulf %parallel_loop3A_139, %parallel_loop3A_163 : vector<16xf32>
        %parallel_loop3A_181 = arith.addf %parallel_loop3A_179, %parallel_loop3A_180 : vector<16xf32>
        %parallel_loop3A_182 = arith.mulf %parallel_loop3A_142, %parallel_loop3A_166 : vector<16xf32>
        %parallel_loop3A_183 = arith.addf %parallel_loop3A_181, %parallel_loop3A_182 : vector<16xf32>
        %parallel_loop3A_184 = arith.mulf %parallel_loop3A_145, %parallel_loop3A_169 : vector<16xf32>
        %parallel_loop3A_185 = arith.addf %parallel_loop3A_183, %parallel_loop3A_184 : vector<16xf32>
        %parallel_loop3A_186 = arith.mulf %parallel_loop3A_148, %parallel_loop3A_172 : vector<16xf32>
        %parallel_loop3A_187 = arith.addf %parallel_loop3A_185, %parallel_loop3A_186 : vector<16xf32>
        %parallel_loop3A_188 = arith.constant true
        %parallel_loop3A_189 = vector.broadcast %parallel_loop3A_188 : i1 to vector<16xi1>
        %parallel_loop3A_190 = tpu.scan <sum>, %parallel_loop3A_187 masked %parallel_loop3A_189 : vector<16xf32>, vector<16xi1> -> vector<16xf32>
        %parallel_loop3A_191 = vector.extract %parallel_loop3A_190[15] : f32 from vector<16xf32>
        %parallel_loop3A_192 = arith.index_cast %parallel_loop3A_124 : i32 to index
        %parallel_loop3A_193 = arith.constant 0 : index
        %parallel_loop3A_194 = tpu.vector_load %arg16[%parallel_loop3A_192, %parallel_loop3A_193] {strides = array<i32>} : memref<64x128xf32, #tpu.memory_space<vmem>>, vector<16xf32>,
        %parallel_loop3A_195 = vector.broadcast %parallel_loop3A_191 : f32 to vector<16xf32>
        %parallel_loop3A_196 = arith.mulf %parallel_loop3A_194, %parallel_loop3A_195 : vector<16xf32>
        %parallel_loop3A_197 = arith.addf %parallel_loop3A_196, %parallel_loop3A_127 : vector<16xf32>
        %parallel_loop3A_198 = arith.index_cast %parallel_loop3A_124 : i32 to index
        %parallel_loop3A_199 = arith.constant 16 : index
        %parallel_loop3A_200 = tpu.vector_load %arg16[%parallel_loop3A_198, %parallel_loop3A_199] {strides = array<i32>} : memref<64x128xf32, #tpu.memory_space<vmem>>, vector<16xf32>,
        %parallel_loop3A_201 = vector.broadcast %parallel_loop3A_191 : f32 to vector<16xf32>
        %parallel_loop3A_202 = arith.mulf %parallel_loop3A_200, %parallel_loop3A_201 : vector<16xf32>
        %parallel_loop3A_203 = arith.addf %parallel_loop3A_202, %parallel_loop3A_130 : vector<16xf32>
        %parallel_loop3A_204 = arith.index_cast %parallel_loop3A_124 : i32 to index
        %parallel_loop3A_205 = arith.constant 32 : index
        %parallel_loop3A_206 = tpu.vector_load %arg16[%parallel_loop3A_204, %parallel_loop3A_205] {strides = array<i32>} : memref<64x128xf32, #tpu.memory_space<vmem>>, vector<16xf32>,
        %parallel_loop3A_207 = vector.broadcast %parallel_loop3A_191 : f32 to vector<16xf32>
        %parallel_loop3A_208 = arith.mulf %parallel_loop3A_206, %parallel_loop3A_207 : vector<16xf32>
        %parallel_loop3A_209 = arith.addf %parallel_loop3A_208, %parallel_loop3A_133 : vector<16xf32>
        %parallel_loop3A_210 = arith.index_cast %parallel_loop3A_124 : i32 to index
        %parallel_loop3A_211 = arith.constant 48 : index
        %parallel_loop3A_212 = tpu.vector_load %arg16[%parallel_loop3A_210, %parallel_loop3A_211] {strides = array<i32>} : memref<64x128xf32, #tpu.memory_space<vmem>>, vector<16xf32>,
        %parallel_loop3A_213 = vector.broadcast %parallel_loop3A_191 : f32 to vector<16xf32>
        %parallel_loop3A_214 = arith.mulf %parallel_loop3A_212, %parallel_loop3A_213 : vector<16xf32>
        %parallel_loop3A_215 = arith.addf %parallel_loop3A_214, %parallel_loop3A_136 : vector<16xf32>
        %parallel_loop3A_216 = arith.index_cast %parallel_loop3A_124 : i32 to index
        %parallel_loop3A_217 = arith.constant 64 : index
        %parallel_loop3A_218 = tpu.vector_load %arg16[%parallel_loop3A_216, %parallel_loop3A_217] {strides = array<i32>} : memref<64x128xf32, #tpu.memory_space<vmem>>, vector<16xf32>,
        %parallel_loop3A_219 = vector.broadcast %parallel_loop3A_191 : f32 to vector<16xf32>
        %parallel_loop3A_220 = arith.mulf %parallel_loop3A_218, %parallel_loop3A_219 : vector<16xf32>
        %parallel_loop3A_221 = arith.addf %parallel_loop3A_220, %parallel_loop3A_139 : vector<16xf32>
        %parallel_loop3A_222 = arith.index_cast %parallel_loop3A_124 : i32 to index
        %parallel_loop3A_223 = arith.constant 80 : index
        %parallel_loop3A_224 = tpu.vector_load %arg16[%parallel_loop3A_222, %parallel_loop3A_223] {strides = array<i32>} : memref<64x128xf32, #tpu.memory_space<vmem>>, vector<16xf32>,
        %parallel_loop3A_225 = vector.broadcast %parallel_loop3A_191 : f32 to vector<16xf32>
        %parallel_loop3A_226 = arith.mulf %parallel_loop3A_224, %parallel_loop3A_225 : vector<16xf32>
        %parallel_loop3A_227 = arith.addf %parallel_loop3A_226, %parallel_loop3A_142 : vector<16xf32>
        %parallel_loop3A_228 = arith.index_cast %parallel_loop3A_124 : i32 to index
        %parallel_loop3A_229 = arith.constant 96 : index
        %parallel_loop3A_230 = tpu.vector_load %arg16[%parallel_loop3A_228, %parallel_loop3A_229] {strides = array<i32>} : memref<64x128xf32, #tpu.memory_space<vmem>>, vector<16xf32>,
        %parallel_loop3A_231 = vector.broadcast %parallel_loop3A_191 : f32 to vector<16xf32>
        %parallel_loop3A_232 = arith.mulf %parallel_loop3A_230, %parallel_loop3A_231 : vector<16xf32>
        %parallel_loop3A_233 = arith.addf %parallel_loop3A_232, %parallel_loop3A_145 : vector<16xf32>
        %parallel_loop3A_234 = arith.index_cast %parallel_loop3A_124 : i32 to index
        %parallel_loop3A_235 = arith.constant 112 : index
        %parallel_loop3A_236 = tpu.vector_load %arg16[%parallel_loop3A_234, %parallel_loop3A_235] {strides = array<i32>} : memref<64x128xf32, #tpu.memory_space<vmem>>, vector<16xf32>,
        %parallel_loop3A_237 = vector.broadcast %parallel_loop3A_191 : f32 to vector<16xf32>
        %parallel_loop3A_238 = arith.mulf %parallel_loop3A_236, %parallel_loop3A_237 : vector<16xf32>
        %parallel_loop3A_239 = arith.addf %parallel_loop3A_238, %parallel_loop3A_148 : vector<16xf32>
        %parallel_loop3A_240 = arith.mulf %parallel_loop3A_197, %parallel_loop3A_197 : vector<16xf32>
        %parallel_loop3A_241 = arith.mulf %parallel_loop3A_203, %parallel_loop3A_203 : vector<16xf32>
        %parallel_loop3A_242 = arith.addf %parallel_loop3A_240, %parallel_loop3A_241 : vector<16xf32>
        %parallel_loop3A_243 = arith.mulf %parallel_loop3A_209, %parallel_loop3A_209 : vector<16xf32>
        %parallel_loop3A_244 = arith.addf %parallel_loop3A_242, %parallel_loop3A_243 : vector<16xf32>
        %parallel_loop3A_245 = arith.mulf %parallel_loop3A_215, %parallel_loop3A_215 : vector<16xf32>
        %parallel_loop3A_246 = arith.addf %parallel_loop3A_244, %parallel_loop3A_245 : vector<16xf32>
        %parallel_loop3A_247 = arith.mulf %parallel_loop3A_221, %parallel_loop3A_221 : vector<16xf32>
        %parallel_loop3A_248 = arith.addf %parallel_loop3A_246, %parallel_loop3A_247 : vector<16xf32>
        %parallel_loop3A_249 = arith.mulf %parallel_loop3A_227, %parallel_loop3A_227 : vector<16xf32>
        %parallel_loop3A_250 = arith.addf %parallel_loop3A_248, %parallel_loop3A_249 : vector<16xf32>
        %parallel_loop3A_251 = arith.mulf %parallel_loop3A_233, %parallel_loop3A_233 : vector<16xf32>
        %parallel_loop3A_252 = arith.addf %parallel_loop3A_250, %parallel_loop3A_251 : vector<16xf32>
        %parallel_loop3A_253 = arith.mulf %parallel_loop3A_239, %parallel_loop3A_239 : vector<16xf32>
        %parallel_loop3A_254 = arith.addf %parallel_loop3A_252, %parallel_loop3A_253 : vector<16xf32>
        %parallel_loop3A_255 = arith.constant true
        %parallel_loop3A_256 = vector.broadcast %parallel_loop3A_255 : i1 to vector<16xi1>
        %parallel_loop3A_257 = tpu.scan <sum>, %parallel_loop3A_254 masked %parallel_loop3A_256 : vector<16xf32>, vector<16xi1> -> vector<16xf32>
        %parallel_loop3A_258 = vector.extract %parallel_loop3A_257[15] : f32 from vector<16xf32>
        %parallel_loop3A_259 = arith.constant 1.000000e-24 : f32
        %parallel_loop3A_260 = arith.maximumf %parallel_loop3A_258, %parallel_loop3A_259 : f32
        %parallel_loop3A_261 = arith.bitcast %parallel_loop3A_260 : f32 to i32
        %parallel_loop3A_262 = arith.constant 1 : i32
        %parallel_loop3A_263 = arith.shrui %parallel_loop3A_261, %parallel_loop3A_262 : i32
        %parallel_loop3A_264 = arith.constant 1597463007 : i32
        %parallel_loop3A_265 = arith.subi %parallel_loop3A_264, %parallel_loop3A_263 : i32
        %parallel_loop3A_266 = arith.bitcast %parallel_loop3A_265 : i32 to f32
        %parallel_loop3A_267 = arith.constant 5.000000e-01 : f32
        %parallel_loop3A_268 = arith.mulf %parallel_loop3A_267, %parallel_loop3A_260 : f32
        %parallel_loop3A_269 = arith.mulf %parallel_loop3A_268, %parallel_loop3A_266 : f32
        %parallel_loop3A_270 = arith.mulf %parallel_loop3A_269, %parallel_loop3A_266 : f32
        %parallel_loop3A_271 = arith.constant 1.500000e+00 : f32
        %parallel_loop3A_272 = arith.subf %parallel_loop3A_271, %parallel_loop3A_270 : f32
        %parallel_loop3A_273 = arith.mulf %parallel_loop3A_266, %parallel_loop3A_272 : f32
        %parallel_loop3A_274 = arith.constant 5.000000e-01 : f32
        %parallel_loop3A_275 = arith.mulf %parallel_loop3A_274, %parallel_loop3A_260 : f32
        %parallel_loop3A_276 = arith.mulf %parallel_loop3A_275, %parallel_loop3A_273 : f32
        %parallel_loop3A_277 = arith.mulf %parallel_loop3A_276, %parallel_loop3A_273 : f32
        %parallel_loop3A_278 = arith.constant 1.500000e+00 : f32
        %parallel_loop3A_279 = arith.subf %parallel_loop3A_278, %parallel_loop3A_277 : f32
        %parallel_loop3A_280 = arith.mulf %parallel_loop3A_273, %parallel_loop3A_279 : f32
        %parallel_loop3A_281 = vector.broadcast %parallel_loop3A_280 : f32 to vector<16xf32>
        %parallel_loop3A_282 = arith.mulf %parallel_loop3A_197, %parallel_loop3A_281 : vector<16xf32>
        %parallel_loop3A_283 = arith.index_cast %parallel_loop3A_124 : i32 to index
        %parallel_loop3A_284 = arith.constant 0 : index
        %parallel_loop3A_285 = tpu.vector_load %arg15[%parallel_loop3A_283, %parallel_loop3A_284] {strides = array<i32>} : memref<64x128xf32, #tpu.memory_space<vmem>>, vector<16xf32>,
        %parallel_loop3A_286 = arith.addf %parallel_loop3A_282, %parallel_loop3A_285 : vector<16xf32>
        %parallel_loop3A_287 = vector.broadcast %parallel_loop3A_280 : f32 to vector<16xf32>
        %parallel_loop3A_288 = arith.mulf %parallel_loop3A_203, %parallel_loop3A_287 : vector<16xf32>
        %parallel_loop3A_289 = arith.index_cast %parallel_loop3A_124 : i32 to index
        %parallel_loop3A_290 = arith.constant 16 : index
        %parallel_loop3A_291 = tpu.vector_load %arg15[%parallel_loop3A_289, %parallel_loop3A_290] {strides = array<i32>} : memref<64x128xf32, #tpu.memory_space<vmem>>, vector<16xf32>,
        %parallel_loop3A_292 = arith.addf %parallel_loop3A_288, %parallel_loop3A_291 : vector<16xf32>
        %parallel_loop3A_293 = vector.broadcast %parallel_loop3A_280 : f32 to vector<16xf32>
        %parallel_loop3A_294 = arith.mulf %parallel_loop3A_209, %parallel_loop3A_293 : vector<16xf32>
        %parallel_loop3A_295 = arith.index_cast %parallel_loop3A_124 : i32 to index
        %parallel_loop3A_296 = arith.constant 32 : index
        %parallel_loop3A_297 = tpu.vector_load %arg15[%parallel_loop3A_295, %parallel_loop3A_296] {strides = array<i32>} : memref<64x128xf32, #tpu.memory_space<vmem>>, vector<16xf32>,
        %parallel_loop3A_298 = arith.addf %parallel_loop3A_294, %parallel_loop3A_297 : vector<16xf32>
        %parallel_loop3A_299 = vector.broadcast %parallel_loop3A_280 : f32 to vector<16xf32>
        %parallel_loop3A_300 = arith.mulf %parallel_loop3A_215, %parallel_loop3A_299 : vector<16xf32>
        %parallel_loop3A_301 = arith.index_cast %parallel_loop3A_124 : i32 to index
        %parallel_loop3A_302 = arith.constant 48 : index
        %parallel_loop3A_303 = tpu.vector_load %arg15[%parallel_loop3A_301, %parallel_loop3A_302] {strides = array<i32>} : memref<64x128xf32, #tpu.memory_space<vmem>>, vector<16xf32>,
        %parallel_loop3A_304 = arith.addf %parallel_loop3A_300, %parallel_loop3A_303 : vector<16xf32>
        %parallel_loop3A_305 = vector.broadcast %parallel_loop3A_280 : f32 to vector<16xf32>
        %parallel_loop3A_306 = arith.mulf %parallel_loop3A_221, %parallel_loop3A_305 : vector<16xf32>
        %parallel_loop3A_307 = arith.index_cast %parallel_loop3A_124 : i32 to index
        %parallel_loop3A_308 = arith.constant 64 : index
        %parallel_loop3A_309 = tpu.vector_load %arg15[%parallel_loop3A_307, %parallel_loop3A_308] {strides = array<i32>} : memref<64x128xf32, #tpu.memory_space<vmem>>, vector<16xf32>,
        %parallel_loop3A_310 = arith.addf %parallel_loop3A_306, %parallel_loop3A_309 : vector<16xf32>
        %parallel_loop3A_311 = vector.broadcast %parallel_loop3A_280 : f32 to vector<16xf32>
        %parallel_loop3A_312 = arith.mulf %parallel_loop3A_227, %parallel_loop3A_311 : vector<16xf32>
        %parallel_loop3A_313 = arith.index_cast %parallel_loop3A_124 : i32 to index
        %parallel_loop3A_314 = arith.constant 80 : index
        %parallel_loop3A_315 = tpu.vector_load %arg15[%parallel_loop3A_313, %parallel_loop3A_314] {strides = array<i32>} : memref<64x128xf32, #tpu.memory_space<vmem>>, vector<16xf32>,
        %parallel_loop3A_316 = arith.addf %parallel_loop3A_312, %parallel_loop3A_315 : vector<16xf32>
        %parallel_loop3A_317 = vector.broadcast %parallel_loop3A_280 : f32 to vector<16xf32>
        %parallel_loop3A_318 = arith.mulf %parallel_loop3A_233, %parallel_loop3A_317 : vector<16xf32>
        %parallel_loop3A_319 = arith.index_cast %parallel_loop3A_124 : i32 to index
        %parallel_loop3A_320 = arith.constant 96 : index
        %parallel_loop3A_321 = tpu.vector_load %arg15[%parallel_loop3A_319, %parallel_loop3A_320] {strides = array<i32>} : memref<64x128xf32, #tpu.memory_space<vmem>>, vector<16xf32>,
        %parallel_loop3A_322 = arith.addf %parallel_loop3A_318, %parallel_loop3A_321 : vector<16xf32>
        %parallel_loop3A_323 = vector.broadcast %parallel_loop3A_280 : f32 to vector<16xf32>
        %parallel_loop3A_324 = arith.mulf %parallel_loop3A_239, %parallel_loop3A_323 : vector<16xf32>
        %parallel_loop3A_325 = arith.index_cast %parallel_loop3A_124 : i32 to index
        %parallel_loop3A_326 = arith.constant 112 : index
        %parallel_loop3A_327 = tpu.vector_load %arg15[%parallel_loop3A_325, %parallel_loop3A_326] {strides = array<i32>} : memref<64x128xf32, #tpu.memory_space<vmem>>, vector<16xf32>,
        %parallel_loop3A_328 = arith.addf %parallel_loop3A_324, %parallel_loop3A_327 : vector<16xf32>
        %parallel_loop3A_329 = arith.mulf %parallel_loop3A_286, %parallel_loop3A_286 : vector<16xf32>
        %parallel_loop3A_330 = arith.mulf %parallel_loop3A_292, %parallel_loop3A_292 : vector<16xf32>
        %parallel_loop3A_331 = arith.addf %parallel_loop3A_329, %parallel_loop3A_330 : vector<16xf32>
        %parallel_loop3A_332 = arith.mulf %parallel_loop3A_298, %parallel_loop3A_298 : vector<16xf32>
        %parallel_loop3A_333 = arith.addf %parallel_loop3A_331, %parallel_loop3A_332 : vector<16xf32>
        %parallel_loop3A_334 = arith.mulf %parallel_loop3A_304, %parallel_loop3A_304 : vector<16xf32>
        %parallel_loop3A_335 = arith.addf %parallel_loop3A_333, %parallel_loop3A_334 : vector<16xf32>
        %parallel_loop3A_336 = arith.mulf %parallel_loop3A_310, %parallel_loop3A_310 : vector<16xf32>
        %parallel_loop3A_337 = arith.addf %parallel_loop3A_335, %parallel_loop3A_336 : vector<16xf32>
        %parallel_loop3A_338 = arith.mulf %parallel_loop3A_316, %parallel_loop3A_316 : vector<16xf32>
        %parallel_loop3A_339 = arith.addf %parallel_loop3A_337, %parallel_loop3A_338 : vector<16xf32>
        %parallel_loop3A_340 = arith.mulf %parallel_loop3A_322, %parallel_loop3A_322 : vector<16xf32>
        %parallel_loop3A_341 = arith.addf %parallel_loop3A_339, %parallel_loop3A_340 : vector<16xf32>
        %parallel_loop3A_342 = arith.mulf %parallel_loop3A_328, %parallel_loop3A_328 : vector<16xf32>
        %parallel_loop3A_343 = arith.addf %parallel_loop3A_341, %parallel_loop3A_342 : vector<16xf32>
        %parallel_loop3A_344 = arith.constant true
        %parallel_loop3A_345 = vector.broadcast %parallel_loop3A_344 : i1 to vector<16xi1>
        %parallel_loop3A_346 = tpu.scan <sum>, %parallel_loop3A_343 masked %parallel_loop3A_345 : vector<16xf32>, vector<16xi1> -> vector<16xf32>
        %parallel_loop3A_347 = vector.extract %parallel_loop3A_346[15] : f32 from vector<16xf32>
        %parallel_loop3A_348 = arith.constant 1.000000e-24 : f32
        %parallel_loop3A_349 = arith.maximumf %parallel_loop3A_347, %parallel_loop3A_348 : f32
        %parallel_loop3A_350 = arith.bitcast %parallel_loop3A_349 : f32 to i32
        %parallel_loop3A_351 = arith.constant 1 : i32
        %parallel_loop3A_352 = arith.shrui %parallel_loop3A_350, %parallel_loop3A_351 : i32
        %parallel_loop3A_353 = arith.constant 1597463007 : i32
        %parallel_loop3A_354 = arith.subi %parallel_loop3A_353, %parallel_loop3A_352 : i32
        %parallel_loop3A_355 = arith.bitcast %parallel_loop3A_354 : i32 to f32
        %parallel_loop3A_356 = arith.constant 5.000000e-01 : f32
        %parallel_loop3A_357 = arith.mulf %parallel_loop3A_356, %parallel_loop3A_349 : f32
        %parallel_loop3A_358 = arith.mulf %parallel_loop3A_357, %parallel_loop3A_355 : f32
        %parallel_loop3A_359 = arith.mulf %parallel_loop3A_358, %parallel_loop3A_355 : f32
        %parallel_loop3A_360 = arith.constant 1.500000e+00 : f32
        %parallel_loop3A_361 = arith.subf %parallel_loop3A_360, %parallel_loop3A_359 : f32
        %parallel_loop3A_362 = arith.mulf %parallel_loop3A_355, %parallel_loop3A_361 : f32
        %parallel_loop3A_363 = arith.constant 5.000000e-01 : f32
        %parallel_loop3A_364 = arith.mulf %parallel_loop3A_363, %parallel_loop3A_349 : f32
        %parallel_loop3A_365 = arith.mulf %parallel_loop3A_364, %parallel_loop3A_362 : f32
        %parallel_loop3A_366 = arith.mulf %parallel_loop3A_365, %parallel_loop3A_362 : f32
        %parallel_loop3A_367 = arith.constant 1.500000e+00 : f32
        %parallel_loop3A_368 = arith.subf %parallel_loop3A_367, %parallel_loop3A_366 : f32
        %parallel_loop3A_369 = arith.mulf %parallel_loop3A_362, %parallel_loop3A_368 : f32
        %parallel_loop3A_370 = vector.broadcast %parallel_loop3A_369 : f32 to vector<16xf32>
        %parallel_loop3A_371 = arith.mulf %parallel_loop3A_286, %parallel_loop3A_370 : vector<16xf32>
        %parallel_loop3A_372 = arith.index_cast %parallel_loop3A_124 : i32 to index
        %parallel_loop3A_373 = arith.constant 0 : index
        %parallel_loop3A_374 = tpu.vector_load %arg17[%parallel_loop3A_372, %parallel_loop3A_373] {strides = array<i32>} : memref<64x128xf32, #tpu.memory_space<vmem>>, vector<16xf32>,
        tpu.vector_store %arg17[%parallel_loop3A_372, %parallel_loop3A_373], %parallel_loop3A_371 {strides = array<i32>} : memref<64x128xf32, #tpu.memory_space<vmem>>, vector<16xf32>,
        %parallel_loop3A_375 = vector.broadcast %parallel_loop3A_369 : f32 to vector<16xf32>
        %parallel_loop3A_376 = arith.mulf %parallel_loop3A_292, %parallel_loop3A_375 : vector<16xf32>
        %parallel_loop3A_377 = arith.index_cast %parallel_loop3A_124 : i32 to index
        %parallel_loop3A_378 = arith.constant 16 : index
        %parallel_loop3A_379 = tpu.vector_load %arg17[%parallel_loop3A_377, %parallel_loop3A_378] {strides = array<i32>} : memref<64x128xf32, #tpu.memory_space<vmem>>, vector<16xf32>,
        tpu.vector_store %arg17[%parallel_loop3A_377, %parallel_loop3A_378], %parallel_loop3A_376 {strides = array<i32>} : memref<64x128xf32, #tpu.memory_space<vmem>>, vector<16xf32>,
        %parallel_loop3A_380 = vector.broadcast %parallel_loop3A_369 : f32 to vector<16xf32>
        %parallel_loop3A_381 = arith.mulf %parallel_loop3A_298, %parallel_loop3A_380 : vector<16xf32>
        %parallel_loop3A_382 = arith.index_cast %parallel_loop3A_124 : i32 to index
        %parallel_loop3A_383 = arith.constant 32 : index
        %parallel_loop3A_384 = tpu.vector_load %arg17[%parallel_loop3A_382, %parallel_loop3A_383] {strides = array<i32>} : memref<64x128xf32, #tpu.memory_space<vmem>>, vector<16xf32>,
        tpu.vector_store %arg17[%parallel_loop3A_382, %parallel_loop3A_383], %parallel_loop3A_381 {strides = array<i32>} : memref<64x128xf32, #tpu.memory_space<vmem>>, vector<16xf32>,
        %parallel_loop3A_385 = vector.broadcast %parallel_loop3A_369 : f32 to vector<16xf32>
        %parallel_loop3A_386 = arith.mulf %parallel_loop3A_304, %parallel_loop3A_385 : vector<16xf32>
        %parallel_loop3A_387 = arith.index_cast %parallel_loop3A_124 : i32 to index
        %parallel_loop3A_388 = arith.constant 48 : index
        %parallel_loop3A_389 = tpu.vector_load %arg17[%parallel_loop3A_387, %parallel_loop3A_388] {strides = array<i32>} : memref<64x128xf32, #tpu.memory_space<vmem>>, vector<16xf32>,
        tpu.vector_store %arg17[%parallel_loop3A_387, %parallel_loop3A_388], %parallel_loop3A_386 {strides = array<i32>} : memref<64x128xf32, #tpu.memory_space<vmem>>, vector<16xf32>,
        %parallel_loop3A_390 = vector.broadcast %parallel_loop3A_369 : f32 to vector<16xf32>
        %parallel_loop3A_391 = arith.mulf %parallel_loop3A_310, %parallel_loop3A_390 : vector<16xf32>
        %parallel_loop3A_392 = arith.index_cast %parallel_loop3A_124 : i32 to index
        %parallel_loop3A_393 = arith.constant 64 : index
        %parallel_loop3A_394 = tpu.vector_load %arg17[%parallel_loop3A_392, %parallel_loop3A_393] {strides = array<i32>} : memref<64x128xf32, #tpu.memory_space<vmem>>, vector<16xf32>,
        tpu.vector_store %arg17[%parallel_loop3A_392, %parallel_loop3A_393], %parallel_loop3A_391 {strides = array<i32>} : memref<64x128xf32, #tpu.memory_space<vmem>>, vector<16xf32>,
        %parallel_loop3A_395 = vector.broadcast %parallel_loop3A_369 : f32 to vector<16xf32>
        %parallel_loop3A_396 = arith.mulf %parallel_loop3A_316, %parallel_loop3A_395 : vector<16xf32>
        %parallel_loop3A_397 = arith.index_cast %parallel_loop3A_124 : i32 to index
        %parallel_loop3A_398 = arith.constant 80 : index
        %parallel_loop3A_399 = tpu.vector_load %arg17[%parallel_loop3A_397, %parallel_loop3A_398] {strides = array<i32>} : memref<64x128xf32, #tpu.memory_space<vmem>>, vector<16xf32>,
        tpu.vector_store %arg17[%parallel_loop3A_397, %parallel_loop3A_398], %parallel_loop3A_396 {strides = array<i32>} : memref<64x128xf32, #tpu.memory_space<vmem>>, vector<16xf32>,
        %parallel_loop3A_400 = vector.broadcast %parallel_loop3A_369 : f32 to vector<16xf32>
        %parallel_loop3A_401 = arith.mulf %parallel_loop3A_322, %parallel_loop3A_400 : vector<16xf32>
        %parallel_loop3A_402 = arith.index_cast %parallel_loop3A_124 : i32 to index
        %parallel_loop3A_403 = arith.constant 96 : index
        %parallel_loop3A_404 = tpu.vector_load %arg17[%parallel_loop3A_402, %parallel_loop3A_403] {strides = array<i32>} : memref<64x128xf32, #tpu.memory_space<vmem>>, vector<16xf32>,
        tpu.vector_store %arg17[%parallel_loop3A_402, %parallel_loop3A_403], %parallel_loop3A_401 {strides = array<i32>} : memref<64x128xf32, #tpu.memory_space<vmem>>, vector<16xf32>,
        %parallel_loop3A_405 = vector.broadcast %parallel_loop3A_369 : f32 to vector<16xf32>
        %parallel_loop3A_406 = arith.mulf %parallel_loop3A_328, %parallel_loop3A_405 : vector<16xf32>
        %parallel_loop3A_407 = arith.index_cast %parallel_loop3A_124 : i32 to index
        %parallel_loop3A_408 = arith.constant 112 : index
        %parallel_loop3A_409 = tpu.vector_load %arg17[%parallel_loop3A_407, %parallel_loop3A_408] {strides = array<i32>} : memref<64x128xf32, #tpu.memory_space<vmem>>, vector<16xf32>,
        tpu.vector_store %arg17[%parallel_loop3A_407, %parallel_loop3A_408], %parallel_loop3A_406 {strides = array<i32>} : memref<64x128xf32, #tpu.memory_space<vmem>>, vector<16xf32>,
      } {sc.loop_unroll_factor = 4 : i64, sc.parallel_access}
      %mul3A_74 = arith.constant 64 : i32
      %mul3A_75 = arith.muli %mul3A_33, %mul3A_74 : i32
      %add3A_76 = arith.addi %mul3A_2, %mul3A_75 : i32
      %dma_start3A_77 = arith.constant 0 : i32
      %dma_start3A_78 = tpu.memref_slice %arg9[%add3A_76, %dma_start3A_77] : memref<16384x128xf32, #tpu.memory_space<hbm>> -> memref<64x128xf32, #tpu.memory_space<hbm>>
      %dma_start3A_79 = arith.constant 0 : i32
      %dma_start3A_80 = tpu.memref_slice %arg9[%add3A_76, %dma_start3A_79] : memref<16384x128xf32, #tpu.memory_space<hbm>> -> memref<64x128xf32, #tpu.memory_space<hbm>>
      tpu.enqueue_dma source(%arg17 : memref<64x128xf32, #tpu.memory_space<vmem>>) target(%dma_start3A_80 : memref<64x128xf32, #tpu.memory_space<hbm>>) target_semaphore(%arg25 : memref<!tpu.dma_semaphore, #tpu.memory_space<semaphore_mem>>)
      %lt3A = arith.constant 3 : i32
      %lt3A_81 = arith.cmpi slt, %scan3A_30, %lt3A : i32
      %convert_element_type3A = arith.extui %lt3A_81 : i1 to i32
      %cond3A = arith.constant 0 : i32
      %cond3A_82 = arith.cmpi ne, %convert_element_type3A, %cond3A : i32
      scf.if %cond3A_82 {
        %add3A_124 = arith.constant 2 : i32
        %add3A_125 = arith.addi %mul3A_33, %add3A_124 : i32
        %mul3A_126 = arith.constant 64 : i32
        %mul3A_127 = arith.muli %add3A_125, %mul3A_126 : i32
        %dma_start3A_128 = tpu.memref_slice %arg10[%mul3A_127] : memref<512xi32, #tpu.memory_space<vmem>> -> memref<64xi32, #tpu.memory_space<vmem>>
        %dma_start3A_129 = arith.constant 0 : i32
        %dma_start3A_130 = arith.constant 0 : i32
        %dma_start3A_131 = tpu.memref_slice %arg5[%dma_start3A_129, %dma_start3A_130] : memref<1000000x128xf32, #tpu.memory_space<hbm>> -> memref<1000000x128xf32, #tpu.memory_space<hbm>>
        tpu.enqueue_indirect_dma source(%dma_start3A_131 : memref<1000000x128xf32, #tpu.memory_space<hbm>>) target(%arg13 : memref<64x128xf32, #tpu.memory_space<vmem>>) offsets(%dma_start3A_128 : memref<64xi32, #tpu.memory_space<vmem>>) semaphore(%arg23 : memref<!tpu.dma_semaphore, #tpu.memory_space<semaphore_mem>>)
        %dma_start3A_132 = tpu.memref_slice %arg10[%mul3A_127] : memref<512xi32, #tpu.memory_space<vmem>> -> memref<64xi32, #tpu.memory_space<vmem>>
        %dma_start3A_133 = arith.constant 0 : i32
        %dma_start3A_134 = arith.constant 0 : i32
        %dma_start3A_135 = tpu.memref_slice %arg6[%dma_start3A_133, %dma_start3A_134] : memref<1000000x128xf32, #tpu.memory_space<hbm>> -> memref<1000000x128xf32, #tpu.memory_space<hbm>>
        tpu.enqueue_indirect_dma source(%dma_start3A_135 : memref<1000000x128xf32, #tpu.memory_space<hbm>>) target(%arg14 : memref<64x128xf32, #tpu.memory_space<vmem>>) offsets(%dma_start3A_132 : memref<64xi32, #tpu.memory_space<vmem>>) semaphore(%arg23 : memref<!tpu.dma_semaphore, #tpu.memory_space<semaphore_mem>>)
        %dma_start3A_136 = tpu.memref_slice %arg12[%mul3A_127] : memref<512xi32, #tpu.memory_space<vmem>> -> memref<64xi32, #tpu.memory_space<vmem>>
        %dma_start3A_137 = arith.constant 0 : i32
        %dma_start3A_138 = arith.constant 0 : i32
        %dma_start3A_139 = tpu.memref_slice %arg7[%dma_start3A_137, %dma_start3A_138] : memref<2000x128xf32, #tpu.memory_space<hbm>> -> memref<2000x128xf32, #tpu.memory_space<hbm>>
        tpu.enqueue_indirect_dma source(%dma_start3A_139 : memref<2000x128xf32, #tpu.memory_space<hbm>>) target(%arg15 : memref<64x128xf32, #tpu.memory_space<vmem>>) offsets(%dma_start3A_136 : memref<64xi32, #tpu.memory_space<vmem>>) semaphore(%arg23 : memref<!tpu.dma_semaphore, #tpu.memory_space<semaphore_mem>>)
        %dma_start3A_140 = tpu.memref_slice %arg11[%mul3A_127] : memref<512xi32, #tpu.memory_space<vmem>> -> memref<64xi32, #tpu.memory_space<vmem>>
        %dma_start3A_141 = arith.constant 0 : i32
        %dma_start3A_142 = arith.constant 0 : i32
        %dma_start3A_143 = tpu.memref_slice %arg8[%dma_start3A_141, %dma_start3A_142] : memref<1000x128xf32, #tpu.memory_space<hbm>> -> memref<1000x128xf32, #tpu.memory_space<hbm>>
        tpu.enqueue_indirect_dma source(%dma_start3A_143 : memref<1000x128xf32, #tpu.memory_space<hbm>>) target(%arg16 : memref<64x128xf32, #tpu.memory_space<vmem>>) offsets(%dma_start3A_140 : memref<64xi32, #tpu.memory_space<vmem>>) semaphore(%arg23 : memref<!tpu.dma_semaphore, #tpu.memory_space<semaphore_mem>>)
      } else {
      }
      %add3A_83 = arith.constant 1 : i32
      %add3A_84 = arith.addi %mul3A_33, %add3A_83 : i32
      %mul3A_85 = arith.constant 64 : i32
      %mul3A_86 = arith.muli %add3A_84, %mul3A_85 : i32
      %dma_wait3A_87 = tpu.memref_slice %arg10[%mul3A_86] : memref<512xi32, #tpu.memory_space<vmem>> -> memref<64xi32, #tpu.memory_space<vmem>>
      %dma_wait3A_88 = arith.constant 0 : i32
      %dma_wait3A_89 = arith.constant 0 : i32
      %dma_wait3A_90 = tpu.memref_slice %arg5[%dma_wait3A_88, %dma_wait3A_89] : memref<1000000x128xf32, #tpu.memory_space<hbm>> -> memref<1000000x128xf32, #tpu.memory_space<hbm>>
      tpu.wait_indirect_dma semaphore(%arg24 : memref<!tpu.dma_semaphore, #tpu.memory_space<semaphore_mem>>) src(%dma_wait3A_90 : memref<1000000x128xf32, #tpu.memory_space<hbm>>) dst(%arg18 : memref<64x128xf32, #tpu.memory_space<vmem>>)
      %dma_wait3A_91 = tpu.memref_slice %arg10[%mul3A_86] : memref<512xi32, #tpu.memory_space<vmem>> -> memref<64xi32, #tpu.memory_space<vmem>>
      %dma_wait3A_92 = arith.constant 0 : i32
      %dma_wait3A_93 = arith.constant 0 : i32
      %dma_wait3A_94 = tpu.memref_slice %arg6[%dma_wait3A_92, %dma_wait3A_93] : memref<1000000x128xf32, #tpu.memory_space<hbm>> -> memref<1000000x128xf32, #tpu.memory_space<hbm>>
      tpu.wait_indirect_dma semaphore(%arg24 : memref<!tpu.dma_semaphore, #tpu.memory_space<semaphore_mem>>) src(%dma_wait3A_94 : memref<1000000x128xf32, #tpu.memory_space<hbm>>) dst(%arg19 : memref<64x128xf32, #tpu.memory_space<vmem>>)
      %dma_wait3A_95 = tpu.memref_slice %arg12[%mul3A_86] : memref<512xi32, #tpu.memory_space<vmem>> -> memref<64xi32, #tpu.memory_space<vmem>>
      %dma_wait3A_96 = arith.constant 0 : i32
      %dma_wait3A_97 = arith.constant 0 : i32
      %dma_wait3A_98 = tpu.memref_slice %arg7[%dma_wait3A_96, %dma_wait3A_97] : memref<2000x128xf32, #tpu.memory_space<hbm>> -> memref<2000x128xf32, #tpu.memory_space<hbm>>
      tpu.wait_indirect_dma semaphore(%arg24 : memref<!tpu.dma_semaphore, #tpu.memory_space<semaphore_mem>>) src(%dma_wait3A_98 : memref<2000x128xf32, #tpu.memory_space<hbm>>) dst(%arg20 : memref<64x128xf32, #tpu.memory_space<vmem>>)
      %dma_wait3A_99 = tpu.memref_slice %arg11[%mul3A_86] : memref<512xi32, #tpu.memory_space<vmem>> -> memref<64xi32, #tpu.memory_space<vmem>>
      %dma_wait3A_100 = arith.constant 0 : i32
      %dma_wait3A_101 = arith.constant 0 : i32
      %dma_wait3A_102 = tpu.memref_slice %arg8[%dma_wait3A_100, %dma_wait3A_101] : memref<1000x128xf32, #tpu.memory_space<hbm>> -> memref<1000x128xf32, #tpu.memory_space<hbm>>
      tpu.wait_indirect_dma semaphore(%arg24 : memref<!tpu.dma_semaphore, #tpu.memory_space<semaphore_mem>>) src(%dma_wait3A_102 : memref<1000x128xf32, #tpu.memory_space<hbm>>) dst(%arg21 : memref<64x128xf32, #tpu.memory_space<vmem>>)
      %parallel_loop3A_103 = arith.constant 0 : i32
      %parallel_loop3A_104 = arith.constant 64 : i32
      %parallel_loop3A_105 = arith.constant 1 : i32
      scf.for %parallel_loop3A_124 = %parallel_loop3A_103 to %parallel_loop3A_104 step %parallel_loop3A_105  : i32 {
        %parallel_loop3A_125 = arith.index_cast %parallel_loop3A_124 : i32 to index
        %parallel_loop3A_126 = arith.constant 0 : index
        %parallel_loop3A_127 = tpu.vector_load %arg18[%parallel_loop3A_125, %parallel_loop3A_126] {strides = array<i32>} : memref<64x128xf32, #tpu.memory_space<vmem>>, vector<16xf32>,
        %parallel_loop3A_128 = arith.index_cast %parallel_loop3A_124 : i32 to index
        %parallel_loop3A_129 = arith.constant 16 : index
        %parallel_loop3A_130 = tpu.vector_load %arg18[%parallel_loop3A_128, %parallel_loop3A_129] {strides = array<i32>} : memref<64x128xf32, #tpu.memory_space<vmem>>, vector<16xf32>,
        %parallel_loop3A_131 = arith.index_cast %parallel_loop3A_124 : i32 to index
        %parallel_loop3A_132 = arith.constant 32 : index
        %parallel_loop3A_133 = tpu.vector_load %arg18[%parallel_loop3A_131, %parallel_loop3A_132] {strides = array<i32>} : memref<64x128xf32, #tpu.memory_space<vmem>>, vector<16xf32>,
        %parallel_loop3A_134 = arith.index_cast %parallel_loop3A_124 : i32 to index
        %parallel_loop3A_135 = arith.constant 48 : index
        %parallel_loop3A_136 = tpu.vector_load %arg18[%parallel_loop3A_134, %parallel_loop3A_135] {strides = array<i32>} : memref<64x128xf32, #tpu.memory_space<vmem>>, vector<16xf32>,
        %parallel_loop3A_137 = arith.index_cast %parallel_loop3A_124 : i32 to index
        %parallel_loop3A_138 = arith.constant 64 : index
        %parallel_loop3A_139 = tpu.vector_load %arg18[%parallel_loop3A_137, %parallel_loop3A_138] {strides = array<i32>} : memref<64x128xf32, #tpu.memory_space<vmem>>, vector<16xf32>,
        %parallel_loop3A_140 = arith.index_cast %parallel_loop3A_124 : i32 to index
        %parallel_loop3A_141 = arith.constant 80 : index
        %parallel_loop3A_142 = tpu.vector_load %arg18[%parallel_loop3A_140, %parallel_loop3A_141] {strides = array<i32>} : memref<64x128xf32, #tpu.memory_space<vmem>>, vector<16xf32>,
        %parallel_loop3A_143 = arith.index_cast %parallel_loop3A_124 : i32 to index
        %parallel_loop3A_144 = arith.constant 96 : index
        %parallel_loop3A_145 = tpu.vector_load %arg18[%parallel_loop3A_143, %parallel_loop3A_144] {strides = array<i32>} : memref<64x128xf32, #tpu.memory_space<vmem>>, vector<16xf32>,
        %parallel_loop3A_146 = arith.index_cast %parallel_loop3A_124 : i32 to index
        %parallel_loop3A_147 = arith.constant 112 : index
        %parallel_loop3A_148 = tpu.vector_load %arg18[%parallel_loop3A_146, %parallel_loop3A_147] {strides = array<i32>} : memref<64x128xf32, #tpu.memory_space<vmem>>, vector<16xf32>,
        %parallel_loop3A_149 = arith.index_cast %parallel_loop3A_124 : i32 to index
        %parallel_loop3A_150 = arith.constant 0 : index
        %parallel_loop3A_151 = tpu.vector_load %arg19[%parallel_loop3A_149, %parallel_loop3A_150] {strides = array<i32>} : memref<64x128xf32, #tpu.memory_space<vmem>>, vector<16xf32>,
        %parallel_loop3A_152 = arith.index_cast %parallel_loop3A_124 : i32 to index
        %parallel_loop3A_153 = arith.constant 16 : index
        %parallel_loop3A_154 = tpu.vector_load %arg19[%parallel_loop3A_152, %parallel_loop3A_153] {strides = array<i32>} : memref<64x128xf32, #tpu.memory_space<vmem>>, vector<16xf32>,
        %parallel_loop3A_155 = arith.index_cast %parallel_loop3A_124 : i32 to index
        %parallel_loop3A_156 = arith.constant 32 : index
        %parallel_loop3A_157 = tpu.vector_load %arg19[%parallel_loop3A_155, %parallel_loop3A_156] {strides = array<i32>} : memref<64x128xf32, #tpu.memory_space<vmem>>, vector<16xf32>,
        %parallel_loop3A_158 = arith.index_cast %parallel_loop3A_124 : i32 to index
        %parallel_loop3A_159 = arith.constant 48 : index
        %parallel_loop3A_160 = tpu.vector_load %arg19[%parallel_loop3A_158, %parallel_loop3A_159] {strides = array<i32>} : memref<64x128xf32, #tpu.memory_space<vmem>>, vector<16xf32>,
        %parallel_loop3A_161 = arith.index_cast %parallel_loop3A_124 : i32 to index
        %parallel_loop3A_162 = arith.constant 64 : index
        %parallel_loop3A_163 = tpu.vector_load %arg19[%parallel_loop3A_161, %parallel_loop3A_162] {strides = array<i32>} : memref<64x128xf32, #tpu.memory_space<vmem>>, vector<16xf32>,
        %parallel_loop3A_164 = arith.index_cast %parallel_loop3A_124 : i32 to index
        %parallel_loop3A_165 = arith.constant 80 : index
        %parallel_loop3A_166 = tpu.vector_load %arg19[%parallel_loop3A_164, %parallel_loop3A_165] {strides = array<i32>} : memref<64x128xf32, #tpu.memory_space<vmem>>, vector<16xf32>,
        %parallel_loop3A_167 = arith.index_cast %parallel_loop3A_124 : i32 to index
        %parallel_loop3A_168 = arith.constant 96 : index
        %parallel_loop3A_169 = tpu.vector_load %arg19[%parallel_loop3A_167, %parallel_loop3A_168] {strides = array<i32>} : memref<64x128xf32, #tpu.memory_space<vmem>>, vector<16xf32>,
        %parallel_loop3A_170 = arith.index_cast %parallel_loop3A_124 : i32 to index
        %parallel_loop3A_171 = arith.constant 112 : index
        %parallel_loop3A_172 = tpu.vector_load %arg19[%parallel_loop3A_170, %parallel_loop3A_171] {strides = array<i32>} : memref<64x128xf32, #tpu.memory_space<vmem>>, vector<16xf32>,
        %parallel_loop3A_173 = arith.mulf %parallel_loop3A_127, %parallel_loop3A_151 : vector<16xf32>
        %parallel_loop3A_174 = arith.mulf %parallel_loop3A_130, %parallel_loop3A_154 : vector<16xf32>
        %parallel_loop3A_175 = arith.addf %parallel_loop3A_173, %parallel_loop3A_174 : vector<16xf32>
        %parallel_loop3A_176 = arith.mulf %parallel_loop3A_133, %parallel_loop3A_157 : vector<16xf32>
        %parallel_loop3A_177 = arith.addf %parallel_loop3A_175, %parallel_loop3A_176 : vector<16xf32>
        %parallel_loop3A_178 = arith.mulf %parallel_loop3A_136, %parallel_loop3A_160 : vector<16xf32>
        %parallel_loop3A_179 = arith.addf %parallel_loop3A_177, %parallel_loop3A_178 : vector<16xf32>
        %parallel_loop3A_180 = arith.mulf %parallel_loop3A_139, %parallel_loop3A_163 : vector<16xf32>
        %parallel_loop3A_181 = arith.addf %parallel_loop3A_179, %parallel_loop3A_180 : vector<16xf32>
        %parallel_loop3A_182 = arith.mulf %parallel_loop3A_142, %parallel_loop3A_166 : vector<16xf32>
        %parallel_loop3A_183 = arith.addf %parallel_loop3A_181, %parallel_loop3A_182 : vector<16xf32>
        %parallel_loop3A_184 = arith.mulf %parallel_loop3A_145, %parallel_loop3A_169 : vector<16xf32>
        %parallel_loop3A_185 = arith.addf %parallel_loop3A_183, %parallel_loop3A_184 : vector<16xf32>
        %parallel_loop3A_186 = arith.mulf %parallel_loop3A_148, %parallel_loop3A_172 : vector<16xf32>
        %parallel_loop3A_187 = arith.addf %parallel_loop3A_185, %parallel_loop3A_186 : vector<16xf32>
        %parallel_loop3A_188 = arith.constant true
        %parallel_loop3A_189 = vector.broadcast %parallel_loop3A_188 : i1 to vector<16xi1>
        %parallel_loop3A_190 = tpu.scan <sum>, %parallel_loop3A_187 masked %parallel_loop3A_189 : vector<16xf32>, vector<16xi1> -> vector<16xf32>
        %parallel_loop3A_191 = vector.extract %parallel_loop3A_190[15] : f32 from vector<16xf32>
        %parallel_loop3A_192 = arith.index_cast %parallel_loop3A_124 : i32 to index
        %parallel_loop3A_193 = arith.constant 0 : index
        %parallel_loop3A_194 = tpu.vector_load %arg21[%parallel_loop3A_192, %parallel_loop3A_193] {strides = array<i32>} : memref<64x128xf32, #tpu.memory_space<vmem>>, vector<16xf32>,
        %parallel_loop3A_195 = vector.broadcast %parallel_loop3A_191 : f32 to vector<16xf32>
        %parallel_loop3A_196 = arith.mulf %parallel_loop3A_194, %parallel_loop3A_195 : vector<16xf32>
        %parallel_loop3A_197 = arith.addf %parallel_loop3A_196, %parallel_loop3A_127 : vector<16xf32>
        %parallel_loop3A_198 = arith.index_cast %parallel_loop3A_124 : i32 to index
        %parallel_loop3A_199 = arith.constant 16 : index
        %parallel_loop3A_200 = tpu.vector_load %arg21[%parallel_loop3A_198, %parallel_loop3A_199] {strides = array<i32>} : memref<64x128xf32, #tpu.memory_space<vmem>>, vector<16xf32>,
        %parallel_loop3A_201 = vector.broadcast %parallel_loop3A_191 : f32 to vector<16xf32>
        %parallel_loop3A_202 = arith.mulf %parallel_loop3A_200, %parallel_loop3A_201 : vector<16xf32>
        %parallel_loop3A_203 = arith.addf %parallel_loop3A_202, %parallel_loop3A_130 : vector<16xf32>
        %parallel_loop3A_204 = arith.index_cast %parallel_loop3A_124 : i32 to index
        %parallel_loop3A_205 = arith.constant 32 : index
        %parallel_loop3A_206 = tpu.vector_load %arg21[%parallel_loop3A_204, %parallel_loop3A_205] {strides = array<i32>} : memref<64x128xf32, #tpu.memory_space<vmem>>, vector<16xf32>,
        %parallel_loop3A_207 = vector.broadcast %parallel_loop3A_191 : f32 to vector<16xf32>
        %parallel_loop3A_208 = arith.mulf %parallel_loop3A_206, %parallel_loop3A_207 : vector<16xf32>
        %parallel_loop3A_209 = arith.addf %parallel_loop3A_208, %parallel_loop3A_133 : vector<16xf32>
        %parallel_loop3A_210 = arith.index_cast %parallel_loop3A_124 : i32 to index
        %parallel_loop3A_211 = arith.constant 48 : index
        %parallel_loop3A_212 = tpu.vector_load %arg21[%parallel_loop3A_210, %parallel_loop3A_211] {strides = array<i32>} : memref<64x128xf32, #tpu.memory_space<vmem>>, vector<16xf32>,
        %parallel_loop3A_213 = vector.broadcast %parallel_loop3A_191 : f32 to vector<16xf32>
        %parallel_loop3A_214 = arith.mulf %parallel_loop3A_212, %parallel_loop3A_213 : vector<16xf32>
        %parallel_loop3A_215 = arith.addf %parallel_loop3A_214, %parallel_loop3A_136 : vector<16xf32>
        %parallel_loop3A_216 = arith.index_cast %parallel_loop3A_124 : i32 to index
        %parallel_loop3A_217 = arith.constant 64 : index
        %parallel_loop3A_218 = tpu.vector_load %arg21[%parallel_loop3A_216, %parallel_loop3A_217] {strides = array<i32>} : memref<64x128xf32, #tpu.memory_space<vmem>>, vector<16xf32>,
        %parallel_loop3A_219 = vector.broadcast %parallel_loop3A_191 : f32 to vector<16xf32>
        %parallel_loop3A_220 = arith.mulf %parallel_loop3A_218, %parallel_loop3A_219 : vector<16xf32>
        %parallel_loop3A_221 = arith.addf %parallel_loop3A_220, %parallel_loop3A_139 : vector<16xf32>
        %parallel_loop3A_222 = arith.index_cast %parallel_loop3A_124 : i32 to index
        %parallel_loop3A_223 = arith.constant 80 : index
        %parallel_loop3A_224 = tpu.vector_load %arg21[%parallel_loop3A_222, %parallel_loop3A_223] {strides = array<i32>} : memref<64x128xf32, #tpu.memory_space<vmem>>, vector<16xf32>,
        %parallel_loop3A_225 = vector.broadcast %parallel_loop3A_191 : f32 to vector<16xf32>
        %parallel_loop3A_226 = arith.mulf %parallel_loop3A_224, %parallel_loop3A_225 : vector<16xf32>
        %parallel_loop3A_227 = arith.addf %parallel_loop3A_226, %parallel_loop3A_142 : vector<16xf32>
        %parallel_loop3A_228 = arith.index_cast %parallel_loop3A_124 : i32 to index
        %parallel_loop3A_229 = arith.constant 96 : index
        %parallel_loop3A_230 = tpu.vector_load %arg21[%parallel_loop3A_228, %parallel_loop3A_229] {strides = array<i32>} : memref<64x128xf32, #tpu.memory_space<vmem>>, vector<16xf32>,
        %parallel_loop3A_231 = vector.broadcast %parallel_loop3A_191 : f32 to vector<16xf32>
        %parallel_loop3A_232 = arith.mulf %parallel_loop3A_230, %parallel_loop3A_231 : vector<16xf32>
        %parallel_loop3A_233 = arith.addf %parallel_loop3A_232, %parallel_loop3A_145 : vector<16xf32>
        %parallel_loop3A_234 = arith.index_cast %parallel_loop3A_124 : i32 to index
        %parallel_loop3A_235 = arith.constant 112 : index
        %parallel_loop3A_236 = tpu.vector_load %arg21[%parallel_loop3A_234, %parallel_loop3A_235] {strides = array<i32>} : memref<64x128xf32, #tpu.memory_space<vmem>>, vector<16xf32>,
        %parallel_loop3A_237 = vector.broadcast %parallel_loop3A_191 : f32 to vector<16xf32>
        %parallel_loop3A_238 = arith.mulf %parallel_loop3A_236, %parallel_loop3A_237 : vector<16xf32>
        %parallel_loop3A_239 = arith.addf %parallel_loop3A_238, %parallel_loop3A_148 : vector<16xf32>
        %parallel_loop3A_240 = arith.mulf %parallel_loop3A_197, %parallel_loop3A_197 : vector<16xf32>
        %parallel_loop3A_241 = arith.mulf %parallel_loop3A_203, %parallel_loop3A_203 : vector<16xf32>
        %parallel_loop3A_242 = arith.addf %parallel_loop3A_240, %parallel_loop3A_241 : vector<16xf32>
        %parallel_loop3A_243 = arith.mulf %parallel_loop3A_209, %parallel_loop3A_209 : vector<16xf32>
        %parallel_loop3A_244 = arith.addf %parallel_loop3A_242, %parallel_loop3A_243 : vector<16xf32>
        %parallel_loop3A_245 = arith.mulf %parallel_loop3A_215, %parallel_loop3A_215 : vector<16xf32>
        %parallel_loop3A_246 = arith.addf %parallel_loop3A_244, %parallel_loop3A_245 : vector<16xf32>
        %parallel_loop3A_247 = arith.mulf %parallel_loop3A_221, %parallel_loop3A_221 : vector<16xf32>
        %parallel_loop3A_248 = arith.addf %parallel_loop3A_246, %parallel_loop3A_247 : vector<16xf32>
        %parallel_loop3A_249 = arith.mulf %parallel_loop3A_227, %parallel_loop3A_227 : vector<16xf32>
        %parallel_loop3A_250 = arith.addf %parallel_loop3A_248, %parallel_loop3A_249 : vector<16xf32>
        %parallel_loop3A_251 = arith.mulf %parallel_loop3A_233, %parallel_loop3A_233 : vector<16xf32>
        %parallel_loop3A_252 = arith.addf %parallel_loop3A_250, %parallel_loop3A_251 : vector<16xf32>
        %parallel_loop3A_253 = arith.mulf %parallel_loop3A_239, %parallel_loop3A_239 : vector<16xf32>
        %parallel_loop3A_254 = arith.addf %parallel_loop3A_252, %parallel_loop3A_253 : vector<16xf32>
        %parallel_loop3A_255 = arith.constant true
        %parallel_loop3A_256 = vector.broadcast %parallel_loop3A_255 : i1 to vector<16xi1>
        %parallel_loop3A_257 = tpu.scan <sum>, %parallel_loop3A_254 masked %parallel_loop3A_256 : vector<16xf32>, vector<16xi1> -> vector<16xf32>
        %parallel_loop3A_258 = vector.extract %parallel_loop3A_257[15] : f32 from vector<16xf32>
        %parallel_loop3A_259 = arith.constant 1.000000e-24 : f32
        %parallel_loop3A_260 = arith.maximumf %parallel_loop3A_258, %parallel_loop3A_259 : f32
        %parallel_loop3A_261 = arith.bitcast %parallel_loop3A_260 : f32 to i32
        %parallel_loop3A_262 = arith.constant 1 : i32
        %parallel_loop3A_263 = arith.shrui %parallel_loop3A_261, %parallel_loop3A_262 : i32
        %parallel_loop3A_264 = arith.constant 1597463007 : i32
        %parallel_loop3A_265 = arith.subi %parallel_loop3A_264, %parallel_loop3A_263 : i32
        %parallel_loop3A_266 = arith.bitcast %parallel_loop3A_265 : i32 to f32
        %parallel_loop3A_267 = arith.constant 5.000000e-01 : f32
        %parallel_loop3A_268 = arith.mulf %parallel_loop3A_267, %parallel_loop3A_260 : f32
        %parallel_loop3A_269 = arith.mulf %parallel_loop3A_268, %parallel_loop3A_266 : f32
        %parallel_loop3A_270 = arith.mulf %parallel_loop3A_269, %parallel_loop3A_266 : f32
        %parallel_loop3A_271 = arith.constant 1.500000e+00 : f32
        %parallel_loop3A_272 = arith.subf %parallel_loop3A_271, %parallel_loop3A_270 : f32
        %parallel_loop3A_273 = arith.mulf %parallel_loop3A_266, %parallel_loop3A_272 : f32
        %parallel_loop3A_274 = arith.constant 5.000000e-01 : f32
        %parallel_loop3A_275 = arith.mulf %parallel_loop3A_274, %parallel_loop3A_260 : f32
        %parallel_loop3A_276 = arith.mulf %parallel_loop3A_275, %parallel_loop3A_273 : f32
        %parallel_loop3A_277 = arith.mulf %parallel_loop3A_276, %parallel_loop3A_273 : f32
        %parallel_loop3A_278 = arith.constant 1.500000e+00 : f32
        %parallel_loop3A_279 = arith.subf %parallel_loop3A_278, %parallel_loop3A_277 : f32
        %parallel_loop3A_280 = arith.mulf %parallel_loop3A_273, %parallel_loop3A_279 : f32
        %parallel_loop3A_281 = vector.broadcast %parallel_loop3A_280 : f32 to vector<16xf32>
        %parallel_loop3A_282 = arith.mulf %parallel_loop3A_197, %parallel_loop3A_281 : vector<16xf32>
        %parallel_loop3A_283 = arith.index_cast %parallel_loop3A_124 : i32 to index
        %parallel_loop3A_284 = arith.constant 0 : index
        %parallel_loop3A_285 = tpu.vector_load %arg20[%parallel_loop3A_283, %parallel_loop3A_284] {strides = array<i32>} : memref<64x128xf32, #tpu.memory_space<vmem>>, vector<16xf32>,
        %parallel_loop3A_286 = arith.addf %parallel_loop3A_282, %parallel_loop3A_285 : vector<16xf32>
        %parallel_loop3A_287 = vector.broadcast %parallel_loop3A_280 : f32 to vector<16xf32>
        %parallel_loop3A_288 = arith.mulf %parallel_loop3A_203, %parallel_loop3A_287 : vector<16xf32>
        %parallel_loop3A_289 = arith.index_cast %parallel_loop3A_124 : i32 to index
        %parallel_loop3A_290 = arith.constant 16 : index
        %parallel_loop3A_291 = tpu.vector_load %arg20[%parallel_loop3A_289, %parallel_loop3A_290] {strides = array<i32>} : memref<64x128xf32, #tpu.memory_space<vmem>>, vector<16xf32>,
        %parallel_loop3A_292 = arith.addf %parallel_loop3A_288, %parallel_loop3A_291 : vector<16xf32>
        %parallel_loop3A_293 = vector.broadcast %parallel_loop3A_280 : f32 to vector<16xf32>
        %parallel_loop3A_294 = arith.mulf %parallel_loop3A_209, %parallel_loop3A_293 : vector<16xf32>
        %parallel_loop3A_295 = arith.index_cast %parallel_loop3A_124 : i32 to index
        %parallel_loop3A_296 = arith.constant 32 : index
        %parallel_loop3A_297 = tpu.vector_load %arg20[%parallel_loop3A_295, %parallel_loop3A_296] {strides = array<i32>} : memref<64x128xf32, #tpu.memory_space<vmem>>, vector<16xf32>,
        %parallel_loop3A_298 = arith.addf %parallel_loop3A_294, %parallel_loop3A_297 : vector<16xf32>
        %parallel_loop3A_299 = vector.broadcast %parallel_loop3A_280 : f32 to vector<16xf32>
        %parallel_loop3A_300 = arith.mulf %parallel_loop3A_215, %parallel_loop3A_299 : vector<16xf32>
        %parallel_loop3A_301 = arith.index_cast %parallel_loop3A_124 : i32 to index
        %parallel_loop3A_302 = arith.constant 48 : index
        %parallel_loop3A_303 = tpu.vector_load %arg20[%parallel_loop3A_301, %parallel_loop3A_302] {strides = array<i32>} : memref<64x128xf32, #tpu.memory_space<vmem>>, vector<16xf32>,
        %parallel_loop3A_304 = arith.addf %parallel_loop3A_300, %parallel_loop3A_303 : vector<16xf32>
        %parallel_loop3A_305 = vector.broadcast %parallel_loop3A_280 : f32 to vector<16xf32>
        %parallel_loop3A_306 = arith.mulf %parallel_loop3A_221, %parallel_loop3A_305 : vector<16xf32>
        %parallel_loop3A_307 = arith.index_cast %parallel_loop3A_124 : i32 to index
        %parallel_loop3A_308 = arith.constant 64 : index
        %parallel_loop3A_309 = tpu.vector_load %arg20[%parallel_loop3A_307, %parallel_loop3A_308] {strides = array<i32>} : memref<64x128xf32, #tpu.memory_space<vmem>>, vector<16xf32>,
        %parallel_loop3A_310 = arith.addf %parallel_loop3A_306, %parallel_loop3A_309 : vector<16xf32>
        %parallel_loop3A_311 = vector.broadcast %parallel_loop3A_280 : f32 to vector<16xf32>
        %parallel_loop3A_312 = arith.mulf %parallel_loop3A_227, %parallel_loop3A_311 : vector<16xf32>
        %parallel_loop3A_313 = arith.index_cast %parallel_loop3A_124 : i32 to index
        %parallel_loop3A_314 = arith.constant 80 : index
        %parallel_loop3A_315 = tpu.vector_load %arg20[%parallel_loop3A_313, %parallel_loop3A_314] {strides = array<i32>} : memref<64x128xf32, #tpu.memory_space<vmem>>, vector<16xf32>,
        %parallel_loop3A_316 = arith.addf %parallel_loop3A_312, %parallel_loop3A_315 : vector<16xf32>
        %parallel_loop3A_317 = vector.broadcast %parallel_loop3A_280 : f32 to vector<16xf32>
        %parallel_loop3A_318 = arith.mulf %parallel_loop3A_233, %parallel_loop3A_317 : vector<16xf32>
        %parallel_loop3A_319 = arith.index_cast %parallel_loop3A_124 : i32 to index
        %parallel_loop3A_320 = arith.constant 96 : index
        %parallel_loop3A_321 = tpu.vector_load %arg20[%parallel_loop3A_319, %parallel_loop3A_320] {strides = array<i32>} : memref<64x128xf32, #tpu.memory_space<vmem>>, vector<16xf32>,
        %parallel_loop3A_322 = arith.addf %parallel_loop3A_318, %parallel_loop3A_321 : vector<16xf32>
        %parallel_loop3A_323 = vector.broadcast %parallel_loop3A_280 : f32 to vector<16xf32>
        %parallel_loop3A_324 = arith.mulf %parallel_loop3A_239, %parallel_loop3A_323 : vector<16xf32>
        %parallel_loop3A_325 = arith.index_cast %parallel_loop3A_124 : i32 to index
        %parallel_loop3A_326 = arith.constant 112 : index
        %parallel_loop3A_327 = tpu.vector_load %arg20[%parallel_loop3A_325, %parallel_loop3A_326] {strides = array<i32>} : memref<64x128xf32, #tpu.memory_space<vmem>>, vector<16xf32>,
        %parallel_loop3A_328 = arith.addf %parallel_loop3A_324, %parallel_loop3A_327 : vector<16xf32>
        %parallel_loop3A_329 = arith.mulf %parallel_loop3A_286, %parallel_loop3A_286 : vector<16xf32>
        %parallel_loop3A_330 = arith.mulf %parallel_loop3A_292, %parallel_loop3A_292 : vector<16xf32>
        %parallel_loop3A_331 = arith.addf %parallel_loop3A_329, %parallel_loop3A_330 : vector<16xf32>
        %parallel_loop3A_332 = arith.mulf %parallel_loop3A_298, %parallel_loop3A_298 : vector<16xf32>
        %parallel_loop3A_333 = arith.addf %parallel_loop3A_331, %parallel_loop3A_332 : vector<16xf32>
        %parallel_loop3A_334 = arith.mulf %parallel_loop3A_304, %parallel_loop3A_304 : vector<16xf32>
        %parallel_loop3A_335 = arith.addf %parallel_loop3A_333, %parallel_loop3A_334 : vector<16xf32>
        %parallel_loop3A_336 = arith.mulf %parallel_loop3A_310, %parallel_loop3A_310 : vector<16xf32>
        %parallel_loop3A_337 = arith.addf %parallel_loop3A_335, %parallel_loop3A_336 : vector<16xf32>
        %parallel_loop3A_338 = arith.mulf %parallel_loop3A_316, %parallel_loop3A_316 : vector<16xf32>
        %parallel_loop3A_339 = arith.addf %parallel_loop3A_337, %parallel_loop3A_338 : vector<16xf32>
        %parallel_loop3A_340 = arith.mulf %parallel_loop3A_322, %parallel_loop3A_322 : vector<16xf32>
        %parallel_loop3A_341 = arith.addf %parallel_loop3A_339, %parallel_loop3A_340 : vector<16xf32>
        %parallel_loop3A_342 = arith.mulf %parallel_loop3A_328, %parallel_loop3A_328 : vector<16xf32>
        %parallel_loop3A_343 = arith.addf %parallel_loop3A_341, %parallel_loop3A_342 : vector<16xf32>
        %parallel_loop3A_344 = arith.constant true
        %parallel_loop3A_345 = vector.broadcast %parallel_loop3A_344 : i1 to vector<16xi1>
        %parallel_loop3A_346 = tpu.scan <sum>, %parallel_loop3A_343 masked %parallel_loop3A_345 : vector<16xf32>, vector<16xi1> -> vector<16xf32>
        %parallel_loop3A_347 = vector.extract %parallel_loop3A_346[15] : f32 from vector<16xf32>
        %parallel_loop3A_348 = arith.constant 1.000000e-24 : f32
        %parallel_loop3A_349 = arith.maximumf %parallel_loop3A_347, %parallel_loop3A_348 : f32
        %parallel_loop3A_350 = arith.bitcast %parallel_loop3A_349 : f32 to i32
        %parallel_loop3A_351 = arith.constant 1 : i32
        %parallel_loop3A_352 = arith.shrui %parallel_loop3A_350, %parallel_loop3A_351 : i32
        %parallel_loop3A_353 = arith.constant 1597463007 : i32
        %parallel_loop3A_354 = arith.subi %parallel_loop3A_353, %parallel_loop3A_352 : i32
        %parallel_loop3A_355 = arith.bitcast %parallel_loop3A_354 : i32 to f32
        %parallel_loop3A_356 = arith.constant 5.000000e-01 : f32
        %parallel_loop3A_357 = arith.mulf %parallel_loop3A_356, %parallel_loop3A_349 : f32
        %parallel_loop3A_358 = arith.mulf %parallel_loop3A_357, %parallel_loop3A_355 : f32
        %parallel_loop3A_359 = arith.mulf %parallel_loop3A_358, %parallel_loop3A_355 : f32
        %parallel_loop3A_360 = arith.constant 1.500000e+00 : f32
        %parallel_loop3A_361 = arith.subf %parallel_loop3A_360, %parallel_loop3A_359 : f32
        %parallel_loop3A_362 = arith.mulf %parallel_loop3A_355, %parallel_loop3A_361 : f32
        %parallel_loop3A_363 = arith.constant 5.000000e-01 : f32
        %parallel_loop3A_364 = arith.mulf %parallel_loop3A_363, %parallel_loop3A_349 : f32
        %parallel_loop3A_365 = arith.mulf %parallel_loop3A_364, %parallel_loop3A_362 : f32
        %parallel_loop3A_366 = arith.mulf %parallel_loop3A_365, %parallel_loop3A_362 : f32
        %parallel_loop3A_367 = arith.constant 1.500000e+00 : f32
        %parallel_loop3A_368 = arith.subf %parallel_loop3A_367, %parallel_loop3A_366 : f32
        %parallel_loop3A_369 = arith.mulf %parallel_loop3A_362, %parallel_loop3A_368 : f32
        %parallel_loop3A_370 = vector.broadcast %parallel_loop3A_369 : f32 to vector<16xf32>
        %parallel_loop3A_371 = arith.mulf %parallel_loop3A_286, %parallel_loop3A_370 : vector<16xf32>
        %parallel_loop3A_372 = arith.index_cast %parallel_loop3A_124 : i32 to index
        %parallel_loop3A_373 = arith.constant 0 : index
        %parallel_loop3A_374 = tpu.vector_load %arg22[%parallel_loop3A_372, %parallel_loop3A_373] {strides = array<i32>} : memref<64x128xf32, #tpu.memory_space<vmem>>, vector<16xf32>,
        tpu.vector_store %arg22[%parallel_loop3A_372, %parallel_loop3A_373], %parallel_loop3A_371 {strides = array<i32>} : memref<64x128xf32, #tpu.memory_space<vmem>>, vector<16xf32>,
        %parallel_loop3A_375 = vector.broadcast %parallel_loop3A_369 : f32 to vector<16xf32>
        %parallel_loop3A_376 = arith.mulf %parallel_loop3A_292, %parallel_loop3A_375 : vector<16xf32>
        %parallel_loop3A_377 = arith.index_cast %parallel_loop3A_124 : i32 to index
        %parallel_loop3A_378 = arith.constant 16 : index
        %parallel_loop3A_379 = tpu.vector_load %arg22[%parallel_loop3A_377, %parallel_loop3A_378] {strides = array<i32>} : memref<64x128xf32, #tpu.memory_space<vmem>>, vector<16xf32>,
        tpu.vector_store %arg22[%parallel_loop3A_377, %parallel_loop3A_378], %parallel_loop3A_376 {strides = array<i32>} : memref<64x128xf32, #tpu.memory_space<vmem>>, vector<16xf32>,
        %parallel_loop3A_380 = vector.broadcast %parallel_loop3A_369 : f32 to vector<16xf32>
        %parallel_loop3A_381 = arith.mulf %parallel_loop3A_298, %parallel_loop3A_380 : vector<16xf32>
        %parallel_loop3A_382 = arith.index_cast %parallel_loop3A_124 : i32 to index
        %parallel_loop3A_383 = arith.constant 32 : index
        %parallel_loop3A_384 = tpu.vector_load %arg22[%parallel_loop3A_382, %parallel_loop3A_383] {strides = array<i32>} : memref<64x128xf32, #tpu.memory_space<vmem>>, vector<16xf32>,
        tpu.vector_store %arg22[%parallel_loop3A_382, %parallel_loop3A_383], %parallel_loop3A_381 {strides = array<i32>} : memref<64x128xf32, #tpu.memory_space<vmem>>, vector<16xf32>,
        %parallel_loop3A_385 = vector.broadcast %parallel_loop3A_369 : f32 to vector<16xf32>
        %parallel_loop3A_386 = arith.mulf %parallel_loop3A_304, %parallel_loop3A_385 : vector<16xf32>
        %parallel_loop3A_387 = arith.index_cast %parallel_loop3A_124 : i32 to index
        %parallel_loop3A_388 = arith.constant 48 : index
        %parallel_loop3A_389 = tpu.vector_load %arg22[%parallel_loop3A_387, %parallel_loop3A_388] {strides = array<i32>} : memref<64x128xf32, #tpu.memory_space<vmem>>, vector<16xf32>,
        tpu.vector_store %arg22[%parallel_loop3A_387, %parallel_loop3A_388], %parallel_loop3A_386 {strides = array<i32>} : memref<64x128xf32, #tpu.memory_space<vmem>>, vector<16xf32>,
        %parallel_loop3A_390 = vector.broadcast %parallel_loop3A_369 : f32 to vector<16xf32>
        %parallel_loop3A_391 = arith.mulf %parallel_loop3A_310, %parallel_loop3A_390 : vector<16xf32>
        %parallel_loop3A_392 = arith.index_cast %parallel_loop3A_124 : i32 to index
        %parallel_loop3A_393 = arith.constant 64 : index
        %parallel_loop3A_394 = tpu.vector_load %arg22[%parallel_loop3A_392, %parallel_loop3A_393] {strides = array<i32>} : memref<64x128xf32, #tpu.memory_space<vmem>>, vector<16xf32>,
        tpu.vector_store %arg22[%parallel_loop3A_392, %parallel_loop3A_393], %parallel_loop3A_391 {strides = array<i32>} : memref<64x128xf32, #tpu.memory_space<vmem>>, vector<16xf32>,
        %parallel_loop3A_395 = vector.broadcast %parallel_loop3A_369 : f32 to vector<16xf32>
        %parallel_loop3A_396 = arith.mulf %parallel_loop3A_316, %parallel_loop3A_395 : vector<16xf32>
        %parallel_loop3A_397 = arith.index_cast %parallel_loop3A_124 : i32 to index
        %parallel_loop3A_398 = arith.constant 80 : index
        %parallel_loop3A_399 = tpu.vector_load %arg22[%parallel_loop3A_397, %parallel_loop3A_398] {strides = array<i32>} : memref<64x128xf32, #tpu.memory_space<vmem>>, vector<16xf32>,
        tpu.vector_store %arg22[%parallel_loop3A_397, %parallel_loop3A_398], %parallel_loop3A_396 {strides = array<i32>} : memref<64x128xf32, #tpu.memory_space<vmem>>, vector<16xf32>,
        %parallel_loop3A_400 = vector.broadcast %parallel_loop3A_369 : f32 to vector<16xf32>
        %parallel_loop3A_401 = arith.mulf %parallel_loop3A_322, %parallel_loop3A_400 : vector<16xf32>
        %parallel_loop3A_402 = arith.index_cast %parallel_loop3A_124 : i32 to index
        %parallel_loop3A_403 = arith.constant 96 : index
        %parallel_loop3A_404 = tpu.vector_load %arg22[%parallel_loop3A_402, %parallel_loop3A_403] {strides = array<i32>} : memref<64x128xf32, #tpu.memory_space<vmem>>, vector<16xf32>,
        tpu.vector_store %arg22[%parallel_loop3A_402, %parallel_loop3A_403], %parallel_loop3A_401 {strides = array<i32>} : memref<64x128xf32, #tpu.memory_space<vmem>>, vector<16xf32>,
        %parallel_loop3A_405 = vector.broadcast %parallel_loop3A_369 : f32 to vector<16xf32>
        %parallel_loop3A_406 = arith.mulf %parallel_loop3A_328, %parallel_loop3A_405 : vector<16xf32>
        %parallel_loop3A_407 = arith.index_cast %parallel_loop3A_124 : i32 to index
        %parallel_loop3A_408 = arith.constant 112 : index
        %parallel_loop3A_409 = tpu.vector_load %arg22[%parallel_loop3A_407, %parallel_loop3A_408] {strides = array<i32>} : memref<64x128xf32, #tpu.memory_space<vmem>>, vector<16xf32>,
        tpu.vector_store %arg22[%parallel_loop3A_407, %parallel_loop3A_408], %parallel_loop3A_406 {strides = array<i32>} : memref<64x128xf32, #tpu.memory_space<vmem>>, vector<16xf32>,
      } {sc.loop_unroll_factor = 4 : i64, sc.parallel_access}
      %add3A_106 = arith.constant 1 : i32
      %add3A_107 = arith.addi %mul3A_33, %add3A_106 : i32
      %mul3A_108 = arith.constant 64 : i32
      %mul3A_109 = arith.muli %add3A_107, %mul3A_108 : i32
      %add3A_110 = arith.addi %mul3A_2, %mul3A_109 : i32
      %dma_start3A_111 = arith.constant 0 : i32
      %dma_start3A_112 = tpu.memref_slice %arg9[%add3A_110, %dma_start3A_111] : memref<16384x128xf32, #tpu.memory_space<hbm>> -> memref<64x128xf32, #tpu.memory_space<hbm>>
      %dma_start3A_113 = arith.constant 0 : i32
      %dma_start3A_114 = tpu.memref_slice %arg9[%add3A_110, %dma_start3A_113] : memref<16384x128xf32, #tpu.memory_space<hbm>> -> memref<64x128xf32, #tpu.memory_space<hbm>>
      tpu.enqueue_dma source(%arg22 : memref<64x128xf32, #tpu.memory_space<vmem>>) target(%dma_start3A_114 : memref<64x128xf32, #tpu.memory_space<hbm>>) target_semaphore(%arg26 : memref<!tpu.dma_semaphore, #tpu.memory_space<semaphore_mem>>)
      %dma_wait3A_115 = arith.constant 0 : i32
      %dma_wait3A_116 = tpu.memref_slice %arg9[%add3A_76, %dma_wait3A_115] : memref<16384x128xf32, #tpu.memory_space<hbm>> -> memref<64x128xf32, #tpu.memory_space<hbm>>
      %dma_wait3A_117 = arith.constant 0 : i32
      %dma_wait3A_118 = tpu.memref_slice %arg9[%add3A_76, %dma_wait3A_117] : memref<16384x128xf32, #tpu.memory_space<hbm>> -> memref<64x128xf32, #tpu.memory_space<hbm>>
      tpu.wait_dma2 semaphore(%arg25 : memref<!tpu.dma_semaphore, #tpu.memory_space<semaphore_mem>>) src(%arg17 : memref<64x128xf32, #tpu.memory_space<vmem>>) dst(%dma_wait3A_118 : memref<64x128xf32, #tpu.memory_space<hbm>>)
      %dma_wait3A_119 = arith.constant 0 : i32
      %dma_wait3A_120 = tpu.memref_slice %arg9[%add3A_110, %dma_wait3A_119] : memref<16384x128xf32, #tpu.memory_space<hbm>> -> memref<64x128xf32, #tpu.memory_space<hbm>>
      %dma_wait3A_121 = arith.constant 0 : i32
      %dma_wait3A_122 = tpu.memref_slice %arg9[%add3A_110, %dma_wait3A_121] : memref<16384x128xf32, #tpu.memory_space<hbm>> -> memref<64x128xf32, #tpu.memory_space<hbm>>
      tpu.wait_dma2 semaphore(%arg26 : memref<!tpu.dma_semaphore, #tpu.memory_space<semaphore_mem>>) src(%arg22 : memref<64x128xf32, #tpu.memory_space<vmem>>) dst(%dma_wait3A_122 : memref<64x128xf32, #tpu.memory_space<hbm>>)
      %scan3A_123 = arith.constant 0 : i32
      scf.yield %scan3A_123 : i32
    }
    %scan3A_29 = arith.constant 4 : i32
    return
  }
}

</mosaic_0001>

<sc_bundles>
// kernel: _trans_d.3.cloned.1.call-start
scs
__scs_entry_jumppad:
0x0: {  	(pc) =	sbr.rel $0x88, $3  }
0x1: {  	(tag) =	ssettag $0x0;
	lr =	simm.s32 $0x1  }
0x2: {  	[smem:$0x3F9A] =	sst lr;
	_ =	strace $0xD0000000  }
0x3: {  	_ = 	snop  }
0x4: {  	_ = 	snop  }
0x5: {  	_ = 	snop  }
0x6: {  	_ = 	snop  }
0x7: {  	_ = 	snop  }
__scs_overlays_trampoline_lowered:
0x8: {  	[smem:$0x3FA9] =	sst s0  }
0x9: {  	[smem:$0x3FAA] =	sst s1  }
0xa: {  	[smem:$0x3FAB] =	sst s2  }
0xb: {  	[smem:$0x3FAC] =	sst s3  }
0xc: {  	[smem:$0x3FAD] =	sst s4  }
0xd: {  	[smem:$0x3FAE] =	sst s5  }
0xe: {  	[smem:$0x3FAF] =	sst s6  }
0xf: {  	[smem:$0x3FB0] =	sst s7  }
0x10: {  	[smem:$0x3FB1] =	sst s8  }
0x11: {  	[smem:$0x3FB2] =	sst s9;
	s0 =	simm.s32 @!p0 $0x0  }
0x12: {  	s1 =	sld [smem:$0x3F98];
	s0 =	simm.s32 @p0 $0x1  }
0x13: {  	[smem:$0x3FB3] =	sst s0;
	s0 =	simm.s32 @!p1 $0x0  }
0x14: {  	s2 =	sld [smem:$0x3F97];
	s0 =	simm.s32 @p1 $0x1  }
0x15: {  	[smem:$0x3FB4] =	sst s0;
	s0 =	simm.s32 @!p2 $0x0  }
0x16: {  	s3 =	sld [smem:$0x3FDB];
	s0 =	simm.s32 @p2 $0x1  }
0x17: {  	s4 =	simm.s32 $0x1BF5;
	[smem:$0x3FB6] =	sst s0  }
0x18: {  	s0 =	sld [smem:$0x3F99];
	_ =	swait.ge [sflag:s4], $0x0  }
0x19: {  	s7 =	sld [smem:$0x3F9A]  }
0x1a: {  	s8 =	sadd.s32 $0xFFFFE003, lr  }
0x1b: {  	s9 =	sadd.s32 $0xFFFFFEF7, lr;
	s5 =	simm.s32 $0xFFFFFFFF;
	p2 =	slt.u32 s8, $0xFFFFF086  }
0x1c: {  	p1 =	slt.u32 s9, $0xF7A;
	s5 =	simm.s32 @!p2 $0x0  }
0x1d: {  	s5 =	simm.s32 @p1 $0x1;
	p0 =	seq.s32 s7, s2  }
0x1e: {  	s7 =	smul.u32 @!p0 $0xF7A, s2;
	p2 =	seq.s32 @!p0 s5, $0x0  }
0x1f: {  	s9 =	smul.u32 $0xF7A, s1;
	s8 =	simm.s32 @!p0 $0x1BF5;
	p2 =	por !p2, p0  }
0x20: {  	[sflag:s8] =	ssyncset.s32 @!p0 $0xFFFFF086;
	s6 =	sadd.s32 @!p0 s3, s7;
	s7 =	simm.s32 @!p0 $0x108  }
0x21: {  	s3 =	sadd.s32 s3, s9;
	s6 =	sadd.s32 @!p0 $0x88, s6;
	s7 =	simm.s32 @p2 $0x1082  }
0x22: {  	[simem:s7], [sflag:s8] =	dma.local @!p0 [hbm:s6], $0xF7A  }
0x23: {  	s9 =	sor.u32 $0xD0000000, s2;
	s6 =	simm.s32 $0x108;
	_ =	swait.ge @!p0 [sflag:s8], $0x0  }
0x24: {  	s3 =	sadd.s32 $0x88, s3;
	s6 =	simm.s32 @!p1 $0x1082;
	[sflag:s4] =	ssyncset.s32 $0xFFFFF086  }
0x25: {  	[simem:s6], [sflag:s4] =	dma.local [hbm:s3], $0xF7A  }
0x26: {  	[smem:$0x3F9A] =	sst s1;
	(tag) =	ssettag s2;
	_ =	strace s9  }
0x27: {  	s1 =	sld [smem:$0x3FAA]  }
0x28: {  	s2 =	sld [smem:$0x3FAB]  }
0x29: {  	s4 =	sld [smem:$0x3FAD]  }
0x2a: {  	p0 =	seq.s32 s5, $0x0;
	s5 =	sld [smem:$0x3FAE]  }
0x2b: {  	s6 =	sld [smem:$0x3FAF]  }
0x2c: {  	s7 =	sld [smem:$0x3FB0]  }
0x2d: {  	s3 =	simm.s32 $0x108;
	s8 =	sld [smem:$0x3FB1]  }
0x2e: {  	s3 =	simm.s32 @!p0 $0x1082;
	s9 =	sld [smem:$0x3FB2]  }
0x2f: {  	lr =	sadd.s32 s0, s3;
	s0 =	sld [smem:$0x3FA9]  }
0x30: {  	s3 =	sld [smem:$0x3FAC]  }
0x31: {  	[smem:$0x3FB5] =	sst s10  }
0x32: {  	s10 =	sld [smem:$0x3FB3];
	_ =	sdelay $0x3  }
0x33: {  	p0 =	seq.s32 s10, $0x1;
	s10 =	sld [smem:$0x3FB5];
	_ =	sdelay $0x3  }
0x34: {  	[smem:$0x3FB5] =	sst s10  }
0x35: {  	s10 =	sld [smem:$0x3FB4];
	_ =	sdelay $0x3  }
0x36: {  	p1 =	seq.s32 s10, $0x1;
	s10 =	sld [smem:$0x3FB5];
	_ =	sdelay $0x3  }
0x37: {  	[smem:$0x3FB5] =	sst s10  }
0x38: {  	s10 =	sld [smem:$0x3FB6]  }
0x39: {  	_ = 	snop;
	(pc) =	sbr.ind lr, $3  }
0x3a: {  	_ = 	snop  }
0x3b: {  	_ = 	snop  }
0x3c: {  	p2 =	seq.s32 s10, $0x1;
	s10 =	sld [smem:$0x3FB5]  }
0x3d: {  	_ =	shalt  }
0x3e: {  	_ =	shalt  }
0x3f: {  	_ =	shalt  }
0x40: {  	_ =	shalt  }
0x41: {  	_ =	shalt  }
0x42: {  	_ =	shalt  }
0x43: {  	_ =	shalt  }
0x44: {  	_ =	shalt  }
0x45: {  	_ =	shalt  }
0x46: {  	_ =	shalt  }
0x47: {  	_ =	shalt  }
0x48: {  	_ =	shalt  }
0x49: {  	_ =	shalt  }
0x4a: {  	_ =	shalt  }
0x4b: {  	_ =	shalt  }
0x4c: {  	_ =	shalt  }
0x4d: {  	_ =	shalt  }
0x4e: {  	_ =	shalt  }
0x4f: {  	_ =	shalt  }
0x50: {  	_ =	shalt  }
0x51: {  	_ =	shalt  }
0x52: {  	_ =	shalt  }
0x53: {  	_ =	shalt  }
0x54: {  	_ =	shalt  }
0x55: {  	_ =	shalt  }
0x56: {  	_ =	shalt  }
0x57: {  	_ =	shalt  }
0x58: {  	_ =	shalt  }
0x59: {  	_ =	shalt  }
0x5a: {  	_ =	shalt  }
0x5b: {  	_ =	shalt  }
0x5c: {  	_ =	shalt  }
0x5d: {  	_ =	shalt  }
0x5e: {  	_ =	shalt  }
0x5f: {  	_ =	shalt  }
0x60: {  	_ =	shalt  }
0x61: {  	_ =	shalt  }
0x62: {  	_ =	shalt  }
0x63: {  	_ =	shalt  }
0x64: {  	_ =	shalt  }
0x65: {  	_ =	shalt  }
0x66: {  	_ =	shalt  }
0x67: {  	_ =	shalt  }
0x68: {  	_ =	shalt  }
0x69: {  	_ =	shalt  }
0x6a: {  	_ =	shalt  }
0x6b: {  	_ =	shalt  }
0x6c: {  	_ =	shalt  }
0x6d: {  	_ =	shalt  }
0x6e: {  	_ =	shalt  }
0x6f: {  	_ =	shalt  }
0x70: {  	_ =	shalt  }
0x71: {  	_ =	shalt  }
0x72: {  	_ =	shalt  }
0x73: {  	_ =	shalt  }
0x74: {  	_ =	shalt  }
0x75: {  	_ =	shalt  }
0x76: {  	_ =	shalt  }
0x77: {  	_ =	shalt  }
0x78: {  	_ =	shalt  }
0x79: {  	_ =	shalt  }
0x7a: {  	_ =	shalt  }
0x7b: {  	_ =	shalt  }
0x7c: {  	_ =	shalt  }
0x7d: {  	_ =	shalt  }
0x7e: {  	_ =	shalt  }
0x7f: {  	_ =	shalt  }
0x80: {  	_ =	shalt  }
0x81: {  	_ =	shalt  }
0x82: {  	_ =	shalt  }
0x83: {  	_ =	shalt  }
0x84: {  	_ =	shalt  }
0x85: {  	_ =	shalt  }
0x86: {  	_ =	shalt  }
0x87: {  	_ =	shalt  }
.Lfunc_end0:
.L_simem_size_0:
called_computation_lowered:
.L_overlay_start_0:
0x88: {  	s2 =	sld [smem:$0x3FD9]  }
0x89: {  	s3 =	sld [smem:$0x3FFE];
	_ =	sdelay $0x1  }
0x8a: {  	s1 =	srdreg.scid  }
0x8b: {  	s0 =	sand.u32 $0x1, s1  }
0x8c: {  	s18 =	sshll.u32 s0, $0xA;
	s2 =	sadd.s32 s3, s2  }
0x8d: {  	s2 =	sadd.s32 s2, s18  }
0x8e: {  	[smem:$0x3FC1] =	sst s2  }
0x8f: {  	_ = 	snop  }
0x90: {  	s2 =	sld [smem:$0x3FC9]  }
0x91: {  	s19 =	sld [smem:$0x3FC8]  }
0x92: {  	s4 =	sld [smem:$0x3FC7]  }
0x93: {  	s5 =	sld [smem:$0x3FC6]  }
0x94: {  	s6 =	sld [smem:$0x3FC5]  }
0x95: {  	s7 =	sld [smem:$0x3FC4]  }
0x96: {  	s8 =	sld [smem:$0x3FC3]  }
0x97: {  	s9 =	sld [smem:$0x3FD0];
	(tm) =	ssettm $0x1  }
0x98: {  	s10 =	sld [smem:$0x3FFB];
	_ =	sdelay $0x3  }
0x99: {  	_ =	strace s10  }
0x9a: {  	s10 =	sld [smem:$0x3FFC];
	_ =	sdelay $0x3  }
0x9b: {  	_ =	strace s10  }
0x9c: {  	s10 =	sld [smem:$0x3FFD];
	_ =	sdelay $0x3  }
0x9d: {  	_ =	strace s10  }
0x9e: {  	_ =	strace $0x8FFFFFFF  }
0x9f: {  	s20 =	sld [smem:$0x3FDB];
	_ =	sdelay $0x1  }
0xa0: {  	s11 =	simm.s32 $_scs_section_size  }
0xa1: {  	s12 =	simm.s32 $_size__tile_overlayer_lowered;
	s13 =	simm.s32 $_tile_overlayer_lowered  }
0xa2: {  	s23 =	simm.s32 $0x1BFF;
	s22 =	sshll.u32 s13, $0x1;
	s10 =	sadd.s32 s11, s20  }
0xa3: {  	s14 =	simm.s32 $0x0;
	s21 =	sshll.u32 s12, $0x1;
	s12 =	sadd.s32 s22, s10  }
0xa4: {  	[timem:s14], [sflag:s23] =	dma.local [hbm:s12], s21  }
0xa5: {  	_ =	swait.ge [sflag:s23], s21  }
0xa6: {  	s11 =	ssub.s32 $0x0, s21;
	[sflag:s23] =	ssyncset.done $0x0  }
0xa7: {  	[sflag:s23] =	ssyncadd.s32 s11;
	_ =	sdelay $0x1  }
0xa8: {  	s24 =	simm.s32 $0x1B8B  }
0xa9: {  	_ =	swait.ge [sflag:s24], $0x1  }
0xaa: {  	[sflag:s24] =	ssyncset.done $0x0  }
0xab: {  	s25 =	simm.s32 $0x1B8E;
	[sflag:s24] =	ssyncadd.s32 $0xFFFFFFFF  }
0xac: {  	s26 =	simm.s32 $execute0_lowered;
	[smem:$0x3FD2] =	sst s25  }
0xad: {  	s11 =	sshll.u32 s26, $0x1;
	_ =	strace $0x80000046;
	[dreg:$0x1] =	wrdreg $0xFFFFFFFF  }
0xae: {  	s28 =	simm.s32 $_size_execute0_lowered;
	s10 =	sadd.s32 s10, s11;
	[dreg:$0x0] =	wrdreg $0x0  }
0xaf: {  	s11 =	sshll.u32 s28, $0x1;
	[dreg:$0x2] =	wrdreg s10  }
0xb0: {  	[dreg:$0x3] =	wrdreg s11  }
0xb1: {  	[dreg:$0x4] =	wrdreg $0xC0  }
0xb2: {  	_ =	task [dreg:s14], $0x5FFFF  }
0xb3: {  	[dreg:$0x1] =	wrdreg $0xFFFFFFFF  }
0xb4: {  	[dreg:$0x0] =	wrdreg $0x60  }
0xb5: {  	[dreg:$0x2] =	wrdreg s2  }
0xb6: {  	[dreg:$0x3] =	wrdreg s19  }
0xb7: {  	[dreg:$0x4] =	wrdreg s4  }
0xb8: {  	[dreg:$0x5] =	wrdreg s5  }
0xb9: {  	[dreg:$0x6] =	wrdreg s6  }
0xba: {  	[dreg:$0x7] =	wrdreg s7  }
0xbb: {  	[dreg:$0x8] =	wrdreg s8  }
0xbc: {  	[dreg:$0x9] =	wrdreg s9  }
0xbd: {  	[dreg:$0xa] =	wrdreg $0x9  }
0xbe: {  	_ =	task.clear_ibuf [dreg:s14], $0xBFFFF;
	_ =	strace $0x90000046  }
0xbf: {  	s29 =	simm.s32 $0x9;
	_ =	strace $0x80000048  }
0xc0: {  	_ =	swait.ge [sflag:s29], $0x1  }
0xc1: {  	[sflag:s29] =	ssyncadd.s32 $0xFFFFFFFF  }
0xc2: {  	_ =	strace $0x90000048  }
0xc3: {  	_ =	sfence  }
0xc4: {  	s30 =	sld [smem:$0x0];
	_ =	sdelay $0x2  }
0xc5: {  	s31 =	sshll.u32 s1, $0xD;
	s1 =	sshrl.u32 s1, $0x2  }
0xc6: {  	s3 =	sand.u32 $0x4000, s31;
	s1 =	sadd.s32 s1, s30  }
0xc7: {  	s0 =	sor.u32 s3, s0;
	s1 =	sshll.u32 s1, $0x11  }
0xc8: {  	s0 =	sor.u32 s1, s0  }
0xc9: {  	s0 =	sadd.s32 $0x8F2B, s0  }
0xca: {  	[sflag:s0] =	ssyncadd.remote.s32 $0x1  }
0xcb: {  	_ =	sfence.sel $0xFFFF  }
0xcc: {  	[dreg:$0x0] =	wrdreg $0xFFFFFFFF;
	(pc) =	sbr.abs _section_cstart, $3  }
0xcd: {  	[dreg:$0x1] =	wrdreg $0xFFFFFFFF  }
0xce: {  	_ =	task.clear_ibuf [dreg:s14], $0x2FFFF;
	_ =	strace $0x9FFFFFFF  }
0xcf: {  	(tm) =	ssettm $0x7FFFFFFF  }
tec
execute0_lowered:
.L_overlay_start_1:
0x0: {  	(tag) =	ssettag $0x1  }
0x1: {  	s0 =	rddreg [dreg:$0x0]  }
0x2: {  	s1 =	rddreg [dreg:$0x1]  }
0x3: {  	s2 =	rddreg [dreg:$0x2]  }
0x4: {  	s30 =	rddreg [dreg:$0x3];
	s3 =	srdreg.scid  }
0x5: {  	s5 =	rddreg [dreg:$0x7];
	s4 =	stileid.u32  }
0x6: {  	s23 =	simm.s32 $0x0;
	s17 =	simm.s32 $0x40;
	s3 =	sand.u32 $0x1, s3  }
0x7: {  	s29 =	simm.s32 $0x2;
	s6 =	sshll.u32 s4, $0xA;
	s8 =	sshll.u32 s3, $0x9  }
0x8: {  	[smem:$0x7FF] =	sst s23;
	s4 =	simm.s32 $0x200;
	s7 =	sor.u32 s8, s6  }
0x9: {  	s3 =	ssub.s32 $0x2, s3;
	_ =	strace $0x80000047;
	s8 =	sshrl.u32 s7, $0x3  }
0xa: {  	s24 =	sshrl.u32 s3, $0x1;
	[dreg:$0x9] =	wrdreg s7;
	s0 =	sadd.s32 s0, s8  }
0xb: {  	s3 =	ssub.s32 s3, s24;
	s25 =	sadd.s32 s1, s8;
	[dreg:$0xa] =	wrdreg s0  }
0xc: {  	s28 =	sshll.u32 s7, $0x4;
	s26 =	sadd.s32 s2, s8;
	[dreg:$0xb] =	wrdreg s25  }
0xd: {  	s31 =	smax.u32 s3, $0x1;
	s2 =	simm.s32 $0x4;
	[dreg:$0xc] =	wrdreg s26  }
0xe: {  	s1 =	simm.s32 $0x0;
	s0 =	sadd.s32 s5, s28;
	[dreg:$0xe] =	wrdreg s31  }
0xf: {  	s5 =	simm.s32 $0x400;
	s26 =	simm.s32 $0x1;
	[dreg:$0xd] =	wrdreg s0  }
.LBB2_1:
0x10: {  	[dreg:$0xf] =	wrdreg s1  }
0x11: {  	s0 =	simm.s32 $0x0;
	s25 =	rddreg [dreg:$0xa];
	s3 =	simm.s32 $0x5  }
0x12: {  	[tilespmem:s0], [sflag:$0x5] =	stream.linear.gather [hbm4b:s25+s0], $0x200, $0x38;
	[tilespmem:$0x14600] =	vst v63  }
0x13: {  	_ =	swait.ge [sflag:s3], $0x200  }
0x14: {  	[sflag:s3] =	ssyncset.done $0x0  }
0x15: {  	s28 =	rddreg [dreg:$0xb];
	[sflag:s3] =	ssyncadd.s32 $0xFFFFFE00  }
0x16: {  	[tilespmem:s4], [sflag:$0x5] =	stream.linear.gather [hbm4b:s28+s0], $0x200, $0x38;
	[tilespmem:$0x14600] =	vst v63  }
0x17: {  	_ =	swait.ge [sflag:s3], $0x200  }
0x18: {  	[sflag:s3] =	ssyncset.done $0x0  }
0x19: {  	s31 =	rddreg [dreg:$0xc];
	[sflag:s3] =	ssyncadd.s32 $0xFFFFFE00  }
0x1a: {  	[tilespmem:s5], [sflag:$0x5] =	stream.linear.gather [hbm4b:s31+s0], $0x200, $0x38;
	[tilespmem:$0x14600] =	vst v63  }
0x1b: {  	_ =	swait.ge [sflag:s3], $0x200  }
0x1c: {  	[sflag:s3] =	ssyncset.done $0x0  }
0x1d: {  	s0 =	simm.s32 $0x420;
	[sflag:s3] =	ssyncadd.s32 $0xFFFFFE00  }
0x1e: {  	v0 =	vld [tilespmem:s0+$0x10]  }
0x1f: {  	s1 =	simm.s32 $0x220;
	v5 =	vld [tilespmem:s0+$0xFFFFFFE0]  }
0x20: {  	v6 =	vld [tilespmem:s1+$0x10]  }
0x21: {  	v3 =	vld [tilespmem:s0+$0xFFFFFFF0]  }
0x22: {  	v2 =	vld [tilespmem:s0+$0x0]  }
0x23: {  	v1 =	vld [tilespmem:s1+$0xFFFFFFF0];
	v7 =	vmul.u32 $0x3E8, v0  }
0x24: {  	v4 =	vld [tilespmem:s1+$0x0]  }
0x25: {  	s6 =	simm.s32 $0x460;
	s3 =	simm.s32 $0x0;
	v0 =	vmul.u32 $0x3E8, v5;
	v5 =	vld [tilespmem:s1+$0xFFFFFFE0];
	v6 =	vadd.s32 v6, v7  }
.LBB2_2:
0x26: {  	v7 =	vld [tilespmem:s6+$0x10];
	s3 =	sadd.s32 $0x4, s3;
	v3 =	vmul.u32 $0x3E8, v3;
	[tilespmem:s0+$0x10] =	vst v6  }
0x27: {  	s1 =	sadd.s32 $0x40, s1;
	v6 =	vld [tilespmem:s6+$0xFFFFFFE0];
	p0 =	slt.u32 s3, $0x1C;
	v2 =	vmul.u32 $0x3E8, v2  }
0x28: {  	v8 =	vld [tilespmem:s1+$0x10];
	v1 =	vadd.s32 v1, v3  }
.Ltmp0:
0x29: {  	v3 =	vld [tilespmem:s6+$0xFFFFFFF0];
	[tilespmem:s0+$0xFFFFFFF0] =	vst v1;
	v1 =	vadd.s32 v4, v2;
	(pc) =	sbr.rel @p0 .LBB2_2-.Ltmp0, $4  }
0x2a: {  	v2 =	vld [tilespmem:s6+$0x0];
	v0 =	vadd.s32 v5, v0;
	[tilespmem:s0+$0x0] =	vst v1  }
0x2b: {  	v1 =	vld [tilespmem:s1+$0xFFFFFFF0];
	v7 =	vmul.u32 $0x3E8, v7;
	[tilespmem:s0+$0xFFFFFFE0] =	vst v0;
	s0 =	smov.u32 s6  }
0x2c: {  	v0 =	vmul.u32 $0x3E8, v6;
	v4 =	vld [tilespmem:s1+$0x0]  }
0x2d: {  	s6 =	sadd.s32 $0x40, s6;
	v5 =	vld [tilespmem:s1+$0xFFFFFFE0];
	v6 =	vadd.s32 v8, v7  }
0x2e: {  	v3 =	vmul.u32 $0x3E8, v3  }
0x2f: {  	v2 =	vmul.u32 $0x3E8, v2  }
0x30: {  	[tilespmem:s0+$0x10] =	vst v6;
	v1 =	vadd.s32 v1, v3  }
0x31: {  	[tilespmem:s0+$0xFFFFFFF0] =	vst v1;
	v63 =	vadd.s32 v4, v2  }
0x32: {  	v0 =	vadd.s32 v5, v0;
	[tilespmem:s0+$0x0] =	vst v63  }
0x33: {  	s18 =	simm.s32 $0x0;
	s22 =	simm.s32 $0x600;
	[tilespmem:s0+$0xFFFFFFE0] =	vst v0  }
0x34: {  	[tilespmem:s22], [sflag:$0x1] =	stream.indirect.gather [hbm4b:s30+s17], $0x80, s18, s17, $0xb8;
	[tilespmem:$0x14600] =	vst v63  }
0x35: {  	s23 =	rddreg [dreg:$0x4];
	s1 =	simm.s32 $0x2600  }
0x36: {  	[tilespmem:s1], [sflag:$0x1] =	stream.indirect.gather [hbm4b:s23+s17], $0x80, s18, s17, $0xb8;
	[tilespmem:$0x14600] =	vst v63  }
0x37: {  	s24 =	rddreg [dreg:$0x5];
	s25 =	simm.s32 $0x4600  }
0x38: {  	[tilespmem:s25], [sflag:$0x1] =	stream.indirect.gather [hbm4b:s24+s17], $0x80, s5, s17, $0xb8;
	[tilespmem:$0x14600] =	vst v63  }
0x39: {  	s28 =	rddreg [dreg:$0x6];
	s31 =	simm.s32 $0x6600  }
0x3a: {  	[tilespmem:s31], [sflag:$0x1] =	stream.indirect.gather [hbm4b:s28+s17], $0x80, s4, s17, $0xb8;
	[tilespmem:$0x14600] =	vst v63  }
.LBB2_4:
0x3b: {  	s20 =	sshll.u32 s18, $0x7  }
0x3c: {  	s0 =	simm.s32 $0xA600;
	s19 =	sor.u32 $0x40, s20  }
0x3d: {  	[tilespmem:s0], [sflag:$0x2] =	stream.indirect.gather [hbm4b:s30+s17], $0x80, s19, s17, $0xb8;
	[tilespmem:$0x14600] =	vst v63  }
0x3e: {  	s14 =	rddreg [dreg:$0x4];
	s1 =	simm.s32 $0xC600  }
0x3f: {  	[tilespmem:s1], [sflag:$0x2] =	stream.indirect.gather [hbm4b:s14+s17], $0x80, s19, s17, $0xb8;
	[tilespmem:$0x14600] =	vst v63  }
0x40: {  	s16 =	rddreg [dreg:$0x5];
	s3 =	simm.s32 $0xE600;
	s15 =	sadd.s32 $0x440, s20  }
0x41: {  	[tilespmem:s3], [sflag:$0x2] =	stream.indirect.gather [hbm4b:s16+s17], $0x80, s15, s17, $0xb8;
	[tilespmem:$0x14600] =	vst v63  }
0x42: {  	s22 =	rddreg [dreg:$0x6];
	s23 =	simm.s32 $0x10600;
	s21 =	sadd.s32 $0x240, s20  }
0x43: {  	[tilespmem:s23], [sflag:$0x2] =	stream.indirect.gather [hbm4b:s22+s17], $0x80, s21, s17, $0xb8;
	[tilespmem:$0x14600] =	vst v63  }
0x44: {  	_ =	swait.ge [sflag:s26], $0x2000  }
0x45: {  	[sflag:s26] =	ssyncset.done $0x0  }
0x46: {  	[sflag:s26] =	ssyncadd.s32 $0xFFFFE000  }
0x47: {  	_ =	swait.ge [sflag:s26], $0x2000  }
0x48: {  	[sflag:s26] =	ssyncset.done $0x0  }
0x49: {  	[sflag:s26] =	ssyncadd.s32 $0xFFFFE000  }
0x4a: {  	_ =	swait.ge [sflag:s26], $0x2000  }
0x4b: {  	[sflag:s26] =	ssyncset.done $0x0  }
0x4c: {  	[sflag:s26] =	ssyncadd.s32 $0xFFFFE000  }
0x4d: {  	_ =	swait.ge [sflag:s26], $0x2000  }
0x4e: {  	[sflag:s26] =	ssyncset.done $0x0  }
0x4f: {  	s9 =	simm.s32 $0x700;
	[sflag:s26] =	ssyncadd.s32 $0xFFFFE000  }
0x50: {  	v0 =	vld [tilespmem:s9+$0x80]  }
0x51: {  	s6 =	simm.s32 $0x2700;
	v3 =	vld [tilespmem:s9+$0x90]  }
0x52: {  	v1 =	vld [tilespmem:s6+$0x80]  }
0x53: {  	v2 =	vld [tilespmem:s6+$0x90]  }
0x54: {  	v9 =	vld [tilespmem:s9+$0xA0]  }
0x55: {  	v4 =	vld [tilespmem:s6+$0xA0]  }
0x56: {  	v13 =	vld [tilespmem:s9+$0xB0]  }
0x57: {  	v5 =	vld [tilespmem:s6+$0xB0]  }
0x58: {  	v14 =	vld [tilespmem:s9+$0xC0]  }
0x59: {  	v6 =	vld [tilespmem:s6+$0xC0]  }
0x5a: {  	v15 =	vld [tilespmem:s9+$0xD0]  }
0x5b: {  	v7 =	vld [tilespmem:s6+$0xD0];
	v1 =	vmul.f32 v1, v0;
	v2 =	vmul.f32 v2, v3  }
0x5c: {  	v16 =	vld [tilespmem:s9+$0xE0]  }
0x5d: {  	v18 =	vld [tilespmem:s9+$0xF0];
	v1 =	vadd.f32 v2, v1;
	v2 =	vmul.f32 v4, v9  }
0x5e: {  	v19 =	vld [tilespmem:s6+$0xFFFFFF00]  }
0x5f: {  	v28 =	vld [tilespmem:s6+$0xFFFFFF10];
	v1 =	vadd.f32 v2, v1;
	v2 =	vmul.f32 v5, v13  }
0x60: {  	v5 =	vld [tilespmem:s6+$0xE0]  }
0x61: {  	v29 =	vld [tilespmem:s6+$0xFFFFFF80];
	v1 =	vadd.f32 v2, v1;
	v2 =	vmul.f32 v6, v14  }
0x62: {  	v6 =	vld [tilespmem:s6+$0xF0]  }
0x63: {  	v34 =	vld [tilespmem:s6+$0xFFFFFF90];
	v1 =	vadd.f32 v2, v1;
	v2 =	vmul.f32 v7, v15  }
0x64: {  	v35 =	vld [tilespmem:s6+$0x0]  }
0x65: {  	v36 =	vld [tilespmem:s6+$0x10];
	v5 =	vmul.f32 v5, v16;
	v2 =	vadd.f32 v2, v1  }
0x66: {  	v11 =	vld [tilespmem:s9+$0xFFFFFF00]  }
0x67: {  	v37 =	vld [tilespmem:s6+$0xFFFFFF20];
	v2 =	vadd.f32 v5, v2;
	v5 =	vmul.f32 v6, v18  }
0x68: {  	s24 =	simm.s32 $0x6700;
	v8 =	vld [tilespmem:s9+$0xFFFFFFA0]  }
0x69: {  	v12 =	vld [tilespmem:s24+$0x80];
	v5 =	vadd.f32 v5, v2  }
0x6a: {  	v17 =	vld [tilespmem:s24+$0x90]  }
0x6b: {  	v38 =	vld [tilespmem:s6+$0xFFFFFFA0];
	(xrf2) =	vadd.scan.msk.f32 $0xffff, v5  }
0x6c: {  	v20 =	vld [tilespmem:s24+$0xA0]  }
0x6d: {  	v22 =	vld [tilespmem:s24+$0xB0]  }
0x6e: {  	v23 =	vld [tilespmem:s24+$0xC0]  }
0x6f: {  	v39 =	vld [tilespmem:s6+$0x20]  }
0x70: {  	v40 =	vld [tilespmem:s6+$0xFFFFFF30]  }
0x71: {  	v32 =	vld [tilespmem:s9+$0xFFFFFFB0]  }
0x72: {  	v41 =	vld [tilespmem:s6+$0xFFFFFFB0]  }
0x73: {  	v33 =	vld [tilespmem:s9+$0x30]  }
0x74: {  	v42 =	vld [tilespmem:s6+$0x30]  }
0x75: {  	v31 =	vld [tilespmem:s9+$0xFFFFFF40];
	v10, _, _ =	vpop (xrf2)  }
0x76: {  	v43 =	vld [tilespmem:s6+$0xFFFFFF40];
	v21 =	vbroadcast v10, $0xF  }
0x77: {  	v30 =	vld [tilespmem:s9+$0xFFFFFFC0]  }
0x78: {  	v44 =	vld [tilespmem:s6+$0xFFFFFFC0];
	v12 =	vmul.f32 v21, v12;
	v17 =	vmul.f32 v21, v17  }
0x79: {  	v27 =	vld [tilespmem:s9+$0x40]  }
0x7a: {  	v45 =	vld [tilespmem:s6+$0xFFFFFF50];
	v25 =	vadd.f32 v12, v0;
	v26 =	vadd.f32 v17, v3;
	v0 =	vmul.f32 v21, v20  }
0x7b: {  	v3 =	vld [tilespmem:s24+$0xD0];
	v20 =	vmul.f32 v21, v22  }
0x7c: {  	v22 =	vmul.f32 v25, v25;
	v12 =	vadd.f32 v0, v9;
	v0 =	vld [tilespmem:s24+$0xE0];
	v9 =	vmul.f32 v26, v26  }
0x7d: {  	v46 =	vld [tilespmem:s6+$0xFFFFFFD0];
	v23 =	vmul.f32 v21, v23  }
0x7e: {  	v24 =	vadd.f32 v20, v13;
	v13 =	vld [tilespmem:s24+$0xF0];
	v9 =	vadd.f32 v9, v22;
	v20 =	vmul.f32 v12, v12  }
0x7f: {  	v47 =	vld [tilespmem:s6+$0x50];
	v14 =	vadd.f32 v23, v14  }
0x80: {  	v48 =	vld [tilespmem:s6+$0xFFFFFFE0];
	v3 =	vmul.f32 v3, v21;
	v9 =	vadd.f32 v9, v20;
	v20 =	vmul.f32 v24, v24  }
0x81: {  	v51 =	vld [tilespmem:s6+$0x60];
	v0 =	vmul.f32 v0, v21  }
0x82: {  	v54 =	vld [tilespmem:s6+$0xFFFFFF70];
	v15 =	vadd.f32 v3, v15;
	v3 =	vadd.f32 v9, v20;
	v9 =	vmul.f32 v14, v14  }
0x83: {  	v59 =	vld [tilespmem:s6+$0xFFFFFFF0];
	v13 =	vmul.f32 v13, v21  }
0x84: {  	v4 =	vld [tilespmem:s9+$0xFFFFFF10];
	v23 =	vadd.f32 v0, v16;
	v0 =	vadd.f32 v3, v9;
	v3 =	vmul.f32 v15, v15  }
0x85: {  	v7 =	vld [tilespmem:s9+$0xFFFFFF90]  }
0x86: {  	v1 =	vld [tilespmem:s9+$0xFFFFFF80];
	v22 =	vadd.f32 v13, v18;
	v0 =	vadd.f32 v0, v3;
	v3 =	vmul.f32 v23, v23  }
0x87: {  	v5 =	vld [tilespmem:s9+$0xFFFFFF20]  }
0x88: {  	v6 =	vld [tilespmem:s9+$0x10];
	v0 =	vadd.f32 v0, v3;
	v3 =	vmul.f32 v22, v22  }
0x89: {  	v17 =	vld [tilespmem:s9+$0xFFFFFF30]  }
0x8a: {  	v2 =	vld [tilespmem:s9+$0x0];
	v13 =	vmul.f32 v19, v11;
	v0 =	vadd.f32 v0, v3;
	v3 =	vmul.f32 v28, v4  }
0x8b: {  	v10 =	vld [tilespmem:s9+$0x20];
	v16 =	vmul.f32 v29, v1  }
0x8c: {  	v21 =	vld [tilespmem:s9+$0xFFFFFFD0];
	v29 =	vmul.f32 v37, v5;
	v28 =	vmul.f32 v34, v7;
	v13 =	vadd.f32 v3, v13  }
0x8d: {  	v20 =	vld [tilespmem:s9+$0xFFFFFF50]  }
0x8e: {  	v19 =	vld [tilespmem:s6+$0xFFFFFF60];
	v28 =	vadd.f32 v28, v16;
	v16 =	vadd.f32 v29, v13;
	v29 =	vmul.f32 v40, v17  }
0x8f: {  	v49 =	vmul.f32 v38, v8;
	v52 =	vmul.f32 v43, v31;
	(xrf2) =	vadd.scan.msk.f32 $0xffff, v0;
	v0 =	vld [tilespmem:s9+$0xFFFFFF60]  }
0x90: {  	v63 =	vmul.f32 v36, v6;
	v62 =	vmul.f32 v35, v2;
	v18 =	vld [tilespmem:s6+$0x40];
	v29 =	vadd.f32 v29, v16  }
0x91: {  	v53 =	vmul.f32 v41, v32;
	v50 =	vmul.f32 v39, v10;
	v35 =	vadd.f32 v49, v28;
	v16 =	vld [tilespmem:s9+$0xFFFFFF70]  }
0x92: {  	v56 =	vmul.f32 v45, v20;
	v34 =	vadd.f32 v63, v62;
	v3 =	vld [tilespmem:s9+$0xFFFFFFE0];
	v29 =	vadd.f32 v52, v29  }
0x93: {  	v57 =	vmul.f32 v42, v33;
	v58 =	vmul.f32 v44, v30;
	v9 =	vld [tilespmem:s9+$0x50];
	v35 =	vadd.f32 v53, v35  }
0x94: {  	v37 =	vadd.f32 v50, v34;
	v28 =	vld [tilespmem:s9+$0xFFFFFFF0];
	v19 =	vmul.f32 v19, v0;
	v29 =	vadd.f32 v56, v29  }
0x95: {  	v61 =	vld [tilespmem:s6+$0x70];
	v60 =	vmul.f32 v46, v21;
	v18 =	vmul.f32 v18, v27;
	v35 =	vadd.f32 v58, v35  }
0x96: {  	v13 =	vld [tilespmem:s9+$0x60];
	v37 =	vadd.f32 v57, v37;
	v19 =	vadd.f32 v19, v29;
	v29 =	vmul.f32 v54, v16  }
0x97: {  	v43 =	vld [tilespmem:s24+$0xFFFFFF90];
	v36 =	vmul.f32 v48, v3;
	v35 =	vadd.f32 v60, v35  }
0x98: {  	v34 =	vld [tilespmem:s9+$0x70];
	v18 =	vadd.f32 v18, v37;
	v19 =	vadd.f32 v29, v19  }
0x99: {  	v44 =	vld [tilespmem:s24+$0x0];
	v52 =	vmul.f32 v47, v9;
	v53 =	vmul.f32 v59, v28;
	v35 =	vadd.f32 v36, v35  }
0x9a: {  	v41 =	vld [tilespmem:s24+$0xFFFFFFA0];
	(xrf2) =	vadd.scan.msk.f32 $0xffff, v19  }
0x9b: {  	v38 =	vld [tilespmem:s24+$0xFFFFFF60];
	v18 =	vadd.f32 v52, v18;
	v54 =	vmul.f32 v51, v13;
	v19 =	vadd.f32 v53, v35  }
0x9c: {  	v42 =	vld [tilespmem:s24+$0xFFFFFFE0];
	v55, _, _ =	vpop (xrf2)  }
0x9d: {  	v46 =	vld [tilespmem:s24+$0xFFFFFFB0];
	(v2sf) =	vpush v55, $0xF;
	v55 =	vmul.f32 v61, v34;
	v18 =	vadd.f32 v54, v18;
	(xrf2) =	vadd.scan.msk.f32 $0xffff, v19  }
0x9e: {  	v45 =	vld [tilespmem:s24+$0x10]  }
0x9f: {  	v62 =	vld [tilespmem:s24+$0xFFFFFF00];
	v18 =	vadd.f32 v55, v18  }
0xa0: {  	v63 =	vld [tilespmem:s24+$0xFFFFFF10]  }
0xa1: {  	v50 =	vld [tilespmem:s24+$0x40];
	(xrf2) =	vadd.scan.msk.f32 $0xffff, v18  }
0xa2: {  	v57 =	vld [tilespmem:s24+$0xFFFFFF30]  }
0xa3: {  	v56 =	vld [tilespmem:s24+$0xFFFFFF20]  }
0xa4: {  	v49 =	vld [tilespmem:s24+$0xFFFFFFC0];
	v18, _, _ =	vpop (xrf2)  }
0xa5: {  	v29 =	vld [tilespmem:s24+$0xFFFFFF80];
	v35 =	vbroadcast v18, $0xF  }
0xa6: {  	v48 =	vld [tilespmem:s24+$0xFFFFFF40]  }
0xa7: {  	v47 =	vld [tilespmem:s24+$0x30];
	v58, _, _ =	vpop (xrf2);
	v18 =	vmul.f32 v35, v62;
	v39 =	vmul.f32 v35, v63  }
0xa8: {  	v52 =	vld [tilespmem:s24+$0xFFFFFFD0];
	v54 =	vmul.f32 v35, v56;
	v36 =	vbroadcast v58, $0xF  }
0xa9: {  	v19 =	vld [tilespmem:s24+$0x20];
	v63 =	vadd.f32 v18, v11;
	v18 =	vmul.f32 v35, v57;
	v11 =	vadd.f32 v39, v4  }
0xaa: {  	v51 =	vld [tilespmem:s24+$0xFFFFFF50];
	v5 =	vadd.f32 v54, v5;
	v29 =	vmul.f32 v36, v29  }
0xab: {  	v53 =	vld [tilespmem:s24+$0x50];
	v59, _, _ =	vpop (xrf2);
	v60 =	vmul.f32 v36, v43;
	[tilespmem:$0x1F870] =	vst v11;
	v4 =	vadd.f32 v18, v17  }
0xac: {  	v37 =	vbroadcast v59, $0xF;
	[tilespmem:$0x1F8D0] =	vst v5;
	v18 =	vmul.f32 v36, v41;
	v17 =	vadd.f32 v29, v1  }
0xad: {  	v58 =	vadd.f32 v60, v7;
	v54 =	vld [tilespmem:s24+$0x60];
	[tilespmem:$0x1F900] =	vst v4  }
0xae: {  	v7 =	vmul.f32 v37, v44;
	v60 =	vmul.f32 v37, v19;
	v1 =	vadd.f32 v18, v8;
	v43 =	vld [tilespmem:s24+$0xFFFFFF70];
	[tilespmem:$0x1F880] =	vst v17  }
0xaf: {  	v55 =	vld [tilespmem:s24+$0xFFFFFFF0];
	[tilespmem:$0x1F890] =	vst v58  }
0xb0: {  	s9 =	simm.s32 $0x4700;
	v29 =	vmul.f32 v37, v45;
	v19 =	vadd.f32 v7, v2;
	v2 =	vadd.f32 v60, v10;
	v45 =	vld [tilespmem:s24+$0x70];
	[tilespmem:$0x1F8E0] =	vst v1  }
0xb1: {  	v44 =	vld [tilespmem:s9+$0x80]  }
0xb2: {  	v57 =	vld [tilespmem:s9+$0x90];
	[tilespmem:$0x1F8F0] =	vst v2  }
0xb3: {  	v8 =	vld [tilespmem:s9+$0xFFFFFF00]  }
0xb4: {  	s25 =	spop (v2sf)  }
0xb5: {  	s0 =	smax.f32 s25, $1.000000020e-24  }
0xb6: {  	s28 =	sshrl.u32 s0, $0x1;
	s0 =	smul.f32 $5.000000000e-01, s0  }
0xb7: {  	s1 =	ssub.s32 $0x5F3759DF, s28  }
0xb8: {  	s31 =	smov.u32 s30;
	s30 =	smul.f32 s1, s0;
	[tilespmem:$0x1F860] =	vst v8  }
0xb9: {  	v7 =	vmul.f32 v58, v58;
	v58 =	vmul.f32 v5, v5;
	v5 =	vld [tilespmem:s9+$0xFFFFFF10]  }
0xba: {  	s6 =	smul.f32 s1, s30  }
0xbb: {  	v18 =	vadd.f32 v29, v6;
	v6 =	vmul.f32 v36, v46  }
0xbc: {  	s6 =	ssub.f32 $1.500000000e+00, s6  }
0xbd: {  	v41 =	vmul.f32 v2, v2;
	v2 =	vadd.f32 v6, v32  }
0xbe: {  	v56 =	vmul.f32 v17, v17;
	s1 =	smul.f32 s1, s6;
	v46 =	vld [tilespmem:s9+$0xA0];
	[tilespmem:$0x1F8A0] =	vst v5  }
0xbf: {  	v59 =	vld [tilespmem:s9+$0xB0];
	[tilespmem:$0x1F970] =	vst v2  }
0xc0: {  	v56 =	vadd.f32 v7, v56;
	v7 =	vmul.f32 v37, v47;
	v47 =	vmul.f32 v1, v1;
	s0 =	smul.f32 s1, s0;
	v1 =	vld [tilespmem:s9+$0xFFFFFF80];
	_ =	sdelay $0x1  }
0xc1: {  	s0 =	smul.f32 s0, s1;
	_ =	sdelay $0x1  }
0xc2: {  	s0 =	ssub.f32 $1.500000000e+00, s0  }
0xc3: {  	v61 =	vmul.f32 v63, v63;
	v62 =	vmul.f32 v11, v11;
	[tilespmem:$0x1F8B0] =	vst v1  }
0xc4: {  	s0 =	smul.f32 s0, s1;
	v1 =	vld [tilespmem:s9+$0xFFFFFF90]  }
0xc5: {  	v39 =	vadd.f32 v62, v61;
	v61 =	vmul.f32 v19, v19  }
0xc6: {  	v62 =	vmul.f32 v18, v18;
	v25 =	vmul.f32 s0, v25  }
0xc7: {  	v26 =	vmul.f32 s0, v26  }
0xc8: {  	v40 =	vadd.f32 v62, v61;
	v61 =	vmul.f32 v4, v4;
	v4 =	vadd.f32 v25, v44  }
0xc9: {  	v48 =	vmul.f32 v35, v48;
	v12 =	vmul.f32 s0, v12;
	v60 =	vld [tilespmem:s9+$0xC0];
	[tilespmem:$0x1F8C0] =	vst v1;
	v1 =	vadd.f32 v26, v57  }
0xca: {  	v49 =	vmul.f32 v36, v49;
	v24 =	vmul.f32 s0, v24;
	[tilespmem:$0x1FE30] =	vst v4  }
0xcb: {  	v26 =	vadd.f32 v56, v47;
	v47 =	vmul.f32 v2, v2;
	v2 =	vadd.f32 v12, v46;
	[tilespmem:$0x1FE50] =	vst v1  }
0xcc: {  	v58 =	vadd.f32 v39, v58;
	v46 =	vmul.f32 v4, v4;
	v4 =	vadd.f32 v48, v31;
	v25 =	vld [tilespmem:s9+$0xD0]  }
0xcd: {  	v31 =	vmul.f32 s0, v14;
	v39 =	vmul.f32 v1, v1;
	v1 =	vadd.f32 v24, v59;
	v44 =	vld [tilespmem:s9+$0x0];
	[tilespmem:$0x1FE70] =	vst v2  }
0xce: {  	v29 =	vadd.f32 v49, v30;
	v62 =	vadd.f32 v40, v41;
	v30 =	vmul.f32 s0, v15;
	v57 =	vld [tilespmem:s9+$0xE0]  }
0xcf: {  	v40 =	vmul.f32 v2, v2;
	v2 =	vadd.f32 v31, v60;
	v17 =	vld [tilespmem:s9+$0x10];
	[tilespmem:$0x1FE90] =	vst v1;
	v24 =	vadd.f32 v39, v46  }
0xd0: {  	v23 =	vmul.f32 s0, v23;
	v46 =	vld [tilespmem:s9+$0xF0]  }
0xd1: {  	v31 =	vmul.f32 v1, v1;
	v48 =	vld [tilespmem:s9+$0xFFFFFF20];
	[tilespmem:$0x1FEA0] =	vst v2;
	v24 =	vadd.f32 v24, v40;
	v1 =	vadd.f32 v30, v25  }
0xd2: {  	v22 =	vmul.f32 s0, v22;
	v40 =	vld [tilespmem:s9+$0xFFFFFFA0]  }
0xd3: {  	v41 =	vld [tilespmem:s9+$0x20];
	v24 =	vadd.f32 v24, v31;
	v25 =	vmul.f32 v2, v2;
	v2 =	vadd.f32 v23, v57;
	[tilespmem:$0x1FEB0] =	vst v1  }
0xd4: {  	v50 =	vmul.f32 v37, v50;
	v31 =	vld [tilespmem:s9+$0xFFFFFF30]  }
0xd5: {  	v23 =	vadd.f32 v24, v25;
	v24 =	vmul.f32 v1, v1;
	v1 =	vadd.f32 v22, v46;
	v30 =	vld [tilespmem:s9+$0xFFFFFFB0];
	[tilespmem:$0x1FEC0] =	vst v2  }
0xd6: {  	v15 =	vadd.f32 v50, v27;
	v27 =	vld [tilespmem:s9+$0x30]  }
0xd7: {  	v25 =	vld [tilespmem:s9+$0xFFFFFF40];
	[tilespmem:$0x1FE00] =	vst v1  }
0xd8: {  	v33 =	vadd.f32 v7, v33;
	v50 =	vadd.f32 v58, v61;
	v61 =	vmul.f32 v2, v2;
	v2 =	vld [tilespmem:s9+$0x40]  }
0xd9: {  	v42 =	vmul.f32 v42, v36;
	v59 =	vmul.f32 v52, v36  }
0xda: {  	v49 =	vmul.f32 v51, v35;
	v56 =	vmul.f32 v33, v33;
	v47 =	vadd.f32 v26, v47  }
0xdb: {  	v60 =	vmul.f32 v53, v37;
	v32 =	vadd.f32 v59, v21;
	v21 =	vmul.f32 v29, v29  }
0xdc: {  	v53 =	vadd.f32 v62, v56;
	v62 =	vmul.f32 v4, v4;
	v22 =	vadd.f32 v23, v24  }
0xdd: {  	s14 =	simm.s32 $0x900;
	v47 =	vadd.f32 v47, v21;
	v21 =	vmul.f32 v38, v35;
	v23 =	vadd.f32 v49, v20;
	v26 =	vld [tilespmem:s9+$0xFFFFFFC0];
	[tilespmem:$0x1F9E0] =	vst v2  }
0xde: {  	v39 =	vmul.f32 v1, v1;
	v20 =	vadd.f32 v60, v9;
	v46 =	vadd.f32 v22, v61;
	v56 =	vld [tilespmem:s14+$0x80]  }
0xdf: {  	s15 =	simm.s32 $0x2900;
	v49 =	vadd.f32 v50, v62;
	v9 =	vmul.f32 v15, v15;
	v60 =	vmul.f32 v54, v37;
	v50 =	vld [tilespmem:s14+$0x90]  }
0xe0: {  	v35 =	vmul.f32 v43, v35;
	v1 =	vadd.f32 v42, v3;
	v38 =	vadd.f32 v46, v39;
	v46 =	vld [tilespmem:s15+$0x80]  }
0xe1: {  	v61 =	vadd.f32 v53, v9;
	v3 =	vadd.f32 v60, v13;
	v53 =	vld [tilespmem:s15+$0x90]  }
0xe2: {  	v36 =	vmul.f32 v55, v36;
	v2 =	vadd.f32 v35, v16;
	v54 =	vld [tilespmem:s14+$0xA0];
	[tilespmem:$0x1FA40] =	vst v1  }
0xe3: {  	v21 =	vadd.f32 v21, v0;
	v62 =	vmul.f32 v32, v32;
	v37 =	vmul.f32 v45, v37;
	v57 =	vld [tilespmem:s15+$0xA0];
	[tilespmem:$0x1FA90] =	vst v3  }
0xe4: {  	v0 =	vmul.f32 v23, v23;
	v60 =	vmul.f32 v1, v1;
	v1 =	vadd.f32 v36, v28;
	v55 =	vld [tilespmem:s14+$0xB0];
	[tilespmem:$0x1FB00] =	vst v2  }
0xe5: {  	v28 =	vmul.f32 v2, v2;
	v2 =	vadd.f32 v37, v34;
	v16 =	vld [tilespmem:s15+$0xB0]  }
0xe6: {  	v59 =	vadd.f32 v47, v62;
	v0 =	vadd.f32 v49, v0;
	v49 =	vld [tilespmem:s14+$0xC0];
	[tilespmem:$0x1FB10] =	vst v1  }
0xe7: {  	v36 =	vld [tilespmem:s15+$0xC0];
	[tilespmem:$0x1FB20] =	vst v2  }
0xe8: {  	v35 =	vadd.f32 v59, v60;
	v51 =	vmul.f32 v1, v1;
	v62 =	vmul.f32 v53, v50;
	v53 =	vld [tilespmem:s14+$0xD0]  }
0xe9: {  	v52 =	vld [tilespmem:s15+$0xD0]  }
0xea: {  	v35 =	vadd.f32 v35, v51;
	v51 =	vld [tilespmem:s15+$0xE0]  }
0xeb: {  	v58 =	vmul.f32 v21, v21;
	v13 =	vmul.f32 v20, v20;
	v60 =	vld [tilespmem:s14+$0xF0]  }
0xec: {  	v1 =	vld [tilespmem:s14+$0xFFFFFF80]  }
0xed: {  	v13 =	vadd.f32 v61, v13;
	v0 =	vadd.f32 v0, v58;
	v61 =	vmul.f32 v46, v56;
	v37 =	vld [tilespmem:s14+$0xFFFFFF10]  }
0xee: {  	v39 =	vmul.f32 v3, v3;
	v14 =	vld [tilespmem:s15+$0xFFFFFF00]  }
0xef: {  	v0 =	vadd.f32 v0, v28;
	v11 =	vld [tilespmem:s15+$0xFFFFFF10];
	v43 =	vmul.f32 v57, v54;
	v28 =	vadd.f32 v62, v61  }
0xf0: {  	v13 =	vadd.f32 v13, v39;
	(xrf2) =	vadd.scan.msk.f32 $0xffff, v38;
	v47 =	vmul.f32 v2, v2;
	v57 =	vld [tilespmem:s14+$0xE0]  }
0xf1: {  	(xrf2) =	vadd.scan.msk.f32 $0xffff, v0;
	v16 =	vmul.f32 v16, v55;
	v0 =	vadd.f32 v43, v28;
	v28 =	vld [tilespmem:s15+$0xF0];
	[tilespmem:$0x1FA20] =	vst v1  }
0xf2: {  	v39 =	vld [tilespmem:s14+$0xFFFFFF90]  }
0xf3: {  	v13 =	vadd.f32 v13, v47;
	v0 =	vadd.f32 v16, v0;
	v16 =	vmul.f32 v36, v49  }
0xf4: {  	(xrf2) =	vadd.scan.msk.f32 $0xffff, v35  }
0xf5: {  	(xrf2) =	vadd.scan.msk.f32 $0xffff, v13;
	v13 =	vmul.f32 v52, v53;
	v0 =	vadd.f32 v16, v0;
	_ =	sdelay $0x1  }
0xf6: {  	v0 =	vadd.f32 v13, v0;
	v13 =	vmul.f32 v51, v57;
	[tilespmem:$0x1FA30] =	vst v39  }
0xf7: {  	v51 =	vld [tilespmem:s14+$0x0]  }
0xf8: {  	v0 =	vadd.f32 v13, v0;
	v13 =	vmul.f32 v28, v60;
	_ =	sdelay $0x1  }
0xf9: {  	v0 =	vadd.f32 v13, v0  }
0xfa: {  	v16 =	vld [tilespmem:s15+$0xFFFFFF80];
	v28, _, _ =	vpop (xrf2)  }
0xfb: {  	v5 =	vld [tilespmem:s15+$0xFFFFFF90];
	v13, _, _ =	vpop (xrf2);
	(xrf2) =	vadd.scan.msk.f32 $0xffff, v0;
	[tilespmem:$0x1FA50] =	vst v51  }
0xfc: {  	v43 =	vld [tilespmem:s14+$0x10]  }
0xfd: {  	v9 =	vld [tilespmem:s15+$0x0]  }
0xfe: {  	v12 =	vld [tilespmem:s15+$0x10]  }
0xff: {  	v35 =	vld [tilespmem:s14+$0xFFFFFF00]  }
0x100: {  	v59 =	vld [tilespmem:s14+$0xFFFFFF20]  }
0x101: {  	(v2sf) =	vpush v28, $0xF;
	v10 =	vld [tilespmem:s15+$0xFFFFFF20]  }
0x102: {  	s6 =	simm.s32 $0x6900;
	(v2sf) =	vpush v13, $0xF;
	v13, _, _ =	vpop (xrf2);
	v36 =	vld [tilespmem:s14+$0xFFFFFFA0]  }
0x103: {  	(v2sf) =	vpush v13, $0xF;
	v13 =	vld [tilespmem:s6+$0x90]  }
0x104: {  	v6, _, _ =	vpop (xrf2);
	v8 =	vld [tilespmem:s15+$0xFFFFFFA0]  }
0x105: {  	v38 =	vld [tilespmem:s6+$0xA0];
	v52, _, _ =	vpop (xrf2)  }
0x106: {  	v42 =	vld [tilespmem:s14+$0x20];
	v62 =	vbroadcast v52, $0xF  }
0x107: {  	(v2sf) =	vpush v6, $0xF;
	v6 =	vld [tilespmem:s6+$0x80]  }
0x108: {  	v58 =	vld [tilespmem:s6+$0xB0];
	v13 =	vmul.f32 v62, v13  }
0x109: {  	v7 =	vld [tilespmem:s15+$0x20]  }
0x10a: {  	v61 =	vld [tilespmem:s6+$0xD0];
	v0 =	vadd.f32 v13, v50;
	v13 =	vmul.f32 v62, v38  }
0x10b: {  	v22 =	vld [tilespmem:s14+$0xFFFFFF30]  }
0x10c: {  	v52 =	vld [tilespmem:s6+$0xC0];
	v34 =	vmul.f32 v62, v6;
	[tilespmem:$0x1FA60] =	vst v0;
	v2 =	vadd.f32 v13, v54  }
0x10d: {  	v6 =	vld [tilespmem:s15+$0xFFFFFF30]  }
0x10e: {  	v47 =	vmul.f32 v62, v58;
	v45 =	vadd.f32 v34, v56;
	v50 =	vld [tilespmem:s6+$0xE0];
	[tilespmem:$0x1FA70] =	vst v2  }
0x10f: {  	v61 =	vmul.f32 v61, v62;
	v58 =	vld [tilespmem:s14+$0xFFFFFFB0]  }
0x110: {  	s3 =	spop (v2sf);
	v38 =	vadd.f32 v47, v55;
	v13 =	vmul.f32 v45, v45;
	v34 =	vmul.f32 v0, v0;
	v55 =	vld [tilespmem:s6+$0xF0]  }
0x111: {  	v24 =	vmov v4;
	v11 =	vmul.f32 v11, v37;
	s1 =	spop (v2sf);
	v0 =	vadd.f32 v61, v53;
	v4 =	vld [tilespmem:s15+$0xFFFFFFB0]  }
0x112: {  	v5 =	vmul.f32 v5, v39;
	v9 =	vmul.f32 v9, v51;
	s0 =	smax.f32 s1, $1.000000020e-24;
	v54 =	vadd.f32 v34, v13;
	v34 =	vld [tilespmem:s14+$0x30]  }
0x113: {  	v52 =	vmul.f32 v62, v52;
	s8 =	sshrl.u32 s0, $0x1;
	s0 =	smul.f32 $5.000000000e-01, s0;
	v56 =	vmul.f32 v2, v2;
	v3 =	vld [tilespmem:s15+$0x30];
	[tilespmem:$0x1FA80] =	vst v0  }
0x114: {  	v14 =	vmul.f32 v14, v35;
	v12 =	vmul.f32 v12, v43;
	s4 =	spop (v2sf);
	s10 =	ssub.s32 $0x5F3759DF, s8;
	v61 =	vld [tilespmem:s14+$0xFFFFFF40]  }
0x115: {  	v46 =	vmul.f32 v38, v38;
	s1 =	smax.f32 s4, $1.000000020e-24;
	v47 =	vadd.f32 v52, v49;
	s12 =	smul.f32 s10, s0;
	v54 =	vadd.f32 v54, v56;
	v2 =	vld [tilespmem:s15+$0xFFFFFF40]  }
0x116: {  	v10 =	vmul.f32 v10, v59;
	s5 =	smul.f32 $5.000000000e-01, s1;
	s1 =	sshrl.u32 s1, $0x1;
	v56 =	vmul.f32 v0, v0;
	v0 =	vld [tilespmem:s15+$0xFFFFFF50]  }
0x117: {  	s11 =	spop (v2sf);
	s13 =	ssub.s32 $0x5F3759DF, s1;
	v49 =	vmul.f32 v47, v47;
	s12 =	smul.f32 s10, s12;
	v54 =	vadd.f32 v54, v46;
	v50 =	vmul.f32 v50, v62;
	v46 =	vld [tilespmem:s14+$0x40]  }
0x118: {  	v7 =	vmul.f32 v7, v42;
	v11 =	vadd.f32 v11, v14;
	s11 =	smax.f32 s11, $1.000000020e-24;
	s23 =	smul.f32 s13, s5;
	v55 =	vmul.f32 v55, v62;
	v62 =	vld [tilespmem:s14+$0xFFFFFFC0]  }
0x119: {  	s16 =	sshrl.u32 s11, $0x1;
	s12 =	ssub.f32 $1.500000000e+00, s12;
	v53 =	vadd.f32 v50, v57;
	v54 =	vadd.f32 v54, v49;
	v57 =	vld [tilespmem:s15+$0xFFFFFFC0];
	v50 =	vmul.f32 v16, v1  }
0x11a: {  	v9 =	vadd.f32 v12, v9;
	v11 =	vadd.f32 v10, v11;
	s22 =	ssub.s32 $0x5F3759DF, s16;
	s16 =	smul.f32 s13, s23;
	v6 =	vmul.f32 v6, v22;
	v1 =	vld [tilespmem:s15+$0x40]  }
0x11b: {  	s10 =	smul.f32 s10, s12;
	v56 =	vadd.f32 v54, v56;
	v39 =	vmul.f32 v53, v53;
	v5 =	vadd.f32 v5, v50;
	v50 =	vld [tilespmem:s14+$0xFFFFFF50]  }
0x11c: {  	v8 =	vmul.f32 v8, v36;
	v7 =	vadd.f32 v7, v9;
	v14 =	vld [tilespmem:s15+$0xFFFFFFD0];
	s16 =	ssub.f32 $1.500000000e+00, s16;
	v3 =	vmul.f32 v3, v34  }
0x11d: {  	v6 =	vadd.f32 v6, v11;
	v2 =	vmul.f32 v2, v61;
	s0 =	smul.f32 s10, s0;
	v51 =	vadd.f32 v56, v39;
	v56 =	vld [tilespmem:s14+$0xFFFFFFD0]  }
0x11e: {  	v4 =	vmul.f32 v4, v58;
	s13 =	smul.f32 s13, s16;
	v5 =	vadd.f32 v8, v5  }
0x11f: {  	v3 =	vadd.f32 v3, v7;
	v2 =	vadd.f32 v2, v6;
	s0 =	smul.f32 s0, s10;
	v1 =	vmul.f32 v1, v46  }
0x120: {  	s8 =	smul.f32 s13, s5;
	v4 =	vadd.f32 v4, v5;
	v5 =	vmul.f32 v57, v62;
	v0 =	vmul.f32 v0, v50  }
0x121: {  	s0 =	ssub.f32 $1.500000000e+00, s0;
	v10 =	vadd.f32 v1, v3  }
0x122: {  	s8 =	smul.f32 s8, s13;
	v4 =	vadd.f32 v5, v4;
	v0 =	vadd.f32 v0, v2;
	v1 =	vmul.f32 v14, v56;
	v2 =	vld [tilespmem:$0x1F860]  }
0x123: {  	v49 =	vadd.f32 v55, v60;
	s10 =	smul.f32 s0, s10  }
0x124: {  	s7 =	smul.f32 $5.000000000e-01, s11;
	v57 =	vadd.f32 v1, v4;
	v1 =	vld [tilespmem:$0x1F890]  }
0x125: {  	v39 =	vmul.f32 v49, v49;
	s8 =	ssub.f32 $1.500000000e+00, s8;
	v5 =	vmul.f32 s10, v63  }
0x126: {  	v9 =	vld [tilespmem:s15+$0x60];
	s21 =	smul.f32 s22, s7  }
0x127: {  	v12 =	vadd.f32 v51, v39;
	s28 =	smul.f32 s8, s13;
	v39 =	vadd.f32 v5, v2;
	v2 =	vld [tilespmem:$0x1F870]  }
0x128: {  	v54 =	vld [tilespmem:s14+$0xFFFFFF60]  }
0x129: {  	s21 =	smul.f32 s22, s21;
	v11 =	vmul.f32 s28, v1;
	v1 =	vld [tilespmem:$0x1F8A0]  }
0x12a: {  	v7 =	vld [tilespmem:s15+$0xFFFFFF60]  }
0x12b: {  	s24 =	ssub.f32 $1.500000000e+00, s21;
	v60 =	vld [tilespmem:s14+$0xFFFFFFE0]  }
0x12c: {  	v3 =	vld [tilespmem:$0x1F880];
	v2 =	vmul.f32 s10, v2  }
0x12d: {  	s12 =	smul.f32 s22, s24;
	v6 =	vld [tilespmem:s15+$0xFFFFFFE0]  }
0x12e: {  	v16 =	vadd.f32 v2, v1;
	v1 =	vld [tilespmem:$0x1F8B0]  }
0x12f: {  	v8 =	vld [tilespmem:s15+$0x50];
	s1 =	smul.f32 s12, s7  }
0x130: {  	v51 =	vld [tilespmem:s14+$0x50]  }
0x131: {  	s1 =	smul.f32 s1, s12;
	v63 =	vld [tilespmem:s14+$0x60];
	v5 =	vmul.f32 s28, v3  }
0x132: {  	v52 =	vld [tilespmem:s14+$0xFFFFFFF0];
	(xrf2) =	vadd.scan.msk.f32 $0xffff, v12  }
0x133: {  	s25 =	ssub.f32 $1.500000000e+00, s1;
	v4 =	vadd.f32 v5, v1;
	v1 =	vld [tilespmem:$0x1F8C0]  }
0x134: {  	v13 =	vld [tilespmem:s9+$0xFFFFFFD0];
	v7 =	vmul.f32 v7, v54  }
0x135: {  	v28 =	vld [tilespmem:s14+$0x70];
	v6 =	vmul.f32 v6, v60;
	s30 =	smul.f32 s25, s12;
	v8 =	vmul.f32 v8, v51  }
0x136: {  	v55 =	vld [tilespmem:s14+$0xFFFFFF70];
	v0 =	vadd.f32 v7, v0;
	v7 =	vmul.f32 v9, v63  }
0x137: {  	v9 =	vadd.f32 v6, v57;
	v6 =	vld [tilespmem:$0x1F8E0];
	v5 =	vmul.f32 s30, v19;
	v19 =	vadd.f32 v8, v10  }
0x138: {  	v3 =	vadd.f32 v11, v1;
	v1 =	vld [tilespmem:$0x1F8D0]  }
0x139: {  	v10 =	vadd.f32 v7, v19;
	v7 =	vld [tilespmem:$0x1F8F0]  }
0x13a: {  	v12 =	vld [tilespmem:s15+$0xFFFFFF70]  }
0x13b: {  	v14 =	vld [tilespmem:s9+$0xFFFFFF50]  }
0x13c: {  	v8, _, _ =	vpop (xrf2);
	v2 =	vadd.f32 v5, v44;
	v5 =	vmul.f32 s30, v18;
	v18 =	vld [tilespmem:s9+$0x50]  }
0x13d: {  	v6 =	vmul.f32 s28, v6;
	(v2sf) =	vpush v8, $0xF;
	v19 =	vld [tilespmem:s9+$0xFFFFFF60];
	v8 =	vmul.f32 s10, v1  }
0x13e: {  	v44 =	vmul.f32 v16, v16;
	v11 =	vld [tilespmem:s15+$0xFFFFFFF0];
	v7 =	vmul.f32 s30, v7  }
0x13f: {  	v1 =	vadd.f32 v5, v17;
	v5 =	vadd.f32 v8, v48;
	v8 =	vmul.f32 v12, v55;
	v12 =	vld [tilespmem:s15+$0x70];
	[tilespmem:$0x1F910] =	vst v39  }
0x140: {  	v57 =	vadd.f32 v7, v41;
	v7 =	vmul.f32 v39, v39;
	v48 =	vadd.f32 v6, v40;
	v6 =	vld [tilespmem:$0x1F900];
	[tilespmem:$0x1F920] =	vst v16  }
0x141: {  	v40 =	vld [tilespmem:s9+$0xFFFFFFE0];
	[tilespmem:$0x1F930] =	vst v4  }
0x142: {  	v7 =	vadd.f32 v44, v7;
	v44 =	vmul.f32 v1, v1;
	[tilespmem:$0x1F960] =	vst v1;
	v1 =	vld [tilespmem:$0x1F970]  }
0x143: {  	v41 =	vmul.f32 v3, v3;
	[tilespmem:$0x1F940] =	vst v3  }
0x144: {  	v11 =	vmul.f32 v11, v52;
	v39 =	vmul.f32 v2, v2;
	[tilespmem:$0x1F950] =	vst v2  }
0x145: {  	v0 =	vadd.f32 v8, v0;
	v8 =	vmul.f32 v4, v4;
	v2 =	vld [tilespmem:s6+$0xFFFFFF00];
	v6 =	vmul.f32 s10, v6  }
0x146: {  	v3 =	vmul.f32 s30, v33;
	v4 =	vadd.f32 v11, v9;
	v11 =	vld [tilespmem:s6+$0xFFFFFF10]  }
0x147: {  	v33 =	vld [tilespmem:s6+$0xFFFFFF90];
	v8 =	vadd.f32 v41, v8;
	v9 =	vadd.f32 v6, v31;
	v6 =	vmul.f32 s28, v1  }
0x148: {  	(xrf2) =	vadd.scan.msk.f32 $0xffff, v0;
	v0 =	vmul.f32 v12, v28;
	v12 =	vadd.f32 v44, v39;
	v31 =	vld [tilespmem:s6+$0xFFFFFF80];
	[tilespmem:$0x1F980] =	vst v5  }
0x149: {  	v44 =	vmul.f32 v5, v5;
	(xrf2) =	vadd.scan.msk.f32 $0xffff, v4;
	v5 =	vadd.f32 v6, v30;
	v6 =	vld [tilespmem:s6+$0x0];
	[tilespmem:$0x1F990] =	vst v48  }
0x14a: {  	v4 =	vmul.f32 v48, v48;
	v0 =	vadd.f32 v0, v10;
	v1 =	vadd.f32 v3, v27;
	[tilespmem:$0x1F9A0] =	vst v57  }
0x14b: {  	v3 =	vadd.f32 v7, v44;
	v7 =	vmul.f32 s10, v24;
	v30 =	vmul.f32 v57, v57;
	v27 =	vld [tilespmem:s6+$0x10]  }
0x14c: {  	v4 =	vadd.f32 v8, v4;
	(xrf2) =	vadd.scan.msk.f32 $0xffff, v0;
	v0 =	vmul.f32 s28, v29;
	v29 =	vld [tilespmem:s6+$0xFFFFFFA0]  }
0x14d: {  	v10 =	vadd.f32 v7, v25;
	v8 =	vadd.f32 v12, v30;
	v12 =	vld [tilespmem:s6+$0xFFFFFF20];
	[tilespmem:$0x1F9B0] =	vst v9  }
0x14e: {  	v7 =	vmul.f32 s30, v15;
	v15 =	vmul.f32 v9, v9;
	v9 =	vadd.f32 v0, v26;
	v0 =	vld [tilespmem:s6+$0x20]  }
0x14f: {  	v26 =	vmul.f32 v1, v1;
	[tilespmem:$0x1F9D0] =	vst v1;
	v1 =	vld [tilespmem:$0x1F9E0];
	_ =	sdelay $0x3  }
0x150: {  	[tilespmem:$0x1F9C0] =	vst v5  }
0x151: {  	v25 =	vmul.f32 v5, v5;
	v30 =	vld [tilespmem:s6+$0xFFFFFFB0];
	v1 =	vadd.f32 v7, v1;
	v7 =	vmul.f32 s10, v23  }
0x152: {  	v3 =	vadd.f32 v3, v15;
	v23 =	vld [tilespmem:s6+$0xFFFFFF30]  }
0x153: {  	v15 =	vadd.f32 v4, v25;
	v24 =	vadd.f32 v7, v14;
	v7 =	vmul.f32 s30, v20;
	v14 =	vld [tilespmem:s6+$0x30];
	[tilespmem:$0x1F9F0] =	vst v10  }
0x154: {  	v25 =	vadd.f32 v8, v26;
	v4 =	vmul.f32 s28, v32;
	v32 =	vld [tilespmem:s6+$0xFFFFFF40];
	[tilespmem:$0x1FA00] =	vst v9;
	v9 =	vmul.f32 v9, v9  }
0x155: {  	v8, _, _ =	vpop (xrf2);
	v20 =	vmul.f32 v10, v10;
	v16 =	vadd.f32 v7, v18;
	v7 =	vmul.f32 v1, v1  }
0x156: {  	v8 =	vbroadcast v8, $0xF;
	v26 =	vadd.f32 v15, v9;
	v9 =	vmul.f32 s10, v21  }
0x157: {  	s1 =	spop (v2sf);
	v44 =	vadd.f32 v3, v20;
	v18 =	vld [tilespmem:s6+$0xFFFFFFC0];
	v7 =	vadd.f32 v25, v7  }
0x158: {  	s0 =	smax.f32 s1, $1.000000020e-24;
	[tilespmem:$0x1FA10] =	vst v1;
	v3 =	vld [tilespmem:$0x1FA20];
	v25 =	vadd.f32 v9, v19;
	v9 =	vmul.f32 v8, v12;
	v12 =	vmul.f32 v8, v23  }
0x159: {  	s4 =	sshrl.u32 s0, $0x1;
	s0 =	smul.f32 $5.000000000e-01, s0;
	v20 =	vmul.f32 v8, v2;
	v21 =	vld [tilespmem:s6+$0x40];
	v15, _, _ =	vpop (xrf2)  }
0x15a: {  	s1 =	ssub.s32 $0x5F3759DF, s4;
	v11 =	vmul.f32 v8, v11;
	v15 =	vbroadcast v15, $0xF;
	v22 =	vadd.f32 v12, v22;
	v12 =	vld [tilespmem:$0x1FA30]  }
0x15b: {  	s5 =	smul.f32 s1, s0;
	v57 =	vld [tilespmem:s6+$0xFFFFFF50];
	v10 =	vadd.f32 v20, v35  }
0x15c: {  	v17 =	vadd.f32 v4, v13;
	v4 =	vadd.f32 v11, v37;
	v1 =	vld [tilespmem:s6+$0xFFFFFFD0];
	v19, _, _ =	vpop (xrf2);
	v20 =	vmul.f32 v15, v31  }
0x15d: {  	s8 =	smul.f32 s1, s5;
	[tilespmem:$0x1FB90] =	vst v10;
	v39 =	vbroadcast v19, $0xF;
	v19 =	vld [tilespmem:$0x1FA50];
	v5 =	vadd.f32 v9, v59;
	v9 =	vmul.f32 v15, v33  }
0x15e: {  	v2 =	vld [tilespmem:s6+$0x50];
	[tilespmem:$0x1FBA0] =	vst v4  }
0x15f: {  	s8 =	ssub.f32 $1.500000000e+00, s8;
	v11 =	vadd.f32 v20, v3;
	[tilespmem:$0x1FBF0] =	vst v5;
	v13 =	vadd.f32 v9, v12;
	v9 =	vld [tilespmem:$0x1FA40]  }
0x160: {  	v6 =	vmul.f32 v39, v6;
	v35 =	vld [tilespmem:s6+$0xFFFFFF60];
	[tilespmem:$0x1FC90] =	vst v22  }
0x161: {  	s1 =	smul.f32 s1, s8;
	[tilespmem:$0x1FBB0] =	vst v11;
	v12 =	vmul.f32 v39, v27  }
0x162: {  	v0 =	vmul.f32 v39, v0;
	v3 =	vld [tilespmem:s6+$0xFFFFFFE0];
	v23 =	vadd.f32 v6, v19;
	v6 =	vmul.f32 v15, v29;
	[tilespmem:$0x1FBC0] =	vst v13  }
0x163: {  	s0 =	smul.f32 s1, s0;
	v31 =	vmul.f32 v11, v11;
	v27 =	vadd.f32 v12, v43;
	v59 =	vmul.f32 v13, v13;
	v41 =	vld [tilespmem:s6+$0x60]  }
0x164: {  	v12 =	vmul.f32 v10, v10;
	v10 =	vadd.f32 v6, v36;
	v29 =	vld [tilespmem:s6+$0xFFFFFF70];
	v9 =	vmul.f32 s28, v9  }
0x165: {  	s0 =	smul.f32 s0, s1;
	v48 =	vld [tilespmem:s6+$0xFFFFFFF0];
	v31 =	vadd.f32 v59, v31  }
0x166: {  	[tilespmem:$0x1FC00] =	vst v10;
	v59 =	vmul.f32 v5, v5;
	v5 =	vld [tilespmem:$0x1FA60];
	v11 =	vadd.f32 v9, v40;
	v9 =	vadd.f32 v0, v42  }
0x167: {  	s0 =	ssub.f32 $1.500000000e+00, s0;
	v19 =	vmul.f32 v4, v4;
	v4 =	vld [tilespmem:s6+$0x70]  }
0x168: {  	s6 =	simm.s32 $0x4900;
	v6 =	vld [tilespmem:s9+$0x60];
	[tilespmem:$0x1FC10] =	vst v9  }
0x169: {  	s0 =	smul.f32 s0, s1;
	v0 =	vmul.f32 v15, v30;
	v30 =	vld [tilespmem:s6+$0x80]  }
0x16a: {  	v14 =	vmul.f32 v39, v14;
	v36 =	vld [tilespmem:s6+$0x90]  }
0x16b: {  	v13 =	vmul.f32 s0, v45;
	v19 =	vadd.f32 v19, v12;
	v20 =	vadd.f32 v0, v58  }
0x16c: {  	v14 =	vadd.f32 v14, v34;
	v43 =	vmul.f32 v27, v27;
	v40 =	vmul.f32 v23, v23  }
0x16d: {  	v37 =	vadd.f32 v19, v59;
	v42 =	vmul.f32 v9, v9;
	v19 =	vmul.f32 s0, v5;
	v9 =	vld [tilespmem:$0x1FA70];
	[tilespmem:$0x1FCB0] =	vst v20  }
0x16e: {  	v58 =	vmul.f32 v10, v10;
	v0 =	vld [tilespmem:s9+$0xFFFFFF70];
	[tilespmem:$0x1FCD0] =	vst v14;
	v10 =	vadd.f32 v13, v30  }
0x16f: {  	v33 =	vadd.f32 v43, v40;
	v43 =	vld [tilespmem:s6+$0xA0];
	v5 =	vadd.f32 v19, v36  }
0x170: {  	v31 =	vadd.f32 v31, v58;
	v58 =	vld [tilespmem:s9+$0xFFFFFFF0];
	[tilespmem:$0x1FEF0] =	vst v10  }
0x171: {  	v13 =	vmul.f32 v8, v32;
	v32 =	vld [tilespmem:s6+$0xB0];
	[tilespmem:$0x1FF10] =	vst v5  }
0x172: {  	v30 =	vmul.f32 s0, v9;
	v34 =	vld [tilespmem:s6+$0xC0]  }
0x173: {  	v18 =	vmul.f32 v15, v18;
	v12 =	vadd.f32 v13, v61;
	v13 =	vmul.f32 v39, v21  }
0x174: {  	v36 =	vmul.f32 s0, v38;
	v9 =	vadd.f32 v30, v43  }
0x175: {  	v21 =	vadd.f32 v18, v62;
	v62 =	vadd.f32 v13, v46;
	v13 =	vmul.f32 s0, v47  }
0x176: {  	v38 =	vmul.f32 v10, v10;
	v45 =	vld [tilespmem:s9+$0x70];
	[tilespmem:$0x1FF30] =	vst v9;
	v10 =	vadd.f32 v36, v32  }
0x177: {  	v59 =	vmul.f32 v5, v5;
	v30 =	vld [tilespmem:s6+$0xFFFFFF00];
	v5 =	vadd.f32 v13, v34  }
0x178: {  	v18 =	vld [tilespmem:s6+$0xD0];
	[tilespmem:$0x1FF50] =	vst v10  }
0x179: {  	v46 =	vadd.f32 v59, v38;
	v59 =	vld [tilespmem:s6+$0xE0];
	[tilespmem:$0x1FF70] =	vst v5  }
0x17a: {  	v47 =	vmul.f32 v9, v9;
	v9 =	vld [tilespmem:s6+$0xFFFFFF10];
	_ =	sdelay $0x4  }
0x17b: {  	[tilespmem:$0x1FBD0] =	vst v9;
	v9 =	vld [tilespmem:$0x1FA80];
	_ =	sdelay $0x4  }
0x17c: {  	v32 =	vadd.f32 v46, v47;
	v46 =	vmul.f32 s0, v9;
	v9 =	vld [tilespmem:s6+$0xFFFFFF80];
	_ =	sdelay $0x3  }
0x17d: {  	v61 =	vmul.f32 v20, v20;
	v13 =	vmul.f32 v22, v22  }
0x17e: {  	v33 =	vadd.f32 v33, v42;
	[tilespmem:$0x1FBE0] =	vst v9  }
0x17f: {  	v42 =	vadd.f32 v31, v61;
	v31 =	vmul.f32 s0, v53;
	v13 =	vadd.f32 v37, v13;
	v37 =	vld [tilespmem:s6+$0xF0]  }
0x180: {  	v47 =	vmul.f32 v10, v10;
	v9 =	vadd.f32 v46, v18  }
0x181: {  	v53 =	vmul.f32 v5, v5;
	v5 =	vadd.f32 v31, v59  }
0x182: {  	v61 =	vmul.f32 s0, v49;
	v18 =	vadd.f32 v32, v47;
	[tilespmem:$0x1FF90] =	vst v9  }
0x183: {  	v32 =	vld [tilespmem:s6+$0xFFFFFF90];
	[tilespmem:$0x1FFB0] =	vst v5  }
0x184: {  	v38 =	vadd.f32 v18, v53;
	v53 =	vmul.f32 v9, v9;
	v36 =	vld [tilespmem:s6+$0x0];
	v9 =	vadd.f32 v61, v37  }
0x185: {  	v34 =	vld [tilespmem:s6+$0x10]  }
0x186: {  	v43 =	vld [tilespmem:s6+$0xFFFFFF20];
	[tilespmem:$0x1FED0] =	vst v9  }
0x187: {  	v10 =	vld [tilespmem:s6+$0xFFFFFFA0];
	_ =	sdelay $0x3  }
0x188: {  	v31 =	vmul.f32 v57, v8;
	v59 =	vmul.f32 v14, v14  }
0x189: {  	v1 =	vmul.f32 v1, v15;
	v4 =	vmul.f32 v4, v39;
	[tilespmem:$0x1FC20] =	vst v10  }
0x18a: {  	v49 =	vadd.f32 v33, v59;
	v59 =	vadd.f32 v31, v50;
	v50 =	vmul.f32 v5, v5;
	v5 =	vld [tilespmem:s6+$0xFFFFFF30]  }
0x18b: {  	v33 =	vadd.f32 v1, v56;
	v1 =	vmul.f32 v2, v39;
	v2 =	vmul.f32 v12, v12  }
0x18c: {  	v3 =	vmul.f32 v3, v15;
	v14 =	vadd.f32 v4, v28  }
0x18d: {  	v31 =	vadd.f32 v1, v51;
	v1 =	vadd.f32 v13, v2;
	v2 =	vmul.f32 v62, v62  }
0x18e: {  	v4 =	vld [tilespmem:$0x1FA90];
	v13 =	vmul.f32 v35, v8;
	v8 =	vmul.f32 v29, v8;
	v61 =	vadd.f32 v38, v53  }
0x18f: {  	v35 =	vmul.f32 v41, v39;
	v2 =	vadd.f32 v49, v2;
	v53 =	vmul.f32 v21, v21;
	v40 =	vld [tilespmem:s6+$0x20];
	[tilespmem:$0x1FCC0] =	vst v5  }
0x190: {  	s9 =	simm.s32 $0xB00;
	v29 =	vadd.f32 v13, v54;
	v46 =	vadd.f32 v61, v50;
	v56 =	vmul.f32 v9, v9;
	v37 =	vld [tilespmem:s6+$0xFFFFFFB0]  }
0x191: {  	v13 =	vadd.f32 v3, v60;
	v47 =	vadd.f32 v42, v53;
	v42 =	vld [tilespmem:s9+$0x80]  }
0x192: {  	s21 =	simm.s32 $0x2B00;
	v61 =	vmul.f32 v31, v31;
	v53 =	vadd.f32 v46, v56;
	v10 =	vadd.f32 v35, v63;
	v46 =	vld [tilespmem:s9+$0x90]  }
0x193: {  	v48 =	vmul.f32 v48, v15;
	v49 =	vld [tilespmem:s21+$0x80];
	[tilespmem:$0x1FD90] =	vst v13  }
0x194: {  	v4 =	vmul.f32 s30, v4;
	v2 =	vadd.f32 v2, v61;
	v38 =	vld [tilespmem:s21+$0x90];
	[tilespmem:$0x1FFE0] =	vst v10;
	v10 =	vmul.f32 v10, v10  }
0x195: {  	v57 =	vmul.f32 v59, v59;
	v5 =	vadd.f32 v8, v55;
	v8 =	vmul.f32 v13, v13;
	v51 =	vld [tilespmem:s9+$0xA0]  }
0x196: {  	v13 =	vadd.f32 v4, v6;
	v4 =	vmul.f32 v14, v14;
	v60 =	vld [tilespmem:s21+$0xA0];
	v2 =	vadd.f32 v2, v10  }
0x197: {  	v1 =	vadd.f32 v1, v57;
	v57 =	vmul.f32 v29, v29;
	v9 =	vadd.f32 v48, v52;
	v52 =	vld [tilespmem:s9+$0xB0]  }
0x198: {  	v3 =	vmul.f32 v33, v33;
	v4 =	vadd.f32 v2, v4;
	v2 =	vld [tilespmem:$0x1FB00]  }
0x199: {  	v1 =	vadd.f32 v1, v57;
	v22 =	vld [tilespmem:s21+$0xB0];
	[tilespmem:$0x1FAA0] =	vst v5;
	v5 =	vmul.f32 v5, v5  }
0x19a: {  	v3 =	vadd.f32 v47, v3  }
0x19b: {  	v1 =	vadd.f32 v1, v5;
	v5 =	vmul.f32 v49, v42;
	v6 =	vmul.f32 v38, v46  }
0x19c: {  	v3 =	vadd.f32 v3, v8;
	v8 =	vmul.f32 v9, v9;
	v47 =	vld [tilespmem:s9+$0xC0];
	[tilespmem:$0x1FAB0] =	vst v9  }
0x19d: {  	v10 =	vld [tilespmem:s21+$0xC0];
	[tilespmem:$0x1FAC0] =	vst v14;
	v5 =	vadd.f32 v6, v5;
	v6 =	vmul.f32 v60, v51;
	v60 =	vmul.f32 s10, v2  }
0x19e: {  	v50 =	vld [tilespmem:s9+$0xD0]  }
0x19f: {  	(xrf2) =	vadd.scan.msk.f32 $0xffff, v53;
	v3 =	vadd.f32 v3, v8;
	v14 =	vadd.f32 v60, v0;
	v0 =	vld [tilespmem:$0x1FB10]  }
0x1a0: {  	v61 =	vmul.f32 v24, v24;
	v8 =	vld [tilespmem:s21+$0xD0];
	[tilespmem:$0x1FAD0] =	vst v24;
	(xrf2) =	vadd.scan.msk.f32 $0xffff, v1  }
0x1a1: {  	[tilespmem:$0x1FAE0] =	vst v17;
	(xrf2) =	vadd.scan.msk.f32 $0xffff, v3;
	v3 =	vadd.f32 v6, v5;
	v5 =	vmul.f32 v22, v52;
	v2 =	vld [tilespmem:$0x1FB20]  }
0x1a2: {  	v63 =	vmul.f32 v17, v17;
	v9 =	vld [tilespmem:s9+$0xE0];
	[tilespmem:$0x1FAF0] =	vst v16;
	v38 =	vmul.f32 v16, v16  }
0x1a3: {  	v1 =	vadd.f32 v44, v61;
	v53 =	vld [tilespmem:s21+$0xE0];
	v3 =	vadd.f32 v5, v3;
	v5 =	vmul.f32 v25, v25  }
0x1a4: {  	v26 =	vadd.f32 v26, v63;
	v48 =	vld [tilespmem:s9+$0xF0];
	v0 =	vmul.f32 s28, v0  }
0x1a5: {  	v16 =	vld [tilespmem:s9+$0xFFFFFF10];
	v61 =	vadd.f32 v7, v38;
	(xrf2) =	vadd.scan.msk.f32 $0xffff, v4;
	v4 =	vmul.f32 v10, v47;
	v1 =	vadd.f32 v1, v5  }
0x1a6: {  	v22 =	vld [tilespmem:s21+$0xF0];
	[tilespmem:$0x1FB30] =	vst v25;
	v7 =	vmul.f32 s30, v2;
	v6 =	vadd.f32 v0, v58;
	v0 =	vmul.f32 v11, v11  }
0x1a7: {  	v56 =	vld [tilespmem:s21+$0xFFFFFF00];
	[tilespmem:$0x1FB40] =	vst v11;
	v3 =	vadd.f32 v4, v3;
	v4 =	vmul.f32 v8, v50;
	v5 =	vmul.f32 v13, v13  }
0x1a8: {  	v18 =	vld [tilespmem:s9+$0xFFFFFF80];
	v2 =	vadd.f32 v7, v45;
	v0 =	vadd.f32 v26, v0;
	v26 =	vmul.f32 v14, v14  }
0x1a9: {  	v3 =	vadd.f32 v4, v3;
	v4 =	vmul.f32 v53, v9;
	v11 =	vld [tilespmem:s21+$0xFFFFFF10];
	[tilespmem:$0x1FB50] =	vst v13;
	v63 =	vmul.f32 v6, v6  }
0x1aa: {  	v5 =	vadd.f32 v61, v5;
	[tilespmem:$0x1FB60] =	vst v14;
	v1 =	vadd.f32 v1, v26;
	v26 =	vmul.f32 v2, v2  }
0x1ab: {  	v3 =	vadd.f32 v4, v3;
	v4 =	vmul.f32 v22, v48;
	v20 =	vld [tilespmem:s9+$0xFFFFFF90];
	[tilespmem:$0x1FB70] =	vst v6;
	v0 =	vadd.f32 v0, v63  }
0x1ac: {  	v44 =	vld [tilespmem:s21+$0xFFFFFF80];
	[tilespmem:$0x1FB80] =	vst v2;
	v5 =	vadd.f32 v5, v26;
	(xrf2) =	vadd.scan.msk.f32 $0xffff, v1  }
0x1ad: {  	v22, _, _ =	vpop (xrf2);
	v54 =	vld [tilespmem:s21+$0xFFFFFF90];
	(xrf2) =	vadd.scan.msk.f32 $0xffff, v0;
	v0 =	vadd.f32 v4, v3  }
0x1ae: {  	(v2sf) =	vpush v22, $0xF;
	v39 =	vld [tilespmem:s9+$0x0];
	v1, _, _ =	vpop (xrf2);
	(xrf2) =	vadd.scan.msk.f32 $0xffff, v5  }
0x1af: {  	v41 =	vld [tilespmem:s9+$0x10];
	(v2sf) =	vpush v1, $0xF;
	v1, _, _ =	vpop (xrf2);
	(xrf2) =	vadd.scan.msk.f32 $0xffff, v0  }
0x1b0: {  	v22 =	vld [tilespmem:s21+$0x0]  }
0x1b1: {  	v14 =	vld [tilespmem:s9+$0xFFFFFF00]  }
0x1b2: {  	v19 =	vld [tilespmem:s9+$0xFFFFFF20]  }
0x1b3: {  	v35 =	vld [tilespmem:s21+$0xFFFFFF20]  }
0x1b4: {  	v61 =	vld [tilespmem:s9+$0xFFFFFFA0]  }
0x1b5: {  	s15 =	simm.s32 $0x6B00;
	v7 =	vld [tilespmem:s21+$0xFFFFFFA0];
	(v2sf) =	vpush v1, $0xF;
	v0, _, _ =	vpop (xrf2)  }
0x1b6: {  	v8 =	vld [tilespmem:s15+$0x90];
	v55, _, _ =	vpop (xrf2)  }
0x1b7: {  	v4 =	vld [tilespmem:s15+$0x80];
	(v2sf) =	vpush v0, $0xF;
	v53, _, _ =	vpop (xrf2)  }
0x1b8: {  	v49 =	vld [tilespmem:s9+$0x20];
	v10, _, _ =	vpop (xrf2)  }
0x1b9: {  	v57 =	vld [tilespmem:s15+$0xA0];
	v3, _, _ =	vpop (xrf2)  }
0x1ba: {  	v38 =	vld [tilespmem:s15+$0xB0];
	v0 =	vbroadcast v3, $0xF  }
0x1bb: {  	v6 =	vld [tilespmem:s21+$0x20]  }
0x1bc: {  	v63 =	vld [tilespmem:s15+$0xC0];
	v4 =	vmul.f32 v0, v4;
	v8 =	vmul.f32 v0, v8  }
0x1bd: {  	v13 =	vld [tilespmem:s9+$0xFFFFFF30]  }
0x1be: {  	v2 =	vld [tilespmem:s15+$0xD0];
	v45 =	vadd.f32 v4, v42;
	v17 =	vadd.f32 v8, v46;
	v4 =	vmul.f32 v0, v57  }
0x1bf: {  	v60 =	vld [tilespmem:s9+$0xFFFFFFB0];
	v42 =	vmul.f32 v0, v38  }
0x1c0: {  	v58 =	vld [tilespmem:s15+$0xF0];
	v46 =	vadd.f32 v4, v51;
	v4 =	vmul.f32 v45, v45;
	v38 =	vmul.f32 v17, v17  }
0x1c1: {  	v63 =	vmul.f32 v0, v63;
	v57 =	vld [tilespmem:s15+$0xE0]  }
0x1c2: {  	v26 =	vld [tilespmem:s21+$0x10];
	s10 =	spop (v2sf);
	v42 =	vadd.f32 v42, v52;
	v51 =	vadd.f32 v38, v4;
	v1 =	vmul.f32 v46, v46  }
0x1c3: {  	v5 =	vld [tilespmem:s21+$0xFFFFFF30];
	(v2sf) =	vpush v55, $0xF;
	v2 =	vmul.f32 v2, v0;
	s7 =	spop (v2sf)  }
0x1c4: {  	v55 =	vld [tilespmem:s21+$0xFFFFFFC0];
	v15 =	vadd.f32 v63, v47;
	s0 =	smax.f32 s7, $1.000000020e-24;
	s8 =	spop (v2sf);
	v38 =	vmul.f32 v42, v42;
	v1 =	vadd.f32 v51, v1  }
0x1c5: {  	v11 =	vmul.f32 v11, v16;
	v3 =	vld [tilespmem:s21+$0x30];
	v47 =	vadd.f32 v2, v50;
	s12 =	sshrl.u32 s0, $0x1;
	s11 =	smul.f32 $5.000000000e-01, s0;
	s13 =	smax.f32 s8, $1.000000020e-24  }
0x1c6: {  	v63 =	vld [tilespmem:s9+$0xFFFFFF40];
	s14 =	ssub.s32 $0x5F3759DF, s12;
	s8 =	smul.f32 $5.000000000e-01, s13;
	s23 =	spop (v2sf);
	v2 =	vmul.f32 v57, v0;
	v1 =	vadd.f32 v1, v38;
	v38 =	vmul.f32 v15, v15  }
0x1c7: {  	v44 =	vmul.f32 v44, v18;
	v50 =	vld [tilespmem:s21+$0xFFFFFF40];
	s0 =	sshrl.u32 s13, $0x1;
	s24 =	smul.f32 s14, s11;
	s12 =	smax.f32 s23, $1.000000020e-24;
	v0 =	vmul.f32 v58, v0  }
0x1c8: {  	v8 =	vld [tilespmem:s9+$0x40];
	s25 =	ssub.s32 $0x5F3759DF, s0;
	s30 =	smul.f32 $5.000000000e-01, s12;
	v57 =	vadd.f32 v2, v9;
	v9 =	vmul.f32 v47, v47;
	v1 =	vadd.f32 v1, v38  }
0x1c9: {  	v54 =	vmul.f32 v54, v20;
	v52 =	vld [tilespmem:s21+$0xFFFFFFB0];
	s28 =	sshrl.u32 s12, $0x1;
	s5 =	smul.f32 s25, s8;
	v38 =	vmul.f32 v56, v14  }
0x1ca: {  	v4 =	vld [tilespmem:s9+$0x30];
	s4 =	ssub.s32 $0x5F3759DF, s28;
	s13 =	smul.f32 s14, s24;
	v56 =	vadd.f32 v0, v48;
	v0 =	vadd.f32 v1, v9;
	v1 =	vmul.f32 v57, v57  }
0x1cb: {  	v26 =	vmul.f32 v26, v41;
	v58 =	vld [tilespmem:s9+$0xFFFFFF50];
	s22 =	smul.f32 s4, s30;
	v9 =	vadd.f32 v11, v38;
	v11 =	vmul.f32 v22, v39  }
0x1cc: {  	v51 =	vld [tilespmem:s9+$0xFFFFFFC0];
	s16 =	smul.f32 s25, s5;
	v0 =	vadd.f32 v0, v1;
	v1 =	vmul.f32 v35, v19;
	v35 =	vmul.f32 v56, v56  }
0x1cd: {  	v7 =	vmul.f32 v7, v61;
	v44 =	vadd.f32 v54, v44;
	v2 =	vld [tilespmem:s21+$0x40];
	s13 =	ssub.f32 $1.500000000e+00, s13  }
0x1ce: {  	v6 =	vmul.f32 v6, v49;
	s22 =	smul.f32 s4, s22;
	s16 =	ssub.f32 $1.500000000e+00, s16;
	v48 =	vld [tilespmem:s21+$0xFFFFFF50];
	v11 =	vadd.f32 v26, v11;
	v0 =	vadd.f32 v0, v35  }
0x1cf: {  	v7 =	vadd.f32 v7, v44;
	v5 =	vmul.f32 v5, v13;
	s1 =	smul.f32 s14, s13;
	v22 =	vld [tilespmem:s9+$0xFFFFFFD0];
	v1 =	vadd.f32 v1, v9  }
0x1d0: {  	s7 =	ssub.f32 $1.500000000e+00, s22;
	s14 =	smul.f32 s25, s16;
	v38 =	vld [tilespmem:s21+$0xFFFFFFD0];
	v9 =	vmul.f32 v52, v60;
	v6 =	vadd.f32 v6, v11;
	(xrf2) =	vadd.scan.msk.f32 $0xffff, v0;
	v0 =	vmul.f32 v3, v4  }
0x1d1: {  	v24 =	vld [tilespmem:$0x1FBE0];
	(v2sf) =	vpush v53, $0xF;
	s11 =	smul.f32 s1, s11;
	v1 =	vadd.f32 v5, v1;
	v5 =	vmul.f32 v50, v63  }
0x1d2: {  	v54 =	vld [tilespmem:s9+$0x50];
	s12 =	smul.f32 s4, s7;
	v3 =	vadd.f32 v9, v7;
	v0 =	vadd.f32 v0, v6;
	v6 =	vmul.f32 v55, v51  }
0x1d3: {  	v44 =	vld [tilespmem:s21+$0x50];
	v2 =	vmul.f32 v2, v8;
	s8 =	smul.f32 s14, s8;
	v1 =	vadd.f32 v5, v1;
	v5 =	vmul.f32 v48, v58  }
0x1d4: {  	(v2sf) =	vpush v10, $0xF;
	v10 =	vld [tilespmem:s21+$0xFFFFFFE0];
	s11 =	smul.f32 s11, s1;
	v3 =	vadd.f32 v6, v3  }
0x1d5: {  	s0 =	smul.f32 s12, s30;
	v0 =	vadd.f32 v2, v0;
	v2 =	vmul.f32 v38, v22;
	v1 =	vadd.f32 v5, v1;
	v5 =	vld [tilespmem:$0x1FBA0]  }
0x1d6: {  	s8 =	smul.f32 s8, s14;
	s11 =	ssub.f32 $1.500000000e+00, s11;
	v11 =	vld [tilespmem:$0x1FBD0]  }
0x1d7: {  	s0 =	smul.f32 s0, s12;
	v2 =	vadd.f32 v2, v3;
	v3 =	vld [tilespmem:$0x1FBB0]  }
0x1d8: {  	s8 =	ssub.f32 $1.500000000e+00, s8;
	s11 =	smul.f32 s11, s1;
	v9 =	vld [tilespmem:$0x1FB90]  }
0x1d9: {  	v26 =	vld [tilespmem:s9+$0xFFFFFF60]  }
0x1da: {  	v52 =	vld [tilespmem:s9+$0x60];
	s0 =	ssub.f32 $1.500000000e+00, s0;
	s13 =	smul.f32 s8, s14;
	v5 =	vmul.f32 s11, v5  }
0x1db: {  	v7 =	vld [tilespmem:s21+$0xFFFFFF60]  }
0x1dc: {  	v50 =	vld [tilespmem:s9+$0xFFFFFFE0];
	s14 =	smul.f32 s0, s12;
	v3 =	vmul.f32 s13, v3;
	v28 =	vadd.f32 v5, v11;
	v11 =	vmul.f32 v44, v54  }
0x1dd: {  	v6 =	vld [tilespmem:s21+$0x60];
	v9 =	vmul.f32 s11, v9  }
0x1de: {  	v55 =	vadd.f32 v3, v24;
	v3 =	vmul.f32 s14, v27;
	v27 =	vadd.f32 v11, v0;
	v0 =	vld [tilespmem:$0x1FBF0]  }
0x1df: {  	v38 =	vld [tilespmem:s9+$0xFFFFFF70];
	v5 =	vmul.f32 s14, v23  }
0x1e0: {  	v25 =	vadd.f32 v9, v30;
	v9 =	vld [tilespmem:$0x1FBC0]  }
0x1e1: {  	v23 =	vld [tilespmem:s21+$0xFFFFFF70];
	v24 =	vadd.f32 v5, v36  }
0x1e2: {  	v44 =	vld [tilespmem:s9+$0xFFFFFFF0];
	v36 =	vadd.f32 v3, v34;
	v3 =	vmul.f32 v7, v26;
	v7 =	vmul.f32 v10, v50;
	v10, _, _ =	vpop (xrf2)  }
0x1e3: {  	v6 =	vmul.f32 v6, v52;
	(v2sf) =	vpush v10, $0xF;
	v10 =	vmul.f32 s11, v0;
	v0 =	vld [tilespmem:$0x1FC00]  }
0x1e4: {  	v5 =	vld [tilespmem:s21+$0xFFFFFFF0]  }
0x1e5: {  	v9 =	vmul.f32 s13, v9;
	v30 =	vadd.f32 v6, v27;
	v6 =	vld [tilespmem:$0x1FC10]  }
0x1e6: {  	v11 =	vld [tilespmem:s6+$0xFFFFFF40]  }
0x1e7: {  	v53 =	vadd.f32 v9, v32;
	v9 =	vld [tilespmem:s6+$0x30]  }
0x1e8: {  	v1 =	vadd.f32 v3, v1;
	v3 =	vmul.f32 s13, v0;
	v0 =	vadd.f32 v10, v43;
	v10 =	vld [tilespmem:$0x1FC20]  }
0x1e9: {  	v34 =	vld [tilespmem:s9+$0x70]  }
0x1ea: {  	v2 =	vadd.f32 v7, v2;
	v7 =	vld [tilespmem:s21+$0x70];
	[tilespmem:$0x1FC30] =	vst v38;
	v6 =	vmul.f32 s14, v6  }
0x1eb: {  	[tilespmem:$0x1FC40] =	vst v44  }
0x1ec: {  	v5 =	vmul.f32 v5, v44;
	v44 =	vadd.f32 v6, v40;
	v6 =	vld [tilespmem:s6+$0x40]  }
0x1ed: {  	v48 =	vadd.f32 v3, v10;
	v3 =	vmul.f32 v23, v38;
	v10 =	vld [tilespmem:s6+$0xFFFFFFC0];
	[tilespmem:$0x1FC50] =	vst v25  }
0x1ee: {  	v23 =	vmul.f32 v25, v25;
	[tilespmem:$0x1FC60] =	vst v28;
	v25 =	vmul.f32 v28, v28  }
0x1ef: {  	v1 =	vadd.f32 v3, v1;
	v3 =	vld [tilespmem:s6+$0xFFFFFF50]  }
0x1f0: {  	v23 =	vadd.f32 v25, v23;
	v25 =	vld [tilespmem:s6+$0xFFFFFFD0]  }
0x1f1: {  	v35 =	vmul.f32 v24, v24;
	[tilespmem:$0x1FC70] =	vst v24;
	v24 =	vld [tilespmem:$0x1FC90];
	_ =	sdelay $0x2  }
0x1f2: {  	v27 =	vmul.f32 v55, v55;
	v28 =	vmul.f32 v53, v53;
	_ =	sdelay $0x1  }
0x1f3: {  	v27 =	vadd.f32 v28, v27;
	v28 =	vmul.f32 s11, v24;
	v24 =	vld [tilespmem:$0x1FCC0];
	_ =	sdelay $0x2  }
0x1f4: {  	v7 =	vmul.f32 v7, v34  }
0x1f5: {  	v2 =	vadd.f32 v5, v2;
	v5 =	vld [tilespmem:$0x1FCB0]  }
0x1f6: {  	v32 =	vadd.f32 v28, v24;
	v24 =	vadd.f32 v7, v30;
	v7 =	vld [tilespmem:$0x1FCD0]  }
0x1f7: {  	[tilespmem:$0x1FC80] =	vst v36  }
0x1f8: {  	[tilespmem:$0x1FCA0] =	vst v34  }
0x1f9: {  	v40 =	vld [tilespmem:s6+$0x50]  }
0x1fa: {  	v5 =	vmul.f32 s13, v5;
	v36 =	vmul.f32 v36, v36;
	v43 =	vld [tilespmem:s6+$0xFFFFFF60]  }
0x1fb: {  	v21 =	vmul.f32 s13, v21;
	(xrf2) =	vadd.scan.msk.f32 $0xffff, v1;
	v28 =	vld [tilespmem:s6+$0xFFFFFFE0];
	v7 =	vmul.f32 s14, v7  }
0x1fc: {  	v1 =	vadd.f32 v36, v35;
	v35 =	vmul.f32 v0, v0;
	v30 =	vadd.f32 v5, v37;
	v5 =	vld [tilespmem:s15+$0xFFFFFF00];
	[tilespmem:$0x1FCE0] =	vst v0  }
0x1fd: {  	v34 =	vmul.f32 v48, v48;
	[tilespmem:$0x1FCF0] =	vst v48;
	v48 =	vadd.f32 v7, v9;
	v9 =	vmul.f32 v44, v44  }
0x1fe: {  	(xrf2) =	vadd.scan.msk.f32 $0xffff, v2;
	v2 =	vmul.f32 s11, v12;
	v12 =	vadd.f32 v23, v35;
	v7 =	vld [tilespmem:s15+$0xFFFFFF10];
	[tilespmem:$0x1FD00] =	vst v44  }
0x1ff: {  	v23 =	vadd.f32 v27, v34;
	v27 =	vld [tilespmem:s15+$0xFFFFFF80];
	v1 =	vadd.f32 v1, v9;
	v9 =	vmul.f32 v32, v32  }
0x200: {  	v0 =	vmul.f32 s14, v62;
	v62 =	vadd.f32 v21, v10;
	(xrf2) =	vadd.scan.msk.f32 $0xffff, v24;
	v24 =	vadd.f32 v2, v11;
	v2 =	vld [tilespmem:s15+$0xFFFFFF90]  }
0x201: {  	v11 =	vmul.f32 v30, v30;
	v10 =	vld [tilespmem:s15+$0x0];
	[tilespmem:$0x1FD10] =	vst v32;
	v9 =	vadd.f32 v12, v9;
	v12 =	vmul.f32 s13, v33  }
0x202: {  	[tilespmem:$0x1FD20] =	vst v30;
	v30 =	vadd.f32 v0, v6;
	v0 =	vmul.f32 s11, v59  }
0x203: {  	v11 =	vadd.f32 v23, v11;
	v6 =	vld [tilespmem:s15+$0x10];
	v12 =	vadd.f32 v12, v25  }
0x204: {  	v21 =	vmul.f32 v48, v48;
	v23 =	vld [tilespmem:s15+$0xFFFFFF20];
	v34 =	vadd.f32 v0, v3;
	v0 =	vmul.f32 s14, v31  }
0x205: {  	s22 =	spop (v2sf);
	v3 =	vld [tilespmem:s15+$0xFFFFFFA0];
	[tilespmem:$0x1FD30] =	vst v12  }
0x206: {  	s23 =	spop (v2sf);
	v1 =	vadd.f32 v1, v21;
	v0 =	vadd.f32 v0, v40;
	v21 =	vld [tilespmem:s15+$0xFFFFFF30];
	[tilespmem:$0x1FD40] =	vst v24;
	v24 =	vmul.f32 v24, v24  }
0x207: {  	s16 =	spop (v2sf);
	[tilespmem:$0x1FD50] =	vst v62  }
0x208: {  	s9 =	spop (v2sf);
	[tilespmem:$0x1FD60] =	vst v0;
	v12, _, _ =	vpop (xrf2);
	v9 =	vadd.f32 v9, v24  }
0x209: {  	s0 =	smax.f32 s9, $1.000000020e-24;
	v31 =	vmul.f32 v30, v30;
	v0 =	vld [tilespmem:s15+$0x20];
	[tilespmem:$0x1FD70] =	vst v30;
	v12 =	vbroadcast v12, $0xF  }
0x20a: {  	s12 =	sshrl.u32 s0, $0x1;
	s0 =	smul.f32 $5.000000000e-01, s0;
	v25 =	vmul.f32 v62, v62;
	[tilespmem:$0x1FD80] =	vst v9;
	v9 =	vmul.f32 s11, v29  }
0x20b: {  	s1 =	ssub.s32 $0x5F3759DF, s12;
	v37 =	vadd.f32 v1, v31;
	v1 =	vmul.f32 v12, v5;
	v5 =	vmul.f32 v12, v7;
	v7, _, _ =	vpop (xrf2);
	v24 =	vld [tilespmem:s15+$0xFFFFFFB0]  }
0x20c: {  	s24 =	smul.f32 s1, s0;
	v36 =	vadd.f32 v11, v25;
	v25 =	vld [tilespmem:s15+$0x30];
	v11 =	vbroadcast v7, $0xF;
	v38 =	vadd.f32 v9, v43  }
0x20d: {  	v9 =	vmul.f32 v12, v23;
	v23 =	vld [tilespmem:s15+$0xFFFFFF40];
	v31 =	vadd.f32 v1, v14;
	v1 =	vmul.f32 v12, v21  }
0x20e: {  	s8 =	smul.f32 s1, s24;
	v44 =	vadd.f32 v5, v16;
	v5 =	vld [tilespmem:s15+$0xFFFFFFC0]  }
0x20f: {  	v29 =	vadd.f32 v1, v13;
	v1 =	vmul.f32 v11, v2;
	v2 =	vmul.f32 v11, v3;
	v3 =	vld [tilespmem:$0x1FD90]  }
0x210: {  	s3 =	smax.f32 s3, $1.000000020e-24;
	s8 =	ssub.f32 $1.500000000e+00, s8;
	v7, _, _ =	vpop (xrf2);
	v21 =	vld [tilespmem:s15+$0x40]  }
0x211: {  	s25 =	sshrl.u32 s3, $0x1;
	s12 =	smul.f32 $5.000000000e-01, s3;
	v16 =	vld [tilespmem:s15+$0xFFFFFFD0];
	v14 =	vmul.f32 v11, v27;
	v30 =	vadd.f32 v9, v19;
	v9 =	vbroadcast v7, $0xF  }
0x212: {  	s28 =	ssub.s32 $0x5F3759DF, s25;
	s1 =	smul.f32 s1, s8;
	v13 =	vld [tilespmem:s15+$0xFFFFFF50]  }
0x213: {  	s9 =	smul.f32 s28, s12;
	v7 =	vld [tilespmem:s15+$0x50];
	v19 =	vadd.f32 v14, v18;
	v10 =	vmul.f32 v9, v10;
	v14 =	vadd.f32 v1, v20  }
0x214: {  	s0 =	smul.f32 s1, s0;
	v18 =	vld [tilespmem:s15+$0xFFFFFF60];
	v40 =	vadd.f32 v2, v61;
	v1 =	vmul.f32 v9, v6;
	v3 =	vmul.f32 s13, v3  }
0x215: {  	s9 =	smul.f32 s28, s9;
	v0 =	vmul.f32 v9, v0;
	v2 =	vmul.f32 v44, v44;
	v27 =	vadd.f32 v10, v39;
	v10 =	vld [tilespmem:s15+$0xFFFFFFE0];
	[tilespmem:$0x1FDA0] =	vst v31  }
0x216: {  	s0 =	smul.f32 s0, s1;
	v61 =	vadd.f32 v1, v41;
	v1 =	vmul.f32 v31, v31;
	v6 =	vld [tilespmem:s15+$0x60];
	[tilespmem:$0x1FDB0] =	vst v19;
	v43 =	vadd.f32 v3, v28  }
0x217: {  	s30 =	ssub.f32 $1.500000000e+00, s9;
	[tilespmem:$0x1FDC0] =	vst v14;
	v28 =	vadd.f32 v0, v49;
	v0 =	vmul.f32 v19, v19;
	v3 =	vmul.f32 v14, v14  }
0x218: {  	s9 =	simm.s32 $0x4B00;
	s0 =	ssub.f32 $1.500000000e+00, s0;
	v1 =	vadd.f32 v2, v1;
	v20 =	vld [tilespmem:s15+$0xFFFFFF70];
	[tilespmem:$0x1FDD0] =	vst v27;
	v2 =	vmul.f32 v27, v27;
	v14 =	vmul.f32 v61, v61  }
0x219: {  	v19 =	vmul.f32 v9, v25;
	v0 =	vadd.f32 v3, v0;
	v3 =	vmul.f32 v11, v24;
	v24 =	vld [tilespmem:s9+$0x80];
	[tilespmem:$0x1FDE0] =	vst v30  }
0x21a: {  	s3 =	smul.f32 s0, s1;
	v5 =	vmul.f32 v11, v5;
	v25 =	vmul.f32 v40, v40;
	v2 =	vadd.f32 v14, v2;
	v27 =	vld [tilespmem:s9+$0x90]  }
0x21b: {  	v35 =	vadd.f32 v19, v4;
	v4 =	vld [tilespmem:s9+$0xA0];
	v62 =	vadd.f32 v3, v60;
	v3 =	vmul.f32 v28, v28  }
0x21c: {  	v17 =	vmul.f32 s3, v17;
	v25 =	vadd.f32 v0, v25;
	v0 =	vmul.f32 s3, v45  }
0x21d: {  	v41 =	vadd.f32 v5, v51;
	v60 =	vmovc v28;
	v28 =	vadd.f32 v2, v3;
	v2 =	vmul.f32 v12, v23;
	v23 =	vld [tilespmem:s9+$0xB0]  }
0x21e: {  	v14 =	vmul.f32 v30, v30;
	v3 =	vadd.f32 v0, v24;
	v24 =	vmul.f32 s3, v46  }
0x21f: {  	v0 =	vadd.f32 v17, v27;
	v63 =	vadd.f32 v2, v63;
	v2 =	vmul.f32 v9, v21;
	v17 =	vld [tilespmem:s9+$0xC0]  }
0x220: {  	v1 =	vadd.f32 v1, v14;
	v45 =	vadd.f32 v24, v4;
	v4 =	vmul.f32 s3, v42  }
0x221: {  	v42 =	vadd.f32 v2, v8;
	v2 =	vmul.f32 v3, v3;
	v5 =	vmul.f32 v0, v0;
	v8 =	vld [tilespmem:s9+$0xD0]  }
0x222: {  	v19 =	vld [tilespmem:s15+$0xFFFFFFF0];
	v51 =	vadd.f32 v4, v23;
	v4 =	vmul.f32 s3, v15;
	v15 =	vmul.f32 v29, v29  }
0x223: {  	v49 =	vld [tilespmem:s6+$0x60];
	v21 =	vmul.f32 v45, v45;
	v2 =	vadd.f32 v5, v2  }
0x224: {  	v39 =	vld [tilespmem:s6+$0xFFFFFF70];
	v15 =	vadd.f32 v1, v15;
	v1 =	vadd.f32 v4, v17;
	v4 =	vmul.f32 s3, v47  }
0x225: {  	v14 =	vld [tilespmem:s15+$0x70];
	[tilespmem:$0x1FDF0] =	vst v29  }
0x226: {  	v21 =	vadd.f32 v2, v21;
	v2 =	vadd.f32 v4, v8;
	v8 =	vld [tilespmem:s9+$0xFFFFFF00];
	_ =	sdelay $0x2  }
0x227: {  	s4 =	smax.f32 s10, $1.000000020e-24;
	v46 =	vld [tilespmem:s6+$0xFFFFFFF0]  }
0x228: {  	s5 =	sshrl.u32 s4, $0x1;
	s10 =	smul.f32 $5.000000000e-01, s4;
	v17 =	vld [tilespmem:s9+$0xE0]  }
0x229: {  	s24 =	ssub.s32 $0x5F3759DF, s5;
	v5 =	vmul.f32 v62, v62;
	v47 =	vld [tilespmem:s6+$0x70];
	[tilespmem:$0x1FE10] =	vst v8;
	v8 =	vmul.f32 v35, v35  }
0x22a: {  	s25 =	smul.f32 s24, s10  }
0x22b: {  	s8 =	smul.f32 s28, s30;
	v23 =	vadd.f32 v25, v5;
	v25 =	vadd.f32 v28, v8;
	v8 =	vld [tilespmem:s9+$0xFFFFFF10]  }
0x22c: {  	s7 =	smul.f32 s24, s25  }
0x22d: {  	s12 =	smul.f32 s8, s12;
	_ =	sdelay $0x1  }
0x22e: {  	s0 =	ssub.f32 $1.500000000e+00, s7;
	s1 =	smul.f32 s12, s8;
	v4 =	vld [tilespmem:$0x1FE00]  }
0x22f: {  	v13 =	vmul.f32 v13, v12;
	v24 =	vld [tilespmem:s9+$0xF0];
	[tilespmem:$0x1FE20] =	vst v8  }
0x230: {  	s25 =	smul.f32 s24, s0;
	s24 =	ssub.f32 $1.500000000e+00, s1;
	v18 =	vmul.f32 v18, v12;
	v12 =	vmul.f32 v20, v12;
	v20 =	vld [tilespmem:s9+$0xFFFFFF80]  }
0x231: {  	_ = 	snop  }
0x232: {  	s24 =	smul.f32 s24, s8;
	v5 =	vmul.f32 v51, v51  }
0x233: {  	s5 =	smax.f32 s16, $1.000000020e-24  }
0x234: {  	s28 =	smul.f32 s25, s10;
	s10 =	sshrl.u32 s5, $0x1;
	v21 =	vadd.f32 v21, v5;
	v5 =	vmul.f32 s3, v57;
	v4 =	vmul.f32 s24, v4  }
0x235: {  	s16 =	ssub.s32 $0x5F3759DF, s10;
	s10 =	simm.s32 $0x8700;
	v8 =	vmul.f32 v1, v1;
	[tilespmem:$0x1FE40] =	vst v20  }
0x236: {  	v5 =	vadd.f32 v5, v17;
	v17 =	vld [tilespmem:$0x1FE30];
	[tilespmem:s10+$0xF0] =	vst v4  }
0x237: {  	v4 =	vadd.f32 v21, v8;
	v8 =	vld [tilespmem:$0x1FE50];
	_ =	sdelay $0x4  }
0x238: {  	v21 =	vmul.f32 s24, v8;
	v8 =	vld [tilespmem:s9+$0xFFFFFF90];
	_ =	sdelay $0x3  }
0x239: {  	v17 =	vmul.f32 s24, v17  }
0x23a: {  	[tilespmem:$0x1FE60] =	vst v8  }
0x23b: {  	[tilespmem:s10+$0x80] =	vst v17;
	v17 =	vld [tilespmem:s9+$0x0];
	_ =	sdelay $0x4  }
0x23c: {  	v20 =	vmul.f32 s3, v56;
	v8 =	vadd.f32 v13, v58;
	v13 =	vld [tilespmem:$0x1FE70];
	[tilespmem:$0x1FE80] =	vst v17  }
0x23d: {  	[tilespmem:s10+$0x90] =	vst v21  }
0x23e: {  	v33 =	vadd.f32 v20, v24;
	v20 =	vld [tilespmem:$0x1FE90];
	_ =	sdelay $0x2  }
0x23f: {  	v13 =	vmul.f32 s24, v13  }
0x240: {  	v17 =	vmul.f32 v2, v2  }
0x241: {  	[tilespmem:s10+$0xA0] =	vst v13;
	v20 =	vmul.f32 s24, v20  }
0x242: {  	v16 =	vmul.f32 v16, v11;
	v13 =	vadd.f32 v4, v17;
	v4 =	vld [tilespmem:$0x1FEA0]  }
0x243: {  	[tilespmem:s10+$0xB0] =	vst v20  }
0x244: {  	v17 =	vmul.f32 v7, v9;
	v7 =	vadd.f32 v16, v22;
	v16 =	vld [tilespmem:$0x1FEB0]  }
0x245: {  	v20 =	vmul.f32 v5, v5;
	_ =	sdelay $0x1  }
0x246: {  	v4 =	vmul.f32 s24, v4;
	v13 =	vadd.f32 v13, v20;
	v20 =	vld [tilespmem:s9+$0xFFFFFF30]  }
0x247: {  	v31 =	vld [tilespmem:s9+$0x10]  }
0x248: {  	s30 =	smax.f32 s22, $1.000000020e-24;
	v27 =	vld [tilespmem:s9+$0xFFFFFF20];
	[tilespmem:s10+$0xC0] =	vst v4;
	v16 =	vmul.f32 s24, v16  }
0x249: {  	s4 =	smax.f32 s23, $1.000000020e-24;
	s22 =	smul.f32 $5.000000000e-01, s30;
	s1 =	sshrl.u32 s30, $0x1;
	v4 =	vadd.f32 v17, v54;
	v17 =	vld [tilespmem:$0x1FEC0]  }
0x24a: {  	s23 =	smul.f32 $5.000000000e-01, s4;
	s1 =	ssub.s32 $0x5F3759DF, s1;
	v28 =	vld [tilespmem:s9+$0xFFFFFFA0];
	v21 =	vmul.f32 v63, v63;
	[tilespmem:s10+$0xD0] =	vst v16  }
0x24b: {  	s7 =	smul.f32 s1, s22;
	v29 =	vld [tilespmem:s9+$0x20];
	[tilespmem:$0x1FEE0] =	vst v20  }
0x24c: {  	s8 =	sshrl.u32 s4, $0x1;
	s0 =	smul.f32 s28, s25;
	v15 =	vadd.f32 v15, v21;
	v21 =	vld [tilespmem:s9+$0xFFFFFFB0]  }
0x24d: {  	s8 =	ssub.s32 $0x5F3759DF, s8;
	s6 =	smul.f32 $5.000000000e-01, s5  }
0x24e: {  	s28 =	smul.f32 s8, s23;
	v17 =	vmul.f32 s24, v17  }
0x24f: {  	s4 =	smul.f32 s16, s6;
	v16 =	vld [tilespmem:$0x1FED0]  }
0x250: {  	s0 =	ssub.f32 $1.500000000e+00, s0;
	s5 =	smul.f32 s1, s7;
	v20 =	vmul.f32 v41, v41;
	[tilespmem:s10+$0xE0] =	vst v17  }
0x251: {  	s4 =	smul.f32 s16, s4;
	v17 =	vld [tilespmem:$0x1FEF0];
	[tilespmem:$0x1FF00] =	vst v21  }
0x252: {  	s0 =	smul.f32 s0, s25;
	s3 =	ssub.f32 $1.500000000e+00, s5;
	v20 =	vadd.f32 v23, v20;
	v23 =	vld [tilespmem:s9+$0x30]  }
0x253: {  	s7 =	smul.f32 s8, s28;
	s5 =	ssub.f32 $1.500000000e+00, s4  }
0x254: {  	v16 =	vmul.f32 s0, v16  }
0x255: {  	s12 =	ssub.f32 $1.500000000e+00, s7;
	s7 =	smul.f32 s16, s5;
	s16 =	simm.s32 $0x8900  }
0x256: {  	v21 =	vmul.f32 v33, v33;
	v17 =	vmul.f32 s0, v17;
	[tilespmem:s16+$0xF0] =	vst v16  }
0x257: {  	v16 =	vld [tilespmem:$0x1FF10];
	[tilespmem:$0x1FF20] =	vst v23  }
0x258: {  	[tilespmem:s16+$0x80] =	vst v17;
	v17 =	vadd.f32 v13, v21;
	v21 =	vld [tilespmem:s9+$0xFFFFFF40];
	_ =	sdelay $0x3  }
0x259: {  	v16 =	vmul.f32 s0, v16  }
0x25a: {  	v13 =	vld [tilespmem:$0x1FF30];
	[tilespmem:$0x1FF40] =	vst v21  }
0x25b: {  	[tilespmem:s16+$0x90] =	vst v16;
	v16 =	vmul.f32 v19, v11;
	v19 =	vld [tilespmem:s9+$0xFFFFFFC0];
	_ =	sdelay $0x4  }
0x25c: {  	[tilespmem:$0x1FF60] =	vst v19  }
0x25d: {  	v19 =	vld [tilespmem:s9+$0x40];
	_ =	sdelay $0x1  }
0x25e: {  	v13 =	vmul.f32 s0, v13  }
0x25f: {  	v10 =	vmul.f32 v10, v11;
	v11 =	vld [tilespmem:$0x1FF50]  }
0x260: {  	v22 =	vmul.f32 v42, v42;
	[tilespmem:s16+$0xA0] =	vst v13  }
0x261: {  	v13 =	vadd.f32 v18, v26;
	v18 =	vld [tilespmem:$0x1FF70];
	[tilespmem:$0x1FF80] =	vst v19  }
0x262: {  	v21 =	vadd.f32 v25, v22;
	v22 =	vld [tilespmem:s9+$0xFFFFFF50];
	_ =	sdelay $0x1  }
0x263: {  	v11 =	vmul.f32 s0, v11;
	_ =	sdelay $0x1  }
0x264: {  	v18 =	vmul.f32 s0, v18;
	[tilespmem:s16+$0xB0] =	vst v11  }
0x265: {  	[tilespmem:$0x1FFA0] =	vst v22  }
0x266: {  	v11 =	vld [tilespmem:$0x1FF90];
	[tilespmem:s16+$0xC0] =	vst v18  }
0x267: {  	v18 =	vld [tilespmem:$0x1FFB0];
	_ =	sdelay $0x4  }
0x268: {  	v22 =	vmul.f32 s0, v18;
	v18 =	vld [tilespmem:s9+$0xFFFFFFD0];
	_ =	sdelay $0x3  }
0x269: {  	v11 =	vmul.f32 s0, v11  }
0x26a: {  	[tilespmem:$0x1FFC0] =	vst v18  }
0x26b: {  	[tilespmem:s16+$0xD0] =	vst v11;
	v11 =	vld [tilespmem:s9+$0x50];
	_ =	sdelay $0x4  }
0x26c: {  	v19 =	vmul.f32 v8, v8;
	[tilespmem:$0x1FFD0] =	vst v11  }
0x26d: {  	s12 =	smul.f32 s8, s12;
	[tilespmem:s16+$0xE0] =	vst v22  }
0x26e: {  	v18 =	vadd.f32 v15, v19;
	v15 =	vld [tilespmem:$0x1FFE0]  }
0x26f: {  	s25 =	smul.f32 s12, s23  }
0x270: {  	s6 =	smul.f32 s7, s6  }
0x271: {  	s1 =	smul.f32 s1, s3  }
0x272: {  	s6 =	smul.f32 s6, s7  }
0x273: {  	s24 =	smul.f32 s1, s22;
	v24 =	vmul.f32 s14, v15;
	v15 =	vld [tilespmem:s9+$0xFFFFFF60]  }
0x274: {  	s22 =	smul.f32 s25, s12  }
0x275: {  	v6 =	vmul.f32 v6, v9;
	s30 =	ssub.f32 $1.500000000e+00, s6;
	s3 =	smul.f32 s24, s1  }
0x276: {  	v10 =	vadd.f32 v10, v50;
	s28 =	ssub.f32 $1.500000000e+00, s22;
	v23 =	vmul.f32 v7, v7  }
0x277: {  	v6 =	vadd.f32 v6, v52;
	v9 =	vmul.f32 v14, v9;
	v14 =	vmul.f32 v4, v4;
	s22 =	smul.f32 s30, s7;
	s3 =	ssub.f32 $1.500000000e+00, s3  }
0x278: {  	v59 =	vmov v48;
	s23 =	smul.f32 s28, s12;
	v19 =	vmul.f32 v13, v13;
	v11 =	vadd.f32 v20, v23;
	[tilespmem:$0x1FFF0] =	vst v15  }
0x279: {  	s6 =	simm.s32 $0xD00;
	s24 =	smul.f32 s3, s1;
	s3 =	simm.s32 $0x8;
	(xrf2) =	vadd.scan.msk.f32 $0xffff, v17;
	v20 =	vmul.f32 v10, v10;
	v15 =	vadd.f32 v21, v14;
	v21 =	vmul.f32 v6, v6;
	v58 =	vld [tilespmem:s9+$0xFFFFFFE0]  }
.LBB2_5:
0x27a: {  	v17 =	vld [tilespmem:$0x1FC30];
	_ =	sdelay $0x3  }
0x27b: {  	v14 =	vld [tilespmem:s6+$0x80]  }
0x27c: {  	v22 =	vadd.f32 v12, v17;
	v12 =	vld [tilespmem:$0x1FC40]  }
0x27d: {  	s21 =	sadd.s32 $0x200, s21;
	v56 =	vld [tilespmem:$0x1FD30]  }
0x27e: {  	v18 =	vadd.f32 v18, v19;
	v25 =	vld [tilespmem:s21+$0x80];
	v26 =	vmul.f32 v22, v22  }
0x27f: {  	v30 =	vld [tilespmem:s21+$0x90]  }
0x280: {  	v11 =	vadd.f32 v11, v20;
	v20 =	vld [tilespmem:s6+$0xA0];
	v18 =	vadd.f32 v18, v26  }
0x281: {  	v16 =	vadd.f32 v16, v12;
	v12 =	vld [tilespmem:$0x1FCA0]  }
0x282: {  	(xrf2) =	vadd.scan.msk.f32 $0xffff, v18;
	v18 =	vld [tilespmem:$0x1FD80]  }
0x283: {  	v57 =	vld [tilespmem:s21+$0xB0]  }
0x284: {  	[tilespmem:$0x1F840] =	vst v58;
	v58 =	vld [tilespmem:$0x1FD60]  }
0x285: {  	v50 =	vmovc v34;
	v23 =	vmul.f32 v34, v34;
	v15 =	vadd.f32 v15, v21;
	v34 =	vld [tilespmem:s21+$0xD0];
	v19 =	vmul.f32 v56, v56  }
0x286: {  	v48 =	vmul.f32 v16, v16;
	v9 =	vadd.f32 v9, v12;
	v12 =	vadd.f32 v24, v49;
	v24 =	vld [tilespmem:$0x1FAA0]  }
0x287: {  	v21 =	vmov v16;
	v16, _, _ =	vpop (xrf2);
	v18 =	vadd.f32 v18, v23;
	v23 =	vadd.f32 v36, v19;
	v19 =	vld [tilespmem:$0x1FAC0]  }
0x288: {  	v17 =	vld [tilespmem:s6+$0x90];
	(v2sf) =	vpush v16, $0xF;
	v16 =	vmul.f32 v38, v38  }
0x289: {  	v52 =	vmov v22;
	v22 =	vld [tilespmem:s21+$0xA0];
	v26 =	vmul.f32 v58, v58;
	v32 =	vmul.f32 v9, v9  }
0x28a: {  	v11 =	vadd.f32 v11, v48;
	v48 =	vmul.f32 v43, v43;
	v18 =	vadd.f32 v18, v16;
	v16 =	vld [tilespmem:s6+$0xE0]  }
0x28b: {  	v26 =	vadd.f32 v37, v26;
	v49 =	vmul.f32 v12, v12;
	v32 =	vadd.f32 v15, v32;
	v15 =	vld [tilespmem:$0x1FAB0]  }
0x28c: {  	v23 =	vadd.f32 v23, v48;
	v48 =	vld [tilespmem:s21+$0xF0];
	v24 =	vmul.f32 s11, v24;
	v54 =	vmul.f32 s14, v19  }
0x28d: {  	[tilespmem:$0x1FAB0] =	vst v21;
	v21 =	vld [tilespmem:s6+$0xB0];
	v19 =	vmov v9;
	v9 =	vmul.f32 v25, v14;
	v25 =	vmul.f32 v30, v17  }
0x28e: {  	v26 =	vadd.f32 v26, v49;
	v49 =	vld [tilespmem:$0x1FC50]  }
0x28f: {  	v30 =	vld [tilespmem:s21+$0xC0];
	v24 =	vadd.f32 v24, v39;
	v9 =	vadd.f32 v25, v9;
	v25 =	vmul.f32 v22, v20  }
0x290: {  	(xrf2) =	vadd.scan.msk.f32 $0xffff, v11;
	[tilespmem:$0x1FAC0] =	vst v19;
	v19 =	vld [tilespmem:s6+$0xC0];
	v22 =	vadd.f32 v54, v47;
	v15 =	vmul.f32 s13, v15  }
0x291: {  	[tilespmem:$0x1FAA0] =	vst v52;
	(xrf2) =	vadd.scan.msk.f32 $0xffff, v32;
	v32 =	vld [tilespmem:s21+$0xE0];
	v52 =	vmul.f32 v24, v24;
	v9 =	vadd.f32 v25, v9  }
0x292: {  	v25 =	vmul.f32 v57, v21;
	v57 =	vmul.f32 v22, v22;
	v11 =	vadd.f32 v15, v46;
	v15 =	vld [tilespmem:s6+$0xD0]  }
0x293: {  	[tilespmem:$0x1F820] =	vst v35;
	v35 =	vadd.f32 v18, v52;
	v18 =	vld [tilespmem:s6+$0xF0]  }
0x294: {  	v26 =	vadd.f32 v26, v57;
	v57 =	vld [tilespmem:$0x1FC60]  }
0x295: {  	v9 =	vadd.f32 v25, v9;
	v25 =	vmul.f32 v30, v19;
	v30 =	vld [tilespmem:$0x1F910]  }
0x296: {  	v54 =	vmul.f32 v11, v11;
	v52 =	vmov v49;
	v49 =	vld [tilespmem:$0x1F9B0]  }
0x297: {  	[tilespmem:$0x1F910] =	vst v52;
	v52 =	vld [tilespmem:$0x1F9F0]  }
0x298: {  	v23 =	vadd.f32 v23, v54;
	v54 =	vld [tilespmem:$0x1F920]  }
0x299: {  	(xrf2) =	vadd.scan.msk.f32 $0xffff, v35;
	v46 =	vmov v57;
	v57 =	vld [tilespmem:$0x1FCE0]  }
0x29a: {  	v47, _, _ =	vpop (xrf2);
	(xrf2) =	vadd.scan.msk.f32 $0xffff, v23;
	v23 =	vld [tilespmem:$0x1FAD0]  }
0x29b: {  	v9 =	vadd.f32 v25, v9;
	v25 =	vmul.f32 v34, v15;
	[tilespmem:$0x1F920] =	vst v46;
	v46 =	vld [tilespmem:$0x1FD10]  }
0x29c: {  	v30 =	vmul.f32 s24, v30;
	v34 =	vmul.f32 s24, v49;
	v49 =	vld [tilespmem:$0x1FD40]  }
0x29d: {  	v35 =	vmul.f32 s24, v54;
	v54 =	vld [tilespmem:s6+$0xFFFFFF10]  }
0x29e: {  	[tilespmem:s10+$0xFFFFFF00] =	vst v30;
	v30 =	vld [tilespmem:$0x1F980]  }
0x29f: {  	v9 =	vadd.f32 v25, v9;
	v25 =	vmov v50;
	v50 =	vld [tilespmem:$0x1F940]  }
0x2a0: {  	v36 =	vld [tilespmem:s21+$0xFFFFFF00]  }
0x2a1: {  	[tilespmem:$0x1FAD0] =	vst v25;
	v25 =	vld [tilespmem:s21+$0xFFFFFF80]  }
0x2a2: {  	v37 =	vmov v57;
	v57 =	vld [tilespmem:$0x1FB60]  }
0x2a3: {  	[tilespmem:s10+$0xFFFFFF10] =	vst v35;
	v35 =	vmul.f32 s24, v52;
	v52 =	vmul.f32 v32, v16;
	v32, _, _ =	vpop (xrf2);
	(xrf2) =	vadd.scan.msk.f32 $0xffff, v26;
	v26 =	vld [tilespmem:$0x1F930]  }
0x2a4: {  	[tilespmem:$0x1F980] =	vst v37;
	v37 =	vld [tilespmem:s21+$0xFFFFFF10]  }
0x2a5: {  	(v2sf) =	vpush v47, $0xF;
	v47 =	vmov v46;
	v46 =	vld [tilespmem:s6+$0xFFFFFF80]  }
0x2a6: {  	[tilespmem:s10+$0xFFFFFF30] =	vst v34;
	v34 =	vld [tilespmem:s21+$0xFFFFFF90]  }
0x2a7: {  	v39 =	vmov v49;
	[tilespmem:$0x1F9B0] =	vst v47;
	v47 =	vld [tilespmem:s6+$0xFFFFFF90]  }
0x2a8: {  	v23 =	vmul.f32 s24, v23;
	(v2sf) =	vpush v32, $0xF;
	[tilespmem:$0x1F9F0] =	vst v39;
	v32 =	vmul.f32 s23, v50;
	v50 =	vld [tilespmem:$0x1FD00]  }
0x2a9: {  	v9 =	vadd.f32 v52, v9;
	[tilespmem:s10+$0xFFFFFF40] =	vst v35;
	v30 =	vmul.f32 s24, v30;
	v52 =	vmov v55;
	v55 =	vld [tilespmem:$0x1FD20]  }
0x2aa: {  	[tilespmem:s10+$0xFFFFFF50] =	vst v23;
	v39 =	vmov v24;
	v24 =	vmul.f32 v48, v18;
	v48 =	vld [tilespmem:$0x1FA10]  }
0x2ab: {  	[tilespmem:s10+$0xFFFFFF20] =	vst v30;
	v30 =	vld [tilespmem:$0x1FB30]  }
0x2ac: {  	[tilespmem:$0x1FB60] =	vst v39;
	v39 =	vld [tilespmem:s6+$0x0]  }
0x2ad: {  	[tilespmem:$0x1F830] =	vst v54;
	v26 =	vmul.f32 s23, v26;
	v24 =	vadd.f32 v24, v9;
	v9 =	vld [tilespmem:$0x1F990]  }
0x2ae: {  	v49 =	vmul.f32 s24, v57;
	[tilespmem:$0x1F930] =	vst v52;
	v37 =	vmul.f32 v37, v54;
	v54 =	vld [tilespmem:$0x1FB40]  }
0x2af: {  	[tilespmem:s10+$0xFFFFFF80] =	vst v26;
	v26 =	vld [tilespmem:$0x1FB70]  }
0x2b0: {  	v35 =	vmov v53;
	v57, _, _ =	vpop (xrf2);
	[tilespmem:s10+$0xFFFFFF70] =	vst v49;
	v49 =	vld [tilespmem:$0x1FC70]  }
0x2b1: {  	s0 =	spop (v2sf);
	[tilespmem:$0x1F940] =	vst v35;
	(v2sf) =	vpush v57, $0xF;
	(xrf2) =	vadd.scan.msk.f32 $0xffff, v24;
	v24 =	vld [tilespmem:$0x1FAE0];
	v57 =	vmovc v55;
	v30 =	vmul.f32 s24, v30  }
0x2b2: {  	[tilespmem:s10+$0xFFFFFF90] =	vst v32;
	v23 =	vmul.f32 s23, v9;
	v9 =	vld [tilespmem:$0x1F9C0]  }
0x2b3: {  	[tilespmem:s10+$0xFFFFFF60] =	vst v30;
	v30 =	vld [tilespmem:$0x1FA00]  }
0x2b4: {  	v25 =	vmul.f32 v25, v46;
	v34 =	vmul.f32 v34, v47;
	v55 =	vmov v11;
	v11 =	vld [tilespmem:$0x1F960];
	[tilespmem:$0x1F9C0] =	vst v57;
	v57, _, _ =	vpop (xrf2)  }
0x2b5: {  	[tilespmem:$0x1FB70] =	vst v55;
	v35 =	vmul.f32 s23, v54;
	v54 =	vld [tilespmem:$0x1F950];
	(v2sf) =	vpush v57, $0xF;
	v57 =	vmov v49  }
0x2b6: {  	v25 =	vadd.f32 v34, v25;
	v49, _, _ =	vpop (xrf2);
	[tilespmem:$0x1F950] =	vst v57;
	v57 =	vld [tilespmem:$0x1FC80]  }
0x2b7: {  	v34 =	vld [tilespmem:$0x1FD70];
	[tilespmem:s10+$0xFFFFFFA0] =	vst v23;
	(v2sf) =	vpush v49, $0xF;
	v49 =	vmovc v58;
	v58 =	vmovc v12;
	v12 =	vmov v43;
	v52 =	vmul.f32 s23, v9  }
0x2b8: {  	v55 =	vld [tilespmem:s21+$0x10];
	[tilespmem:$0x1FB40] =	vst v12;
	v30 =	vmul.f32 s23, v30  }
0x2b9: {  	v23 =	vld [tilespmem:$0x1F9A0];
	[tilespmem:s10+$0xFFFFFFB0] =	vst v52  }
0x2ba: {  	v9 =	vld [tilespmem:$0x1FCF0];
	[tilespmem:s10+$0xFFFFFFC0] =	vst v30  }
0x2bb: {  	v32 =	vmul.f32 s22, v11;
	v11 =	vmov v57;
	v30 =	vld [tilespmem:$0x1FAF0];
	[tilespmem:$0x1FAF0] =	vst v49  }
0x2bc: {  	v24 =	vmul.f32 s23, v24;
	v57 =	vmov v50;
	[tilespmem:$0x1F960] =	vst v11;
	v11 =	vld [tilespmem:s6+$0xFFFFFF00]  }
0x2bd: {  	[tilespmem:$0x1F9A0] =	vst v57;
	v57 =	vld [tilespmem:$0x1FD50]  }
0x2be: {  	v49 =	vld [tilespmem:s6+$0xFFFFFFA0];
	[tilespmem:s10+$0xFFFFFFD0] =	vst v24  }
0x2bf: {  	v54 =	vmul.f32 s22, v54;
	v24 =	vld [tilespmem:$0x1FB50];
	[tilespmem:$0x1FB50] =	vst v58;
	v53 =	vmov v9  }
0x2c0: {  	v9 =	vld [tilespmem:s6+$0x10];
	[tilespmem:$0x1F990] =	vst v53  }
0x2c1: {  	s0 =	smax.f32 s0, $1.000000020e-24;
	v43 =	vmov v22;
	v53 =	vld [tilespmem:s21+$0x0];
	[tilespmem:s10+$0x0] =	vst v54  }
0x2c2: {  	s15 =	sadd.s32 $0x200, s15;
	s1 =	sshrl.u32 s0, $0x1;
	s12 =	smul.f32 $5.000000000e-01, s0;
	v50 =	vmovc v57;
	v57 =	vmovc v56;
	v56 =	vmul.f32 s22, v48;
	v48 =	vmov v59;
	v59 =	vmov v38;
	v38 =	vld [tilespmem:$0x1FB80];
	[tilespmem:$0x1FB80] =	vst v43  }
0x2c3: {  	s13 =	ssub.s32 $0x5F3759DF, s1;
	v58 =	vld [tilespmem:s15+$0x90];
	[tilespmem:$0x1FA00] =	vst v50  }
0x2c4: {  	s1 =	smul.f32 s13, s12;
	[tilespmem:$0x1FAE0] =	vst v57;
	v57 =	vld [tilespmem:$0x1F9D0]  }
0x2c5: {  	v26 =	vmul.f32 s23, v26;
	v54 =	vld [tilespmem:s15+$0xA0];
	[tilespmem:$0x1F9D0] =	vst v48  }
0x2c6: {  	s1 =	smul.f32 s13, s1;
	v22 =	vmul.f32 v36, v11;
	v48 =	vmov v34;
	v34 =	vmul.f32 v53, v39;
	v53 =	vld [tilespmem:s21+$0xFFFFFFA0];
	[tilespmem:s10+$0xFFFFFFE0] =	vst v35  }
0x2c7: {  	v50 =	vld [tilespmem:s6+$0xFFFFFF20];
	v12 =	vmul.f32 v55, v9;
	[tilespmem:s10+$0xFFFFFFF0] =	vst v26  }
0x2c8: {  	s1 =	ssub.f32 $1.500000000e+00, s1;
	v23 =	vmul.f32 s22, v23;
	v22 =	vadd.f32 v37, v22;
	v37 =	vld [tilespmem:s15+$0xB0];
	[tilespmem:$0x1FA10] =	vst v48  }
0x2c9: {  	v26 =	vadd.f32 v12, v34;
	v12 =	vld [tilespmem:s6+$0x20];
	[tilespmem:s10+$0x10] =	vst v32;
	v52 =	vmul.f32 s22, v57  }
0x2ca: {  	s0 =	smul.f32 s13, s1;
	v48 =	vld [tilespmem:s15+$0x80];
	[tilespmem:s10+$0x20] =	vst v23  }
0x2cb: {  	v30 =	vmul.f32 s22, v30;
	v55, _, _ =	vpop (xrf2);
	v34 =	vld [tilespmem:s15+$0xC0];
	[tilespmem:s10+$0x30] =	vst v52  }
0x2cc: {  	s11 =	smul.f32 s0, s12;
	v24 =	vmul.f32 s22, v24;
	v35 =	vmul.f32 s22, v38;
	v38, _, _ =	vpop (xrf2);
	v43 =	vld [tilespmem:s21+$0x20];
	[tilespmem:s10+$0x40] =	vst v56  }
0x2cd: {  	v57 =	vld [tilespmem:s21+$0xFFFFFF20];
	v32 =	vbroadcast v38, $0xF;
	[tilespmem:s10+$0x50] =	vst v30  }
0x2ce: {  	s23 =	smul.f32 s11, s0;
	[tilespmem:s10+$0x60] =	vst v24;
	v24 =	vld [tilespmem:s15+$0xD0]  }
0x2cf: {  	v23 =	vmul.f32 v53, v49;
	[tilespmem:s10+$0x70] =	vst v35;
	v30 =	vmul.f32 v32, v37;
	v56 =	vld [tilespmem:$0x1FDB0]  }
0x2d0: {  	s14 =	spop (v2sf);
	s28 =	ssub.f32 $1.500000000e+00, s23;
	(v2sf) =	vpush v55, $0xF;
	v36 =	vmul.f32 v32, v48;
	v55 =	vld [tilespmem:s21+$0x30]  }
0x2d1: {  	v23 =	vadd.f32 v23, v25;
	v25 =	vmul.f32 v32, v58;
	v52 =	vadd.f32 v30, v21;
	v30 =	vld [tilespmem:s15+$0xF0]  }
0x2d2: {  	s11 =	smul.f32 s28, s0;
	[tilespmem:$0x1FB30] =	vst v59;
	v59 =	vmul.f32 v57, v50;
	v48 =	vadd.f32 v36, v14;
	v36 =	vld [tilespmem:s21+$0xFFFFFFF0]  }
0x2d3: {  	s1 =	smax.f32 s14, $1.000000020e-24;
	v14 =	vadd.f32 v25, v17;
	v17 =	vmul.f32 v32, v54;
	v25 =	vld [tilespmem:s21+$0xFFFFFF30]  }
0x2d4: {  	s8 =	sshrl.u32 s1, $0x1;
	s13 =	smul.f32 $5.000000000e-01, s1;
	v0 =	vmul.f32 s11, v0;
	v58 =	vmul.f32 s11, v33;
	v22 =	vadd.f32 v59, v22;
	v59 =	vld [tilespmem:s6+$0xFFFFFF30]  }
0x2d5: {  	s24 =	ssub.s32 $0x5F3759DF, s8;
	v35 =	vmul.f32 v48, v48;
	v38 =	vadd.f32 v17, v20;
	v20 =	vld [tilespmem:s15+$0xE0];
	v57 =	vmul.f32 v14, v14  }
0x2d6: {  	s4 =	smul.f32 s24, s13;
	s10 =	smov.u32 s16;
	s16 =	sadd.s32 $0x200, s16;
	v34 =	vmul.f32 v32, v34;
	v53 =	vmul.f32 v52, v52;
	v17 =	vld [tilespmem:s6+$0xFFFFFFB0]  }
0x2d7: {  	v43 =	vmul.f32 v43, v12;
	[tilespmem:s16+$0xF0] =	vst v58;
	v58 =	vld [tilespmem:s21+$0xFFFFFFB0];
	v21 =	vadd.f32 v57, v35;
	v57 =	vmul.f32 v38, v38  }
0x2d8: {  	s4 =	smul.f32 s24, s4;
	s22 =	spop (v2sf);
	v54 =	vadd.f32 v34, v19;
	v24 =	vmul.f32 v24, v32;
	[tilespmem:s16+$0x90] =	vst v0;
	v0 =	vmul.f32 s11, v45;
	v45 =	vld [tilespmem:$0x1FDE0]  }
0x2d9: {  	s1 =	smax.f32 s22, $1.000000020e-24;
	s30 =	spop (v2sf);
	v26 =	vadd.f32 v43, v26;
	v43 =	vmul.f32 s11, v3;
	v3 =	vld [tilespmem:s6+$0x30];
	v19 =	vadd.f32 v21, v57  }
0x2da: {  	s25 =	sshrl.u32 s1, $0x1;
	s14 =	smul.f32 $5.000000000e-01, s1;
	s7 =	smax.f32 s30, $1.000000020e-24;
	[tilespmem:$0x1F850] =	vst v38;
	v15 =	vadd.f32 v24, v15;
	v38 =	vld [tilespmem:s21+$0xFFFFFF40];
	v25 =	vmul.f32 v25, v59  }
0x2db: {  	s12 =	ssub.s32 $0x5F3759DF, s25;
	s8 =	sshrl.u32 s7, $0x1;
	s30 =	smul.f32 $5.000000000e-01, s7;
	v24 =	vmul.f32 v54, v54;
	[tilespmem:s16+$0xA0] =	vst v0;
	v0 =	vmul.f32 s11, v51;
	v51 =	vld [tilespmem:$0x1FE40];
	v19 =	vadd.f32 v19, v53  }
0x2dc: {  	s25 =	spop (v2sf);
	s8 =	ssub.s32 $0x5F3759DF, s8;
	s28 =	smul.f32 s12, s14;
	v25 =	vadd.f32 v25, v22;
	v22 =	vld [tilespmem:s6+$0xFFFFFFC0]  }
0x2dd: {  	s25 =	smax.f32 s25, $1.000000020e-24;
	s0 =	smul.f32 s8, s30;
	v19 =	vadd.f32 v19, v24;
	v24 =	vld [tilespmem:s21+$0xFFFFFFC0]  }
0x2de: {  	s4 =	ssub.f32 $1.500000000e+00, s4;
	s5 =	sshrl.u32 s25, $0x1;
	s1 =	smul.f32 s12, s28;
	[tilespmem:s16+$0x80] =	vst v43;
	v43 =	vmul.f32 v58, v17;
	v58 =	vld [tilespmem:s6+$0x40]  }
0x2df: {  	s7 =	spop (v2sf);
	s22 =	ssub.s32 $0x5F3759DF, s5;
	s5 =	smul.f32 s8, s0;
	v30 =	vmul.f32 v30, v32;
	v53 =	vld [tilespmem:s21+$0x40]  }
0x2e0: {  	s28 =	smax.f32 s7, $1.000000020e-24;
	s1 =	ssub.f32 $1.500000000e+00, s1;
	v21 =	vld [tilespmem:s6+$0xFFFFFF40];
	[tilespmem:s16+$0xB0] =	vst v0;
	v0 =	vmul.f32 s11, v1  }
0x2e1: {  	s0 =	smul.f32 s24, s4;
	s24 =	ssub.f32 $1.500000000e+00, s5;
	v33 =	vadd.f32 v30, v18;
	v1 =	vmul.f32 s11, v2;
	v18 =	vld [tilespmem:s6+$0xFFFFFFD0];
	v20 =	vmul.f32 v20, v32  }
0x2e2: {  	s1 =	smul.f32 s12, s1;
	s7 =	spop (v2sf);
	v57 =	vld [tilespmem:$0x1FE10];
	v23 =	vadd.f32 v43, v23;
	v35 =	vmul.f32 v55, v3;
	v24 =	vmul.f32 v24, v22  }
0x2e3: {  	s12 =	smax.f32 s7, $1.000000020e-24;
	s7 =	smul.f32 s0, s13;
	v32 =	vld [tilespmem:s21+$0xFFFFFF60];
	[tilespmem:s16+$0xC0] =	vst v0;
	v0 =	vmul.f32 s11, v5;
	v16 =	vadd.f32 v20, v16;
	v20 =	vmul.f32 v15, v15  }
0x2e4: {  	s8 =	smul.f32 s8, s24;
	s5 =	sshrl.u32 s12, $0x1;
	[tilespmem:s16+$0xD0] =	vst v1;
	v1 =	vld [tilespmem:s21+$0x50];
	v26 =	vadd.f32 v35, v26;
	v5 =	vadd.f32 v24, v23;
	v24 =	vmul.f32 v53, v58  }
0x2e5: {  	s24 =	ssub.s32 $0x5F3759DF, s5;
	s5 =	smul.f32 s7, s0;
	v55 =	vld [tilespmem:s21+$0xFFFFFF50]  }
0x2e6: {  	v30 =	vmul.f32 v16, v16;
	v20 =	vadd.f32 v19, v20;
	v24 =	vadd.f32 v24, v26;
	v26 =	vld [tilespmem:$0x1FDA0]  }
0x2e7: {  	s13 =	smul.f32 s1, s14;
	s5 =	ssub.f32 $1.500000000e+00, s5;
	v34 =	vmul.f32 v38, v21;
	v19 =	vld [tilespmem:s6+$0xFFFFFF50]  }
0x2e8: {  	s14 =	smul.f32 s8, s30;
	v20 =	vadd.f32 v20, v30;
	v30 =	vmul.f32 v33, v33;
	v23 =	vld [tilespmem:s6+$0x50]  }
0x2e9: {  	s11 =	smul.f32 s5, s0;
	v2 =	vadd.f32 v34, v25;
	v25 =	vld [tilespmem:s21+$0xFFFFFFD0]  }
0x2ea: {  	s4 =	smul.f32 s13, s1;
	v35 =	vld [tilespmem:s21+$0xFFFFFFE0];
	v20 =	vadd.f32 v20, v30  }
0x2eb: {  	v53 =	vld [tilespmem:$0x1FE60];
	v26 =	vmul.f32 s11, v26  }
0x2ec: {  	s7 =	smul.f32 s14, s8;
	s4 =	ssub.f32 $1.500000000e+00, s4;
	[tilespmem:s16+$0xE0] =	vst v0;
	v0 =	vmul.f32 v55, v19;
	(xrf2) =	vadd.scan.msk.f32 $0xffff, v20;
	v20 =	vld [tilespmem:s6+$0xFFFFFF60]  }
0x2ed: {  	v1 =	vmul.f32 v1, v23;
	v38 =	vadd.f32 v26, v57;
	v26 =	vld [tilespmem:$0x1FDD0]  }
0x2ee: {  	s30 =	ssub.f32 $1.500000000e+00, s7;
	s13 =	smul.f32 s4, s1;
	v0 =	vadd.f32 v0, v2;
	v2 =	vmul.f32 v25, v18;
	v25 =	vld [tilespmem:$0x1FDC0]  }
0x2ef: {  	v1 =	vadd.f32 v1, v24;
	v24 =	vld [tilespmem:$0x1FE80]  }
0x2f0: {  	s14 =	smul.f32 s30, s8;
	v34 =	vmul.f32 s13, v56;
	v2 =	vadd.f32 v2, v5;
	v5 =	vld [tilespmem:$0x1FE20]  }
0x2f1: {  	v56 =	vld [tilespmem:s6+$0xFFFFFFE0]  }
0x2f2: {  	v55 =	vadd.f32 v34, v51;
	v51 =	vld [tilespmem:s6+$0xFFFFFF70];
	v26 =	vmul.f32 s14, v26  }
0x2f3: {  	v30 =	vmul.f32 s11, v44;
	v25 =	vmul.f32 s13, v25;
	v57 =	vld [tilespmem:s6+$0x60]  }
0x2f4: {  	v44 =	vadd.f32 v26, v24;
	v24 =	vld [tilespmem:s21+$0xFFFFFF70]  }
0x2f5: {  	v30 =	vadd.f32 v30, v5;
	v5 =	vld [tilespmem:s21+$0x60];
	v53 =	vadd.f32 v25, v53;
	v25 =	vmul.f32 v32, v20  }
0x2f6: {  	v61 =	vmul.f32 s14, v61;
	v32 =	vld [tilespmem:s6+$0xFFFFFFF0]  }
0x2f7: {  	v43 =	vld [tilespmem:s21+$0x70];
	v37 =	vmul.f32 s11, v45;
	v0 =	vadd.f32 v25, v0;
	v25 =	vmul.f32 v35, v56  }
0x2f8: {  	v45 =	vadd.f32 v61, v31;
	v34 =	vld [tilespmem:s6+$0x70];
	[tilespmem:$0x1FC50] =	vst v38;
	v35 =	vmul.f32 v38, v38;
	v26 =	vmul.f32 s13, v40  }
0x2f9: {  	[tilespmem:$0x1FC60] =	vst v30;
	v38 =	vmul.f32 v30, v30;
	v30 =	vadd.f32 v37, v27;
	v24 =	vmul.f32 v24, v51  }
0x2fa: {  	v31 =	vmul.f32 s14, v60;
	v2 =	vadd.f32 v25, v2;
	v60 =	vadd.f32 v26, v28;
	v26 =	vld [tilespmem:$0x1FDF0]  }
0x2fb: {  	v5 =	vmul.f32 v5, v57;
	v0 =	vadd.f32 v24, v0;
	v24 =	vmul.f32 v36, v32  }
0x2fc: {  	[tilespmem:$0x1FCE0] =	vst v30;
	v36 =	vmul.f32 v30, v30;
	v30 =	vld [tilespmem:$0x1FEE0]  }
0x2fd: {  	v1 =	vadd.f32 v5, v1;
	v2 =	vadd.f32 v24, v2;
	v24 =	vmul.f32 v43, v34;
	_ =	sdelay $0x1  }
0x2fe: {  	v61, _, _ =	vpop (xrf2);
	v26 =	vmul.f32 s11, v26;
	(xrf2) =	vadd.scan.msk.f32 $0xffff, v0;
	v1 =	vadd.f32 v24, v1  }
0x2ff: {  	(v2sf) =	vpush v61, $0xF;
	(xrf2) =	vadd.scan.msk.f32 $0xffff, v2  }
0x300: {  	s25 =	smul.f32 $5.000000000e-01, s25;
	v35 =	vadd.f32 v38, v35;
	v61 =	vadd.f32 v26, v30;
	(xrf2) =	vadd.scan.msk.f32 $0xffff, v1;
	v1 =	vld [tilespmem:$0x1FF40]  }
0x301: {  	s23 =	sshrl.u32 s28, $0x1;
	s28 =	smul.f32 $5.000000000e-01, s28  }
0x302: {  	s12 =	smul.f32 $5.000000000e-01, s12;
	v35 =	vadd.f32 v35, v36;
	[tilespmem:$0x1FD10] =	vst v61;
	v36 =	vmul.f32 v61, v61;
	v61 =	vld [tilespmem:$0x1FFA0]  }
0x303: {  	s23 =	ssub.s32 $0x5F3759DF, s23;
	s1 =	smul.f32 s22, s25;
	v24 =	vmul.f32 s11, v63;
	v30 =	vld [tilespmem:$0x1FF00]  }
0x304: {  	s4 =	smul.f32 s23, s28  }
0x305: {  	s5 =	smul.f32 s24, s12;
	[tilespmem:$0x1FC30] =	vst v51;
	v51 =	vadd.f32 v24, v1;
	v1 =	vmul.f32 s11, v8;
	v8 =	vld [tilespmem:$0x1FF60]  }
0x306: {  	s0 =	smul.f32 s22, s1;
	v28 =	vmul.f32 s13, v62;
	v62 =	vadd.f32 v31, v29;
	v31 =	vld [tilespmem:$0x1F820]  }
0x307: {  	s1 =	smul.f32 s23, s4;
	[tilespmem:$0x1FCA0] =	vst v34;
	v25 =	vmul.f32 v53, v53;
	v40 =	vmul.f32 v55, v55;
	v34 =	vadd.f32 v1, v61;
	v1 =	vld [tilespmem:$0x1FFC0]  }
0x308: {  	s4 =	smul.f32 s24, s5;
	s0 =	ssub.f32 $1.500000000e+00, s0;
	v2 =	vmul.f32 s13, v41;
	v63 =	vadd.f32 v28, v30;
	v30 =	vld [tilespmem:$0x1FF20]  }
0x309: {  	s7 =	ssub.f32 $1.500000000e+00, s1;
	v25 =	vadd.f32 v25, v40;
	v26 =	vmul.f32 v60, v60  }
0x30a: {  	s8 =	smul.f32 s22, s0;
	s22 =	ssub.f32 $1.500000000e+00, s4;
	[tilespmem:$0x1FCF0] =	vst v60;
	v60 =	vadd.f32 v2, v8;
	v2 =	vmul.f32 s13, v7;
	v7 =	vld [tilespmem:$0x1FF80]  }
0x30b: {  	v4 =	vmul.f32 s14, v4;
	s30 =	smul.f32 s23, s7;
	v31 =	vmul.f32 s14, v31;
	v25 =	vadd.f32 v25, v26  }
0x30c: {  	s0 =	smul.f32 s24, s22;
	v37 =	vmul.f32 v45, v45;
	v27 =	vmul.f32 v44, v44;
	v1 =	vadd.f32 v2, v1;
	v2 =	vld [tilespmem:$0x1FFD0]  }
0x30d: {  	s7 =	smul.f32 s8, s25;
	[tilespmem:$0x1FC70] =	vst v44;
	v40 =	vmul.f32 v63, v63;
	v30 =	vadd.f32 v31, v30;
	v31 =	vmul.f32 s14, v42  }
0x30e: {  	s5 =	smul.f32 s30, s28;
	v44 =	vld [tilespmem:s15+$0xFFFFFF00];
	[tilespmem:$0x1FD00] =	vst v62;
	v62 =	vmul.f32 v62, v62;
	v0 =	vadd.f32 v37, v27;
	v24 =	vadd.f32 v35, v36  }
0x30f: {  	s12 =	smul.f32 s0, s12;
	[tilespmem:$0x1FD20] =	vst v63;
	v35 =	vadd.f32 v25, v40;
	v25, _, _ =	vpop (xrf2);
	v63 =	vadd.f32 v31, v7;
	v31 =	vmul.f32 v51, v51  }
0x310: {  	s4 =	smul.f32 s7, s8;
	v38 =	vld [tilespmem:s15+$0xFFFFFF20];
	v0 =	vadd.f32 v0, v62;
	v25 =	vbroadcast v25, $0xF  }
0x311: {  	s7 =	smul.f32 s12, s0;
	v37 =	vmul.f32 v30, v30;
	v2 =	vadd.f32 v4, v2;
	v4 =	vadd.f32 v24, v31;
	v31 =	vld [tilespmem:$0x1FFF0]  }
0x312: {  	[tilespmem:$0x1FC80] =	vst v45;
	s5 =	smul.f32 s5, s30;
	v45 =	vld [tilespmem:s15+$0xFFFFFF90];
	v61 =	vmul.f32 s13, v10  }
0x313: {  	s22 =	ssub.f32 $1.500000000e+00, s7;
	v5 =	vld [tilespmem:s15+$0xFFFFFF10];
	v10 =	vmul.f32 v25, v44;
	v0 =	vadd.f32 v0, v37;
	v37 =	vmul.f32 v63, v63  }
0x314: {  	s5 =	ssub.f32 $1.500000000e+00, s5;
	v29 =	vld [tilespmem:s15+$0xFFFFFF80];
	s25 =	spop (v2sf);
	[tilespmem:$0x1FD50] =	vst v60;
	v36 =	vmul.f32 v60, v60;
	v60 =	vmul.f32 s11, v13  }
0x315: {  	s22 =	smul.f32 s22, s0;
	s0 =	smax.f32 s25, $1.000000020e-24;
	v26 =	vld [tilespmem:s15+$0xFFFFFF30];
	v37 =	vadd.f32 v0, v37  }
0x316: {  	s28 =	sshrl.u32 s0, $0x1;
	s0 =	smul.f32 $5.000000000e-01, s0;
	v0 =	vmul.f32 v25, v38;
	v38 =	vadd.f32 v60, v31;
	v31 =	vadd.f32 v10, v11;
	v10 =	vld [tilespmem:$0x1F830]  }
0x317: {  	s4 =	ssub.f32 $1.500000000e+00, s4;
	s23 =	smul.f32 s5, s30;
	v43 =	vld [tilespmem:s15+$0x0];
	s1 =	ssub.s32 $0x5F3759DF, s28  }
0x318: {  	s30 =	smul.f32 s1, s0;
	v28 =	vld [tilespmem:s15+$0xFFFFFFA0];
	v24 =	vmul.f32 s14, v6;
	v6, _, _ =	vpop (xrf2)  }
0x319: {  	s24 =	smul.f32 s4, s8;
	v27 =	vld [tilespmem:s15+$0x10];
	v5 =	vmul.f32 v25, v5;
	v6 =	vbroadcast v6, $0xF  }
0x31a: {  	v41 =	vld [tilespmem:s15+$0x20];
	s4 =	smul.f32 s1, s30;
	v40 =	vadd.f32 v0, v50  }
0x31b: {  	v62 =	vld [tilespmem:$0x1F840];
	v0 =	vmul.f32 v6, v29;
	v11, _, _ =	vpop (xrf2);
	v44 =	vadd.f32 v5, v10;
	v5 =	vmul.f32 v25, v26  }
0x31c: {  	s4 =	ssub.f32 $1.500000000e+00, s4;
	v42 =	vld [tilespmem:s15+$0xFFFFFFB0];
	v29 =	vmul.f32 v6, v45;
	v11 =	vbroadcast v11, $0xF  }
0x31d: {  	v8 =	vld [tilespmem:s15+$0x30];
	v45 =	vadd.f32 v5, v59;
	v5 =	vmul.f32 v6, v28;
	v28 =	vmul.f32 v31, v31  }
0x31e: {  	s1 =	smul.f32 s1, s4;
	[tilespmem:$0x1FDA0] =	vst v31;
	v31 =	vadd.f32 v0, v46;
	v46 =	vadd.f32 v29, v47;
	v0 =	vmul.f32 v11, v43;
	v47 =	vld [tilespmem:s9+$0x70]  }
0x31f: {  	[tilespmem:$0x1FC40] =	vst v32;
	v32 =	vadd.f32 v35, v36;
	v35 =	vadd.f32 v5, v49;
	v5 =	vmul.f32 v11, v27;
	v49 =	vld [tilespmem:s9+$0x60]  }
0x320: {  	s0 =	smul.f32 s1, s0;
	v29 =	vmul.f32 v11, v41;
	v43 =	vadd.f32 v61, v62;
	v41 =	vadd.f32 v0, v39;
	v39 =	vld [tilespmem:s9+$0xFFFFFF70]  }
0x321: {  	v0 =	vmul.f32 v6, v42;
	[tilespmem:$0x1FDC0] =	vst v46;
	v61 =	vadd.f32 v5, v9;
	v5 =	vmul.f32 v46, v46;
	v46 =	vld [tilespmem:s9+$0xFFFFFFF0];
	s9 =	sadd.s32 $0x200, s9  }
0x322: {  	s0 =	smul.f32 s0, s1;
	[tilespmem:$0x1FDE0] =	vst v40;
	v27 =	vmul.f32 v44, v44;
	v60 =	vadd.f32 v29, v12;
	v29 =	vld [tilespmem:s9+$0x80]  }
0x323: {  	v8 =	vmul.f32 v11, v8;
	[tilespmem:$0x1FDB0] =	vst v31;
	v31 =	vmul.f32 v31, v31;
	v62 =	vadd.f32 v0, v17;
	v0 =	vld [tilespmem:s9+$0xFFFFFF10]  }
0x324: {  	s0 =	ssub.f32 $1.500000000e+00, s0;
	v9 =	vadd.f32 v27, v28;
	[tilespmem:$0x1FDD0] =	vst v41;
	v12 =	vmul.f32 v41, v41;
	v28 =	vmul.f32 v40, v40;
	v41 =	vld [tilespmem:s9+$0x90]  }
0x325: {  	v40 =	vmovc v35;
	v5 =	vadd.f32 v5, v31;
	v31 =	vmul.f32 v35, v35;
	v35 =	vadd.f32 v8, v3;
	v3 =	vld [tilespmem:s9+$0xFFFFFF80]  }
0x326: {  	s0 =	smul.f32 s0, s1  }
0x327: {  	[tilespmem:$0x1FD40] =	vst v51;
	v7 =	vld [tilespmem:s15+$0xFFFFFF40]  }
0x328: {  	v51 =	vld [tilespmem:s15+$0xFFFFFFC0];
	v14 =	vmul.f32 s0, v14;
	[tilespmem:$0x1FE20] =	vst v0;
	v0 =	vmul.f32 s0, v48  }
0x329: {  	[tilespmem:$0x1FD70] =	vst v63;
	v63 =	vld [tilespmem:s15+$0x40]  }
0x32a: {  	v27 =	vmul.f32 v61, v61;
	[tilespmem:$0x1FE40] =	vst v3;
	v3 =	vadd.f32 v0, v29;
	v0 =	vadd.f32 v14, v41;
	v14 =	vld [tilespmem:$0x1F850]  }
0x32b: {  	[tilespmem:$0x1FD30] =	vst v1;
	v1 =	vld [tilespmem:s15+$0xFFFFFF50]  }
0x32c: {  	v8 =	vadd.f32 v9, v28;
	v28 =	vld [tilespmem:s9+$0xA0];
	v12 =	vadd.f32 v27, v12;
	v27 =	vmul.f32 v60, v60  }
0x32d: {  	v7 =	vmul.f32 v25, v7;
	v42 =	vld [tilespmem:s9+$0xFFFFFF00];
	v9 =	vmul.f32 v6, v51  }
0x32e: {  	v17 =	vmul.f32 v11, v63;
	v12 =	vadd.f32 v12, v27;
	v27 =	vld [tilespmem:s9+$0xB0]  }
0x32f: {  	v63 =	vadd.f32 v7, v21;
	v41 =	vadd.f32 v9, v22;
	v22 =	vld [tilespmem:s9+$0x0];
	v14 =	vmul.f32 s0, v14  }
0x330: {  	[tilespmem:$0x1FD60] =	vst v2;
	v21 =	vmul.f32 s0, v52;
	v5 =	vadd.f32 v5, v31;
	v31 =	vmul.f32 v45, v45;
	v29 =	vld [tilespmem:s9+$0xC0]  }
0x331: {  	v2 =	vld [tilespmem:s15+$0xFFFFFFD0];
	[tilespmem:$0x1FDF0] =	vst v45;
	v45 =	vadd.f32 v14, v28;
	v14 =	vmul.f32 v3, v3;
	v28 =	vmul.f32 v0, v0  }
0x332: {  	[tilespmem:$0x1FE10] =	vst v42;
	v48 =	vmul.f32 v62, v62;
	v42 =	vadd.f32 v17, v58;
	v17 =	vld [tilespmem:s9+$0xD0];
	v9 =	vmul.f32 s0, v54  }
0x333: {  	v51 =	vadd.f32 v21, v27;
	v14 =	vadd.f32 v28, v14;
	v21 =	vmul.f32 v45, v45  }
0x334: {  	v13 =	vld [tilespmem:s15+$0xFFFFFF60];
	v58 =	vadd.f32 v8, v31;
	v8 =	vmul.f32 s0, v15;
	[tilespmem:$0x1FE80] =	vst v22;
	v22 =	vmul.f32 v1, v25  }
0x335: {  	v36 =	vld [tilespmem:s15+$0xFFFFFFE0];
	v1 =	vadd.f32 v9, v29;
	v9 =	vadd.f32 v14, v21;
	v14 =	vmul.f32 v51, v51  }
0x336: {  	v15 =	vld [tilespmem:s9+$0xE0];
	v48 =	vadd.f32 v5, v48;
	v5 =	vmul.f32 s0, v16;
	v21 =	vmul.f32 v2, v6  }
0x337: {  	v16 =	vld [tilespmem:s9+$0xF0];
	v2 =	vadd.f32 v8, v17;
	v8 =	vadd.f32 v9, v14;
	v9 =	vmul.f32 v1, v1  }
0x338: {  	[tilespmem:$0x1FD80] =	vst v4;
	v4 =	vld [tilespmem:s15+$0x50];
	v7 =	vmul.f32 v35, v35  }
0x339: {  	v9 =	vadd.f32 v8, v9;
	v8 =	vadd.f32 v22, v19;
	v19 =	vld [tilespmem:s9+$0xFFFFFFB0]  }
0x33a: {  	v50 =	vld [tilespmem:s15+$0xFFFFFFF0];
	v12 =	vadd.f32 v12, v7;
	v7 =	vmul.f32 s0, v33  }
0x33b: {  	v26 =	vld [tilespmem:s15+$0x60];
	v5 =	vadd.f32 v5, v15;
	v14 =	vmul.f32 v2, v2  }
0x33c: {  	v59 =	vld [tilespmem:s15+$0x70];
	v33 =	vadd.f32 v7, v16  }
0x33d: {  	v7 =	vadd.f32 v21, v18;
	v18 =	vld [tilespmem:s9+$0x30];
	v9 =	vadd.f32 v9, v14;
	v14 =	vmul.f32 v5, v5  }
0x33e: {  	[tilespmem:$0x1FF00] =	vst v19;
	v19 =	vld [tilespmem:s9+$0xFFFFFFC0]  }
0x33f: {  	v10 =	vld [tilespmem:s15+$0xFFFFFF70];
	v9 =	vadd.f32 v9, v14;
	v14 =	vmul.f32 v33, v33  }
0x340: {  	v22 =	vld [tilespmem:s9+$0x40]  }
0x341: {  	v17 =	vld [tilespmem:s9+$0xFFFFFF30];
	v9 =	vadd.f32 v9, v14  }
0x342: {  	v4 =	vmul.f32 v4, v11;
	v16 =	vmul.f32 v42, v42;
	[tilespmem:$0x1FF20] =	vst v18;
	v18 =	vld [tilespmem:s9+$0xFFFFFF40]  }
0x343: {  	(xrf2) =	vadd.scan.msk.f32 $0xffff, v9;
	v9 =	vmul.f32 v59, v11;
	[tilespmem:$0x1FF60] =	vst v19;
	v19 =	vmul.f32 v26, v11;
	v11 =	vld [tilespmem:s9+$0x50]  }
0x344: {  	v52 =	vld [tilespmem:s9+$0xFFFFFF90]  }
0x345: {  	[tilespmem:$0x1FF80] =	vst v22;
	v22 =	vadd.f32 v12, v16;
	v16 =	vld [tilespmem:s9+$0xFFFFFFD0]  }
0x346: {  	v13 =	vmul.f32 v13, v25;
	v4 =	vadd.f32 v4, v23;
	[tilespmem:$0x1FEE0] =	vst v17;
	v14 =	vld [tilespmem:s9+$0xFFFFFF50]  }
0x347: {  	s3 =	sadd.s32 $0x4, s3;
	v15 =	vmul.f32 v63, v63;
	v17 =	vmul.f32 v41, v41;
	[tilespmem:$0x1FF40] =	vst v18  }
0x348: {  	p0 =	slt.u32 s3, $0x3C;
	v13 =	vadd.f32 v13, v20;
	v23 =	vmul.f32 v4, v4;
	v18 =	vmul.f32 v36, v6;
	[tilespmem:$0x1FFD0] =	vst v11;
	v11 =	vld [tilespmem:s9+$0xFFFFFF60]  }
.Ltmp1:
0x349: {  	[tilespmem:$0x1FE60] =	vst v52;
	v31 =	vld [tilespmem:s9+$0x10];
	v15 =	vadd.f32 v58, v15;
	v21 =	vmul.f32 v8, v8;
	v17 =	vadd.f32 v48, v17;
	(pc) =	sbr.rel @p0 .LBB2_5-.Ltmp1, $4  }
0x34a: {  	v27 =	vld [tilespmem:s9+$0xFFFFFF20];
	v12 =	vmul.f32 v10, v25;
	v36 =	vmov v32;
	v10 =	vadd.f32 v18, v56;
	[tilespmem:$0x1FFC0] =	vst v16  }
0x34b: {  	v29 =	vld [tilespmem:s9+$0x20];
	v16 =	vmul.f32 v50, v6;
	[tilespmem:$0x1FFA0] =	vst v14;
	v14 =	vmul.f32 v7, v7;
	v6 =	vadd.f32 v19, v57  }
0x34c: {  	v58 =	vld [tilespmem:s9+$0xFFFFFFE0];
	v59 =	vmovc v30;
	v18 =	vadd.f32 v15, v21;
	v15 =	vadd.f32 v22, v23;
	v19 =	vmul.f32 v13, v13  }
0x34d: {  	s6 =	sadd.s32 $0x200, s6;
	v28 =	vld [tilespmem:s9+$0xFFFFFFA0];
	v20 =	vmul.f32 v10, v10;
	v21 =	vmul.f32 v6, v6;
	[tilespmem:$0x1FFF0] =	vst v11;
	v11 =	vadd.f32 v17, v14  }
0x34e: {  	v14 =	vld [tilespmem:$0x1FC30];
	_ =	sdelay $0x4  }
0x34f: {  	v50 =	vadd.f32 v12, v14;
	v12 =	vld [tilespmem:$0x1FC40];
	_ =	sdelay $0x4  }
0x350: {  	v14 =	vmul.f32 v50, v50;
	v48 =	vadd.f32 v16, v12;
	v12 =	vadd.f32 v18, v19;
	_ =	sdelay $0x1  }
0x351: {  	v16 =	vld [tilespmem:$0x1FCA0];
	v12 =	vadd.f32 v12, v14;
	_ =	sdelay $0x1  }
0x352: {  	(xrf2) =	vadd.scan.msk.f32 $0xffff, v12;
	_ =	sdelay $0x2  }
0x353: {  	v54 =	vadd.f32 v9, v16;
	v9 =	vadd.f32 v11, v20;
	v11 =	vmul.f32 v48, v48;
	_ =	sdelay $0x1  }
0x354: {  	v9 =	vadd.f32 v9, v11;
	_ =	sdelay $0x1  }
0x355: {  	(xrf2) =	vadd.scan.msk.f32 $0xffff, v9;
	_ =	sdelay $0x1  }
0x356: {  	v14 =	vadd.f32 v15, v21;
	v11 =	vmul.f32 v54, v54;
	v9, _, _ =	vpop (xrf2)  }
0x357: {  	(v2sf) =	vpush v9, $0xF;
	v9, _, _ =	vpop (xrf2)  }
0x358: {  	v11 =	vadd.f32 v14, v11;
	v14 =	vld [tilespmem:$0x1FD80];
	(v2sf) =	vpush v9, $0xF;
	_ =	sdelay $0x1  }
0x359: {  	(xrf2) =	vadd.scan.msk.f32 $0xffff, v11  }
0x35a: {  	v52 =	vld [tilespmem:$0x1FD30];
	v11 =	vmul.f32 v34, v34  }
0x35b: {  	v16 =	vld [tilespmem:$0x1FAB0]  }
0x35c: {  	v14 =	vadd.f32 v14, v11;
	v11 =	vld [tilespmem:$0x1FAA0]  }
0x35d: {  	v9, _, _ =	vpop (xrf2)  }
0x35e: {  	(v2sf) =	vpush v9, $0xF;
	_ =	sdelay $0x1  }
0x35f: {  	v12 =	vmul.f32 v52, v52  }
0x360: {  	v16 =	vmul.f32 s13, v16;
	v11 =	vmul.f32 s11, v11  }
0x361: {  	v12 =	vadd.f32 v36, v12  }
0x362: {  	v17 =	vld [tilespmem:$0x1FAC0];
	v18 =	vmul.f32 v38, v38;
	v19 =	vadd.f32 v16, v46;
	v9, _, _ =	vpop (xrf2);
	v30 =	vadd.f32 v11, v39  }
0x363: {  	v16 =	vmul.f32 v43, v43;
	(v2sf) =	vpush v9, $0xF;
	v9 =	vadd.f32 v24, v49;
	v49 =	vld [tilespmem:$0x1FD60]  }
0x364: {  	v14 =	vadd.f32 v14, v18;
	v18 =	vmul.f32 v30, v30;
	s6 =	spop (v2sf)  }
0x365: {  	v12 =	vadd.f32 v12, v16;
	v16 =	vmul.f32 v19, v19;
	s0 =	spop (v2sf)  }
0x366: {  	v14 =	vadd.f32 v14, v18;
	s0 =	smax.f32 s0, $1.000000020e-24  }
0x367: {  	v12 =	vadd.f32 v12, v16;
	s3 =	sshrl.u32 s0, $0x1;
	s0 =	smul.f32 $5.000000000e-01, s0  }
0x368: {  	v17 =	vmul.f32 s14, v17;
	v15 =	vmul.f32 v49, v49;
	(xrf2) =	vadd.scan.msk.f32 $0xffff, v14;
	s3 =	ssub.s32 $0x5F3759DF, s3  }
0x369: {  	(xrf2) =	vadd.scan.msk.f32 $0xffff, v12;
	s7 =	smul.f32 s3, s0  }
0x36a: {  	v11 =	vadd.f32 v17, v47;
	v17 =	vmul.f32 v9, v9;
	v15 =	vadd.f32 v37, v15  }
0x36b: {  	s7 =	smul.f32 s3, s7  }
0x36c: {  	v15 =	vadd.f32 v15, v17;
	v17 =	vmul.f32 v11, v11;
	s1 =	spop (v2sf)  }
0x36d: {  	s1 =	smax.f32 s1, $1.000000020e-24;
	s7 =	ssub.f32 $1.500000000e+00, s7  }
0x36e: {  	v15 =	vadd.f32 v15, v17;
	s4 =	smul.f32 $5.000000000e-01, s1;
	s1 =	sshrl.u32 s1, $0x1  }
0x36f: {  	s1 =	ssub.s32 $0x5F3759DF, s1;
	s3 =	smul.f32 s3, s7  }
0x370: {  	(xrf2) =	vadd.scan.msk.f32 $0xffff, v15;
	s14 =	smul.f32 s1, s4  }
0x371: {  	s0 =	smul.f32 s3, s0  }
0x372: {  	v12, _, _ =	vpop (xrf2);
	s11 =	smul.f32 s1, s14  }
0x373: {  	(v2sf) =	vpush v12, $0xF;
	v12, _, _ =	vpop (xrf2);
	s0 =	smul.f32 s0, s3  }
0x374: {  	(v2sf) =	vpush v12, $0xF;
	v12 =	vld [tilespmem:$0x1FDA0];
	s11 =	ssub.f32 $1.500000000e+00, s11  }
0x375: {  	s0 =	ssub.f32 $1.500000000e+00, s0  }
0x376: {  	v15 =	vld [tilespmem:$0x1FE10];
	s1 =	smul.f32 s1, s11  }
0x377: {  	s21 =	smul.f32 s0, s3  }
0x378: {  	v16 =	vld [tilespmem:$0x1FE20];
	s4 =	smul.f32 s1, s4  }
0x379: {  	v12 =	vmul.f32 s21, v12  }
0x37a: {  	v14, _, _ =	vpop (xrf2);
	s4 =	smul.f32 s4, s1  }
0x37b: {  	s5 =	spop (v2sf);
	(v2sf) =	vpush v14, $0xF;
	v14 =	vmul.f32 s21, v44;
	v22 =	vadd.f32 v12, v15;
	v12 =	vld [tilespmem:$0x1FDB0]  }
0x37c: {  	s5 =	smax.f32 s5, $1.000000020e-24;
	s4 =	ssub.f32 $1.500000000e+00, s4  }
0x37d: {  	s8 =	sshrl.u32 s5, $0x1;
	s5 =	smul.f32 $5.000000000e-01, s5;
	v23 =	vadd.f32 v14, v16;
	v16 =	vld [tilespmem:$0x1FE40]  }
0x37e: {  	s8 =	ssub.s32 $0x5F3759DF, s8;
	s11 =	smul.f32 s4, s1  }
0x37f: {  	s12 =	smul.f32 s8, s5  }
0x380: {  	v15 =	vld [tilespmem:$0x1FDC0];
	v12 =	vmul.f32 s11, v12  }
0x381: {  	s12 =	smul.f32 s8, s12  }
0x382: {  	v17 =	vadd.f32 v12, v16;
	v12 =	vld [tilespmem:$0x1FE60]  }
0x383: {  	s15 =	ssub.f32 $1.500000000e+00, s12;
	_ =	sdelay $0x1  }
0x384: {  	s7 =	smul.f32 s8, s15;
	v15 =	vmul.f32 s11, v15;
	_ =	sdelay $0x1  }
0x385: {  	s5 =	smul.f32 s7, s5;
	v16 =	vadd.f32 v15, v12;
	v12 =	vld [tilespmem:$0x1FDE0];
	_ =	sdelay $0x1  }
0x386: {  	s5 =	smul.f32 s5, s7  }
0x387: {  	v14 =	vld [tilespmem:$0x1FDD0]  }
0x388: {  	s25 =	ssub.f32 $1.500000000e+00, s5  }
0x389: {  	v15 =	vmul.f32 s21, v12;
	v12 =	vld [tilespmem:$0x1FE80]  }
0x38a: {  	v20 =	vld [tilespmem:$0x1FDF0];
	s28 =	smul.f32 s25, s7;
	_ =	sdelay $0x1  }
0x38b: {  	v14 =	vmul.f32 s28, v14;
	v18 =	vmul.f32 s28, v61;
	_ =	sdelay $0x1  }
0x38c: {  	v14 =	vadd.f32 v14, v12;
	v12 =	vadd.f32 v18, v31;
	v18 =	vmul.f32 s11, v40  }
0x38d: {  	v21 =	vmul.f32 s21, v20  }
0x38e: {  	v24 =	vmul.f32 v23, v23;
	v20 =	vadd.f32 v18, v28;
	v18 =	vmul.f32 v22, v22;
	_ =	sdelay $0x1  }
0x38f: {  	v28 =	vmul.f32 v12, v12;
	v24 =	vadd.f32 v24, v18;
	v18 =	vmul.f32 v14, v14;
	_ =	sdelay $0x1  }
0x390: {  	v28 =	vadd.f32 v28, v18;
	v18 =	vld [tilespmem:$0x1FEE0];
	_ =	sdelay $0x1  }
0x391: {  	v26 =	vadd.f32 v15, v27;
	v15 =	vmul.f32 s28, v60  }
0x392: {  	v25 =	vmul.f32 v17, v17;
	v27 =	vmul.f32 v16, v16  }
0x393: {  	v15 =	vadd.f32 v15, v29  }
0x394: {  	v29 =	vadd.f32 v27, v25;
	v27 =	vadd.f32 v21, v18;
	v21 =	vmul.f32 v26, v26;
	v18 =	vld [tilespmem:$0x1FF00];
	_ =	sdelay $0x1  }
0x395: {  	v25 =	vmul.f32 s11, v62;
	v62 =	vadd.f32 v24, v21;
	v24 =	vmul.f32 v15, v15;
	_ =	sdelay $0x1  }
0x396: {  	v36 =	vadd.f32 v28, v24;
	v24 =	vld [tilespmem:$0x1FF40]  }
0x397: {  	v25 =	vadd.f32 v25, v18;
	v18 =	vld [tilespmem:$0x1FF20];
	_ =	sdelay $0x1  }
0x398: {  	v21 =	vmul.f32 s21, v63  }
0x399: {  	v31 =	vmul.f32 s28, v35;
	v40 =	vmul.f32 s28, v42;
	v42 =	vld [tilespmem:$0x1F910]  }
0x39a: {  	v28 =	vadd.f32 v21, v24;
	v21 =	vld [tilespmem:$0x1FF60]  }
0x39b: {  	v18 =	vadd.f32 v31, v18;
	v31 =	vmul.f32 v20, v20;
	_ =	sdelay $0x1  }
0x39c: {  	v32 =	vld [tilespmem:$0x1FFA0];
	v29 =	vadd.f32 v29, v31;
	v31 =	vmul.f32 s11, v41  }
0x39d: {  	v57 =	vmov v34;
	v46 =	vld [tilespmem:$0x1F920];
	v34 =	vmul.f32 s24, v42;
	v44 =	vmul.f32 v25, v25  }
0x39e: {  	v24 =	vadd.f32 v31, v21;
	v21 =	vld [tilespmem:$0x1FF80]  }
0x39f: {  	v35 =	vadd.f32 v29, v44;
	v29 =	vld [tilespmem:$0x1F980];
	[tilespmem:s10+$0xFFFFFF00] =	vst v34  }
0x3a0: {  	v34 =	vld [tilespmem:$0x1F9B0];
	_ =	sdelay $0x1  }
0x3a1: {  	v37 =	vmul.f32 s24, v46;
	_ =	sdelay $0x1  }
0x3a2: {  	v41 =	vmul.f32 v27, v27;
	[tilespmem:s10+$0xFFFFFF10] =	vst v37;
	v29 =	vmul.f32 s24, v29  }
0x3a3: {  	v37 =	vld [tilespmem:$0x1F9F0];
	v34 =	vmul.f32 s24, v34  }
0x3a4: {  	v31 =	vadd.f32 v62, v41;
	v62 =	vld [tilespmem:$0x1FFF0];
	[tilespmem:s10+$0xFFFFFF20] =	vst v29  }
0x3a5: {  	v29 =	vld [tilespmem:$0x1FAD0];
	[tilespmem:s10+$0xFFFFFF30] =	vst v34  }
0x3a6: {  	v34 =	vld [tilespmem:$0x1FB30];
	_ =	sdelay $0x1  }
0x3a7: {  	v37 =	vmul.f32 s24, v37  }
0x3a8: {  	v47 =	vmul.f32 v28, v28  }
0x3a9: {  	[tilespmem:s10+$0xFFFFFF40] =	vst v37;
	v44 =	vmul.f32 s24, v29  }
0x3aa: {  	v8 =	vmul.f32 s21, v8;
	v31 =	vadd.f32 v31, v47;
	v47 =	vld [tilespmem:$0x1FFC0];
	v34 =	vmul.f32 s24, v34  }
0x3ab: {  	v37 =	vld [tilespmem:$0x1FB60];
	[tilespmem:s10+$0xFFFFFF50] =	vst v44  }
0x3ac: {  	v8 =	vadd.f32 v8, v32;
	v60 =	vld [tilespmem:s9+$0xFFFFFF70];
	[tilespmem:s10+$0xFFFFFF60] =	vst v34  }
0x3ad: {  	v13 =	vmul.f32 s21, v13;
	v21 =	vadd.f32 v40, v21;
	v40 =	vld [tilespmem:$0x1F930]  }
0x3ae: {  	v61 =	vmul.f32 v8, v8  }
0x3af: {  	v63 =	vmul.f32 s21, v50;
	v13 =	vadd.f32 v13, v62  }
0x3b0: {  	v50 =	vmul.f32 v18, v18;
	v31 =	vadd.f32 v31, v61  }
0x3b1: {  	v46 =	vmul.f32 v13, v13;
	v29 =	vadd.f32 v63, v60;
	v37 =	vmul.f32 s24, v37  }
0x3b2: {  	v63 =	vadd.f32 v36, v50;
	v36 =	vmul.f32 s23, v40  }
0x3b3: {  	v31 =	vadd.f32 v31, v46;
	v62 =	vmul.f32 v29, v29;
	[tilespmem:s10+$0xFFFFFF70] =	vst v37  }
0x3b4: {  	[tilespmem:s10+$0xFFFFFF80] =	vst v36  }
0x3b5: {  	v31 =	vadd.f32 v31, v62;
	v36 =	vld [tilespmem:$0x1F940];
	_ =	sdelay $0x1  }
0x3b6: {  	(xrf2) =	vadd.scan.msk.f32 $0xffff, v31;
	v31 =	vld [tilespmem:$0x1F990];
	_ =	sdelay $0x2  }
0x3b7: {  	v36 =	vmul.f32 s23, v36;
	_ =	sdelay $0x1  }
0x3b8: {  	v46 =	vmul.f32 s23, v31;
	[tilespmem:s10+$0xFFFFFF90] =	vst v36  }
0x3b9: {  	v36 =	vld [tilespmem:$0x1F9C0]  }
0x3ba: {  	[tilespmem:s10+$0xFFFFFFA0] =	vst v46  }
0x3bb: {  	v37 =	vld [tilespmem:$0x1FA00];
	_ =	sdelay $0x2  }
0x3bc: {  	v36 =	vmul.f32 s23, v36;
	_ =	sdelay $0x1  }
0x3bd: {  	v50 =	vld [tilespmem:$0x1FFD0];
	v37 =	vmul.f32 s23, v37;
	[tilespmem:s10+$0xFFFFFFB0] =	vst v36  }
0x3be: {  	v36 =	vld [tilespmem:$0x1FAE0]  }
0x3bf: {  	[tilespmem:s10+$0xFFFFFFC0] =	vst v37  }
0x3c0: {  	v37 =	vld [tilespmem:$0x1FB40];
	_ =	sdelay $0x2  }
0x3c1: {  	v36 =	vmul.f32 s23, v36;
	_ =	sdelay $0x1  }
0x3c2: {  	v37 =	vmul.f32 s23, v37;
	[tilespmem:s10+$0xFFFFFFD0] =	vst v36  }
0x3c3: {  	v36 =	vld [tilespmem:$0x1FB70]  }
0x3c4: {  	v7 =	vmul.f32 s11, v7;
	v61 =	vld [tilespmem:s9+$0xFFFFFFF0];
	[tilespmem:s10+$0xFFFFFFE0] =	vst v37  }
0x3c5: {  	v10 =	vmul.f32 s11, v10;
	v37 =	vld [tilespmem:$0x1F950]  }
0x3c6: {  	v60 =	vmul.f32 v24, v24;
	v7 =	vadd.f32 v7, v47  }
0x3c7: {  	v10 =	vadd.f32 v10, v58;
	v44 =	vmul.f32 s11, v48  }
0x3c8: {  	s5 =	smax.f32 s6, $1.000000020e-24;
	v35 =	vadd.f32 v35, v60;
	v42 =	vmul.f32 v7, v7;
	v36 =	vmul.f32 s23, v36  }
0x3c9: {  	s6 =	sshrl.u32 s5, $0x1;
	s0 =	smul.f32 $5.000000000e-01, s5;
	v48 =	vmul.f32 v10, v10  }
0x3ca: {  	s1 =	ssub.s32 $0x5F3759DF, s6;
	v35 =	vadd.f32 v35, v42;
	v31 =	vadd.f32 v44, v61;
	v37 =	vmul.f32 s22, v37;
	[tilespmem:s10+$0xFFFFFFF0] =	vst v36  }
0x3cb: {  	v56 =	vmov v38;
	s7 =	smul.f32 s1, s0;
	v38 =	vld [tilespmem:$0x1F960]  }
0x3cc: {  	v35 =	vadd.f32 v35, v48;
	v61 =	vmul.f32 v31, v31;
	[tilespmem:s10+$0x0] =	vst v37  }
0x3cd: {  	s4 =	smul.f32 s1, s7;
	v36 =	vld [tilespmem:$0x1F9A0]  }
0x3ce: {  	v35 =	vadd.f32 v35, v61  }
0x3cf: {  	s4 =	ssub.f32 $1.500000000e+00, s4  }
0x3d0: {  	(xrf2) =	vadd.scan.msk.f32 $0xffff, v35;
	v35 =	vmul.f32 s22, v38  }
0x3d1: {  	s1 =	smul.f32 s1, s4  }
0x3d2: {  	v36 =	vmul.f32 s22, v36;
	[tilespmem:s10+$0x10] =	vst v35  }
0x3d3: {  	s0 =	smul.f32 s1, s0;
	v35 =	vld [tilespmem:$0x1F9D0]  }
0x3d4: {  	v41 =	vld [tilespmem:$0x1FA10];
	[tilespmem:s10+$0x20] =	vst v36  }
0x3d5: {  	s0 =	smul.f32 s0, s1;
	v46 =	vld [tilespmem:$0x1FAF0]  }
0x3d6: {  	s8 =	spop (v2sf)  }
0x3d7: {  	s4 =	smax.f32 s8, $1.000000020e-24;
	s0 =	ssub.f32 $1.500000000e+00, s0;
	v47 =	vld [tilespmem:s9+$0x60]  }
0x3d8: {  	v4 =	vmul.f32 s28, v4;
	v60 =	vld [tilespmem:s9+$0x70];
	s9 =	sshrl.u32 s4, $0x1;
	s4 =	smul.f32 $5.000000000e-01, s4;
	s11 =	spop (v2sf);
	v35 =	vmul.f32 s22, v35  }
0x3d9: {  	v6 =	vmul.f32 s28, v6;
	s0 =	smul.f32 s0, s1;
	s5 =	ssub.s32 $0x5F3759DF, s9;
	s14 =	spop (v2sf);
	v38 =	vmul.f32 s22, v41  }
0x3da: {  	v58 =	vmul.f32 v21, v21;
	s12 =	smul.f32 s5, s4;
	s3 =	smax.f32 s14, $1.000000020e-24;
	v39 =	vmul.f32 s22, v46;
	[tilespmem:s10+$0x30] =	vst v35  }
0x3db: {  	v33 =	vmul.f32 s0, v33;
	v3 =	vmul.f32 s0, v3;
	v4 =	vadd.f32 v4, v50;
	s23 =	smul.f32 $5.000000000e-01, s3;
	s3 =	sshrl.u32 s3, $0x1;
	v35 =	vld [tilespmem:$0x1FB50];
	[tilespmem:s10+$0x40] =	vst v38  }
0x3dc: {  	v34 =	vadd.f32 v63, v58;
	v63 =	vmul.f32 s28, v54;
	v6 =	vadd.f32 v6, v47;
	s25 =	ssub.s32 $0x5F3759DF, s3;
	s3 =	sadd.s32 $0x200, s16;
	v47 =	vld [tilespmem:$0x1FB80];
	[tilespmem:s10+$0x50] =	vst v39  }
0x3dd: {  	v0 =	vmul.f32 s0, v0;
	s15 =	smul.f32 s5, s12;
	v62 =	vmul.f32 v4, v4;
	[tilespmem:s3+$0xF0] =	vst v33  }
0x3de: {  	v1 =	vmul.f32 s0, v1;
	v32 =	vadd.f32 v63, v60;
	[tilespmem:s3+$0x80] =	vst v3  }
0x3df: {  	s6 =	ssub.f32 $1.500000000e+00, s15;
	v40 =	vmul.f32 v6, v6;
	v34 =	vadd.f32 v34, v62;
	[tilespmem:s3+$0x90] =	vst v0;
	v0 =	vmul.f32 s0, v51  }
0x3e0: {  	v3 =	vmul.f32 s0, v45;
	[tilespmem:s3+$0xC0] =	vst v1  }
0x3e1: {  	v42 =	vmul.f32 v32, v32;
	s5 =	smul.f32 s5, s6;
	v34 =	vadd.f32 v34, v40;
	[tilespmem:s3+$0xB0] =	vst v0;
	v0 =	vmul.f32 s0, v2  }
0x3e2: {  	[tilespmem:s3+$0xA0] =	vst v3;
	v35 =	vmul.f32 s22, v35  }
0x3e3: {  	s4 =	smul.f32 s5, s4;
	v34 =	vadd.f32 v34, v42;
	[tilespmem:s3+$0xD0] =	vst v0;
	v36 =	vmul.f32 s22, v47  }
0x3e4: {  	v1 =	vmul.f32 s0, v5;
	[tilespmem:s10+$0x60] =	vst v35  }
0x3e5: {  	s13 =	smax.f32 s11, $1.000000020e-24;
	s4 =	smul.f32 s4, s5;
	(xrf2) =	vadd.scan.msk.f32 $0xffff, v34;
	[tilespmem:s10+$0x70] =	vst v36  }
0x3e6: {  	s21 =	sshrl.u32 s13, $0x1;
	s1 =	smul.f32 $5.000000000e-01, s13;
	v0 =	vld [tilespmem:$0x1FC50];
	[tilespmem:s3+$0xE0] =	vst v1  }
0x3e7: {  	s7 =	ssub.s32 $0x5F3759DF, s21;
	s4 =	ssub.f32 $1.500000000e+00, s4;
	v1 =	vld [tilespmem:$0x1FC60]  }
0x3e8: {  	s24 =	smul.f32 s7, s1  }
0x3e9: {  	s4 =	smul.f32 s4, s5;
	_ =	sdelay $0x1  }
0x3ea: {  	s9 =	smul.f32 s7, s24;
	v0 =	vmul.f32 s4, v0  }
0x3eb: {  	v1 =	vmul.f32 s4, v1  }
0x3ec: {  	s9 =	ssub.f32 $1.500000000e+00, s9;
	v44, _, _ =	vpop (xrf2);
	[tilespmem:s16+$0xFFFFFF00] =	vst v0  }
0x3ed: {  	(v2sf) =	vpush v44, $0xF;
	v48, _, _ =	vpop (xrf2);
	v0 =	vld [tilespmem:$0x1FCE0];
	[tilespmem:s16+$0xFFFFFF10] =	vst v1  }
0x3ee: {  	s7 =	smul.f32 s7, s9;
	(v2sf) =	vpush v48, $0xF;
	v2, _, _ =	vpop (xrf2);
	v1 =	vld [tilespmem:$0x1FD10]  }
0x3ef: {  	(v2sf) =	vpush v2, $0xF;
	v2 =	vld [tilespmem:$0x1FD40]  }
0x3f0: {  	s10 =	smul.f32 s7, s1;
	_ =	sdelay $0x1  }
0x3f1: {  	s0 =	smul.f32 s10, s7;
	v0 =	vmul.f32 s4, v0  }
0x3f2: {  	v1 =	vmul.f32 s4, v1  }
0x3f3: {  	s0 =	ssub.f32 $1.500000000e+00, s0;
	v2 =	vmul.f32 s4, v2;
	[tilespmem:s16+$0xFFFFFF20] =	vst v0  }
0x3f4: {  	v0 =	vmul.f32 s4, v57;
	[tilespmem:s16+$0xFFFFFF30] =	vst v1  }
0x3f5: {  	s0 =	smul.f32 s0, s7;
	v1 =	vmul.f32 s4, v56;
	[tilespmem:s16+$0xFFFFFF40] =	vst v2  }
0x3f6: {  	s28 =	smul.f32 s25, s23;
	v2 =	vmul.f32 s4, v30;
	[tilespmem:s16+$0xFFFFFF50] =	vst v0  }
0x3f7: {  	v0 =	vmul.f32 s0, v55;
	[tilespmem:s16+$0xFFFFFF60] =	vst v1  }
0x3f8: {  	s6 =	smul.f32 s25, s28;
	v1 =	vmul.f32 s0, v53;
	[tilespmem:s16+$0xFFFFFF70] =	vst v2  }
0x3f9: {  	v2 =	vld [tilespmem:$0x1FCF0];
	[tilespmem:s16+$0xFFFFFF80] =	vst v0  }
0x3fa: {  	s12 =	ssub.f32 $1.500000000e+00, s6;
	v0 =	vld [tilespmem:$0x1FD20];
	[tilespmem:s16+$0xFFFFFF90] =	vst v1  }
0x3fb: {  	s14 =	spop (v2sf);
	v1 =	vld [tilespmem:$0x1FD50]  }
0x3fc: {  	s6 =	smax.f32 s14, $1.000000020e-24;
	s1 =	smul.f32 s25, s12  }
0x3fd: {  	s15 =	sshrl.u32 s6, $0x1;
	s6 =	smul.f32 $5.000000000e-01, s6  }
0x3fe: {  	s21 =	ssub.s32 $0x5F3759DF, s15;
	s13 =	smul.f32 s1, s23;
	v2 =	vmul.f32 s0, v2  }
0x3ff: {  	s7 =	smul.f32 s21, s6;
	v0 =	vmul.f32 s0, v0  }
0x400: {  	s5 =	smul.f32 s13, s1;
	v1 =	vmul.f32 s0, v1;
	[tilespmem:s16+$0xFFFFFFA0] =	vst v2  }
0x401: {  	s7 =	smul.f32 s21, s7;
	v2 =	vmul.f32 s0, v52;
	[tilespmem:s16+$0xFFFFFFB0] =	vst v0  }
0x402: {  	s5 =	ssub.f32 $1.500000000e+00, s5;
	v0 =	vmul.f32 s0, v43;
	[tilespmem:s16+$0xFFFFFFC0] =	vst v1  }
0x403: {  	s7 =	ssub.f32 $1.500000000e+00, s7;
	[tilespmem:s16+$0xFFFFFFD0] =	vst v2  }
0x404: {  	s22 =	spop (v2sf);
	s1 =	smul.f32 s5, s1;
	v1 =	vmul.f32 s0, v19;
	v2 =	vld [tilespmem:$0x1FC70];
	[tilespmem:s16+$0xFFFFFFE0] =	vst v0  }
0x405: {  	s5 =	smax.f32 s22, $1.000000020e-24;
	s4 =	smul.f32 s21, s7;
	v0 =	vld [tilespmem:$0x1FC80]  }
0x406: {  	s23 =	sshrl.u32 s5, $0x1;
	s5 =	smul.f32 $5.000000000e-01, s5;
	[tilespmem:s16+$0xFFFFFFF0] =	vst v1  }
0x407: {  	s8 =	ssub.s32 $0x5F3759DF, s23;
	s6 =	smul.f32 s4, s6;
	v1 =	vld [tilespmem:$0x1FD00]  }
0x408: {  	s24 =	smul.f32 s8, s5  }
0x409: {  	s6 =	smul.f32 s6, s4;
	v2 =	vmul.f32 s1, v2  }
0x40a: {  	s0 =	smul.f32 s8, s24;
	v0 =	vmul.f32 s1, v0  }
0x40b: {  	s6 =	ssub.f32 $1.500000000e+00, s6;
	[tilespmem:s16+$0x0] =	vst v2  }
0x40c: {  	s0 =	ssub.f32 $1.500000000e+00, s0;
	v1 =	vmul.f32 s1, v1;
	[tilespmem:s16+$0x10] =	vst v0  }
0x40d: {  	s25 =	spop (v2sf);
	s4 =	smul.f32 s6, s4;
	v2 =	vmul.f32 s1, v59;
	v0 =	vld [tilespmem:$0x1FD70]  }
0x40e: {  	s7 =	smax.f32 s25, $1.000000020e-24;
	s0 =	smul.f32 s8, s0;
	[tilespmem:s16+$0x20] =	vst v1;
	v1 =	vmul.f32 s1, v49  }
0x40f: {  	s28 =	smul.f32 $5.000000000e-01, s7;
	s7 =	sshrl.u32 s7, $0x1;
	[tilespmem:s16+$0x30] =	vst v2;
	v2 =	vmul.f32 s1, v9  }
0x410: {  	s7 =	ssub.s32 $0x5F3759DF, s7;
	s5 =	smul.f32 s0, s5;
	[tilespmem:s16+$0x50] =	vst v1;
	v1 =	vmul.f32 s4, v22  }
0x411: {  	s6 =	smul.f32 s7, s28;
	[tilespmem:s16+$0x60] =	vst v2;
	v2 =	vmul.f32 s4, v28  }
0x412: {  	s5 =	smul.f32 s5, s0;
	[tilespmem:s3+$0xFFFFFF00] =	vst v1;
	v0 =	vmul.f32 s1, v0  }
0x413: {  	v1 =	vmul.f32 s4, v26;
	[tilespmem:s3+$0xFFFFFF40] =	vst v2  }
0x414: {  	s5 =	ssub.f32 $1.500000000e+00, s5;
	v2 =	vmul.f32 s4, v29;
	[tilespmem:s16+$0x40] =	vst v0;
	v0 =	vmul.f32 s1, v11;
	s1 =	smul.f32 s7, s6  }
0x415: {  	[tilespmem:s3+$0xFFFFFF20] =	vst v1  }
0x416: {  	s0 =	smul.f32 s5, s0;
	v1 =	vmul.f32 s4, v8;
	[tilespmem:s3+$0xFFFFFF70] =	vst v2;
	s1 =	ssub.f32 $1.500000000e+00, s1  }
0x417: {  	[tilespmem:s16+$0x70] =	vst v0;
	v0 =	vmul.f32 s4, v23  }
0x418: {  	v2 =	vmul.f32 s0, v20;
	[tilespmem:s3+$0xFFFFFF50] =	vst v1;
	s1 =	smul.f32 s7, s1  }
0x419: {  	[tilespmem:s3+$0xFFFFFF10] =	vst v0;
	v0 =	vmul.f32 s4, v27  }
0x41a: {  	v1 =	vmul.f32 s0, v17;
	[tilespmem:s3+$0xFFFFFFA0] =	vst v2;
	s8 =	smul.f32 s1, s28  }
0x41b: {  	[tilespmem:s3+$0xFFFFFF30] =	vst v0;
	v0 =	vmul.f32 s4, v13  }
0x41c: {  	v2 =	vmul.f32 s0, v7;
	[tilespmem:s3+$0xFFFFFF80] =	vst v1;
	s4 =	smul.f32 s8, s1  }
0x41d: {  	[tilespmem:s3+$0xFFFFFF60] =	vst v0;
	v0 =	vmul.f32 s0, v16  }
0x41e: {  	v1 =	vmul.f32 s0, v25;
	[tilespmem:s3+$0xFFFFFFD0] =	vst v2;
	s4 =	ssub.f32 $1.500000000e+00, s4  }
0x41f: {  	[tilespmem:s3+$0xFFFFFF90] =	vst v0;
	v0 =	vmul.f32 s0, v24  }
0x420: {  	[tilespmem:s3+$0xFFFFFFB0] =	vst v1;
	v1 =	vmul.f32 s0, v10;
	s1 =	smul.f32 s4, s1  }
0x421: {  	[tilespmem:s3+$0xFFFFFFC0] =	vst v0;
	v0 =	vmul.f32 s0, v31  }
0x422: {  	[tilespmem:s3+$0xFFFFFFE0] =	vst v1;
	v2 =	vmul.f32 s1, v14  }
0x423: {  	v1 =	vmul.f32 s1, v12;
	[tilespmem:s3+$0xFFFFFFF0] =	vst v0  }
0x424: {  	v0 =	vmul.f32 s1, v15;
	[tilespmem:s3+$0x0] =	vst v2  }
0x425: {  	v2 =	vmul.f32 s1, v18;
	[tilespmem:s3+$0x10] =	vst v1  }
0x426: {  	v1 =	vmul.f32 s1, v21;
	[tilespmem:s3+$0x20] =	vst v0  }
0x427: {  	v0 =	vmul.f32 s1, v4;
	[tilespmem:s3+$0x30] =	vst v2  }
0x428: {  	v2 =	vmul.f32 s1, v6;
	[tilespmem:s3+$0x40] =	vst v1  }
0x429: {  	v1 =	vmul.f32 s1, v32;
	[tilespmem:s3+$0x50] =	vst v0  }
0x42a: {  	[tilespmem:s3+$0x60] =	vst v2  }
0x42b: {  	[tilespmem:s3+$0x70] =	vst v1  }
0x42c: {  	p0 =	seq.s32 s18, $0x3;
	s9 =	sshll.u32 s18, $0xB;
	s10 =	rddreg [dreg:$0xd]  }
0x42d: {  	s11 =	simm.s32 $0x0;
	s12 =	simm.s32 $0x8600;
	s0 =	sadd.s32 s9, s10  }
0x42e: {  	[hbm4b:s0+s11] =	stream.linear.scatter [tilespmem:s12], [sflag:$0x3], $0x2000, $0x38;
	[tilespmem:$0x14600] =	vst v63  }
0x42f: {  	s1 =	simm.s32 @!p0 $0x40;
	s3 =	simm.s32 @!p0 $0x600;
	s0 =	sadd.s32 @!p0 $0x80, s20  }
0x430: {  	[tilespmem:s3], [sflag:$0x1] =	stream.indirect.gather @!p0 [hbm4b:s31+s1], $0x80, s0, s1, $0xb8;
	[tilespmem:$0x14600] =	vst v63  }
0x431: {  	s4 =	rddreg [dreg:$0x4];
	s3 =	simm.s32 @!p0 $0x2600  }
0x432: {  	[tilespmem:s3], [sflag:$0x1] =	stream.indirect.gather @!p0 [hbm4b:s4+s1], $0x80, s0, s1, $0xb8;
	[tilespmem:$0x14600] =	vst v63  }
0x433: {  	s0 =	sadd.s32 @!p0 $0x480, s20;
	s3 =	simm.s32 @!p0 $0x4600;
	s4 =	rddreg [dreg:$0x5]  }
0x434: {  	[tilespmem:s3], [sflag:$0x1] =	stream.indirect.gather @!p0 [hbm4b:s4+s1], $0x80, s0, s1, $0xb8;
	[tilespmem:$0x14600] =	vst v63  }
0x435: {  	s0 =	sadd.s32 @!p0 $0x280, s20;
	s3 =	simm.s32 @!p0 $0x6600;
	s4 =	rddreg [dreg:$0x6]  }
0x436: {  	[tilespmem:s3], [sflag:$0x1] =	stream.indirect.gather @!p0 [hbm4b:s4+s1], $0x80, s0, s1, $0xb8;
	[tilespmem:$0x14600] =	vst v63  }
0x437: {  	_ =	swait.ge [sflag:s29], $0x2000  }
0x438: {  	[sflag:s29] =	ssyncset.done $0x0  }
0x439: {  	[sflag:s29] =	ssyncadd.s32 $0xFFFFE000  }
0x43a: {  	_ =	swait.ge [sflag:s29], $0x2000  }
0x43b: {  	[sflag:s29] =	ssyncset.done $0x0  }
0x43c: {  	[sflag:s29] =	ssyncadd.s32 $0xFFFFE000  }
0x43d: {  	_ =	swait.ge [sflag:s29], $0x2000  }
0x43e: {  	[sflag:s29] =	ssyncset.done $0x0  }
0x43f: {  	[sflag:s29] =	ssyncadd.s32 $0xFFFFE000  }
0x440: {  	_ =	swait.ge [sflag:s29], $0x2000  }
0x441: {  	[sflag:s29] =	ssyncset.done $0x0  }
0x442: {  	s13 =	simm.s32 $0xA700;
	[sflag:s29] =	ssyncadd.s32 $0xFFFFE000  }
0x443: {  	v0 =	vld [tilespmem:s13+$0x80]  }
0x444: {  	s14 =	simm.s32 $0xC700;
	v3 =	vld [tilespmem:s13+$0x90]  }
0x445: {  	v1 =	vld [tilespmem:s14+$0x80]  }
0x446: {  	v2 =	vld [tilespmem:s14+$0x90]  }
0x447: {  	v9 =	vld [tilespmem:s13+$0xA0]  }
0x448: {  	v4 =	vld [tilespmem:s14+$0xA0]  }
0x449: {  	v13 =	vld [tilespmem:s13+$0xB0]  }
0x44a: {  	v5 =	vld [tilespmem:s14+$0xB0]  }
0x44b: {  	v14 =	vld [tilespmem:s13+$0xC0]  }
0x44c: {  	v6 =	vld [tilespmem:s14+$0xC0]  }
0x44d: {  	v15 =	vld [tilespmem:s13+$0xD0]  }
0x44e: {  	v7 =	vld [tilespmem:s14+$0xD0];
	v1 =	vmul.f32 v1, v0;
	v2 =	vmul.f32 v2, v3  }
0x44f: {  	v16 =	vld [tilespmem:s13+$0xE0]  }
0x450: {  	v18 =	vld [tilespmem:s13+$0xF0];
	v1 =	vadd.f32 v2, v1;
	v2 =	vmul.f32 v4, v9  }
0x451: {  	v19 =	vld [tilespmem:s14+$0xFFFFFF00]  }
0x452: {  	v28 =	vld [tilespmem:s14+$0xFFFFFF10];
	v1 =	vadd.f32 v2, v1;
	v2 =	vmul.f32 v5, v13  }
0x453: {  	v5 =	vld [tilespmem:s14+$0xE0]  }
0x454: {  	v29 =	vld [tilespmem:s14+$0xFFFFFF80];
	v1 =	vadd.f32 v2, v1;
	v2 =	vmul.f32 v6, v14  }
0x455: {  	v6 =	vld [tilespmem:s14+$0xF0]  }
0x456: {  	v49 =	vld [tilespmem:s14+$0xFFFFFF90];
	v1 =	vadd.f32 v2, v1;
	v2 =	vmul.f32 v7, v15  }
0x457: {  	v50 =	vld [tilespmem:s14+$0x0]  }
0x458: {  	v51 =	vld [tilespmem:s14+$0x10];
	v5 =	vmul.f32 v5, v16;
	v2 =	vadd.f32 v2, v1  }
0x459: {  	v11 =	vld [tilespmem:s13+$0xFFFFFF00]  }
0x45a: {  	v52 =	vld [tilespmem:s14+$0xFFFFFF20];
	v2 =	vadd.f32 v5, v2;
	v5 =	vmul.f32 v6, v18  }
0x45b: {  	s15 =	simm.s32 $0x10700;
	v8 =	vld [tilespmem:s13+$0xFFFFFFA0]  }
0x45c: {  	v12 =	vld [tilespmem:s15+$0x80];
	v5 =	vadd.f32 v5, v2  }
0x45d: {  	v17 =	vld [tilespmem:s15+$0x90]  }
0x45e: {  	v53 =	vld [tilespmem:s14+$0xFFFFFFA0];
	(xrf2) =	vadd.scan.msk.f32 $0xffff, v5  }
0x45f: {  	v20 =	vld [tilespmem:s15+$0xA0]  }
0x460: {  	v22 =	vld [tilespmem:s15+$0xB0]  }
0x461: {  	v23 =	vld [tilespmem:s15+$0xC0]  }
0x462: {  	v54 =	vld [tilespmem:s14+$0x20]  }
0x463: {  	v55 =	vld [tilespmem:s14+$0xFFFFFF30]  }
0x464: {  	v32 =	vld [tilespmem:s13+$0xFFFFFFB0]  }
0x465: {  	v56 =	vld [tilespmem:s14+$0xFFFFFFB0]  }
0x466: {  	v33 =	vld [tilespmem:s13+$0x30]  }
0x467: {  	v57 =	vld [tilespmem:s14+$0x30]  }
0x468: {  	v31 =	vld [tilespmem:s13+$0xFFFFFF40];
	v10, _, _ =	vpop (xrf2)  }
0x469: {  	v58 =	vld [tilespmem:s14+$0xFFFFFF40];
	v21 =	vbroadcast v10, $0xF  }
0x46a: {  	v30 =	vld [tilespmem:s13+$0xFFFFFFC0]  }
0x46b: {  	v59 =	vld [tilespmem:s14+$0xFFFFFFC0];
	v12 =	vmul.f32 v21, v12;
	v17 =	vmul.f32 v21, v17  }
0x46c: {  	v27 =	vld [tilespmem:s13+$0x40]  }
0x46d: {  	v60 =	vld [tilespmem:s14+$0xFFFFFF50];
	v25 =	vadd.f32 v12, v0;
	v26 =	vadd.f32 v17, v3;
	v0 =	vmul.f32 v21, v20  }
0x46e: {  	v3 =	vld [tilespmem:s15+$0xD0];
	v20 =	vmul.f32 v21, v22  }
0x46f: {  	v22 =	vmul.f32 v25, v25;
	v12 =	vadd.f32 v0, v9;
	v0 =	vld [tilespmem:s15+$0xE0];
	v9 =	vmul.f32 v26, v26  }
0x470: {  	v61 =	vld [tilespmem:s14+$0xFFFFFFD0];
	v23 =	vmul.f32 v21, v23  }
0x471: {  	v24 =	vadd.f32 v20, v13;
	v13 =	vld [tilespmem:s15+$0xF0];
	v9 =	vadd.f32 v9, v22;
	v20 =	vmul.f32 v12, v12  }
0x472: {  	v47 =	vld [tilespmem:s14+$0x50];
	v14 =	vadd.f32 v23, v14  }
0x473: {  	v48 =	vld [tilespmem:s14+$0xFFFFFFE0];
	v3 =	vmul.f32 v3, v21;
	v9 =	vadd.f32 v9, v20;
	v20 =	vmul.f32 v24, v24  }
0x474: {  	v43 =	vld [tilespmem:s15+$0xFFFFFF90];
	v0 =	vmul.f32 v0, v21  }
0x475: {  	v4 =	vld [tilespmem:s13+$0xFFFFFF10];
	v15 =	vadd.f32 v3, v15;
	v3 =	vadd.f32 v9, v20;
	v9 =	vmul.f32 v14, v14  }
0x476: {  	v2 =	vld [tilespmem:s13+$0x0];
	v13 =	vmul.f32 v13, v21  }
0x477: {  	v10 =	vld [tilespmem:s13+$0x20];
	v23 =	vadd.f32 v0, v16;
	v0 =	vadd.f32 v3, v9;
	v3 =	vmul.f32 v15, v15  }
0x478: {  	v7 =	vld [tilespmem:s13+$0xFFFFFF90]  }
0x479: {  	v1 =	vld [tilespmem:s13+$0xFFFFFF80];
	v22 =	vadd.f32 v13, v18;
	v0 =	vadd.f32 v0, v3;
	v3 =	vmul.f32 v23, v23  }
0x47a: {  	v5 =	vld [tilespmem:s13+$0xFFFFFF20]  }
0x47b: {  	v6 =	vld [tilespmem:s13+$0x10];
	v0 =	vadd.f32 v0, v3;
	v3 =	vmul.f32 v22, v22  }
0x47c: {  	v62 =	vmul.f32 v50, v2;
	v17 =	vld [tilespmem:s13+$0xFFFFFF30];
	v50 =	vmul.f32 v54, v10  }
0x47d: {  	v54 =	vld [tilespmem:s14+$0xFFFFFF70];
	v13 =	vmul.f32 v19, v11;
	v0 =	vadd.f32 v0, v3;
	v3 =	vmul.f32 v28, v4  }
0x47e: {  	v21 =	vld [tilespmem:s13+$0xFFFFFFD0];
	v16 =	vmul.f32 v29, v1  }
0x47f: {  	v20 =	vld [tilespmem:s13+$0xFFFFFF50];
	v29 =	vmul.f32 v52, v5;
	v28 =	vmul.f32 v49, v7;
	v13 =	vadd.f32 v3, v13  }
0x480: {  	v18 =	vld [tilespmem:s14+$0x40]  }
0x481: {  	v19 =	vld [tilespmem:s14+$0xFFFFFF60];
	(xrf2) =	vadd.scan.msk.f32 $0xffff, v0;
	v28 =	vadd.f32 v28, v16;
	v16 =	vadd.f32 v29, v13;
	v29 =	vmul.f32 v55, v17  }
0x482: {  	v63 =	vmul.f32 v51, v6;
	v49 =	vmul.f32 v53, v8;
	v0 =	vld [tilespmem:s13+$0xFFFFFF60]  }
0x483: {  	v52 =	vmul.f32 v58, v31;
	v58 =	vmul.f32 v59, v30;
	v59 =	vld [tilespmem:s14+$0xFFFFFFF0];
	v29 =	vadd.f32 v29, v16  }
0x484: {  	v34 =	vadd.f32 v63, v62;
	v53 =	vmul.f32 v56, v32;
	v35 =	vadd.f32 v49, v28;
	v16 =	vld [tilespmem:s13+$0xFFFFFF70]  }
0x485: {  	v56 =	vmul.f32 v60, v20;
	v3 =	vld [tilespmem:s13+$0xFFFFFFE0];
	v29 =	vadd.f32 v52, v29  }
0x486: {  	v57 =	vmul.f32 v57, v33;
	v37 =	vadd.f32 v50, v34;
	v9 =	vld [tilespmem:s13+$0x50];
	v35 =	vadd.f32 v53, v35  }
0x487: {  	v28 =	vld [tilespmem:s13+$0xFFFFFFF0];
	v19 =	vmul.f32 v19, v0;
	v29 =	vadd.f32 v56, v29  }
0x488: {  	v51 =	vld [tilespmem:s14+$0x60];
	v37 =	vadd.f32 v57, v37;
	v60 =	vmul.f32 v61, v21;
	v35 =	vadd.f32 v58, v35  }
0x489: {  	v18 =	vmul.f32 v18, v27;
	v13 =	vld [tilespmem:s13+$0x60];
	v19 =	vadd.f32 v19, v29;
	v29 =	vmul.f32 v54, v16  }
0x48a: {  	v34 =	vld [tilespmem:s13+$0x70];
	v36 =	vmul.f32 v48, v3;
	v35 =	vadd.f32 v60, v35  }
0x48b: {  	v61 =	vld [tilespmem:s14+$0x70];
	v18 =	vadd.f32 v18, v37;
	v55, _, _ =	vpop (xrf2);
	v54 =	vmul.f32 v47, v9;
	v19 =	vadd.f32 v29, v19  }
0x48c: {  	v44 =	vld [tilespmem:s15+$0x0];
	v35 =	vadd.f32 v36, v35;
	(v2sf) =	vpush v55, $0xF;
	v55 =	vmul.f32 v59, v28  }
0x48d: {  	v45 =	vld [tilespmem:s15+$0x10];
	(xrf2) =	vadd.scan.msk.f32 $0xffff, v19  }
0x48e: {  	v41 =	vld [tilespmem:s15+$0xFFFFFFA0];
	v56 =	vmul.f32 v51, v13;
	v18 =	vadd.f32 v54, v18;
	v19 =	vadd.f32 v55, v35  }
0x48f: {  	v46 =	vld [tilespmem:s15+$0xFFFFFFB0]  }
0x490: {  	v38 =	vld [tilespmem:s15+$0xFFFFFF60];
	v57 =	vmul.f32 v61, v34;
	v18 =	vadd.f32 v56, v18;
	(xrf2) =	vadd.scan.msk.f32 $0xffff, v19  }
0x491: {  	v42 =	vld [tilespmem:s15+$0xFFFFFFE0]  }
0x492: {  	v62 =	vld [tilespmem:s15+$0xFFFFFF00];
	v18 =	vadd.f32 v57, v18  }
0x493: {  	v63 =	vld [tilespmem:s15+$0xFFFFFF10]  }
0x494: {  	v50 =	vld [tilespmem:s15+$0x40];
	(xrf2) =	vadd.scan.msk.f32 $0xffff, v18  }
0x495: {  	v49 =	vld [tilespmem:s15+$0xFFFFFFC0]  }
0x496: {  	v58 =	vld [tilespmem:s15+$0xFFFFFF20]  }
0x497: {  	v59 =	vld [tilespmem:s15+$0xFFFFFF30];
	v18, _, _ =	vpop (xrf2)  }
0x498: {  	v29 =	vld [tilespmem:s15+$0xFFFFFF80];
	v35 =	vbroadcast v18, $0xF  }
0x499: {  	v53 =	vld [tilespmem:s15+$0x50]  }
0x49a: {  	v48 =	vld [tilespmem:s15+$0xFFFFFF40];
	v57, _, _ =	vpop (xrf2);
	v18 =	vmul.f32 v35, v62;
	v39 =	vmul.f32 v35, v63  }
0x49b: {  	v52 =	vld [tilespmem:s15+$0xFFFFFFD0];
	v58 =	vmul.f32 v35, v58;
	v36 =	vbroadcast v57, $0xF  }
0x49c: {  	v19 =	vld [tilespmem:s15+$0x20];
	v63 =	vadd.f32 v18, v11;
	v18 =	vmul.f32 v35, v59;
	v11 =	vadd.f32 v39, v4  }
0x49d: {  	v51 =	vld [tilespmem:s15+$0xFFFFFF50];
	v5 =	vadd.f32 v58, v5;
	v29 =	vmul.f32 v36, v29  }
0x49e: {  	v47 =	vld [tilespmem:s15+$0x30];
	v59, _, _ =	vpop (xrf2);
	v60 =	vmul.f32 v36, v43;
	[tilespmem:$0x1F090] =	vst v11;
	v4 =	vadd.f32 v18, v17  }
0x49f: {  	v37 =	vbroadcast v59, $0xF;
	[tilespmem:$0x1F0F0] =	vst v5;
	v18 =	vmul.f32 v36, v41;
	v17 =	vadd.f32 v29, v1  }
0x4a0: {  	v58 =	vadd.f32 v60, v7;
	v54 =	vld [tilespmem:s15+$0x60];
	[tilespmem:$0x1F120] =	vst v4  }
0x4a1: {  	v7 =	vmul.f32 v37, v44;
	v62 =	vmul.f32 v37, v19;
	v1 =	vadd.f32 v18, v8;
	v43 =	vld [tilespmem:s15+$0xFFFFFF70];
	[tilespmem:$0x1F0A0] =	vst v17  }
0x4a2: {  	v55 =	vld [tilespmem:s15+$0xFFFFFFF0];
	[tilespmem:$0x1F0B0] =	vst v58  }
0x4a3: {  	s9 =	simm.s32 $0xE700;
	v29 =	vmul.f32 v37, v45;
	v19 =	vadd.f32 v7, v2;
	v2 =	vadd.f32 v62, v10;
	v45 =	vld [tilespmem:s15+$0x70];
	[tilespmem:$0x1F100] =	vst v1  }
0x4a4: {  	v44 =	vld [tilespmem:s9+$0x80]  }
0x4a5: {  	v57 =	vld [tilespmem:s9+$0x90];
	[tilespmem:$0x1F110] =	vst v2  }
0x4a6: {  	v8 =	vld [tilespmem:s9+$0xFFFFFF00]  }
0x4a7: {  	s16 =	spop (v2sf)  }
0x4a8: {  	s0 =	smax.f32 s16, $1.000000020e-24  }
0x4a9: {  	s20 =	sshrl.u32 s0, $0x1;
	s0 =	smul.f32 $5.000000000e-01, s0  }
0x4aa: {  	s1 =	ssub.s32 $0x5F3759DF, s20  }
0x4ab: {  	s21 =	smul.f32 s1, s0;
	[tilespmem:$0x1F080] =	vst v8  }
0x4ac: {  	v7 =	vmul.f32 v58, v58;
	v58 =	vmul.f32 v5, v5;
	v5 =	vld [tilespmem:s9+$0xFFFFFF10]  }
0x4ad: {  	s4 =	smul.f32 s1, s21  }
0x4ae: {  	v18 =	vadd.f32 v29, v6;
	v6 =	vmul.f32 v36, v46  }
0x4af: {  	s4 =	ssub.f32 $1.500000000e+00, s4  }
0x4b0: {  	v41 =	vmul.f32 v2, v2;
	v2 =	vadd.f32 v6, v32  }
0x4b1: {  	v60 =	vmul.f32 v17, v17;
	s1 =	smul.f32 s1, s4;
	v46 =	vld [tilespmem:s9+$0xA0];
	[tilespmem:$0x1F0C0] =	vst v5  }
0x4b2: {  	v59 =	vld [tilespmem:s9+$0xB0];
	[tilespmem:$0x1F190] =	vst v2  }
0x4b3: {  	v56 =	vadd.f32 v7, v60;
	v7 =	vmul.f32 v37, v47;
	v47 =	vmul.f32 v1, v1;
	s0 =	smul.f32 s1, s0;
	v1 =	vld [tilespmem:s9+$0xFFFFFF80];
	_ =	sdelay $0x1  }
0x4b4: {  	s0 =	smul.f32 s0, s1;
	_ =	sdelay $0x1  }
0x4b5: {  	s0 =	ssub.f32 $1.500000000e+00, s0  }
0x4b6: {  	v40 =	vmul.f32 v63, v63;
	v61 =	vmul.f32 v11, v11;
	[tilespmem:$0x1F0D0] =	vst v1  }
0x4b7: {  	s0 =	smul.f32 s0, s1;
	v1 =	vld [tilespmem:s9+$0xFFFFFF90]  }
0x4b8: {  	v39 =	vadd.f32 v61, v40;
	v61 =	vmul.f32 v19, v19  }
0x4b9: {  	v62 =	vmul.f32 v18, v18;
	v25 =	vmul.f32 s0, v25  }
0x4ba: {  	v26 =	vmul.f32 s0, v26  }
0x4bb: {  	v40 =	vadd.f32 v62, v61;
	v61 =	vmul.f32 v4, v4;
	v4 =	vadd.f32 v25, v44  }
0x4bc: {  	v48 =	vmul.f32 v35, v48;
	v12 =	vmul.f32 s0, v12;
	v60 =	vld [tilespmem:s9+$0xC0];
	[tilespmem:$0x1F0E0] =	vst v1;
	v1 =	vadd.f32 v26, v57  }
0x4bd: {  	v49 =	vmul.f32 v36, v49;
	v24 =	vmul.f32 s0, v24;
	[tilespmem:$0x1F650] =	vst v4  }
0x4be: {  	v26 =	vadd.f32 v56, v47;
	v47 =	vmul.f32 v2, v2;
	v2 =	vadd.f32 v12, v46;
	[tilespmem:$0x1F670] =	vst v1  }
0x4bf: {  	v58 =	vadd.f32 v39, v58;
	v46 =	vmul.f32 v4, v4;
	v4 =	vadd.f32 v48, v31;
	v25 =	vld [tilespmem:s9+$0xD0]  }
0x4c0: {  	v31 =	vmul.f32 s0, v14;
	v39 =	vmul.f32 v1, v1;
	v1 =	vadd.f32 v24, v59;
	v44 =	vld [tilespmem:s9+$0x0];
	[tilespmem:$0x1F690] =	vst v2  }
0x4c1: {  	v29 =	vadd.f32 v49, v30;
	v62 =	vadd.f32 v40, v41;
	v30 =	vmul.f32 s0, v15;
	v57 =	vld [tilespmem:s9+$0xE0]  }
0x4c2: {  	v40 =	vmul.f32 v2, v2;
	v2 =	vadd.f32 v31, v60;
	v17 =	vld [tilespmem:s9+$0x10];
	[tilespmem:$0x1F6B0] =	vst v1;
	v24 =	vadd.f32 v39, v46  }
0x4c3: {  	v23 =	vmul.f32 s0, v23;
	v46 =	vld [tilespmem:s9+$0xF0]  }
0x4c4: {  	v31 =	vmul.f32 v1, v1;
	v48 =	vld [tilespmem:s9+$0xFFFFFF20];
	[tilespmem:$0x1F6C0] =	vst v2;
	v24 =	vadd.f32 v24, v40;
	v1 =	vadd.f32 v30, v25  }
0x4c5: {  	v22 =	vmul.f32 s0, v22;
	v40 =	vld [tilespmem:s9+$0xFFFFFFA0]  }
0x4c6: {  	v41 =	vld [tilespmem:s9+$0x20];
	v24 =	vadd.f32 v24, v31;
	v25 =	vmul.f32 v2, v2;
	v2 =	vadd.f32 v23, v57;
	[tilespmem:$0x1F6D0] =	vst v1  }
0x4c7: {  	v50 =	vmul.f32 v37, v50;
	v31 =	vld [tilespmem:s9+$0xFFFFFF30]  }
0x4c8: {  	v23 =	vadd.f32 v24, v25;
	v24 =	vmul.f32 v1, v1;
	v1 =	vadd.f32 v22, v46;
	v30 =	vld [tilespmem:s9+$0xFFFFFFB0];
	[tilespmem:$0x1F6E0] =	vst v2  }
0x4c9: {  	v15 =	vadd.f32 v50, v27;
	v27 =	vld [tilespmem:s9+$0x30]  }
0x4ca: {  	v25 =	vld [tilespmem:s9+$0xFFFFFF40];
	[tilespmem:$0x1F620] =	vst v1  }
0x4cb: {  	v50 =	vadd.f32 v58, v61;
	v61 =	vmul.f32 v2, v2;
	v2 =	vld [tilespmem:s9+$0x40]  }
0x4cc: {  	v33 =	vadd.f32 v7, v33  }
0x4cd: {  	v59 =	vmul.f32 v52, v36  }
0x4ce: {  	v42 =	vmul.f32 v42, v36;
	v56 =	vmul.f32 v33, v33  }
0x4cf: {  	v47 =	vadd.f32 v26, v47;
	v32 =	vadd.f32 v59, v21;
	v21 =	vmul.f32 v29, v29  }
0x4d0: {  	s14 =	simm.s32 $0xA900;
	v49 =	vmul.f32 v51, v35;
	v60 =	vadd.f32 v62, v56;
	v62 =	vmul.f32 v4, v4;
	v26 =	vld [tilespmem:s9+$0xFFFFFFC0];
	[tilespmem:$0x1F200] =	vst v2  }
0x4d1: {  	v59 =	vmul.f32 v54, v37;
	v47 =	vadd.f32 v47, v21;
	v22 =	vadd.f32 v23, v24;
	v56 =	vld [tilespmem:s14+$0x80]  }
0x4d2: {  	s15 =	simm.s32 $0xC900;
	v21 =	vmul.f32 v38, v35;
	v23 =	vadd.f32 v49, v20;
	v49 =	vadd.f32 v50, v62;
	v50 =	vld [tilespmem:s14+$0x90]  }
0x4d3: {  	v35 =	vmul.f32 v43, v35;
	v39 =	vmul.f32 v1, v1;
	v1 =	vadd.f32 v42, v3;
	v58 =	vld [tilespmem:s15+$0x80]  }
0x4d4: {  	v3 =	vadd.f32 v59, v13;
	v46 =	vadd.f32 v22, v61;
	v61 =	vld [tilespmem:s15+$0x90]  }
0x4d5: {  	v36 =	vmul.f32 v55, v36;
	v2 =	vadd.f32 v35, v16;
	v54 =	vld [tilespmem:s14+$0xA0];
	[tilespmem:$0x1F260] =	vst v1  }
0x4d6: {  	v52 =	vmul.f32 v53, v37;
	v37 =	vmul.f32 v45, v37;
	v21 =	vadd.f32 v21, v0;
	v43 =	vld [tilespmem:s15+$0xA0];
	[tilespmem:$0x1F2B0] =	vst v3  }
0x4d7: {  	v0 =	vmul.f32 v23, v23;
	v57 =	vmul.f32 v1, v1;
	v1 =	vadd.f32 v36, v28;
	v55 =	vld [tilespmem:s14+$0xB0];
	[tilespmem:$0x1F320] =	vst v2  }
0x4d8: {  	v28 =	vmul.f32 v2, v2;
	v2 =	vadd.f32 v37, v34;
	v16 =	vld [tilespmem:s15+$0xB0]  }
0x4d9: {  	v62 =	vmul.f32 v32, v32;
	v0 =	vadd.f32 v49, v0;
	v49 =	vld [tilespmem:s14+$0xC0];
	[tilespmem:$0x1F330] =	vst v1  }
0x4da: {  	v36 =	vld [tilespmem:s15+$0xC0];
	[tilespmem:$0x1F340] =	vst v2  }
0x4db: {  	v47 =	vadd.f32 v47, v62;
	v53 =	vld [tilespmem:s14+$0xD0]  }
0x4dc: {  	v20 =	vadd.f32 v52, v9;
	v62 =	vld [tilespmem:s15+$0xD0]  }
0x4dd: {  	v9 =	vmul.f32 v15, v15;
	v35 =	vadd.f32 v47, v57;
	v57 =	vld [tilespmem:s14+$0xE0]  }
0x4de: {  	v13 =	vmul.f32 v20, v20;
	v38 =	vadd.f32 v46, v39;
	v39 =	vmul.f32 v21, v21;
	v51 =	vld [tilespmem:s15+$0xE0]  }
0x4df: {  	v60 =	vadd.f32 v60, v9;
	v59 =	vmul.f32 v61, v50;
	v61 =	vmul.f32 v1, v1;
	v1 =	vld [tilespmem:s14+$0xFFFFFF80]  }
0x4e0: {  	v0 =	vadd.f32 v0, v39;
	v58 =	vmul.f32 v58, v56;
	v37 =	vld [tilespmem:s14+$0xFFFFFF10]  }
0x4e1: {  	v13 =	vadd.f32 v60, v13;
	v60 =	vmul.f32 v3, v3;
	v14 =	vld [tilespmem:s15+$0xFFFFFF00]  }
0x4e2: {  	v0 =	vadd.f32 v0, v28;
	v11 =	vld [tilespmem:s15+$0xFFFFFF10];
	v43 =	vmul.f32 v43, v54;
	v28 =	vadd.f32 v59, v58  }
0x4e3: {  	v13 =	vadd.f32 v13, v60;
	(xrf2) =	vadd.scan.msk.f32 $0xffff, v38;
	v47 =	vmul.f32 v2, v2;
	v59 =	vld [tilespmem:s14+$0xF0]  }
0x4e4: {  	(xrf2) =	vadd.scan.msk.f32 $0xffff, v0;
	v16 =	vmul.f32 v16, v55;
	v0 =	vadd.f32 v43, v28;
	v28 =	vld [tilespmem:s15+$0xF0];
	[tilespmem:$0x1F240] =	vst v1  }
0x4e5: {  	v35 =	vadd.f32 v35, v61;
	v39 =	vld [tilespmem:s14+$0xFFFFFF90]  }
0x4e6: {  	v13 =	vadd.f32 v13, v47;
	v0 =	vadd.f32 v16, v0;
	v16 =	vmul.f32 v36, v49  }
0x4e7: {  	(xrf2) =	vadd.scan.msk.f32 $0xffff, v35  }
0x4e8: {  	(xrf2) =	vadd.scan.msk.f32 $0xffff, v13;
	v13 =	vmul.f32 v62, v53;
	v0 =	vadd.f32 v16, v0;
	_ =	sdelay $0x1  }
0x4e9: {  	v0 =	vadd.f32 v13, v0;
	v13 =	vmul.f32 v51, v57;
	[tilespmem:$0x1F250] =	vst v39  }
0x4ea: {  	v51 =	vld [tilespmem:s14+$0x0]  }
0x4eb: {  	v0 =	vadd.f32 v13, v0;
	v13 =	vmul.f32 v28, v59;
	_ =	sdelay $0x1  }
0x4ec: {  	v0 =	vadd.f32 v13, v0  }
0x4ed: {  	v16 =	vld [tilespmem:s15+$0xFFFFFF80];
	v28, _, _ =	vpop (xrf2)  }
0x4ee: {  	v5 =	vld [tilespmem:s15+$0xFFFFFF90];
	v13, _, _ =	vpop (xrf2);
	(xrf2) =	vadd.scan.msk.f32 $0xffff, v0;
	[tilespmem:$0x1F270] =	vst v51  }
0x4ef: {  	v43 =	vld [tilespmem:s14+$0x10]  }
0x4f0: {  	v9 =	vld [tilespmem:s15+$0x0]  }
0x4f1: {  	v12 =	vld [tilespmem:s15+$0x10]  }
0x4f2: {  	v35 =	vld [tilespmem:s14+$0xFFFFFF00]  }
0x4f3: {  	v60 =	vld [tilespmem:s14+$0xFFFFFF20]  }
0x4f4: {  	(v2sf) =	vpush v28, $0xF;
	v10 =	vld [tilespmem:s15+$0xFFFFFF20]  }
0x4f5: {  	s6 =	simm.s32 $0x10900;
	(v2sf) =	vpush v13, $0xF;
	v13, _, _ =	vpop (xrf2);
	v36 =	vld [tilespmem:s14+$0xFFFFFFA0]  }
0x4f6: {  	(v2sf) =	vpush v13, $0xF;
	v13 =	vld [tilespmem:s6+$0x90]  }
0x4f7: {  	v6, _, _ =	vpop (xrf2);
	v8 =	vld [tilespmem:s15+$0xFFFFFFA0]  }
0x4f8: {  	v38 =	vld [tilespmem:s6+$0xA0];
	v52, _, _ =	vpop (xrf2)  }
0x4f9: {  	v42 =	vld [tilespmem:s14+$0x20];
	v62 =	vbroadcast v52, $0xF  }
0x4fa: {  	v58 =	vld [tilespmem:s6+$0xB0]  }
0x4fb: {  	(v2sf) =	vpush v6, $0xF;
	v6 =	vld [tilespmem:s6+$0x80];
	v13 =	vmul.f32 v62, v13  }
0x4fc: {  	v7 =	vld [tilespmem:s15+$0x20]  }
0x4fd: {  	v61 =	vld [tilespmem:s6+$0xD0];
	v0 =	vadd.f32 v13, v50;
	v13 =	vmul.f32 v62, v38  }
0x4fe: {  	v22 =	vld [tilespmem:s14+$0xFFFFFF30]  }
0x4ff: {  	v52 =	vld [tilespmem:s6+$0xC0];
	[tilespmem:$0x1F280] =	vst v0;
	v2 =	vadd.f32 v13, v54  }
0x500: {  	v34 =	vmul.f32 v62, v6;
	v6 =	vld [tilespmem:s15+$0xFFFFFF30]  }
0x501: {  	v47 =	vmul.f32 v62, v58;
	v50 =	vld [tilespmem:s6+$0xE0];
	[tilespmem:$0x1F290] =	vst v2  }
0x502: {  	v61 =	vmul.f32 v61, v62;
	v45 =	vadd.f32 v34, v56;
	v58 =	vld [tilespmem:s14+$0xFFFFFFB0]  }
0x503: {  	v11 =	vmul.f32 v11, v37;
	v5 =	vmul.f32 v5, v39;
	s3 =	spop (v2sf);
	v38 =	vadd.f32 v47, v55;
	v55 =	vld [tilespmem:s6+$0xF0]  }
0x504: {  	v24 =	vmovc v4;
	s22 =	spop (v2sf);
	v13 =	vmul.f32 v45, v45;
	v46 =	vmul.f32 v0, v0;
	v0 =	vadd.f32 v61, v53;
	v4 =	vld [tilespmem:s15+$0xFFFFFFB0]  }
0x505: {  	v9 =	vmul.f32 v9, v51;
	v14 =	vmul.f32 v14, v35;
	s0 =	smax.f32 s22, $1.000000020e-24;
	v34 =	vld [tilespmem:s14+$0x30]  }
0x506: {  	v52 =	vmul.f32 v62, v52;
	s24 =	sshrl.u32 s0, $0x1;
	s0 =	smul.f32 $5.000000000e-01, s0;
	v54 =	vadd.f32 v46, v13;
	v56 =	vmul.f32 v2, v2;
	v3 =	vld [tilespmem:s15+$0x30];
	[tilespmem:$0x1F2A0] =	vst v0  }
0x507: {  	v12 =	vmul.f32 v12, v43;
	v10 =	vmul.f32 v10, v60;
	s23 =	spop (v2sf);
	s4 =	ssub.s32 $0x5F3759DF, s24;
	v61 =	vld [tilespmem:s14+$0xFFFFFF40]  }
0x508: {  	s30 =	smov.u32 s31;
	s1 =	smax.f32 s23, $1.000000020e-24;
	v47 =	vadd.f32 v52, v49;
	v52 =	vmul.f32 v38, v38;
	s31 =	smul.f32 s4, s0;
	v54 =	vadd.f32 v54, v56;
	v2 =	vld [tilespmem:s15+$0xFFFFFF40]  }
0x509: {  	s25 =	smul.f32 $5.000000000e-01, s1;
	s1 =	sshrl.u32 s1, $0x1;
	v56 =	vmul.f32 v0, v0;
	v0 =	vld [tilespmem:s15+$0xFFFFFF50];
	v50 =	vmul.f32 v50, v62  }
0x50a: {  	s1 =	ssub.s32 $0x5F3759DF, s1;
	v46 =	vmul.f32 v47, v47;
	s7 =	smul.f32 s4, s31;
	v54 =	vadd.f32 v54, v52;
	v55 =	vmul.f32 v55, v62;
	v62 =	vld [tilespmem:s14+$0xFFFFFFC0]  }
0x50b: {  	v8 =	vmul.f32 v8, v36;
	v11 =	vadd.f32 v11, v14;
	s21 =	smul.f32 s1, s25;
	v53 =	vadd.f32 v50, v57;
	v57 =	vld [tilespmem:s15+$0xFFFFFFC0]  }
0x50c: {  	v7 =	vmul.f32 v7, v42;
	v9 =	vadd.f32 v12, v9;
	s7 =	ssub.f32 $1.500000000e+00, s7;
	v54 =	vadd.f32 v54, v46;
	v46 =	vld [tilespmem:s14+$0x40]  }
0x50d: {  	v11 =	vadd.f32 v10, v11;
	s11 =	smul.f32 s1, s21;
	v50 =	vadd.f32 v55, v59;
	v55 =	vmul.f32 v16, v1;
	v1 =	vld [tilespmem:s15+$0x40]  }
0x50e: {  	v6 =	vmul.f32 v6, v22;
	s4 =	smul.f32 s4, s7;
	v56 =	vadd.f32 v54, v56;
	v49 =	vmul.f32 v53, v53;
	v54 =	vld [tilespmem:s14+$0xFFFFFF50]  }
0x50f: {  	v7 =	vadd.f32 v7, v9;
	v14 =	vld [tilespmem:s15+$0xFFFFFFD0];
	s11 =	ssub.f32 $1.500000000e+00, s11;
	v3 =	vmul.f32 v3, v34;
	v5 =	vadd.f32 v5, v55  }
0x510: {  	v6 =	vadd.f32 v6, v11;
	v2 =	vmul.f32 v2, v61;
	s0 =	smul.f32 s4, s0;
	v55 =	vadd.f32 v56, v49;
	v49 =	vld [tilespmem:s14+$0xFFFFFFD0]  }
0x511: {  	v4 =	vmul.f32 v4, v58;
	s11 =	smul.f32 s1, s11;
	v5 =	vadd.f32 v8, v5  }
0x512: {  	v3 =	vadd.f32 v3, v7;
	v2 =	vadd.f32 v2, v6;
	s0 =	smul.f32 s0, s4;
	v1 =	vmul.f32 v1, v46  }
0x513: {  	s24 =	smul.f32 s11, s25;
	v0 =	vmul.f32 v0, v54;
	v4 =	vadd.f32 v4, v5;
	v5 =	vmul.f32 v57, v62  }
0x514: {  	s0 =	ssub.f32 $1.500000000e+00, s0;
	v10 =	vadd.f32 v1, v3  }
0x515: {  	s28 =	spop (v2sf);
	s7 =	smul.f32 s24, s11;
	v0 =	vadd.f32 v0, v2;
	v1 =	vmul.f32 v14, v49;
	v2 =	vld [tilespmem:$0x1F080];
	v4 =	vadd.f32 v5, v4  }
0x516: {  	s5 =	smax.f32 s28, $1.000000020e-24;
	s25 =	smul.f32 s0, s4  }
0x517: {  	s13 =	sshrl.u32 s5, $0x1;
	s16 =	smul.f32 $5.000000000e-01, s5;
	v57 =	vadd.f32 v1, v4;
	v1 =	vld [tilespmem:$0x1F0B0]  }
0x518: {  	s20 =	ssub.s32 $0x5F3759DF, s13;
	v39 =	vmul.f32 v50, v50;
	s7 =	ssub.f32 $1.500000000e+00, s7;
	v5 =	vmul.f32 s25, v63  }
0x519: {  	v51 =	vld [tilespmem:s14+$0x50];
	s22 =	smul.f32 s20, s16  }
0x51a: {  	v12 =	vadd.f32 v55, v39;
	s11 =	smul.f32 s7, s11;
	v39 =	vadd.f32 v5, v2;
	v2 =	vld [tilespmem:$0x1F090]  }
0x51b: {  	v9 =	vld [tilespmem:s15+$0x60]  }
0x51c: {  	s12 =	smul.f32 s20, s22;
	v11 =	vmul.f32 s11, v1;
	v1 =	vld [tilespmem:$0x1F0C0]  }
0x51d: {  	v7 =	vld [tilespmem:s15+$0xFFFFFF60]  }
0x51e: {  	s23 =	ssub.f32 $1.500000000e+00, s12;
	v59 =	vld [tilespmem:s14+$0xFFFFFFE0]  }
0x51f: {  	v3 =	vld [tilespmem:$0x1F0A0];
	v2 =	vmul.f32 s25, v2  }
0x520: {  	s5 =	smul.f32 s20, s23;
	v6 =	vld [tilespmem:s15+$0xFFFFFFE0]  }
0x521: {  	v16 =	vadd.f32 v2, v1;
	v1 =	vld [tilespmem:$0x1F0D0]  }
0x522: {  	s1 =	smul.f32 s5, s16;
	v55 =	vld [tilespmem:s14+$0xFFFFFF60]  }
0x523: {  	v8 =	vld [tilespmem:s15+$0x50]  }
0x524: {  	s1 =	smul.f32 s1, s5;
	v63 =	vld [tilespmem:s14+$0x60];
	v5 =	vmul.f32 s11, v3  }
0x525: {  	v13 =	vld [tilespmem:s9+$0xFFFFFFD0];
	(xrf2) =	vadd.scan.msk.f32 $0xffff, v12  }
0x526: {  	s28 =	ssub.f32 $1.500000000e+00, s1;
	v4 =	vadd.f32 v5, v1;
	v1 =	vld [tilespmem:$0x1F0E0]  }
0x527: {  	v28 =	vld [tilespmem:s14+$0x70];
	v7 =	vmul.f32 v7, v55  }
0x528: {  	v52 =	vld [tilespmem:s14+$0xFFFFFFF0];
	v6 =	vmul.f32 v6, v59;
	s31 =	smul.f32 s28, s5;
	v8 =	vmul.f32 v8, v51  }
0x529: {  	v56 =	vld [tilespmem:s14+$0xFFFFFF70];
	v0 =	vadd.f32 v7, v0;
	v7 =	vmul.f32 v9, v63  }
0x52a: {  	v9 =	vadd.f32 v6, v57;
	v6 =	vld [tilespmem:$0x1F100];
	v5 =	vmul.f32 s31, v19;
	v19 =	vadd.f32 v8, v10  }
0x52b: {  	v3 =	vadd.f32 v11, v1;
	v1 =	vld [tilespmem:$0x1F0F0]  }
0x52c: {  	v10 =	vadd.f32 v7, v19;
	v7 =	vld [tilespmem:$0x1F110]  }
0x52d: {  	v12 =	vld [tilespmem:s15+$0xFFFFFF70]  }
0x52e: {  	v14 =	vld [tilespmem:s9+$0xFFFFFF50]  }
0x52f: {  	v8, _, _ =	vpop (xrf2);
	v2 =	vadd.f32 v5, v44;
	v5 =	vmul.f32 s31, v18;
	v18 =	vld [tilespmem:s9+$0x50]  }
0x530: {  	v6 =	vmul.f32 s11, v6;
	(v2sf) =	vpush v8, $0xF;
	v19 =	vld [tilespmem:s9+$0xFFFFFF60];
	v8 =	vmul.f32 s25, v1  }
0x531: {  	v44 =	vmul.f32 v16, v16;
	v11 =	vld [tilespmem:s15+$0xFFFFFFF0];
	v7 =	vmul.f32 s31, v7  }
0x532: {  	v1 =	vadd.f32 v5, v17;
	v5 =	vadd.f32 v8, v48;
	v8 =	vmul.f32 v12, v56;
	v12 =	vld [tilespmem:s15+$0x70];
	[tilespmem:$0x1F130] =	vst v39  }
0x533: {  	v57 =	vadd.f32 v7, v41;
	v7 =	vmul.f32 v39, v39;
	v48 =	vadd.f32 v6, v40;
	v6 =	vld [tilespmem:$0x1F120];
	[tilespmem:$0x1F140] =	vst v16  }
0x534: {  	v40 =	vld [tilespmem:s9+$0xFFFFFFE0];
	[tilespmem:$0x1F150] =	vst v4  }
0x535: {  	v7 =	vadd.f32 v44, v7;
	v44 =	vmul.f32 v1, v1;
	[tilespmem:$0x1F180] =	vst v1;
	v1 =	vld [tilespmem:$0x1F190]  }
0x536: {  	v41 =	vmul.f32 v3, v3;
	[tilespmem:$0x1F160] =	vst v3  }
0x537: {  	v11 =	vmul.f32 v11, v52;
	v39 =	vmul.f32 v2, v2;
	[tilespmem:$0x1F170] =	vst v2  }
0x538: {  	v0 =	vadd.f32 v8, v0;
	v8 =	vmul.f32 v4, v4;
	v2 =	vld [tilespmem:s6+$0xFFFFFF00];
	v6 =	vmul.f32 s25, v6  }
0x539: {  	v3 =	vmul.f32 s31, v33;
	v4 =	vadd.f32 v11, v9;
	v11 =	vld [tilespmem:s6+$0xFFFFFF10]  }
0x53a: {  	v33 =	vld [tilespmem:s6+$0xFFFFFF90];
	v8 =	vadd.f32 v41, v8;
	v9 =	vadd.f32 v6, v31;
	v6 =	vmul.f32 s11, v1  }
0x53b: {  	(xrf2) =	vadd.scan.msk.f32 $0xffff, v0;
	v0 =	vmul.f32 v12, v28;
	v12 =	vadd.f32 v44, v39;
	v31 =	vld [tilespmem:s6+$0xFFFFFF80];
	[tilespmem:$0x1F1A0] =	vst v5  }
0x53c: {  	v44 =	vmul.f32 v5, v5;
	(xrf2) =	vadd.scan.msk.f32 $0xffff, v4;
	v5 =	vadd.f32 v6, v30;
	v6 =	vld [tilespmem:s6+$0x0];
	[tilespmem:$0x1F1B0] =	vst v48  }
0x53d: {  	v4 =	vmul.f32 v48, v48;
	v0 =	vadd.f32 v0, v10;
	v1 =	vadd.f32 v3, v27;
	[tilespmem:$0x1F1C0] =	vst v57  }
0x53e: {  	v3 =	vadd.f32 v7, v44;
	v7 =	vmul.f32 s25, v24;
	v30 =	vmul.f32 v57, v57;
	v27 =	vld [tilespmem:s6+$0x10]  }
0x53f: {  	v4 =	vadd.f32 v8, v4;
	(xrf2) =	vadd.scan.msk.f32 $0xffff, v0;
	v0 =	vmul.f32 s11, v29;
	v29 =	vld [tilespmem:s6+$0xFFFFFFA0]  }
0x540: {  	v10 =	vadd.f32 v7, v25;
	v8 =	vadd.f32 v12, v30;
	v12 =	vld [tilespmem:s6+$0xFFFFFF20];
	[tilespmem:$0x1F1D0] =	vst v9  }
0x541: {  	v7 =	vmul.f32 s31, v15;
	v15 =	vmul.f32 v9, v9;
	v9 =	vadd.f32 v0, v26;
	v0 =	vld [tilespmem:s6+$0x20]  }
0x542: {  	v26 =	vmul.f32 v1, v1;
	[tilespmem:$0x1F1F0] =	vst v1;
	v1 =	vld [tilespmem:$0x1F200];
	_ =	sdelay $0x3  }
0x543: {  	v25 =	vmul.f32 v5, v5;
	[tilespmem:$0x1F1E0] =	vst v5  }
0x544: {  	v30 =	vld [tilespmem:s6+$0xFFFFFFB0];
	v1 =	vadd.f32 v7, v1;
	v7 =	vmul.f32 s25, v23  }
0x545: {  	v3 =	vadd.f32 v3, v15;
	v15 =	vadd.f32 v4, v25;
	v23 =	vld [tilespmem:s6+$0xFFFFFF30]  }
0x546: {  	v4 =	vmul.f32 s11, v32;
	v24 =	vadd.f32 v7, v14;
	v7 =	vmul.f32 s31, v20;
	v14 =	vld [tilespmem:s6+$0x30];
	[tilespmem:$0x1F210] =	vst v10  }
0x547: {  	v25 =	vadd.f32 v8, v26;
	v8, _, _ =	vpop (xrf2);
	v20 =	vmul.f32 v10, v10;
	v32 =	vld [tilespmem:s6+$0xFFFFFF40];
	[tilespmem:$0x1F220] =	vst v9;
	v9 =	vmul.f32 v9, v9  }
0x548: {  	v8 =	vbroadcast v8, $0xF  }
0x549: {  	v44 =	vadd.f32 v3, v20;
	v3 =	vld [tilespmem:$0x1F240];
	v26 =	vadd.f32 v15, v9;
	v15, _, _ =	vpop (xrf2)  }
0x54a: {  	v20 =	vmul.f32 v8, v2;
	v15 =	vbroadcast v15, $0xF  }
0x54b: {  	v11 =	vmul.f32 v8, v11;
	v16 =	vadd.f32 v7, v18  }
0x54c: {  	s5 =	spop (v2sf);
	v18 =	vld [tilespmem:s6+$0xFFFFFFC0];
	[tilespmem:$0x1F230] =	vst v1;
	v7 =	vmul.f32 v1, v1;
	v10 =	vadd.f32 v20, v35;
	v20 =	vmul.f32 v15, v31  }
0x54d: {  	s0 =	smax.f32 s5, $1.000000020e-24;
	v17 =	vadd.f32 v4, v13;
	v4 =	vadd.f32 v11, v37;
	v9 =	vmul.f32 s25, v21;
	v21 =	vld [tilespmem:s6+$0x40]  }
0x54e: {  	s7 =	sshrl.u32 s0, $0x1;
	s0 =	smul.f32 $5.000000000e-01, s0;
	v7 =	vadd.f32 v25, v7;
	v11 =	vadd.f32 v20, v3;
	v3 =	vld [tilespmem:$0x1F250]  }
0x54f: {  	s1 =	ssub.s32 $0x5F3759DF, s7;
	v57 =	vld [tilespmem:s6+$0xFFFFFF50];
	v25 =	vadd.f32 v9, v19;
	v9 =	vmul.f32 v8, v12;
	v12 =	vmul.f32 v8, v23  }
0x550: {  	s8 =	smul.f32 s1, s0;
	v1 =	vld [tilespmem:s6+$0xFFFFFFD0]  }
0x551: {  	v19, _, _ =	vpop (xrf2);
	[tilespmem:$0x1F3B0] =	vst v10;
	v5 =	vadd.f32 v9, v60;
	v9 =	vmul.f32 v15, v33;
	v22 =	vadd.f32 v12, v22;
	v12 =	vld [tilespmem:$0x1F270]  }
0x552: {  	s4 =	smul.f32 s1, s8;
	v39 =	vbroadcast v19, $0xF;
	v2 =	vld [tilespmem:s6+$0x50]  }
0x553: {  	[tilespmem:$0x1F3C0] =	vst v4;
	v13 =	vadd.f32 v9, v3;
	v3 =	vld [tilespmem:$0x1F260]  }
0x554: {  	s4 =	ssub.f32 $1.500000000e+00, s4;
	v6 =	vmul.f32 v39, v6;
	[tilespmem:$0x1F410] =	vst v5  }
0x555: {  	v60 =	vld [tilespmem:s6+$0xFFFFFF60];
	[tilespmem:$0x1F4C0] =	vst v22  }
0x556: {  	s1 =	smul.f32 s1, s4;
	v37 =	vmul.f32 v5, v5;
	v5 =	vld [tilespmem:$0x1F280];
	[tilespmem:$0x1F3D0] =	vst v11;
	v23 =	vadd.f32 v6, v12;
	v6 =	vmul.f32 v15, v29  }
0x557: {  	v0 =	vmul.f32 v39, v0;
	v35 =	vld [tilespmem:s6+$0xFFFFFFE0];
	[tilespmem:$0x1F3E0] =	vst v13  }
0x558: {  	s0 =	smul.f32 s1, s0;
	v12 =	vmul.f32 v10, v10;
	v10 =	vadd.f32 v6, v36;
	v29 =	vld [tilespmem:s6+$0xFFFFFF70];
	v9 =	vmul.f32 s11, v3  }
0x559: {  	v19 =	vmul.f32 v39, v27;
	v48 =	vld [tilespmem:s6+$0xFFFFFFF0]  }
0x55a: {  	s0 =	smul.f32 s0, s1;
	v31 =	vmul.f32 v11, v11;
	v3 =	vld [tilespmem:s6+$0x60];
	[tilespmem:$0x1F420] =	vst v10;
	v11 =	vadd.f32 v9, v40;
	v9 =	vadd.f32 v0, v42  }
0x55b: {  	v27 =	vadd.f32 v19, v43;
	v19 =	vmul.f32 v4, v4;
	v4 =	vld [tilespmem:s6+$0x70]  }
0x55c: {  	s0 =	ssub.f32 $1.500000000e+00, s0;
	s6 =	simm.s32 $0xE900;
	v6 =	vld [tilespmem:s9+$0x60];
	[tilespmem:$0x1F430] =	vst v9  }
0x55d: {  	v0 =	vmul.f32 v15, v30;
	v30 =	vld [tilespmem:s6+$0x80]  }
0x55e: {  	s0 =	smul.f32 s0, s1;
	v14 =	vmul.f32 v39, v14;
	v36 =	vld [tilespmem:s6+$0x90]  }
0x55f: {  	v43 =	vmul.f32 v27, v27;
	v19 =	vadd.f32 v19, v12;
	v20 =	vadd.f32 v0, v58  }
0x560: {  	v14 =	vadd.f32 v14, v34;
	v33 =	vmul.f32 v13, v13;
	v13 =	vmul.f32 s0, v45  }
0x561: {  	v37 =	vadd.f32 v19, v37;
	v19 =	vmul.f32 s0, v5;
	v42 =	vmul.f32 v9, v9;
	v9 =	vld [tilespmem:$0x1F290];
	[tilespmem:$0x1F4E0] =	vst v20  }
0x562: {  	v41 =	vmul.f32 v23, v23;
	v40 =	vmul.f32 v10, v10;
	v0 =	vld [tilespmem:s9+$0xFFFFFF70];
	[tilespmem:$0x1F4F0] =	vst v14;
	v10 =	vadd.f32 v13, v30  }
0x563: {  	v58 =	vld [tilespmem:s6+$0xA0];
	v5 =	vadd.f32 v19, v36  }
0x564: {  	v31 =	vadd.f32 v33, v31;
	v33 =	vadd.f32 v43, v41;
	v41 =	vld [tilespmem:s9+$0xFFFFFFF0];
	[tilespmem:$0x1F710] =	vst v10  }
0x565: {  	v13 =	vmul.f32 v8, v32;
	v32 =	vld [tilespmem:s6+$0xB0];
	[tilespmem:$0x1F730] =	vst v5  }
0x566: {  	v30 =	vmul.f32 s0, v9;
	v34 =	vld [tilespmem:s6+$0xC0]  }
0x567: {  	v18 =	vmul.f32 v15, v18;
	v12 =	vadd.f32 v13, v61;
	v13 =	vmul.f32 v39, v21  }
0x568: {  	v36 =	vmul.f32 s0, v38;
	v9 =	vadd.f32 v30, v58  }
0x569: {  	v21 =	vadd.f32 v18, v62;
	v62 =	vadd.f32 v13, v46;
	v13 =	vmul.f32 s0, v47  }
0x56a: {  	v38 =	vmul.f32 v10, v10;
	v45 =	vld [tilespmem:s9+$0x70];
	[tilespmem:$0x1F750] =	vst v9;
	v10 =	vadd.f32 v36, v32  }
0x56b: {  	v58 =	vmul.f32 v5, v5;
	v30 =	vld [tilespmem:s6+$0xFFFFFF00];
	v5 =	vadd.f32 v13, v34  }
0x56c: {  	v18 =	vld [tilespmem:s6+$0xD0];
	[tilespmem:$0x1F770] =	vst v10  }
0x56d: {  	v61 =	vld [tilespmem:s6+$0xE0];
	[tilespmem:$0x1F790] =	vst v5  }
0x56e: {  	v47 =	vadd.f32 v58, v38;
	v58 =	vmul.f32 v9, v9;
	v9 =	vld [tilespmem:s6+$0xFFFFFF10];
	_ =	sdelay $0x4  }
0x56f: {  	[tilespmem:$0x1F3F0] =	vst v9;
	v9 =	vld [tilespmem:$0x1F2A0];
	_ =	sdelay $0x4  }
0x570: {  	v46 =	vmul.f32 s0, v9;
	v9 =	vld [tilespmem:s6+$0xFFFFFF80];
	_ =	sdelay $0x3  }
0x571: {  	v31 =	vadd.f32 v31, v40;
	v13 =	vmul.f32 v22, v22;
	v34 =	vmul.f32 v20, v20  }
0x572: {  	v33 =	vadd.f32 v33, v42;
	[tilespmem:$0x1F400] =	vst v9  }
0x573: {  	v13 =	vadd.f32 v37, v13;
	v42 =	vadd.f32 v31, v34;
	v31 =	vmul.f32 s0, v53;
	v37 =	vld [tilespmem:s6+$0xF0]  }
0x574: {  	v9 =	vadd.f32 v46, v18  }
0x575: {  	v36 =	vadd.f32 v47, v58;
	v58 =	vmul.f32 v5, v5;
	v5 =	vadd.f32 v31, v61  }
0x576: {  	v50 =	vmul.f32 s0, v50;
	[tilespmem:$0x1F7B0] =	vst v9  }
0x577: {  	v32 =	vld [tilespmem:s6+$0xFFFFFF90];
	[tilespmem:$0x1F7D0] =	vst v5  }
0x578: {  	v53 =	vmul.f32 v9, v9;
	v43 =	vld [tilespmem:s6+$0x0];
	v9 =	vadd.f32 v50, v37  }
0x579: {  	v34 =	vld [tilespmem:s6+$0x10]  }
0x57a: {  	v40 =	vld [tilespmem:s6+$0xFFFFFF20];
	[tilespmem:$0x1F6F0] =	vst v9  }
0x57b: {  	v47 =	vmul.f32 v10, v10;
	v10 =	vld [tilespmem:s6+$0xFFFFFFA0];
	_ =	sdelay $0x3  }
0x57c: {  	v1 =	vmul.f32 v1, v15;
	v61 =	vmul.f32 v14, v14  }
0x57d: {  	v36 =	vadd.f32 v36, v47;
	[tilespmem:$0x1F440] =	vst v10  }
0x57e: {  	v61 =	vadd.f32 v33, v61;
	v33 =	vadd.f32 v1, v49;
	v1 =	vmul.f32 v2, v39;
	v2 =	vld [tilespmem:s6+$0x20];
	_ =	sdelay $0x1  }
0x57f: {  	v35 =	vmul.f32 v35, v15;
	v36 =	vadd.f32 v36, v58  }
0x580: {  	v4 =	vmul.f32 v4, v39;
	v31 =	vmul.f32 v57, v8  }
0x581: {  	v3 =	vmul.f32 v3, v39;
	v36 =	vadd.f32 v36, v53;
	v50 =	vmul.f32 v5, v5  }
0x582: {  	v14 =	vadd.f32 v4, v28;
	v58 =	vadd.f32 v31, v54;
	[tilespmem:$0x1F470] =	vst v2;
	v2 =	vmul.f32 v12, v12  }
0x583: {  	v4 =	vld [tilespmem:$0x1F2B0];
	v53 =	vmul.f32 v21, v21;
	v46 =	vadd.f32 v36, v50;
	v54 =	vmul.f32 v9, v9  }
0x584: {  	v31 =	vadd.f32 v1, v51;
	v36 =	vld [tilespmem:s6+$0xFFFFFF30];
	v1 =	vadd.f32 v13, v2;
	v13 =	vmul.f32 v60, v8  }
0x585: {  	s9 =	simm.s32 $0xAB00;
	v49 =	vadd.f32 v42, v53;
	v53 =	vadd.f32 v46, v54;
	v37 =	vld [tilespmem:s6+$0xFFFFFFB0];
	v2 =	vmul.f32 v62, v62  }
0x586: {  	v42 =	vld [tilespmem:s9+$0x80];
	v8 =	vmul.f32 v29, v8;
	v29 =	vadd.f32 v13, v55;
	v13 =	vadd.f32 v35, v59  }
0x587: {  	s20 =	simm.s32 $0xCB00;
	v10 =	vadd.f32 v3, v63;
	v46 =	vld [tilespmem:s9+$0x90];
	v2 =	vadd.f32 v61, v2;
	v61 =	vmul.f32 v31, v31  }
0x588: {  	v54 =	vld [tilespmem:s20+$0x80];
	[tilespmem:$0x1F5B0] =	vst v13  }
0x589: {  	v4 =	vmul.f32 s31, v4;
	v2 =	vadd.f32 v2, v61;
	v38 =	vld [tilespmem:s20+$0x90];
	[tilespmem:$0x1F800] =	vst v10;
	v10 =	vmul.f32 v10, v10  }
0x58a: {  	v57 =	vmul.f32 v58, v58;
	v5 =	vadd.f32 v8, v56;
	v8 =	vmul.f32 v13, v13  }
0x58b: {  	v13 =	vadd.f32 v4, v6;
	v4 =	vmul.f32 v14, v14;
	v51 =	vld [tilespmem:s9+$0xA0];
	v2 =	vadd.f32 v2, v10  }
0x58c: {  	v48 =	vmul.f32 v48, v15;
	v60 =	vmul.f32 v33, v33;
	v1 =	vadd.f32 v1, v57;
	v57 =	vld [tilespmem:s20+$0xA0]  }
0x58d: {  	v47 =	vmul.f32 v29, v29;
	v4 =	vadd.f32 v2, v4;
	v2 =	vld [tilespmem:$0x1F320]  }
0x58e: {  	v9 =	vadd.f32 v48, v52;
	v3 =	vadd.f32 v49, v60;
	v52 =	vld [tilespmem:s9+$0xB0]  }
0x58f: {  	v1 =	vadd.f32 v1, v47;
	v22 =	vld [tilespmem:s20+$0xB0];
	[tilespmem:$0x1F2C0] =	vst v5;
	v5 =	vmul.f32 v5, v5  }
0x590: {  	v60 =	vmul.f32 v17, v17;
	v3 =	vadd.f32 v3, v8  }
0x591: {  	v8 =	vmul.f32 v9, v9;
	v47 =	vld [tilespmem:s9+$0xC0];
	[tilespmem:$0x1F2D0] =	vst v9;
	v1 =	vadd.f32 v1, v5;
	v5 =	vmul.f32 v54, v42  }
0x592: {  	v26 =	vadd.f32 v26, v60;
	v10 =	vld [tilespmem:s20+$0xC0];
	[tilespmem:$0x1F2E0] =	vst v14;
	v6 =	vmul.f32 v38, v46;
	v60 =	vmul.f32 s25, v2  }
0x593: {  	v3 =	vadd.f32 v3, v8;
	v50 =	vld [tilespmem:s9+$0xD0]  }
0x594: {  	(xrf2) =	vadd.scan.msk.f32 $0xffff, v53;
	v5 =	vadd.f32 v6, v5;
	v6 =	vmul.f32 v57, v51;
	v14 =	vadd.f32 v60, v0;
	v0 =	vld [tilespmem:$0x1F330]  }
0x595: {  	v59 =	vmul.f32 v24, v24;
	v8 =	vld [tilespmem:s20+$0xD0];
	[tilespmem:$0x1F2F0] =	vst v24;
	(xrf2) =	vadd.scan.msk.f32 $0xffff, v1  }
0x596: {  	[tilespmem:$0x1F300] =	vst v17;
	(xrf2) =	vadd.scan.msk.f32 $0xffff, v3;
	v3 =	vadd.f32 v6, v5;
	v5 =	vmul.f32 v22, v52;
	v2 =	vld [tilespmem:$0x1F340]  }
0x597: {  	v61 =	vmul.f32 v16, v16;
	v9 =	vld [tilespmem:s9+$0xE0];
	[tilespmem:$0x1F310] =	vst v16  }
0x598: {  	v1 =	vadd.f32 v44, v59;
	v63 =	vld [tilespmem:s20+$0xE0];
	v3 =	vadd.f32 v5, v3;
	v5 =	vmul.f32 v25, v25  }
0x599: {  	v48 =	vld [tilespmem:s9+$0xF0];
	v0 =	vmul.f32 s11, v0  }
0x59a: {  	v61 =	vadd.f32 v7, v61;
	v16 =	vld [tilespmem:s9+$0xFFFFFF10];
	(xrf2) =	vadd.scan.msk.f32 $0xffff, v4;
	v4 =	vmul.f32 v10, v47;
	v1 =	vadd.f32 v1, v5  }
0x59b: {  	v22 =	vld [tilespmem:s20+$0xF0];
	[tilespmem:$0x1F350] =	vst v25;
	v7 =	vmul.f32 s31, v2;
	v6 =	vadd.f32 v0, v41;
	v0 =	vmul.f32 v11, v11  }
0x59c: {  	v56 =	vld [tilespmem:s20+$0xFFFFFF00];
	[tilespmem:$0x1F360] =	vst v11;
	v3 =	vadd.f32 v4, v3;
	v4 =	vmul.f32 v8, v50;
	v5 =	vmul.f32 v13, v13  }
0x59d: {  	v18 =	vld [tilespmem:s9+$0xFFFFFF80];
	v2 =	vadd.f32 v7, v45;
	v0 =	vadd.f32 v26, v0;
	v26 =	vmul.f32 v14, v14  }
0x59e: {  	v3 =	vadd.f32 v4, v3;
	v4 =	vmul.f32 v63, v9;
	v11 =	vld [tilespmem:s20+$0xFFFFFF10];
	[tilespmem:$0x1F370] =	vst v13;
	v63 =	vmul.f32 v6, v6  }
0x59f: {  	v5 =	vadd.f32 v61, v5;
	[tilespmem:$0x1F380] =	vst v14;
	v1 =	vadd.f32 v1, v26;
	v26 =	vmul.f32 v2, v2  }
0x5a0: {  	v3 =	vadd.f32 v4, v3;
	v4 =	vmul.f32 v22, v48;
	v20 =	vld [tilespmem:s9+$0xFFFFFF90];
	[tilespmem:$0x1F390] =	vst v6;
	v0 =	vadd.f32 v0, v63  }
0x5a1: {  	v44 =	vld [tilespmem:s20+$0xFFFFFF80];
	[tilespmem:$0x1F3A0] =	vst v2;
	v5 =	vadd.f32 v5, v26;
	(xrf2) =	vadd.scan.msk.f32 $0xffff, v1  }
0x5a2: {  	v22, _, _ =	vpop (xrf2);
	v54 =	vld [tilespmem:s20+$0xFFFFFF90];
	(xrf2) =	vadd.scan.msk.f32 $0xffff, v0;
	v0 =	vadd.f32 v4, v3  }
0x5a3: {  	(v2sf) =	vpush v22, $0xF;
	v39 =	vld [tilespmem:s9+$0x0];
	v1, _, _ =	vpop (xrf2);
	(xrf2) =	vadd.scan.msk.f32 $0xffff, v5  }
0x5a4: {  	v41 =	vld [tilespmem:s9+$0x10];
	(v2sf) =	vpush v1, $0xF;
	v1, _, _ =	vpop (xrf2);
	(xrf2) =	vadd.scan.msk.f32 $0xffff, v0  }
0x5a5: {  	v22 =	vld [tilespmem:s20+$0x0]  }
0x5a6: {  	v14 =	vld [tilespmem:s9+$0xFFFFFF00]  }
0x5a7: {  	v19 =	vld [tilespmem:s9+$0xFFFFFF20]  }
0x5a8: {  	v35 =	vld [tilespmem:s20+$0xFFFFFF20]  }
0x5a9: {  	v61 =	vld [tilespmem:s9+$0xFFFFFFA0]  }
0x5aa: {  	s15 =	simm.s32 $0x10B00;
	v7 =	vld [tilespmem:s20+$0xFFFFFFA0];
	(v2sf) =	vpush v1, $0xF;
	v0, _, _ =	vpop (xrf2)  }
0x5ab: {  	v8 =	vld [tilespmem:s15+$0x90];
	v55, _, _ =	vpop (xrf2)  }
0x5ac: {  	v4 =	vld [tilespmem:s15+$0x80];
	(v2sf) =	vpush v0, $0xF;
	v53, _, _ =	vpop (xrf2)  }
0x5ad: {  	v49 =	vld [tilespmem:s9+$0x20];
	v10, _, _ =	vpop (xrf2)  }
0x5ae: {  	v57 =	vld [tilespmem:s15+$0xA0];
	v3, _, _ =	vpop (xrf2)  }
0x5af: {  	v38 =	vld [tilespmem:s15+$0xB0];
	v0 =	vbroadcast v3, $0xF  }
0x5b0: {  	v6 =	vld [tilespmem:s20+$0x20]  }
0x5b1: {  	v63 =	vld [tilespmem:s15+$0xC0];
	v4 =	vmul.f32 v0, v4;
	v8 =	vmul.f32 v0, v8  }
0x5b2: {  	v13 =	vld [tilespmem:s9+$0xFFFFFF30]  }
0x5b3: {  	v2 =	vld [tilespmem:s15+$0xD0];
	v45 =	vadd.f32 v4, v42;
	v17 =	vadd.f32 v8, v46;
	v4 =	vmul.f32 v0, v57  }
0x5b4: {  	v60 =	vld [tilespmem:s9+$0xFFFFFFB0];
	v42 =	vmul.f32 v0, v38  }
0x5b5: {  	v59 =	vld [tilespmem:s15+$0xF0];
	v46 =	vadd.f32 v4, v51;
	v4 =	vmul.f32 v45, v45;
	v38 =	vmul.f32 v17, v17  }
0x5b6: {  	v63 =	vmul.f32 v0, v63;
	v57 =	vld [tilespmem:s15+$0xE0]  }
0x5b7: {  	v26 =	vld [tilespmem:s20+$0x10];
	s10 =	spop (v2sf);
	v42 =	vadd.f32 v42, v52;
	v51 =	vadd.f32 v38, v4;
	v1 =	vmul.f32 v46, v46  }
0x5b8: {  	v5 =	vld [tilespmem:s20+$0xFFFFFF30];
	(v2sf) =	vpush v55, $0xF;
	v2 =	vmul.f32 v2, v0;
	s12 =	spop (v2sf)  }
0x5b9: {  	v55 =	vld [tilespmem:s20+$0xFFFFFFC0];
	v15 =	vadd.f32 v63, v47;
	s0 =	smax.f32 s12, $1.000000020e-24;
	s13 =	spop (v2sf);
	v38 =	vmul.f32 v42, v42;
	v1 =	vadd.f32 v51, v1  }
0x5ba: {  	v11 =	vmul.f32 v11, v16;
	v3 =	vld [tilespmem:s20+$0x30];
	v47 =	vadd.f32 v2, v50;
	s14 =	sshrl.u32 s0, $0x1;
	s11 =	smul.f32 $5.000000000e-01, s0;
	s16 =	smax.f32 s13, $1.000000020e-24  }
0x5bb: {  	v63 =	vld [tilespmem:s9+$0xFFFFFF40];
	s21 =	ssub.s32 $0x5F3759DF, s14;
	s8 =	smul.f32 $5.000000000e-01, s16;
	s22 =	spop (v2sf);
	v2 =	vmul.f32 v57, v0;
	v1 =	vadd.f32 v1, v38;
	v38 =	vmul.f32 v15, v15  }
0x5bc: {  	v44 =	vmul.f32 v44, v18;
	v50 =	vld [tilespmem:s20+$0xFFFFFF40];
	s0 =	sshrl.u32 s16, $0x1;
	s23 =	smul.f32 s21, s11;
	s4 =	smax.f32 s22, $1.000000020e-24;
	v0 =	vmul.f32 v59, v0  }
0x5bd: {  	v8 =	vld [tilespmem:s9+$0x40];
	s24 =	ssub.s32 $0x5F3759DF, s0;
	s28 =	smul.f32 $5.000000000e-01, s4;
	v57 =	vadd.f32 v2, v9;
	v9 =	vmul.f32 v47, v47;
	v1 =	vadd.f32 v1, v38  }
0x5be: {  	v54 =	vmul.f32 v54, v20;
	v52 =	vld [tilespmem:s20+$0xFFFFFFB0];
	s25 =	sshrl.u32 s4, $0x1;
	s13 =	smul.f32 s24, s8;
	v38 =	vmul.f32 v56, v14  }
0x5bf: {  	v4 =	vld [tilespmem:s9+$0x30];
	s31 =	ssub.s32 $0x5F3759DF, s25;
	s5 =	smul.f32 s21, s23;
	v56 =	vadd.f32 v0, v48;
	v0 =	vadd.f32 v1, v9;
	v1 =	vmul.f32 v57, v57  }
0x5c0: {  	v26 =	vmul.f32 v26, v41;
	v59 =	vld [tilespmem:s9+$0xFFFFFF50];
	s14 =	smul.f32 s31, s28;
	v9 =	vadd.f32 v11, v38;
	v11 =	vmul.f32 v22, v39  }
0x5c1: {  	v51 =	vld [tilespmem:s9+$0xFFFFFFC0];
	s12 =	smul.f32 s24, s13;
	v0 =	vadd.f32 v0, v1;
	v1 =	vmul.f32 v35, v19;
	v35 =	vmul.f32 v56, v56  }
0x5c2: {  	v7 =	vmul.f32 v7, v61;
	v44 =	vadd.f32 v54, v44;
	v2 =	vld [tilespmem:s20+$0x40];
	s5 =	ssub.f32 $1.500000000e+00, s5  }
0x5c3: {  	v6 =	vmul.f32 v6, v49;
	s13 =	smul.f32 s31, s14;
	s12 =	ssub.f32 $1.500000000e+00, s12;
	v48 =	vld [tilespmem:s20+$0xFFFFFF50];
	v11 =	vadd.f32 v26, v11;
	v0 =	vadd.f32 v0, v35  }
0x5c4: {  	v7 =	vadd.f32 v7, v44;
	v5 =	vmul.f32 v5, v13;
	s1 =	smul.f32 s21, s5;
	v22 =	vld [tilespmem:s9+$0xFFFFFFD0];
	v1 =	vadd.f32 v1, v9  }
0x5c5: {  	s16 =	ssub.f32 $1.500000000e+00, s13;
	s7 =	smul.f32 s24, s12;
	v38 =	vld [tilespmem:s20+$0xFFFFFFD0];
	v9 =	vmul.f32 v52, v60;
	v6 =	vadd.f32 v6, v11;
	(xrf2) =	vadd.scan.msk.f32 $0xffff, v0;
	v0 =	vmul.f32 v3, v4  }
0x5c6: {  	s21 =	smul.f32 s1, s11;
	v1 =	vadd.f32 v5, v1;
	v5 =	vmul.f32 v50, v63  }
0x5c7: {  	s4 =	smul.f32 s31, s16;
	v3 =	vadd.f32 v9, v7;
	v0 =	vadd.f32 v0, v6;
	v6 =	vmul.f32 v55, v51  }
0x5c8: {  	v54 =	vld [tilespmem:s9+$0x50];
	v2 =	vmul.f32 v2, v8;
	s8 =	smul.f32 s7, s8;
	v1 =	vadd.f32 v5, v1;
	v5 =	vmul.f32 v48, v59  }
0x5c9: {  	v44 =	vld [tilespmem:s20+$0x50];
	s5 =	smul.f32 s21, s1;
	v3 =	vadd.f32 v6, v3  }
0x5ca: {  	s0 =	smul.f32 s4, s28;
	v0 =	vadd.f32 v2, v0;
	v2 =	vmul.f32 v38, v22;
	v1 =	vadd.f32 v5, v1;
	v5 =	vld [tilespmem:$0x1F3C0]  }
0x5cb: {  	s8 =	smul.f32 s8, s7;
	s5 =	ssub.f32 $1.500000000e+00, s5;
	v11 =	vld [tilespmem:$0x1F3F0]  }
0x5cc: {  	s0 =	smul.f32 s0, s4;
	v2 =	vadd.f32 v2, v3;
	v3 =	vld [tilespmem:$0x1F3D0]  }
0x5cd: {  	v24 =	vld [tilespmem:$0x1F400];
	(v2sf) =	vpush v53, $0xF;
	s22 =	ssub.f32 $1.500000000e+00, s8;
	s11 =	smul.f32 s5, s1  }
0x5ce: {  	(v2sf) =	vpush v10, $0xF;
	v10 =	vld [tilespmem:s20+$0xFFFFFFE0]  }
0x5cf: {  	v9 =	vld [tilespmem:$0x1F3B0];
	s0 =	ssub.f32 $1.500000000e+00, s0;
	s13 =	smul.f32 s22, s7;
	v5 =	vmul.f32 s11, v5  }
0x5d0: {  	v26 =	vld [tilespmem:s9+$0xFFFFFF60]  }
0x5d1: {  	v7 =	vld [tilespmem:s20+$0xFFFFFF60];
	s14 =	smul.f32 s0, s4;
	v3 =	vmul.f32 s13, v3;
	v28 =	vadd.f32 v5, v11;
	v11 =	vmul.f32 v44, v54  }
0x5d2: {  	v50 =	vld [tilespmem:s9+$0xFFFFFFE0]  }
0x5d3: {  	v55 =	vadd.f32 v3, v24;
	v3 =	vmul.f32 s14, v27;
	v27 =	vadd.f32 v11, v0;
	v0 =	vld [tilespmem:$0x1F410]  }
0x5d4: {  	v9 =	vmul.f32 s11, v9;
	v5 =	vmul.f32 s14, v23;
	_ =	sdelay $0x1  }
0x5d5: {  	v52 =	vld [tilespmem:s9+$0x60];
	v25 =	vadd.f32 v9, v30;
	v24 =	vadd.f32 v5, v43  }
0x5d6: {  	v9 =	vld [tilespmem:$0x1F3E0];
	v43 =	vadd.f32 v3, v34;
	v3 =	vmul.f32 v7, v26;
	v7 =	vmul.f32 v10, v50;
	v10, _, _ =	vpop (xrf2)  }
0x5d7: {  	(v2sf) =	vpush v10, $0xF;
	v10 =	vmul.f32 s11, v0;
	v0 =	vld [tilespmem:$0x1F420]  }
0x5d8: {  	v6 =	vld [tilespmem:s20+$0x60]  }
0x5d9: {  	v38 =	vld [tilespmem:s9+$0xFFFFFF70]  }
0x5da: {  	v23 =	vld [tilespmem:s20+$0xFFFFFF70]  }
0x5db: {  	v9 =	vmul.f32 s13, v9;
	v5 =	vld [tilespmem:s20+$0xFFFFFFF0]  }
0x5dc: {  	v1 =	vadd.f32 v3, v1;
	v3 =	vmul.f32 s13, v0;
	v0 =	vadd.f32 v10, v40;
	v10 =	vld [tilespmem:$0x1F440]  }
0x5dd: {  	v6 =	vmul.f32 v6, v52;
	v11 =	vld [tilespmem:s6+$0xFFFFFF40]  }
0x5de: {  	v53 =	vadd.f32 v9, v32;
	v32 =	vld [tilespmem:s9+$0xFFFFFFF0]  }
0x5df: {  	v30 =	vadd.f32 v6, v27;
	v6 =	vld [tilespmem:$0x1F430]  }
0x5e0: {  	v9 =	vld [tilespmem:s6+$0x30]  }
0x5e1: {  	v48 =	vadd.f32 v3, v10;
	v3 =	vmul.f32 v23, v38;
	v23 =	vld [tilespmem:$0x1F470]  }
0x5e2: {  	v34 =	vld [tilespmem:s9+$0x70]  }
0x5e3: {  	v2 =	vadd.f32 v7, v2;
	v7 =	vld [tilespmem:s20+$0x70];
	[tilespmem:$0x1F450] =	vst v38  }
0x5e4: {  	[tilespmem:$0x1F460] =	vst v32;
	v6 =	vmul.f32 s14, v6  }
0x5e5: {  	v10 =	vld [tilespmem:s6+$0xFFFFFFC0]  }
0x5e6: {  	v44 =	vadd.f32 v6, v23;
	v6 =	vld [tilespmem:s6+$0x40];
	[tilespmem:$0x1F480] =	vst v25  }
0x5e7: {  	v23 =	vmul.f32 v25, v25;
	[tilespmem:$0x1F490] =	vst v28;
	v25 =	vmul.f32 v28, v28  }
0x5e8: {  	v1 =	vadd.f32 v3, v1;
	v3 =	vld [tilespmem:s6+$0xFFFFFF50]  }
0x5e9: {  	v23 =	vadd.f32 v25, v23;
	v25 =	vld [tilespmem:s6+$0xFFFFFFD0]  }
0x5ea: {  	v38 =	vmul.f32 v24, v24;
	[tilespmem:$0x1F4A0] =	vst v24;
	v24 =	vld [tilespmem:$0x1F4C0]  }
0x5eb: {  	v5 =	vmul.f32 v5, v32  }
0x5ec: {  	v27 =	vmul.f32 v55, v55  }
0x5ed: {  	v2 =	vadd.f32 v5, v2;
	v5 =	vld [tilespmem:$0x1F4E0];
	v7 =	vmul.f32 v7, v34;
	v28 =	vmul.f32 v53, v53;
	_ =	sdelay $0x1  }
0x5ee: {  	v27 =	vadd.f32 v28, v27;
	v28 =	vmul.f32 s11, v24;
	v24 =	vadd.f32 v7, v30;
	v7 =	vld [tilespmem:$0x1F4F0]  }
0x5ef: {  	[tilespmem:$0x1F4B0] =	vst v43  }
0x5f0: {  	[tilespmem:$0x1F4D0] =	vst v34  }
0x5f1: {  	v32 =	vmul.f32 v43, v43;
	v5 =	vmul.f32 s13, v5;
	v43 =	vld [tilespmem:s6+$0x50]  }
0x5f2: {  	v21 =	vmul.f32 s13, v21;
	v40 =	vld [tilespmem:s6+$0xFFFFFF60]  }
0x5f3: {  	v35 =	vmul.f32 v0, v0;
	v30 =	vadd.f32 v5, v37;
	v5 =	vld [tilespmem:s15+$0xFFFFFF00];
	v7 =	vmul.f32 s14, v7  }
0x5f4: {  	(xrf2) =	vadd.scan.msk.f32 $0xffff, v1;
	v1 =	vadd.f32 v32, v38;
	v32 =	vadd.f32 v28, v36;
	v28 =	vld [tilespmem:s6+$0xFFFFFFE0];
	[tilespmem:$0x1F500] =	vst v0  }
0x5f5: {  	v34 =	vmul.f32 v48, v48;
	[tilespmem:$0x1F510] =	vst v48;
	v48 =	vadd.f32 v7, v9;
	v9 =	vmul.f32 v44, v44  }
0x5f6: {  	(xrf2) =	vadd.scan.msk.f32 $0xffff, v2;
	v2 =	vmul.f32 s11, v12;
	v12 =	vadd.f32 v23, v35;
	v7 =	vld [tilespmem:s15+$0xFFFFFF10];
	[tilespmem:$0x1F520] =	vst v44  }
0x5f7: {  	v23 =	vadd.f32 v27, v34;
	v27 =	vld [tilespmem:s15+$0xFFFFFF80];
	v1 =	vadd.f32 v1, v9;
	v9 =	vmul.f32 v32, v32  }
0x5f8: {  	(xrf2) =	vadd.scan.msk.f32 $0xffff, v24;
	v24 =	vadd.f32 v2, v11;
	v0 =	vmul.f32 s14, v62;
	v62 =	vadd.f32 v21, v10;
	v2 =	vld [tilespmem:s15+$0xFFFFFF90]  }
0x5f9: {  	v11 =	vmul.f32 v30, v30;
	v10 =	vld [tilespmem:s15+$0x0];
	[tilespmem:$0x1F530] =	vst v32;
	v9 =	vadd.f32 v12, v9;
	v12 =	vmul.f32 s13, v33  }
0x5fa: {  	[tilespmem:$0x1F540] =	vst v30;
	v30 =	vadd.f32 v0, v6;
	v0 =	vmul.f32 s11, v58  }
0x5fb: {  	v11 =	vadd.f32 v23, v11;
	v6 =	vld [tilespmem:s15+$0x10];
	v12 =	vadd.f32 v12, v25  }
0x5fc: {  	v21 =	vmul.f32 v48, v48;
	v23 =	vld [tilespmem:s15+$0xFFFFFF20];
	v34 =	vadd.f32 v0, v3;
	v0 =	vmul.f32 s14, v31  }
0x5fd: {  	s21 =	spop (v2sf);
	v3 =	vld [tilespmem:s15+$0xFFFFFFA0];
	[tilespmem:$0x1F550] =	vst v12  }
0x5fe: {  	s22 =	spop (v2sf);
	v1 =	vadd.f32 v1, v21;
	v0 =	vadd.f32 v0, v43;
	v21 =	vld [tilespmem:s15+$0xFFFFFF30];
	[tilespmem:$0x1F560] =	vst v24;
	v24 =	vmul.f32 v24, v24  }
0x5ff: {  	s16 =	spop (v2sf);
	[tilespmem:$0x1F570] =	vst v62  }
0x600: {  	s23 =	spop (v2sf);
	[tilespmem:$0x1F580] =	vst v0;
	v12, _, _ =	vpop (xrf2);
	v9 =	vadd.f32 v9, v24  }
0x601: {  	s0 =	smax.f32 s23, $1.000000020e-24;
	v31 =	vmul.f32 v30, v30;
	v0 =	vld [tilespmem:s15+$0x20];
	[tilespmem:$0x1F590] =	vst v30;
	v12 =	vbroadcast v12, $0xF  }
0x602: {  	s24 =	sshrl.u32 s0, $0x1;
	s0 =	smul.f32 $5.000000000e-01, s0;
	v25 =	vmul.f32 v62, v62;
	[tilespmem:$0x1F5A0] =	vst v9;
	v9 =	vmul.f32 s11, v29  }
0x603: {  	s1 =	ssub.s32 $0x5F3759DF, s24;
	v37 =	vadd.f32 v1, v31;
	v1 =	vmul.f32 v12, v5;
	v5 =	vmul.f32 v12, v7;
	v7, _, _ =	vpop (xrf2);
	v24 =	vld [tilespmem:s15+$0xFFFFFFB0]  }
0x604: {  	s25 =	smul.f32 s1, s0;
	v36 =	vadd.f32 v11, v25;
	v25 =	vld [tilespmem:s15+$0x30];
	v11 =	vbroadcast v7, $0xF;
	v38 =	vadd.f32 v9, v40  }
0x605: {  	v9 =	vmul.f32 v12, v23;
	v23 =	vld [tilespmem:s15+$0xFFFFFF40];
	v31 =	vadd.f32 v1, v14;
	v1 =	vmul.f32 v12, v21  }
0x606: {  	s4 =	smul.f32 s1, s25;
	v44 =	vadd.f32 v5, v16;
	v5 =	vld [tilespmem:s15+$0xFFFFFFC0]  }
0x607: {  	v29 =	vadd.f32 v1, v13;
	v1 =	vmul.f32 v11, v2;
	v2 =	vmul.f32 v11, v3;
	v3 =	vld [tilespmem:$0x1F5B0]  }
0x608: {  	s4 =	ssub.f32 $1.500000000e+00, s4;
	v7, _, _ =	vpop (xrf2);
	v21 =	vld [tilespmem:s15+$0x40]  }
0x609: {  	v16 =	vld [tilespmem:s15+$0xFFFFFFD0];
	v14 =	vmul.f32 v11, v27;
	v30 =	vadd.f32 v9, v19;
	v9 =	vbroadcast v7, $0xF  }
0x60a: {  	s1 =	smul.f32 s1, s4;
	v13 =	vld [tilespmem:s15+$0xFFFFFF50]  }
0x60b: {  	v7 =	vld [tilespmem:s15+$0x50];
	v19 =	vadd.f32 v14, v18;
	v10 =	vmul.f32 v9, v10;
	v14 =	vadd.f32 v1, v20  }
0x60c: {  	s0 =	smul.f32 s1, s0;
	v18 =	vld [tilespmem:s15+$0xFFFFFF60];
	v40 =	vadd.f32 v2, v61;
	v1 =	vmul.f32 v9, v6;
	v3 =	vmul.f32 s13, v3  }
0x60d: {  	v0 =	vmul.f32 v9, v0;
	v2 =	vmul.f32 v44, v44;
	v27 =	vadd.f32 v10, v39;
	v10 =	vld [tilespmem:s15+$0xFFFFFFE0];
	[tilespmem:$0x1F5C0] =	vst v31  }
0x60e: {  	s9 =	smax.f32 s10, $1.000000020e-24;
	s0 =	smul.f32 s0, s1;
	v61 =	vadd.f32 v1, v41;
	v1 =	vmul.f32 v31, v31;
	v6 =	vld [tilespmem:s15+$0x60];
	[tilespmem:$0x1F5D0] =	vst v19;
	v43 =	vadd.f32 v3, v28  }
0x60f: {  	s3 =	smax.f32 s3, $1.000000020e-24;
	s10 =	sshrl.u32 s9, $0x1;
	[tilespmem:$0x1F5E0] =	vst v14;
	v28 =	vadd.f32 v0, v49;
	v0 =	vmul.f32 v19, v19;
	v3 =	vmul.f32 v14, v14  }
0x610: {  	s23 =	smul.f32 $5.000000000e-01, s9;
	s9 =	simm.s32 $0xEB00;
	s0 =	ssub.f32 $1.500000000e+00, s0;
	v1 =	vadd.f32 v2, v1;
	v20 =	vld [tilespmem:s15+$0xFFFFFF70];
	[tilespmem:$0x1F5F0] =	vst v27;
	v2 =	vmul.f32 v27, v27;
	v14 =	vmul.f32 v61, v61  }
0x611: {  	s31 =	smul.f32 $5.000000000e-01, s3;
	v19 =	vmul.f32 v9, v25;
	v0 =	vadd.f32 v3, v0;
	v3 =	vmul.f32 v11, v24;
	v24 =	vld [tilespmem:s9+$0x80];
	[tilespmem:$0x1F600] =	vst v30  }
0x612: {  	s28 =	sshrl.u32 s3, $0x1;
	s3 =	smul.f32 s0, s1;
	v5 =	vmul.f32 v11, v5;
	v25 =	vmul.f32 v40, v40;
	v2 =	vadd.f32 v14, v2;
	v27 =	vld [tilespmem:s9+$0x90]  }
0x613: {  	v35 =	vadd.f32 v19, v4;
	v4 =	vld [tilespmem:s9+$0xA0];
	v62 =	vadd.f32 v3, v60;
	v3 =	vmul.f32 v28, v28  }
0x614: {  	v17 =	vmul.f32 s3, v17;
	v25 =	vadd.f32 v0, v25;
	v0 =	vmul.f32 s3, v45  }
0x615: {  	v41 =	vadd.f32 v5, v51;
	v60 =	vmovc v28;
	v28 =	vadd.f32 v2, v3;
	v2 =	vmul.f32 v12, v23;
	v23 =	vld [tilespmem:s9+$0xB0]  }
0x616: {  	v14 =	vmul.f32 v30, v30;
	v3 =	vadd.f32 v0, v24;
	v24 =	vmul.f32 s3, v46  }
0x617: {  	v0 =	vadd.f32 v17, v27;
	v63 =	vadd.f32 v2, v63;
	v2 =	vmul.f32 v9, v21;
	v17 =	vld [tilespmem:s9+$0xC0]  }
0x618: {  	v1 =	vadd.f32 v1, v14;
	v45 =	vadd.f32 v24, v4;
	v4 =	vmul.f32 s3, v42  }
0x619: {  	v42 =	vadd.f32 v2, v8;
	v2 =	vmul.f32 v3, v3;
	v5 =	vmul.f32 v0, v0;
	v8 =	vld [tilespmem:s9+$0xD0]  }
0x61a: {  	v19 =	vld [tilespmem:s15+$0xFFFFFFF0];
	v51 =	vadd.f32 v4, v23;
	v4 =	vmul.f32 s3, v15;
	v15 =	vmul.f32 v29, v29  }
0x61b: {  	v49 =	vld [tilespmem:s6+$0x60];
	v21 =	vmul.f32 v45, v45;
	v2 =	vadd.f32 v5, v2  }
0x61c: {  	v39 =	vld [tilespmem:s6+$0xFFFFFF70];
	v15 =	vadd.f32 v1, v15;
	v1 =	vadd.f32 v4, v17;
	v4 =	vmul.f32 s3, v47  }
0x61d: {  	v14 =	vld [tilespmem:s15+$0x70];
	[tilespmem:$0x1F610] =	vst v29  }
0x61e: {  	s7 =	ssub.s32 $0x5F3759DF, s28;
	v21 =	vadd.f32 v2, v21;
	v2 =	vadd.f32 v4, v8;
	v8 =	vld [tilespmem:s9+$0xFFFFFF00]  }
0x61f: {  	s5 =	smul.f32 s7, s31;
	_ =	sdelay $0x1  }
0x620: {  	s5 =	smul.f32 s7, s5;
	v46 =	vld [tilespmem:s6+$0xFFFFFFF0]  }
0x621: {  	v17 =	vld [tilespmem:s9+$0xE0]  }
0x622: {  	s8 =	ssub.f32 $1.500000000e+00, s5;
	s4 =	ssub.s32 $0x5F3759DF, s10;
	v5 =	vmul.f32 v62, v62;
	v47 =	vld [tilespmem:s6+$0x70];
	[tilespmem:$0x1F630] =	vst v8;
	v8 =	vmul.f32 v35, v35  }
0x623: {  	s25 =	smul.f32 s4, s23  }
0x624: {  	s8 =	smul.f32 s7, s8;
	v23 =	vadd.f32 v25, v5;
	v25 =	vadd.f32 v28, v8;
	v8 =	vld [tilespmem:s9+$0xFFFFFF10]  }
0x625: {  	s28 =	smul.f32 s4, s25  }
0x626: {  	s31 =	smul.f32 s8, s31  }
0x627: {  	s0 =	ssub.f32 $1.500000000e+00, s28  }
0x628: {  	s1 =	smul.f32 s31, s8;
	v4 =	vld [tilespmem:$0x1F620]  }
0x629: {  	s24 =	smul.f32 s4, s0;
	v13 =	vmul.f32 v13, v12;
	v24 =	vld [tilespmem:s9+$0xF0];
	[tilespmem:$0x1F640] =	vst v8  }
0x62a: {  	s4 =	ssub.f32 $1.500000000e+00, s1;
	v18 =	vmul.f32 v18, v12;
	v12 =	vmul.f32 v20, v12;
	v20 =	vld [tilespmem:s9+$0xFFFFFF80]  }
0x62b: {  	s7 =	smul.f32 s24, s23  }
0x62c: {  	s23 =	smul.f32 s4, s8;
	v5 =	vmul.f32 v51, v51;
	_ =	sdelay $0x1  }
0x62d: {  	s10 =	smax.f32 s21, $1.000000020e-24;
	v21 =	vadd.f32 v21, v5;
	v5 =	vmul.f32 s3, v57;
	v4 =	vmul.f32 s23, v4  }
0x62e: {  	s21 =	smul.f32 $5.000000000e-01, s10;
	s1 =	sshrl.u32 s10, $0x1;
	s10 =	simm.s32 $0x12700;
	v8 =	vmul.f32 v1, v1;
	[tilespmem:$0x1F660] =	vst v20  }
0x62f: {  	v5 =	vadd.f32 v5, v17;
	v17 =	vld [tilespmem:$0x1F650];
	[tilespmem:s10+$0xF0] =	vst v4  }
0x630: {  	v4 =	vadd.f32 v21, v8;
	v8 =	vld [tilespmem:$0x1F670];
	_ =	sdelay $0x4  }
0x631: {  	v21 =	vmul.f32 s23, v8;
	v8 =	vld [tilespmem:s9+$0xFFFFFF90];
	_ =	sdelay $0x3  }
0x632: {  	v17 =	vmul.f32 s23, v17  }
0x633: {  	[tilespmem:$0x1F680] =	vst v8  }
0x634: {  	[tilespmem:s10+$0x80] =	vst v17;
	v17 =	vld [tilespmem:s9+$0x0];
	_ =	sdelay $0x4  }
0x635: {  	v20 =	vmul.f32 s3, v56;
	v8 =	vadd.f32 v13, v59;
	v13 =	vld [tilespmem:$0x1F690];
	[tilespmem:$0x1F6A0] =	vst v17  }
0x636: {  	[tilespmem:s10+$0x90] =	vst v21  }
0x637: {  	v33 =	vadd.f32 v20, v24;
	v20 =	vld [tilespmem:$0x1F6B0];
	_ =	sdelay $0x2  }
0x638: {  	v13 =	vmul.f32 s23, v13  }
0x639: {  	v17 =	vmul.f32 v2, v2  }
0x63a: {  	[tilespmem:s10+$0xA0] =	vst v13;
	v20 =	vmul.f32 s23, v20  }
0x63b: {  	v16 =	vmul.f32 v16, v11;
	v13 =	vadd.f32 v4, v17;
	v4 =	vld [tilespmem:$0x1F6C0]  }
0x63c: {  	[tilespmem:s10+$0xB0] =	vst v20  }
0x63d: {  	v17 =	vmul.f32 v7, v9;
	v7 =	vadd.f32 v16, v22;
	v16 =	vld [tilespmem:$0x1F6D0]  }
0x63e: {  	v20 =	vmul.f32 v5, v5;
	_ =	sdelay $0x1  }
0x63f: {  	v4 =	vmul.f32 s23, v4;
	v13 =	vadd.f32 v13, v20;
	v20 =	vld [tilespmem:s9+$0xFFFFFF30]  }
0x640: {  	v31 =	vld [tilespmem:s9+$0x10]  }
0x641: {  	v27 =	vld [tilespmem:s9+$0xFFFFFF20];
	[tilespmem:s10+$0xC0] =	vst v4;
	v16 =	vmul.f32 s23, v16  }
0x642: {  	s12 =	smax.f32 s22, $1.000000020e-24;
	v4 =	vadd.f32 v17, v54;
	v17 =	vld [tilespmem:$0x1F6E0]  }
0x643: {  	s22 =	smul.f32 $5.000000000e-01, s12;
	s1 =	ssub.s32 $0x5F3759DF, s1;
	v28 =	vld [tilespmem:s9+$0xFFFFFFA0];
	v21 =	vmul.f32 v63, v63;
	[tilespmem:s10+$0xD0] =	vst v16  }
0x644: {  	s25 =	smul.f32 s1, s21;
	v29 =	vld [tilespmem:s9+$0x20];
	[tilespmem:$0x1F700] =	vst v20  }
0x645: {  	s16 =	smax.f32 s16, $1.000000020e-24;
	s4 =	sshrl.u32 s12, $0x1;
	s8 =	smul.f32 s7, s24;
	v15 =	vadd.f32 v15, v21;
	v21 =	vld [tilespmem:s9+$0xFFFFFFB0]  }
0x646: {  	s5 =	sshrl.u32 s16, $0x1;
	s4 =	ssub.s32 $0x5F3759DF, s4;
	s6 =	smul.f32 $5.000000000e-01, s16  }
0x647: {  	s5 =	ssub.s32 $0x5F3759DF, s5;
	s28 =	smul.f32 s4, s22;
	v17 =	vmul.f32 s23, v17  }
0x648: {  	s31 =	smul.f32 s5, s6;
	v16 =	vld [tilespmem:$0x1F6F0]  }
0x649: {  	s7 =	smul.f32 s1, s25;
	s0 =	ssub.f32 $1.500000000e+00, s8;
	v20 =	vmul.f32 v41, v41;
	[tilespmem:s10+$0xE0] =	vst v17  }
0x64a: {  	s12 =	smul.f32 s5, s31;
	v17 =	vld [tilespmem:$0x1F710];
	[tilespmem:$0x1F720] =	vst v21  }
0x64b: {  	s0 =	smul.f32 s0, s24;
	v20 =	vadd.f32 v23, v20;
	v23 =	vld [tilespmem:s9+$0x30]  }
0x64c: {  	s8 =	smul.f32 s4, s28;
	s16 =	ssub.f32 $1.500000000e+00, s12  }
0x64d: {  	s3 =	ssub.f32 $1.500000000e+00, s7;
	v16 =	vmul.f32 s0, v16  }
0x64e: {  	s7 =	ssub.f32 $1.500000000e+00, s8;
	s8 =	smul.f32 s5, s16;
	s16 =	simm.s32 $0x12900  }
0x64f: {  	v21 =	vmul.f32 v33, v33;
	v17 =	vmul.f32 s0, v17;
	[tilespmem:s16+$0xF0] =	vst v16  }
0x650: {  	v16 =	vld [tilespmem:$0x1F730];
	[tilespmem:$0x1F740] =	vst v23  }
0x651: {  	[tilespmem:s16+$0x80] =	vst v17;
	v17 =	vadd.f32 v13, v21;
	v21 =	vld [tilespmem:s9+$0xFFFFFF40];
	_ =	sdelay $0x3  }
0x652: {  	v16 =	vmul.f32 s0, v16  }
0x653: {  	v13 =	vld [tilespmem:$0x1F750];
	[tilespmem:$0x1F760] =	vst v21  }
0x654: {  	[tilespmem:s16+$0x90] =	vst v16;
	v16 =	vmul.f32 v19, v11;
	v19 =	vld [tilespmem:s9+$0xFFFFFFC0];
	_ =	sdelay $0x4  }
0x655: {  	[tilespmem:$0x1F780] =	vst v19  }
0x656: {  	v19 =	vld [tilespmem:s9+$0x40];
	_ =	sdelay $0x1  }
0x657: {  	v13 =	vmul.f32 s0, v13  }
0x658: {  	v10 =	vmul.f32 v10, v11;
	v11 =	vld [tilespmem:$0x1F770]  }
0x659: {  	v22 =	vmul.f32 v42, v42;
	[tilespmem:s16+$0xA0] =	vst v13  }
0x65a: {  	v13 =	vadd.f32 v18, v26;
	v18 =	vld [tilespmem:$0x1F790];
	[tilespmem:$0x1F7A0] =	vst v19  }
0x65b: {  	v21 =	vadd.f32 v25, v22;
	v22 =	vld [tilespmem:s9+$0xFFFFFF50];
	_ =	sdelay $0x1  }
0x65c: {  	v11 =	vmul.f32 s0, v11;
	_ =	sdelay $0x1  }
0x65d: {  	v18 =	vmul.f32 s0, v18;
	[tilespmem:s16+$0xB0] =	vst v11  }
0x65e: {  	[tilespmem:$0x1F7C0] =	vst v22  }
0x65f: {  	v11 =	vld [tilespmem:$0x1F7B0];
	[tilespmem:s16+$0xC0] =	vst v18  }
0x660: {  	v18 =	vld [tilespmem:$0x1F7D0];
	_ =	sdelay $0x4  }
0x661: {  	v22 =	vmul.f32 s0, v18;
	v18 =	vld [tilespmem:s9+$0xFFFFFFD0];
	_ =	sdelay $0x3  }
0x662: {  	v11 =	vmul.f32 s0, v11  }
0x663: {  	[tilespmem:$0x1F7E0] =	vst v18  }
0x664: {  	[tilespmem:s16+$0xD0] =	vst v11;
	v11 =	vld [tilespmem:s9+$0x50];
	_ =	sdelay $0x4  }
0x665: {  	v19 =	vmul.f32 v8, v8;
	[tilespmem:$0x1F7F0] =	vst v11  }
0x666: {  	[tilespmem:s16+$0xE0] =	vst v22  }
0x667: {  	s1 =	smul.f32 s1, s3;
	v18 =	vadd.f32 v15, v19;
	v15 =	vld [tilespmem:$0x1F800]  }
0x668: {  	s4 =	smul.f32 s4, s7  }
0x669: {  	s6 =	smul.f32 s8, s6  }
0x66a: {  	s24 =	smul.f32 s1, s21  }
0x66b: {  	s25 =	smul.f32 s4, s22  }
0x66c: {  	s6 =	smul.f32 s6, s8;
	v24 =	vmul.f32 s14, v15;
	v15 =	vld [tilespmem:s9+$0xFFFFFF60]  }
0x66d: {  	s5 =	smul.f32 s25, s4  }
0x66e: {  	v6 =	vmul.f32 v6, v9;
	s3 =	smul.f32 s24, s1;
	s31 =	ssub.f32 $1.500000000e+00, s6  }
0x66f: {  	v10 =	vadd.f32 v10, v50;
	s28 =	ssub.f32 $1.500000000e+00, s5;
	v23 =	vmul.f32 v7, v7  }
0x670: {  	v6 =	vadd.f32 v6, v52;
	s3 =	ssub.f32 $1.500000000e+00, s3;
	s21 =	smul.f32 s31, s8;
	v9 =	vmul.f32 v14, v9;
	v14 =	vmul.f32 v4, v4  }
0x671: {  	v58 =	vmov v48;
	s22 =	smul.f32 s28, s4;
	v19 =	vmul.f32 v13, v13;
	v11 =	vadd.f32 v20, v23;
	[tilespmem:$0x1F810] =	vst v15  }
0x672: {  	s6 =	simm.s32 $0xAD00;
	s23 =	smul.f32 s3, s1;
	s3 =	simm.s32 $0x8;
	(xrf2) =	vadd.scan.msk.f32 $0xffff, v17;
	v20 =	vmul.f32 v10, v10;
	v15 =	vadd.f32 v21, v14;
	v21 =	vmul.f32 v6, v6;
	v59 =	vld [tilespmem:s9+$0xFFFFFFE0]  }
.LBB2_7:
0x673: {  	v17 =	vld [tilespmem:$0x1F450];
	_ =	sdelay $0x3  }
0x674: {  	v14 =	vld [tilespmem:s6+$0x80]  }
0x675: {  	v22 =	vadd.f32 v12, v17;
	v12 =	vld [tilespmem:$0x1F460]  }
0x676: {  	s20 =	sadd.s32 $0x200, s20;
	v56 =	vld [tilespmem:$0x1F550]  }
0x677: {  	v18 =	vadd.f32 v18, v19;
	v25 =	vld [tilespmem:s20+$0x80];
	v26 =	vmul.f32 v22, v22  }
0x678: {  	v30 =	vld [tilespmem:s20+$0x90]  }
0x679: {  	v11 =	vadd.f32 v11, v20;
	v20 =	vld [tilespmem:s6+$0xA0];
	v18 =	vadd.f32 v18, v26  }
0x67a: {  	v16 =	vadd.f32 v16, v12;
	v12 =	vld [tilespmem:$0x1F4D0]  }
0x67b: {  	(xrf2) =	vadd.scan.msk.f32 $0xffff, v18;
	v18 =	vld [tilespmem:$0x1F5A0]  }
0x67c: {  	v57 =	vld [tilespmem:s20+$0xB0]  }
0x67d: {  	[tilespmem:$0x1F060] =	vst v59;
	v59 =	vld [tilespmem:$0x1F580]  }
0x67e: {  	v50 =	vmovc v34;
	v23 =	vmul.f32 v34, v34;
	v15 =	vadd.f32 v15, v21;
	v34 =	vld [tilespmem:s20+$0xD0];
	v19 =	vmul.f32 v56, v56  }
0x67f: {  	v48 =	vmul.f32 v16, v16;
	v9 =	vadd.f32 v9, v12;
	v12 =	vadd.f32 v24, v49;
	v24 =	vld [tilespmem:$0x1F2C0]  }
0x680: {  	v21 =	vmov v16;
	v16, _, _ =	vpop (xrf2);
	v18 =	vadd.f32 v18, v23;
	v23 =	vadd.f32 v36, v19;
	v19 =	vld [tilespmem:$0x1F2E0]  }
0x681: {  	v17 =	vld [tilespmem:s6+$0x90];
	(v2sf) =	vpush v16, $0xF;
	v16 =	vmul.f32 v38, v38  }
0x682: {  	v52 =	vmov v22;
	v22 =	vld [tilespmem:s20+$0xA0];
	v26 =	vmul.f32 v59, v59;
	v32 =	vmul.f32 v9, v9  }
0x683: {  	v11 =	vadd.f32 v11, v48;
	v48 =	vmul.f32 v43, v43;
	v18 =	vadd.f32 v18, v16;
	v16 =	vld [tilespmem:s6+$0xE0]  }
0x684: {  	v26 =	vadd.f32 v37, v26;
	v49 =	vmul.f32 v12, v12;
	v32 =	vadd.f32 v15, v32;
	v15 =	vld [tilespmem:$0x1F2D0]  }
0x685: {  	v23 =	vadd.f32 v23, v48;
	v48 =	vld [tilespmem:s20+$0xF0];
	v24 =	vmul.f32 s11, v24;
	v54 =	vmul.f32 s14, v19  }
0x686: {  	[tilespmem:$0x1F2D0] =	vst v21;
	v21 =	vld [tilespmem:s6+$0xB0];
	v19 =	vmov v9;
	v9 =	vmul.f32 v25, v14;
	v25 =	vmul.f32 v30, v17  }
0x687: {  	v26 =	vadd.f32 v26, v49;
	v49 =	vld [tilespmem:$0x1F480]  }
0x688: {  	v30 =	vld [tilespmem:s20+$0xC0];
	v24 =	vadd.f32 v24, v39;
	v9 =	vadd.f32 v25, v9;
	v25 =	vmul.f32 v22, v20  }
0x689: {  	(xrf2) =	vadd.scan.msk.f32 $0xffff, v11;
	[tilespmem:$0x1F2E0] =	vst v19;
	v19 =	vld [tilespmem:s6+$0xC0];
	v22 =	vadd.f32 v54, v47;
	v15 =	vmul.f32 s13, v15  }
0x68a: {  	[tilespmem:$0x1F2C0] =	vst v52;
	(xrf2) =	vadd.scan.msk.f32 $0xffff, v32;
	v32 =	vld [tilespmem:s20+$0xE0];
	v52 =	vmul.f32 v24, v24;
	v9 =	vadd.f32 v25, v9  }
0x68b: {  	v25 =	vmul.f32 v57, v21;
	v57 =	vmul.f32 v22, v22;
	v11 =	vadd.f32 v15, v46;
	v15 =	vld [tilespmem:s6+$0xD0]  }
0x68c: {  	[tilespmem:$0x1F040] =	vst v35;
	v35 =	vadd.f32 v18, v52;
	v18 =	vld [tilespmem:s6+$0xF0]  }
0x68d: {  	v26 =	vadd.f32 v26, v57;
	v57 =	vld [tilespmem:$0x1F490]  }
0x68e: {  	v9 =	vadd.f32 v25, v9;
	v25 =	vmul.f32 v30, v19;
	v30 =	vld [tilespmem:$0x1F130]  }
0x68f: {  	v54 =	vmul.f32 v11, v11;
	v52 =	vmov v49;
	v49 =	vld [tilespmem:$0x1F1D0]  }
0x690: {  	[tilespmem:$0x1F130] =	vst v52;
	v52 =	vld [tilespmem:$0x1F210]  }
0x691: {  	v23 =	vadd.f32 v23, v54;
	v54 =	vld [tilespmem:$0x1F140]  }
0x692: {  	(xrf2) =	vadd.scan.msk.f32 $0xffff, v35;
	v46 =	vmov v57;
	v57 =	vld [tilespmem:$0x1F500]  }
0x693: {  	v47, _, _ =	vpop (xrf2);
	(xrf2) =	vadd.scan.msk.f32 $0xffff, v23;
	v23 =	vld [tilespmem:$0x1F2F0]  }
0x694: {  	v9 =	vadd.f32 v25, v9;
	v25 =	vmul.f32 v34, v15;
	[tilespmem:$0x1F140] =	vst v46;
	v46 =	vld [tilespmem:$0x1F530]  }
0x695: {  	v30 =	vmul.f32 s23, v30;
	v34 =	vmul.f32 s23, v49;
	v49 =	vld [tilespmem:$0x1F560]  }
0x696: {  	v35 =	vmul.f32 s23, v54;
	v54 =	vld [tilespmem:s6+$0xFFFFFF10]  }
0x697: {  	[tilespmem:s10+$0xFFFFFF00] =	vst v30;
	v30 =	vld [tilespmem:$0x1F1A0]  }
0x698: {  	v9 =	vadd.f32 v25, v9;
	v25 =	vmov v50;
	v50 =	vld [tilespmem:$0x1F160]  }
0x699: {  	v36 =	vld [tilespmem:s20+$0xFFFFFF00]  }
0x69a: {  	[tilespmem:$0x1F2F0] =	vst v25;
	v25 =	vld [tilespmem:s20+$0xFFFFFF80]  }
0x69b: {  	v37 =	vmov v57;
	v57 =	vld [tilespmem:$0x1F380]  }
0x69c: {  	[tilespmem:s10+$0xFFFFFF10] =	vst v35;
	v35 =	vmul.f32 s23, v52;
	v52 =	vmul.f32 v32, v16;
	v32, _, _ =	vpop (xrf2);
	(xrf2) =	vadd.scan.msk.f32 $0xffff, v26;
	v26 =	vld [tilespmem:$0x1F150]  }
0x69d: {  	[tilespmem:$0x1F1A0] =	vst v37;
	v37 =	vld [tilespmem:s20+$0xFFFFFF10]  }
0x69e: {  	(v2sf) =	vpush v47, $0xF;
	v47 =	vmov v46;
	v46 =	vld [tilespmem:s6+$0xFFFFFF80]  }
0x69f: {  	[tilespmem:s10+$0xFFFFFF30] =	vst v34;
	v34 =	vld [tilespmem:s20+$0xFFFFFF90]  }
0x6a0: {  	v39 =	vmov v49;
	[tilespmem:$0x1F1D0] =	vst v47;
	v47 =	vld [tilespmem:s6+$0xFFFFFF90]  }
0x6a1: {  	(v2sf) =	vpush v32, $0xF;
	v32 =	vmul.f32 s22, v50;
	v50 =	vld [tilespmem:$0x1F520]  }
0x6a2: {  	[tilespmem:$0x1F210] =	vst v39;
	v9 =	vadd.f32 v52, v9;
	v30 =	vmul.f32 s23, v30;
	v52 =	vmov v55;
	v55 =	vld [tilespmem:$0x1F540]  }
0x6a3: {  	[tilespmem:s10+$0xFFFFFF40] =	vst v35;
	v39 =	vmov v24;
	v24 =	vmul.f32 v48, v18;
	v48 =	vld [tilespmem:$0x1F230]  }
0x6a4: {  	v23 =	vmul.f32 s23, v23;
	[tilespmem:s10+$0xFFFFFF20] =	vst v30;
	v30 =	vld [tilespmem:$0x1F350]  }
0x6a5: {  	[tilespmem:$0x1F380] =	vst v39;
	v39 =	vld [tilespmem:s6+$0x0]  }
0x6a6: {  	[tilespmem:s10+$0xFFFFFF50] =	vst v23;
	v49 =	vmul.f32 s23, v57;
	v24 =	vadd.f32 v24, v9;
	v9 =	vld [tilespmem:$0x1F1B0]  }
0x6a7: {  	[tilespmem:$0x1F050] =	vst v54;
	v26 =	vmul.f32 s22, v26;
	v37 =	vmul.f32 v37, v54;
	v54 =	vld [tilespmem:$0x1F360]  }
0x6a8: {  	v57, _, _ =	vpop (xrf2);
	[tilespmem:s10+$0xFFFFFF70] =	vst v49;
	v49 =	vld [tilespmem:$0x1F4A0]  }
0x6a9: {  	s0 =	spop (v2sf);
	(v2sf) =	vpush v57, $0xF;
	[tilespmem:s10+$0xFFFFFF80] =	vst v26;
	v26 =	vld [tilespmem:$0x1F390];
	v57 =	vmov v55  }
0x6aa: {  	[tilespmem:$0x1F150] =	vst v52;
	v55 =	vmov v11;
	v11 =	vld [tilespmem:$0x1F180];
	v30 =	vmul.f32 s23, v30  }
0x6ab: {  	v23 =	vmul.f32 s22, v9;
	v9 =	vld [tilespmem:$0x1F1E0];
	[tilespmem:$0x1F1E0] =	vst v57  }
0x6ac: {  	v35 =	vmov v53;
	[tilespmem:s10+$0xFFFFFF60] =	vst v30;
	v30 =	vld [tilespmem:$0x1F220];
	v57, _, _ =	vpop (xrf2)  }
0x6ad: {  	[tilespmem:$0x1F160] =	vst v35;
	v35 =	vmul.f32 s22, v54;
	v54 =	vld [tilespmem:$0x1F170];
	(v2sf) =	vpush v57, $0xF;
	v57 =	vmov v49  }
0x6ae: {  	v25 =	vmul.f32 v25, v46;
	v34 =	vmul.f32 v34, v47;
	[tilespmem:$0x1F170] =	vst v57;
	v57 =	vld [tilespmem:$0x1F4B0]  }
0x6af: {  	[tilespmem:s10+$0xFFFFFF90] =	vst v32;
	(xrf2) =	vadd.scan.msk.f32 $0xffff, v24;
	v24 =	vld [tilespmem:$0x1F300]  }
0x6b0: {  	v25 =	vadd.f32 v34, v25;
	v34 =	vld [tilespmem:$0x1F590];
	[tilespmem:$0x1F390] =	vst v55;
	v52 =	vmul.f32 s22, v9  }
0x6b1: {  	v55 =	vld [tilespmem:s20+$0x10];
	[tilespmem:s10+$0xFFFFFFA0] =	vst v23;
	v30 =	vmul.f32 s22, v30  }
0x6b2: {  	v9 =	vld [tilespmem:$0x1F510];
	[tilespmem:s10+$0xFFFFFFB0] =	vst v52  }
0x6b3: {  	v23 =	vld [tilespmem:$0x1F1C0];
	v49, _, _ =	vpop (xrf2);
	v32 =	vmul.f32 s21, v11;
	v11 =	vmov v57;
	v57 =	vmov v50;
	[tilespmem:s10+$0xFFFFFFC0] =	vst v30  }
0x6b4: {  	(v2sf) =	vpush v49, $0xF;
	v49 =	vmov v59;
	[tilespmem:$0x1F1C0] =	vst v57;
	v57 =	vld [tilespmem:$0x1F570]  }
0x6b5: {  	v24 =	vmul.f32 s22, v24;
	v30 =	vld [tilespmem:$0x1F310];
	[tilespmem:$0x1F310] =	vst v49  }
0x6b6: {  	v59 =	vmov v38;
	v38 =	vld [tilespmem:$0x1F3A0];
	[tilespmem:$0x1F180] =	vst v11  }
0x6b7: {  	v54 =	vmul.f32 s21, v54;
	v49 =	vld [tilespmem:s6+$0xFFFFFFA0];
	[tilespmem:s10+$0xFFFFFFD0] =	vst v24;
	v53 =	vmov v9  }
0x6b8: {  	s0 =	smax.f32 s0, $1.000000020e-24;
	v9 =	vld [tilespmem:s6+$0x10];
	[tilespmem:$0x1F1B0] =	vst v53  }
0x6b9: {  	s1 =	sshrl.u32 s0, $0x1;
	s12 =	smul.f32 $5.000000000e-01, s0;
	v53 =	vld [tilespmem:s20+$0x0];
	[tilespmem:s10+$0x0] =	vst v54;
	v50 =	vmov v57  }
0x6ba: {  	s13 =	ssub.s32 $0x5F3759DF, s1;
	v11 =	vld [tilespmem:s6+$0xFFFFFF00];
	v57 =	vmov v56;
	[tilespmem:$0x1F220] =	vst v50  }
0x6bb: {  	s1 =	smul.f32 s13, s12;
	v24 =	vld [tilespmem:$0x1F370];
	v56 =	vmul.f32 s21, v48;
	v48 =	vmov v58;
	[tilespmem:$0x1F300] =	vst v57  }
0x6bc: {  	s15 =	sadd.s32 $0x200, s15;
	v58 =	vmov v12;
	v57 =	vld [tilespmem:$0x1F1F0];
	[tilespmem:$0x1F1F0] =	vst v48  }
0x6bd: {  	s1 =	smul.f32 s13, s1;
	v54 =	vld [tilespmem:s15+$0xA0];
	v12 =	vmov v43;
	[tilespmem:$0x1F370] =	vst v58  }
0x6be: {  	v43 =	vmov v22;
	v50 =	vld [tilespmem:s6+$0xFFFFFF20];
	[tilespmem:$0x1F360] =	vst v12  }
0x6bf: {  	s1 =	ssub.f32 $1.500000000e+00, s1;
	v26 =	vmul.f32 s22, v26;
	v22 =	vmul.f32 v36, v11;
	[tilespmem:$0x1F3A0] =	vst v43;
	v58 =	vld [tilespmem:s15+$0x90]  }
0x6c0: {  	v48 =	vmov v34;
	v34 =	vmul.f32 v53, v39;
	v53 =	vld [tilespmem:s20+$0xFFFFFFA0];
	[tilespmem:s10+$0xFFFFFFE0] =	vst v35  }
0x6c1: {  	s0 =	smul.f32 s13, s1;
	v12 =	vmul.f32 v55, v9;
	v22 =	vadd.f32 v37, v22;
	v37 =	vld [tilespmem:s15+$0xB0];
	[tilespmem:s10+$0xFFFFFFF0] =	vst v26  }
0x6c2: {  	v23 =	vmul.f32 s21, v23;
	[tilespmem:$0x1F230] =	vst v48;
	v48 =	vld [tilespmem:s15+$0x80]  }
0x6c3: {  	s5 =	smul.f32 s0, s12;
	v26 =	vadd.f32 v12, v34;
	v12 =	vld [tilespmem:s6+$0x20];
	[tilespmem:s10+$0x10] =	vst v32;
	v52 =	vmul.f32 s21, v57  }
0x6c4: {  	[tilespmem:s10+$0x20] =	vst v23;
	v34 =	vld [tilespmem:s15+$0xC0]  }
0x6c5: {  	s22 =	smul.f32 s5, s0;
	v24 =	vmul.f32 s21, v24;
	v55, _, _ =	vpop (xrf2);
	v57 =	vld [tilespmem:s20+$0xFFFFFF20];
	[tilespmem:s10+$0x30] =	vst v52  }
0x6c6: {  	v30 =	vmul.f32 s21, v30;
	v35 =	vmul.f32 s21, v38;
	v38, _, _ =	vpop (xrf2);
	v43 =	vld [tilespmem:s20+$0x20];
	[tilespmem:s10+$0x40] =	vst v56  }
0x6c7: {  	s25 =	ssub.f32 $1.500000000e+00, s22;
	v32 =	vbroadcast v38, $0xF;
	v23 =	vmul.f32 v53, v49;
	[tilespmem:s10+$0x60] =	vst v24;
	v24 =	vld [tilespmem:s15+$0xD0]  }
0x6c8: {  	[tilespmem:s10+$0x50] =	vst v30;
	v56 =	vld [tilespmem:$0x1F5D0]  }
0x6c9: {  	s14 =	spop (v2sf);
	s11 =	smul.f32 s25, s0;
	[tilespmem:s10+$0x70] =	vst v35;
	v30 =	vmul.f32 v32, v37;
	v23 =	vadd.f32 v23, v25;
	v25 =	vmul.f32 v32, v58;
	v58 =	vld [tilespmem:s6+$0xFFFFFF30]  }
0x6ca: {  	s1 =	smax.f32 s14, $1.000000020e-24;
	(v2sf) =	vpush v55, $0xF;
	v36 =	vmul.f32 v32, v48;
	v55 =	vld [tilespmem:s20+$0x30]  }
0x6cb: {  	s4 =	sshrl.u32 s1, $0x1;
	s13 =	smul.f32 $5.000000000e-01, s1;
	v0 =	vmul.f32 s11, v0;
	v52 =	vadd.f32 v30, v21;
	v30 =	vld [tilespmem:s15+$0xF0]  }
0x6cc: {  	s23 =	ssub.s32 $0x5F3759DF, s4;
	v48 =	vadd.f32 v36, v14;
	v36 =	vld [tilespmem:s20+$0xFFFFFFF0];
	v14 =	vadd.f32 v25, v17;
	v17 =	vmul.f32 v32, v54  }
0x6cd: {  	s31 =	smul.f32 s23, s13;
	[tilespmem:$0x1F350] =	vst v59;
	v34 =	vmul.f32 v32, v34;
	v59 =	vmul.f32 v57, v50;
	v25 =	vld [tilespmem:s20+$0xFFFFFF30]  }
0x6ce: {  	v35 =	vmul.f32 v48, v48;
	v38 =	vadd.f32 v17, v20;
	v20 =	vld [tilespmem:s15+$0xE0];
	v57 =	vmul.f32 v14, v14  }
0x6cf: {  	s5 =	smul.f32 s23, s31;
	s10 =	smov.u32 s16;
	s16 =	sadd.s32 $0x200, s16;
	v22 =	vadd.f32 v59, v22;
	v59 =	vmul.f32 s11, v33;
	v17 =	vld [tilespmem:s6+$0xFFFFFFB0];
	v43 =	vmul.f32 v43, v12  }
0x6d0: {  	[tilespmem:s16+$0x90] =	vst v0;
	v0 =	vmul.f32 s11, v45;
	v45 =	vld [tilespmem:$0x1F600];
	v21 =	vadd.f32 v57, v35;
	v57 =	vmul.f32 v38, v38  }
0x6d1: {  	s5 =	ssub.f32 $1.500000000e+00, s5;
	s21 =	spop (v2sf);
	v54 =	vadd.f32 v34, v19;
	v53 =	vmul.f32 v52, v52;
	v24 =	vmul.f32 v24, v32;
	[tilespmem:s16+$0xF0] =	vst v59;
	v59 =	vld [tilespmem:s20+$0xFFFFFFB0]  }
0x6d2: {  	s1 =	smax.f32 s21, $1.000000020e-24;
	s28 =	spop (v2sf);
	v26 =	vadd.f32 v43, v26;
	v43 =	vmul.f32 s11, v3;
	v3 =	vld [tilespmem:s6+$0x30];
	v19 =	vadd.f32 v21, v57  }
0x6d3: {  	s24 =	sshrl.u32 s1, $0x1;
	s14 =	smul.f32 $5.000000000e-01, s1;
	s4 =	smax.f32 s28, $1.000000020e-24;
	[tilespmem:$0x1F070] =	vst v38;
	v15 =	vadd.f32 v24, v15;
	v38 =	vld [tilespmem:s20+$0xFFFFFF40];
	v25 =	vmul.f32 v25, v58  }
0x6d4: {  	s12 =	ssub.s32 $0x5F3759DF, s24;
	s7 =	sshrl.u32 s4, $0x1;
	s28 =	smul.f32 $5.000000000e-01, s4;
	v24 =	vmul.f32 v54, v54;
	[tilespmem:s16+$0xA0] =	vst v0;
	v0 =	vmul.f32 s11, v51;
	v51 =	vld [tilespmem:$0x1F660];
	v19 =	vadd.f32 v19, v53  }
0x6d5: {  	s4 =	spop (v2sf);
	s8 =	ssub.s32 $0x5F3759DF, s7;
	s7 =	smul.f32 s12, s14;
	v25 =	vadd.f32 v25, v22;
	v22 =	vld [tilespmem:s6+$0xFFFFFFC0]  }
0x6d6: {  	s24 =	smax.f32 s4, $1.000000020e-24;
	s22 =	smul.f32 s8, s28;
	v19 =	vadd.f32 v19, v24;
	v24 =	vld [tilespmem:s20+$0xFFFFFFC0]  }
0x6d7: {  	s31 =	spop (v2sf);
	s25 =	sshrl.u32 s24, $0x1;
	s1 =	smul.f32 s12, s7;
	[tilespmem:s16+$0x80] =	vst v43;
	v43 =	vmul.f32 v59, v17;
	v59 =	vld [tilespmem:s6+$0x40]  }
0x6d8: {  	s21 =	ssub.s32 $0x5F3759DF, s25;
	s25 =	smax.f32 s31, $1.000000020e-24;
	v30 =	vmul.f32 v30, v32;
	v53 =	vld [tilespmem:s20+$0x40]  }
0x6d9: {  	s7 =	smul.f32 s8, s22;
	s31 =	sshrl.u32 s25, $0x1;
	s1 =	ssub.f32 $1.500000000e+00, s1;
	v21 =	vld [tilespmem:s6+$0xFFFFFF40];
	[tilespmem:s16+$0xB0] =	vst v0;
	v0 =	vmul.f32 s11, v1  }
0x6da: {  	s22 =	ssub.s32 $0x5F3759DF, s31;
	s31 =	smul.f32 s23, s5;
	v33 =	vadd.f32 v30, v18;
	v1 =	vmul.f32 s11, v2;
	v18 =	vld [tilespmem:s6+$0xFFFFFFD0];
	v20 =	vmul.f32 v20, v32  }
0x6db: {  	s5 =	ssub.f32 $1.500000000e+00, s7;
	s1 =	smul.f32 s12, s1;
	v57 =	vld [tilespmem:$0x1F630];
	v35 =	vmul.f32 v55, v3;
	v23 =	vadd.f32 v43, v23;
	v24 =	vmul.f32 v24, v22  }
0x6dc: {  	s13 =	smul.f32 s31, s13;
	v32 =	vld [tilespmem:s20+$0xFFFFFF60];
	[tilespmem:s16+$0xC0] =	vst v0;
	v0 =	vmul.f32 s11, v5;
	v16 =	vadd.f32 v20, v16;
	v20 =	vmul.f32 v15, v15  }
0x6dd: {  	s8 =	smul.f32 s8, s5;
	[tilespmem:s16+$0xD0] =	vst v1;
	v1 =	vld [tilespmem:s20+$0x50];
	v26 =	vadd.f32 v35, v26;
	v5 =	vadd.f32 v24, v23;
	v24 =	vmul.f32 v53, v59  }
0x6de: {  	s5 =	smul.f32 s13, s31;
	v55 =	vld [tilespmem:s20+$0xFFFFFF50]  }
0x6df: {  	v30 =	vmul.f32 v16, v16;
	v20 =	vadd.f32 v19, v20;
	v24 =	vadd.f32 v24, v26;
	v26 =	vld [tilespmem:$0x1F5C0]  }
0x6e0: {  	s14 =	smul.f32 s1, s14;
	s5 =	ssub.f32 $1.500000000e+00, s5;
	v34 =	vmul.f32 v38, v21;
	v19 =	vld [tilespmem:s6+$0xFFFFFF50]  }
0x6e1: {  	s28 =	smul.f32 s8, s28;
	v20 =	vadd.f32 v20, v30;
	v30 =	vmul.f32 v33, v33;
	v23 =	vld [tilespmem:s6+$0x50]  }
0x6e2: {  	s0 =	spop (v2sf);
	s11 =	smul.f32 s5, s31;
	v2 =	vadd.f32 v34, v25;
	v25 =	vld [tilespmem:s20+$0xFFFFFFD0]  }
0x6e3: {  	s12 =	smax.f32 s0, $1.000000020e-24;
	s4 =	smul.f32 s14, s1;
	v35 =	vld [tilespmem:s20+$0xFFFFFFE0];
	v20 =	vadd.f32 v20, v30  }
0x6e4: {  	s7 =	sshrl.u32 s12, $0x1;
	v53 =	vld [tilespmem:$0x1F680];
	v26 =	vmul.f32 s11, v26  }
0x6e5: {  	s23 =	ssub.s32 $0x5F3759DF, s7;
	s7 =	smul.f32 s28, s8;
	s4 =	ssub.f32 $1.500000000e+00, s4;
	[tilespmem:s16+$0xE0] =	vst v0;
	v0 =	vmul.f32 v55, v19;
	(xrf2) =	vadd.scan.msk.f32 $0xffff, v20;
	v20 =	vld [tilespmem:s6+$0xFFFFFF60]  }
0x6e6: {  	v1 =	vmul.f32 v1, v23;
	v38 =	vadd.f32 v26, v57;
	v26 =	vld [tilespmem:$0x1F5F0]  }
0x6e7: {  	s31 =	ssub.f32 $1.500000000e+00, s7;
	s13 =	smul.f32 s4, s1;
	v0 =	vadd.f32 v0, v2;
	v2 =	vmul.f32 v25, v18;
	v25 =	vld [tilespmem:$0x1F5E0]  }
0x6e8: {  	v1 =	vadd.f32 v1, v24;
	v24 =	vld [tilespmem:$0x1F6A0]  }
0x6e9: {  	s14 =	smul.f32 s31, s8;
	v34 =	vmul.f32 s13, v56;
	v2 =	vadd.f32 v2, v5;
	v5 =	vld [tilespmem:$0x1F640]  }
0x6ea: {  	v56 =	vld [tilespmem:s6+$0xFFFFFFE0]  }
0x6eb: {  	v55 =	vadd.f32 v34, v51;
	v51 =	vld [tilespmem:s6+$0xFFFFFF70];
	v26 =	vmul.f32 s14, v26  }
0x6ec: {  	v30 =	vmul.f32 s11, v44;
	v25 =	vmul.f32 s13, v25;
	v57 =	vld [tilespmem:s6+$0x60]  }
0x6ed: {  	v44 =	vadd.f32 v26, v24;
	v24 =	vld [tilespmem:s20+$0xFFFFFF70]  }
0x6ee: {  	v30 =	vadd.f32 v30, v5;
	v5 =	vld [tilespmem:s20+$0x60];
	v53 =	vadd.f32 v25, v53;
	v25 =	vmul.f32 v32, v20  }
0x6ef: {  	v61 =	vmul.f32 s14, v61;
	v32 =	vld [tilespmem:s6+$0xFFFFFFF0]  }
0x6f0: {  	v43 =	vld [tilespmem:s20+$0x70];
	v37 =	vmul.f32 s11, v45;
	v0 =	vadd.f32 v25, v0;
	v25 =	vmul.f32 v35, v56  }
0x6f1: {  	v45 =	vadd.f32 v61, v31;
	v34 =	vld [tilespmem:s6+$0x70];
	[tilespmem:$0x1F480] =	vst v38;
	v35 =	vmul.f32 v38, v38;
	v26 =	vmul.f32 s13, v40  }
0x6f2: {  	[tilespmem:$0x1F490] =	vst v30;
	v38 =	vmul.f32 v30, v30;
	v30 =	vadd.f32 v37, v27;
	v24 =	vmul.f32 v24, v51  }
0x6f3: {  	v31 =	vmul.f32 s14, v60;
	v2 =	vadd.f32 v25, v2;
	v60 =	vadd.f32 v26, v28;
	v26 =	vld [tilespmem:$0x1F610]  }
0x6f4: {  	v5 =	vmul.f32 v5, v57;
	v0 =	vadd.f32 v24, v0;
	v24 =	vmul.f32 v36, v32  }
0x6f5: {  	[tilespmem:$0x1F500] =	vst v30;
	v36 =	vmul.f32 v30, v30;
	v30 =	vld [tilespmem:$0x1F700]  }
0x6f6: {  	v1 =	vadd.f32 v5, v1;
	v2 =	vadd.f32 v24, v2;
	v24 =	vmul.f32 v43, v34;
	_ =	sdelay $0x1  }
0x6f7: {  	v61, _, _ =	vpop (xrf2);
	v26 =	vmul.f32 s11, v26;
	(xrf2) =	vadd.scan.msk.f32 $0xffff, v0;
	v1 =	vadd.f32 v24, v1  }
0x6f8: {  	s24 =	smul.f32 $5.000000000e-01, s24;
	(v2sf) =	vpush v61, $0xF;
	(xrf2) =	vadd.scan.msk.f32 $0xffff, v2  }
0x6f9: {  	s25 =	smul.f32 $5.000000000e-01, s25;
	v35 =	vadd.f32 v38, v35;
	v61 =	vadd.f32 v26, v30;
	(xrf2) =	vadd.scan.msk.f32 $0xffff, v1;
	v1 =	vld [tilespmem:$0x1F760]  }
0x6fa: {  	s12 =	smul.f32 $5.000000000e-01, s12  }
0x6fb: {  	s5 =	smul.f32 s21, s24;
	v35 =	vadd.f32 v35, v36;
	[tilespmem:$0x1F530] =	vst v61;
	v36 =	vmul.f32 v61, v61;
	v61 =	vld [tilespmem:$0x1F7C0]  }
0x6fc: {  	s7 =	smul.f32 s22, s25;
	v24 =	vmul.f32 s11, v63;
	v30 =	vld [tilespmem:$0x1F720]  }
0x6fd: {  	s0 =	smul.f32 s21, s5  }
0x6fe: {  	s8 =	smul.f32 s23, s12;
	[tilespmem:$0x1F450] =	vst v51;
	v51 =	vadd.f32 v24, v1;
	v1 =	vmul.f32 s11, v8;
	v8 =	vld [tilespmem:$0x1F780]  }
0x6ff: {  	s1 =	smul.f32 s22, s7;
	v28 =	vmul.f32 s13, v62;
	v62 =	vadd.f32 v31, v29;
	v31 =	vld [tilespmem:$0x1F040]  }
0x700: {  	s0 =	ssub.f32 $1.500000000e+00, s0;
	[tilespmem:$0x1F4D0] =	vst v34;
	v25 =	vmul.f32 v53, v53;
	v40 =	vmul.f32 v55, v55;
	v34 =	vadd.f32 v1, v61;
	v1 =	vld [tilespmem:$0x1F7E0]  }
0x701: {  	s4 =	smul.f32 s23, s8;
	s28 =	ssub.f32 $1.500000000e+00, s1;
	v2 =	vmul.f32 s13, v41;
	v63 =	vadd.f32 v28, v30;
	v30 =	vld [tilespmem:$0x1F740]  }
0x702: {  	s31 =	smul.f32 s21, s0;
	v25 =	vadd.f32 v25, v40;
	v26 =	vmul.f32 v60, v60  }
0x703: {  	s8 =	ssub.f32 $1.500000000e+00, s4;
	s21 =	smul.f32 s22, s28;
	[tilespmem:$0x1F510] =	vst v60;
	v60 =	vadd.f32 v2, v8;
	v2 =	vmul.f32 s13, v7;
	v7 =	vld [tilespmem:$0x1F7A0]  }
0x704: {  	v4 =	vmul.f32 s14, v4;
	s22 =	smul.f32 s31, s24;
	v31 =	vmul.f32 s14, v31;
	v25 =	vadd.f32 v25, v26  }
0x705: {  	s0 =	smul.f32 s23, s8;
	v37 =	vmul.f32 v45, v45;
	v27 =	vmul.f32 v44, v44;
	v1 =	vadd.f32 v2, v1;
	v2 =	vld [tilespmem:$0x1F7F0]  }
0x706: {  	s5 =	smul.f32 s21, s25;
	[tilespmem:$0x1F4A0] =	vst v44;
	v40 =	vmul.f32 v63, v63;
	v30 =	vadd.f32 v31, v30;
	v31 =	vmul.f32 s14, v42  }
0x707: {  	s4 =	smul.f32 s22, s31;
	v44 =	vld [tilespmem:s15+$0xFFFFFF00];
	[tilespmem:$0x1F520] =	vst v62;
	v62 =	vmul.f32 v62, v62;
	v0 =	vadd.f32 v37, v27;
	v24 =	vadd.f32 v35, v36  }
0x708: {  	s23 =	smul.f32 s0, s12;
	[tilespmem:$0x1F540] =	vst v63;
	v35 =	vadd.f32 v25, v40;
	v25, _, _ =	vpop (xrf2);
	v63 =	vadd.f32 v31, v7;
	v31 =	vmul.f32 v51, v51  }
0x709: {  	s5 =	smul.f32 s5, s21;
	v38 =	vld [tilespmem:s15+$0xFFFFFF20];
	v0 =	vadd.f32 v0, v62;
	v25 =	vbroadcast v25, $0xF  }
0x70a: {  	s4 =	ssub.f32 $1.500000000e+00, s4;
	s7 =	smul.f32 s23, s0;
	v37 =	vmul.f32 v30, v30;
	v2 =	vadd.f32 v4, v2;
	v4 =	vadd.f32 v24, v31;
	v31 =	vld [tilespmem:$0x1F810]  }
0x70b: {  	[tilespmem:$0x1F4B0] =	vst v45;
	s5 =	ssub.f32 $1.500000000e+00, s5;
	v45 =	vld [tilespmem:s15+$0xFFFFFF90];
	v61 =	vmul.f32 s13, v10  }
0x70c: {  	s24 =	ssub.f32 $1.500000000e+00, s7;
	v5 =	vld [tilespmem:s15+$0xFFFFFF10];
	v10 =	vmul.f32 v25, v44;
	v0 =	vadd.f32 v0, v37;
	v37 =	vmul.f32 v63, v63  }
0x70d: {  	s22 =	smul.f32 s5, s21;
	v29 =	vld [tilespmem:s15+$0xFFFFFF80];
	s25 =	spop (v2sf);
	[tilespmem:$0x1F570] =	vst v60;
	v36 =	vmul.f32 v60, v60;
	v60 =	vmul.f32 s11, v13  }
0x70e: {  	s21 =	smul.f32 s24, s0;
	s0 =	smax.f32 s25, $1.000000020e-24;
	v26 =	vld [tilespmem:s15+$0xFFFFFF30];
	v37 =	vadd.f32 v0, v37  }
0x70f: {  	s28 =	sshrl.u32 s0, $0x1;
	s0 =	smul.f32 $5.000000000e-01, s0;
	v0 =	vmul.f32 v25, v38;
	v38 =	vadd.f32 v60, v31;
	v31 =	vadd.f32 v10, v11;
	v10 =	vld [tilespmem:$0x1F050]  }
0x710: {  	s23 =	smul.f32 s4, s31;
	v43 =	vld [tilespmem:s15+$0x0];
	s1 =	ssub.s32 $0x5F3759DF, s28  }
0x711: {  	s31 =	smul.f32 s1, s0;
	v28 =	vld [tilespmem:s15+$0xFFFFFFA0];
	v24 =	vmul.f32 s14, v6;
	v6, _, _ =	vpop (xrf2)  }
0x712: {  	v27 =	vld [tilespmem:s15+$0x10];
	v5 =	vmul.f32 v25, v5;
	v6 =	vbroadcast v6, $0xF  }
0x713: {  	v41 =	vld [tilespmem:s15+$0x20];
	s4 =	smul.f32 s1, s31;
	v40 =	vadd.f32 v0, v50  }
0x714: {  	v62 =	vld [tilespmem:$0x1F060];
	v0 =	vmul.f32 v6, v29;
	v11, _, _ =	vpop (xrf2);
	v44 =	vadd.f32 v5, v10;
	v5 =	vmul.f32 v25, v26  }
0x715: {  	s4 =	ssub.f32 $1.500000000e+00, s4;
	v42 =	vld [tilespmem:s15+$0xFFFFFFB0];
	v29 =	vmul.f32 v6, v45;
	v11 =	vbroadcast v11, $0xF  }
0x716: {  	v8 =	vld [tilespmem:s15+$0x30];
	v45 =	vadd.f32 v5, v58;
	v5 =	vmul.f32 v6, v28;
	v28 =	vmul.f32 v31, v31  }
0x717: {  	s1 =	smul.f32 s1, s4;
	[tilespmem:$0x1F5C0] =	vst v31;
	v31 =	vadd.f32 v0, v46;
	v46 =	vadd.f32 v29, v47;
	v0 =	vmul.f32 v11, v43;
	v47 =	vld [tilespmem:s9+$0x70]  }
0x718: {  	[tilespmem:$0x1F460] =	vst v32;
	v32 =	vadd.f32 v35, v36;
	v35 =	vadd.f32 v5, v49;
	v5 =	vmul.f32 v11, v27;
	v49 =	vld [tilespmem:s9+$0x60]  }
0x719: {  	s0 =	smul.f32 s1, s0;
	v29 =	vmul.f32 v11, v41;
	v43 =	vadd.f32 v61, v62;
	v41 =	vadd.f32 v0, v39;
	v39 =	vld [tilespmem:s9+$0xFFFFFF70]  }
0x71a: {  	v0 =	vmul.f32 v6, v42;
	[tilespmem:$0x1F5E0] =	vst v46;
	v61 =	vadd.f32 v5, v9;
	v5 =	vmul.f32 v46, v46;
	v46 =	vld [tilespmem:s9+$0xFFFFFFF0];
	s9 =	sadd.s32 $0x200, s9  }
0x71b: {  	s0 =	smul.f32 s0, s1;
	[tilespmem:$0x1F600] =	vst v40;
	v27 =	vmul.f32 v44, v44;
	v60 =	vadd.f32 v29, v12;
	v29 =	vld [tilespmem:s9+$0x80]  }
0x71c: {  	v8 =	vmul.f32 v11, v8;
	[tilespmem:$0x1F5D0] =	vst v31;
	v31 =	vmul.f32 v31, v31;
	v62 =	vadd.f32 v0, v17;
	v0 =	vld [tilespmem:s9+$0xFFFFFF10]  }
0x71d: {  	s0 =	ssub.f32 $1.500000000e+00, s0;
	v9 =	vadd.f32 v27, v28;
	[tilespmem:$0x1F5F0] =	vst v41;
	v12 =	vmul.f32 v41, v41;
	v28 =	vmul.f32 v40, v40;
	v41 =	vld [tilespmem:s9+$0x90]  }
0x71e: {  	v40 =	vmovc v35;
	v5 =	vadd.f32 v5, v31;
	v31 =	vmul.f32 v35, v35;
	v35 =	vadd.f32 v8, v3;
	v3 =	vld [tilespmem:s9+$0xFFFFFF80]  }
0x71f: {  	s0 =	smul.f32 s0, s1  }
0x720: {  	[tilespmem:$0x1F560] =	vst v51;
	v7 =	vld [tilespmem:s15+$0xFFFFFF40]  }
0x721: {  	v51 =	vld [tilespmem:s15+$0xFFFFFFC0];
	v14 =	vmul.f32 s0, v14;
	[tilespmem:$0x1F640] =	vst v0;
	v0 =	vmul.f32 s0, v48  }
0x722: {  	[tilespmem:$0x1F590] =	vst v63;
	v63 =	vld [tilespmem:s15+$0x40]  }
0x723: {  	v27 =	vmul.f32 v61, v61;
	[tilespmem:$0x1F660] =	vst v3;
	v3 =	vadd.f32 v0, v29;
	v0 =	vadd.f32 v14, v41;
	v14 =	vld [tilespmem:$0x1F070]  }
0x724: {  	[tilespmem:$0x1F550] =	vst v1;
	v1 =	vld [tilespmem:s15+$0xFFFFFF50]  }
0x725: {  	v8 =	vadd.f32 v9, v28;
	v28 =	vld [tilespmem:s9+$0xA0];
	v12 =	vadd.f32 v27, v12;
	v27 =	vmul.f32 v60, v60  }
0x726: {  	v7 =	vmul.f32 v25, v7;
	v42 =	vld [tilespmem:s9+$0xFFFFFF00];
	v9 =	vmul.f32 v6, v51  }
0x727: {  	v17 =	vmul.f32 v11, v63;
	v12 =	vadd.f32 v12, v27;
	v27 =	vld [tilespmem:s9+$0xB0]  }
0x728: {  	v63 =	vadd.f32 v7, v21;
	v41 =	vadd.f32 v9, v22;
	v22 =	vld [tilespmem:s9+$0x0];
	v14 =	vmul.f32 s0, v14  }
0x729: {  	[tilespmem:$0x1F580] =	vst v2;
	v21 =	vmul.f32 s0, v52;
	v5 =	vadd.f32 v5, v31;
	v31 =	vmul.f32 v45, v45;
	v29 =	vld [tilespmem:s9+$0xC0]  }
0x72a: {  	v2 =	vld [tilespmem:s15+$0xFFFFFFD0];
	[tilespmem:$0x1F610] =	vst v45;
	v45 =	vadd.f32 v14, v28;
	v14 =	vmul.f32 v3, v3;
	v28 =	vmul.f32 v0, v0  }
0x72b: {  	[tilespmem:$0x1F630] =	vst v42;
	v48 =	vmul.f32 v62, v62;
	v42 =	vadd.f32 v17, v59;
	v17 =	vld [tilespmem:s9+$0xD0];
	v9 =	vmul.f32 s0, v54  }
0x72c: {  	v51 =	vadd.f32 v21, v27;
	v14 =	vadd.f32 v28, v14;
	v21 =	vmul.f32 v45, v45  }
0x72d: {  	v13 =	vld [tilespmem:s15+$0xFFFFFF60];
	v59 =	vadd.f32 v8, v31;
	v8 =	vmul.f32 s0, v15;
	[tilespmem:$0x1F6A0] =	vst v22;
	v22 =	vmul.f32 v1, v25  }
0x72e: {  	v36 =	vld [tilespmem:s15+$0xFFFFFFE0];
	v1 =	vadd.f32 v9, v29;
	v9 =	vadd.f32 v14, v21;
	v14 =	vmul.f32 v51, v51  }
0x72f: {  	v15 =	vld [tilespmem:s9+$0xE0];
	v48 =	vadd.f32 v5, v48;
	v5 =	vmul.f32 s0, v16;
	v21 =	vmul.f32 v2, v6  }
0x730: {  	v16 =	vld [tilespmem:s9+$0xF0];
	v2 =	vadd.f32 v8, v17;
	v8 =	vadd.f32 v9, v14;
	v9 =	vmul.f32 v1, v1  }
0x731: {  	[tilespmem:$0x1F5A0] =	vst v4;
	v4 =	vld [tilespmem:s15+$0x50];
	v7 =	vmul.f32 v35, v35  }
0x732: {  	v9 =	vadd.f32 v8, v9;
	v8 =	vadd.f32 v22, v19;
	v19 =	vld [tilespmem:s9+$0xFFFFFFB0]  }
0x733: {  	v50 =	vld [tilespmem:s15+$0xFFFFFFF0];
	v12 =	vadd.f32 v12, v7;
	v7 =	vmul.f32 s0, v33  }
0x734: {  	v26 =	vld [tilespmem:s15+$0x60];
	v5 =	vadd.f32 v5, v15;
	v14 =	vmul.f32 v2, v2  }
0x735: {  	v58 =	vld [tilespmem:s15+$0x70];
	v33 =	vadd.f32 v7, v16  }
0x736: {  	v7 =	vadd.f32 v21, v18;
	v18 =	vld [tilespmem:s9+$0x30];
	v9 =	vadd.f32 v9, v14;
	v14 =	vmul.f32 v5, v5  }
0x737: {  	[tilespmem:$0x1F720] =	vst v19;
	v19 =	vld [tilespmem:s9+$0xFFFFFFC0]  }
0x738: {  	v10 =	vld [tilespmem:s15+$0xFFFFFF70];
	v9 =	vadd.f32 v9, v14;
	v14 =	vmul.f32 v33, v33  }
0x739: {  	v22 =	vld [tilespmem:s9+$0x40]  }
0x73a: {  	v17 =	vld [tilespmem:s9+$0xFFFFFF30];
	v9 =	vadd.f32 v9, v14  }
0x73b: {  	v4 =	vmul.f32 v4, v11;
	v16 =	vmul.f32 v42, v42;
	[tilespmem:$0x1F740] =	vst v18;
	v18 =	vld [tilespmem:s9+$0xFFFFFF40]  }
0x73c: {  	(xrf2) =	vadd.scan.msk.f32 $0xffff, v9;
	v9 =	vmul.f32 v58, v11;
	[tilespmem:$0x1F780] =	vst v19;
	v19 =	vmul.f32 v26, v11;
	v11 =	vld [tilespmem:s9+$0x50]  }
0x73d: {  	v52 =	vld [tilespmem:s9+$0xFFFFFF90]  }
0x73e: {  	[tilespmem:$0x1F7A0] =	vst v22;
	v22 =	vadd.f32 v12, v16;
	v16 =	vld [tilespmem:s9+$0xFFFFFFD0]  }
0x73f: {  	v13 =	vmul.f32 v13, v25;
	v4 =	vadd.f32 v4, v23;
	[tilespmem:$0x1F700] =	vst v17;
	v14 =	vld [tilespmem:s9+$0xFFFFFF50]  }
0x740: {  	s3 =	sadd.s32 $0x4, s3;
	v15 =	vmul.f32 v63, v63;
	v17 =	vmul.f32 v41, v41;
	[tilespmem:$0x1F760] =	vst v18  }
0x741: {  	p0 =	slt.u32 s3, $0x3C;
	v13 =	vadd.f32 v13, v20;
	v23 =	vmul.f32 v4, v4;
	v18 =	vmul.f32 v36, v6;
	[tilespmem:$0x1F7F0] =	vst v11;
	v11 =	vld [tilespmem:s9+$0xFFFFFF60]  }
.Ltmp2:
0x742: {  	[tilespmem:$0x1F680] =	vst v52;
	v31 =	vld [tilespmem:s9+$0x10];
	v15 =	vadd.f32 v59, v15;
	v21 =	vmul.f32 v8, v8;
	v17 =	vadd.f32 v48, v17;
	(pc) =	sbr.rel @p0 .LBB2_7-.Ltmp2, $4  }
0x743: {  	v27 =	vld [tilespmem:s9+$0xFFFFFF20];
	v12 =	vmul.f32 v10, v25;
	v36 =	vmov v32;
	v10 =	vadd.f32 v18, v56;
	[tilespmem:$0x1F7E0] =	vst v16  }
0x744: {  	v29 =	vld [tilespmem:s9+$0x20];
	v16 =	vmul.f32 v50, v6;
	[tilespmem:$0x1F7C0] =	vst v14;
	v14 =	vmul.f32 v7, v7;
	v6 =	vadd.f32 v19, v57  }
0x745: {  	v59 =	vld [tilespmem:s9+$0xFFFFFFE0];
	v58 =	vmovc v30;
	v18 =	vadd.f32 v15, v21;
	v15 =	vadd.f32 v22, v23;
	v19 =	vmul.f32 v13, v13  }
0x746: {  	s6 =	sadd.s32 $0x200, s6;
	v28 =	vld [tilespmem:s9+$0xFFFFFFA0];
	v20 =	vmul.f32 v10, v10;
	v21 =	vmul.f32 v6, v6;
	[tilespmem:$0x1F810] =	vst v11;
	v11 =	vadd.f32 v17, v14  }
0x747: {  	v14 =	vld [tilespmem:$0x1F450]  }
0x748: {  	v25 =	vld [tilespmem:$0x1F460];
	_ =	sdelay $0x1  }
0x749: {  	v30 =	vld [tilespmem:$0x1F4D0];
	_ =	sdelay $0x1  }
0x74a: {  	v50 =	vadd.f32 v12, v14  }
0x74b: {  	v48 =	vadd.f32 v16, v25  }
0x74c: {  	v26 =	vadd.f32 v18, v19;
	v14 =	vmul.f32 v50, v50  }
0x74d: {  	v32 =	vadd.f32 v11, v20;
	v54 =	vadd.f32 v9, v30;
	v52 =	vmul.f32 v48, v48  }
0x74e: {  	v12 =	vadd.f32 v26, v14  }
0x74f: {  	v56 =	vadd.f32 v15, v21;
	v57 =	vmul.f32 v54, v54;
	v9 =	vadd.f32 v32, v52  }
0x750: {  	(xrf2) =	vadd.scan.msk.f32 $0xffff, v12  }
0x751: {  	v11 =	vadd.f32 v56, v57;
	(xrf2) =	vadd.scan.msk.f32 $0xffff, v9;
	_ =	sdelay $0x1  }
0x752: {  	(xrf2) =	vadd.scan.msk.f32 $0xffff, v11;
	_ =	sdelay $0x5  }
0x753: {  	v14, _, _ =	vpop (xrf2)  }
0x754: {  	(v2sf) =	vpush v14, $0xF;
	v15, _, _ =	vpop (xrf2)  }
0x755: {  	(v2sf) =	vpush v15, $0xF;
	v16, _, _ =	vpop (xrf2)  }
0x756: {  	(v2sf) =	vpush v16, $0xF  }
0x757: {  	v17, _, _ =	vpop (xrf2)  }
0x758: {  	(v2sf) =	vpush v17, $0xF;
	_ =	sdelay $0x7  }
0x759: {  	v23 =	vld [tilespmem:$0x1F2D0]  }
0x75a: {  	v20 =	vld [tilespmem:$0x1F5A0]  }
0x75b: {  	v21 =	vld [tilespmem:$0x1F2C0]  }
0x75c: {  	v52 =	vld [tilespmem:$0x1F550];
	s6 =	spop (v2sf)  }
0x75d: {  	v9 =	vadd.f32 v24, v49;
	v49 =	vld [tilespmem:$0x1F580];
	s0 =	spop (v2sf)  }
0x75e: {  	v18 =	vmul.f32 v34, v34;
	v17 =	vld [tilespmem:$0x1F2E0];
	s0 =	smax.f32 s0, $1.000000020e-24;
	s1 =	spop (v2sf)  }
0x75f: {  	s3 =	sshrl.u32 s0, $0x1;
	s0 =	smul.f32 $5.000000000e-01, s0;
	s1 =	smax.f32 s1, $1.000000020e-24  }
0x760: {  	v14 =	vadd.f32 v20, v18;
	v24 =	vmul.f32 v38, v38;
	s5 =	spop (v2sf);
	s3 =	ssub.s32 $0x5F3759DF, s3;
	s4 =	smul.f32 $5.000000000e-01, s1  }
0x761: {  	v25 =	vmul.f32 v43, v43;
	v11 =	vmul.f32 s11, v21;
	s1 =	sshrl.u32 s1, $0x1;
	s5 =	smax.f32 s5, $1.000000020e-24;
	s7 =	smul.f32 s3, s0  }
0x762: {  	v19 =	vmul.f32 v52, v52;
	v14 =	vadd.f32 v14, v24;
	v16 =	vmul.f32 s13, v23;
	s1 =	ssub.s32 $0x5F3759DF, s1;
	s8 =	sshrl.u32 s5, $0x1;
	s5 =	smul.f32 $5.000000000e-01, s5  }
0x763: {  	v30 =	vadd.f32 v11, v39;
	v22 =	vmul.f32 v49, v49;
	v17 =	vmul.f32 s14, v17;
	s8 =	ssub.s32 $0x5F3759DF, s8;
	s20 =	smul.f32 s1, s4  }
0x764: {  	v26 =	vmul.f32 v9, v9;
	v12 =	vadd.f32 v36, v19;
	v19 =	vadd.f32 v16, v46;
	s12 =	smul.f32 s8, s5  }
0x765: {  	v32 =	vmul.f32 v30, v30;
	v15 =	vadd.f32 v37, v22;
	v11 =	vadd.f32 v17, v47;
	s7 =	smul.f32 s3, s7  }
0x766: {  	v57 =	vmov v34;
	v12 =	vadd.f32 v12, v25;
	v34 =	vmul.f32 v19, v19;
	s11 =	smul.f32 s1, s20  }
0x767: {  	v14 =	vadd.f32 v14, v32;
	v15 =	vadd.f32 v15, v26;
	v36 =	vmul.f32 v11, v11;
	s7 =	ssub.f32 $1.500000000e+00, s7;
	s12 =	smul.f32 s8, s12  }
0x768: {  	v12 =	vadd.f32 v12, v34;
	s11 =	ssub.f32 $1.500000000e+00, s11  }
0x769: {  	(xrf2) =	vadd.scan.msk.f32 $0xffff, v14;
	v15 =	vadd.f32 v15, v36;
	s3 =	smul.f32 s3, s7;
	s24 =	ssub.f32 $1.500000000e+00, s12  }
0x76a: {  	(xrf2) =	vadd.scan.msk.f32 $0xffff, v12;
	s1 =	smul.f32 s1, s11  }
0x76b: {  	(xrf2) =	vadd.scan.msk.f32 $0xffff, v15;
	s7 =	smul.f32 s8, s24  }
0x76c: {  	s0 =	smul.f32 s3, s0  }
0x76d: {  	s4 =	smul.f32 s1, s4  }
0x76e: {  	s0 =	smul.f32 s0, s3  }
0x76f: {  	s5 =	smul.f32 s7, s5  }
0x770: {  	v39 =	vld [tilespmem:$0x1F5C0];
	s4 =	smul.f32 s4, s1  }
0x771: {  	v23 =	vld [tilespmem:$0x1F630];
	s0 =	ssub.f32 $1.500000000e+00, s0;
	s5 =	smul.f32 s5, s7  }
0x772: {  	v26 =	vld [tilespmem:$0x1F640];
	s4 =	ssub.f32 $1.500000000e+00, s4  }
0x773: {  	v24 =	vld [tilespmem:$0x1F5D0];
	v37, _, _ =	vpop (xrf2);
	s25 =	smul.f32 s0, s3;
	s28 =	ssub.f32 $1.500000000e+00, s5  }
0x774: {  	v56 =	vmov v38;
	v25 =	vld [tilespmem:$0x1F5E0];
	(v2sf) =	vpush v37, $0xF;
	v38, _, _ =	vpop (xrf2);
	s11 =	smul.f32 s4, s1  }
0x775: {  	(v2sf) =	vpush v38, $0xF;
	v38 =	vld [tilespmem:$0x1F600];
	v46, _, _ =	vpop (xrf2);
	v12 =	vmul.f32 s25, v39;
	s31 =	smul.f32 s28, s7;
	v47 =	vmul.f32 s25, v44  }
0x776: {  	v32 =	vld [tilespmem:$0x1F5F0];
	(v2sf) =	vpush v46, $0xF;
	v46 =	vmul.f32 s11, v40  }
0x777: {  	v22 =	vadd.f32 v12, v23;
	v23 =	vadd.f32 v47, v26;
	v47 =	vmul.f32 s31, v60;
	v60 =	vld [tilespmem:$0x1F610]  }
0x778: {  	v36 =	vld [tilespmem:$0x1F660]  }
0x779: {  	v20 =	vadd.f32 v46, v28;
	v46 =	vld [tilespmem:$0x1F700]  }
0x77a: {  	v37 =	vld [tilespmem:$0x1F680];
	v39 =	vmul.f32 s25, v38  }
0x77b: {  	v12 =	vmul.f32 s11, v24;
	v34 =	vmul.f32 s31, v61  }
0x77c: {  	v44 =	vld [tilespmem:$0x1F6A0];
	v15 =	vmul.f32 s11, v25;
	v26 =	vadd.f32 v39, v27;
	v61 =	vmul.f32 s25, v60  }
0x77d: {  	v14 =	vmul.f32 s31, v32;
	v17 =	vadd.f32 v12, v36;
	v12 =	vadd.f32 v34, v31  }
0x77e: {  	v32 =	vmul.f32 v22, v22;
	v34 =	vmul.f32 v23, v23;
	v27 =	vadd.f32 v61, v46;
	v61 =	vld [tilespmem:$0x1F740]  }
0x77f: {  	v16 =	vadd.f32 v15, v37  }
0x780: {  	v15 =	vadd.f32 v47, v29;
	v47 =	vmul.f32 v26, v26;
	v24 =	vadd.f32 v34, v32  }
0x781: {  	v14 =	vadd.f32 v14, v44;
	v44 =	vmul.f32 s31, v35;
	v60 =	vld [tilespmem:$0x1F720]  }
0x782: {  	v40 =	vmul.f32 s11, v62;
	v36 =	vmul.f32 v16, v16;
	v34 =	vadd.f32 v24, v47;
	v47 =	vld [tilespmem:$0x1F760]  }
0x783: {  	v25 =	vmul.f32 v17, v17;
	v38 =	vmul.f32 v12, v12;
	v18 =	vadd.f32 v44, v61;
	v61 =	vld [tilespmem:$0x1F780]  }
0x784: {  	v37 =	vmul.f32 v14, v14;
	v44 =	vmul.f32 s11, v41;
	v41 =	vld [tilespmem:$0x1F130]  }
0x785: {  	v63 =	vmul.f32 s25, v63;
	v39 =	vadd.f32 v36, v25  }
0x786: {  	v28 =	vadd.f32 v38, v37;
	v25 =	vadd.f32 v40, v60;
	v40 =	vmul.f32 v15, v15  }
0x787: {  	v60 =	vmul.f32 v27, v27  }
0x788: {  	v62 =	vmul.f32 v20, v20;
	v32 =	vld [tilespmem:$0x1F7C0];
	v36 =	vadd.f32 v28, v40;
	v28 =	vadd.f32 v63, v47  }
0x789: {  	v63 =	vadd.f32 v34, v60;
	v24 =	vadd.f32 v44, v61;
	v34 =	vmul.f32 s23, v41;
	v44 =	vld [tilespmem:$0x1F140]  }
0x78a: {  	v29 =	vadd.f32 v39, v62;
	v62 =	vld [tilespmem:$0x1F7A0]  }
0x78b: {  	v60 =	vld [tilespmem:$0x1F1A0];
	[tilespmem:s10+$0xFFFFFF00] =	vst v34  }
0x78c: {  	v34 =	vld [tilespmem:$0x1F1D0]  }
0x78d: {  	v46 =	vmul.f32 s31, v42  }
0x78e: {  	v42 =	vmul.f32 v25, v25;
	v37 =	vmul.f32 s23, v44;
	_ =	sdelay $0x1  }
0x78f: {  	v47 =	vld [tilespmem:s9+$0xFFFFFF70];
	v35 =	vadd.f32 v29, v42;
	v29 =	vmul.f32 s23, v60;
	[tilespmem:s10+$0xFFFFFF10] =	vst v37  }
0x790: {  	v34 =	vmul.f32 s23, v34;
	v37 =	vld [tilespmem:$0x1F210]  }
0x791: {  	v21 =	vadd.f32 v46, v62;
	v62 =	vld [tilespmem:$0x1F810];
	[tilespmem:s10+$0xFFFFFF20] =	vst v29  }
0x792: {  	v29 =	vld [tilespmem:$0x1F2F0];
	[tilespmem:s10+$0xFFFFFF30] =	vst v34  }
0x793: {  	v34 =	vld [tilespmem:$0x1F350]  }
0x794: {  	v46 =	vmul.f32 v28, v28  }
0x795: {  	v37 =	vmul.f32 s23, v37  }
0x796: {  	v31 =	vadd.f32 v63, v46;
	v63 =	vmul.f32 s25, v50  }
0x797: {  	v44 =	vmul.f32 s23, v29;
	[tilespmem:s10+$0xFFFFFF40] =	vst v37  }
0x798: {  	v29 =	vadd.f32 v63, v47;
	v34 =	vmul.f32 s23, v34;
	v47 =	vld [tilespmem:$0x1F7E0]  }
0x799: {  	v37 =	vld [tilespmem:$0x1F380];
	[tilespmem:s10+$0xFFFFFF50] =	vst v44  }
0x79a: {  	[tilespmem:s10+$0xFFFFFF60] =	vst v34  }
0x79b: {  	v40 =	vld [tilespmem:$0x1F150];
	_ =	sdelay $0x2  }
0x79c: {  	v50 =	vmul.f32 v18, v18  }
0x79d: {  	v37 =	vmul.f32 s23, v37  }
0x79e: {  	v63 =	vadd.f32 v36, v50;
	v36 =	vmul.f32 s22, v40  }
0x79f: {  	v8 =	vmul.f32 s25, v8;
	[tilespmem:s10+$0xFFFFFF70] =	vst v37  }
0x7a0: {  	[tilespmem:s10+$0xFFFFFF80] =	vst v36  }
0x7a1: {  	v13 =	vmul.f32 s25, v13;
	v8 =	vadd.f32 v8, v32;
	v36 =	vld [tilespmem:$0x1F160];
	_ =	sdelay $0x1  }
0x7a2: {  	v61 =	vmul.f32 v8, v8;
	v13 =	vadd.f32 v13, v62;
	_ =	sdelay $0x1  }
0x7a3: {  	v31 =	vadd.f32 v31, v61;
	v46 =	vmul.f32 v13, v13  }
0x7a4: {  	v36 =	vmul.f32 s22, v36  }
0x7a5: {  	v31 =	vadd.f32 v31, v46;
	v46 =	vld [tilespmem:$0x1F1B0]  }
0x7a6: {  	[tilespmem:s10+$0xFFFFFF90] =	vst v36  }
0x7a7: {  	v36 =	vld [tilespmem:$0x1F1E0]  }
0x7a8: {  	v7 =	vmul.f32 s11, v7;
	_ =	sdelay $0x1  }
0x7a9: {  	v7 =	vadd.f32 v7, v47;
	v47 =	vmul.f32 s22, v46  }
0x7aa: {  	v10 =	vmul.f32 s11, v10  }
0x7ab: {  	[tilespmem:s10+$0xFFFFFFA0] =	vst v47;
	v36 =	vmul.f32 s22, v36  }
0x7ac: {  	v10 =	vadd.f32 v10, v59;
	v59 =	vld [tilespmem:$0x1F7F0]  }
0x7ad: {  	v37 =	vld [tilespmem:$0x1F220];
	[tilespmem:s10+$0xFFFFFFB0] =	vst v36  }
0x7ae: {  	v36 =	vld [tilespmem:$0x1F300];
	_ =	sdelay $0x3  }
0x7af: {  	v37 =	vmul.f32 s22, v37  }
0x7b0: {  	v36 =	vmul.f32 s22, v36  }
0x7b1: {  	[tilespmem:s10+$0xFFFFFFC0] =	vst v37  }
0x7b2: {  	v37 =	vld [tilespmem:$0x1F360];
	[tilespmem:s10+$0xFFFFFFD0] =	vst v36  }
0x7b3: {  	v36 =	vld [tilespmem:$0x1F390];
	_ =	sdelay $0x1  }
0x7b4: {  	v60 =	vmul.f32 v24, v24;
	v61 =	vld [tilespmem:s9+$0xFFFFFFF0]  }
0x7b5: {  	v62 =	vmul.f32 v29, v29  }
0x7b6: {  	v35 =	vadd.f32 v35, v60;
	v44 =	vmul.f32 s11, v48;
	v37 =	vmul.f32 s22, v37  }
0x7b7: {  	v31 =	vadd.f32 v31, v62;
	v42 =	vmul.f32 v7, v7;
	v36 =	vmul.f32 s22, v36  }
0x7b8: {  	v50 =	vmul.f32 v10, v10;
	[tilespmem:s10+$0xFFFFFFE0] =	vst v37  }
0x7b9: {  	(xrf2) =	vadd.scan.msk.f32 $0xffff, v31;
	v31 =	vadd.f32 v44, v61;
	v35 =	vadd.f32 v35, v42;
	v37 =	vld [tilespmem:$0x1F170];
	[tilespmem:s10+$0xFFFFFFF0] =	vst v36  }
0x7ba: {  	v40 =	vld [tilespmem:$0x1F180]  }
0x7bb: {  	v62 =	vmul.f32 v31, v31;
	v35 =	vadd.f32 v35, v50;
	_ =	sdelay $0x1  }
0x7bc: {  	v35 =	vadd.f32 v35, v62  }
0x7bd: {  	s5 =	smax.f32 s6, $1.000000020e-24;
	v37 =	vmul.f32 s21, v37  }
0x7be: {  	s6 =	sshrl.u32 s5, $0x1;
	s0 =	smul.f32 $5.000000000e-01, s5;
	(xrf2) =	vadd.scan.msk.f32 $0xffff, v35;
	v35 =	vmul.f32 s21, v40  }
0x7bf: {  	s1 =	ssub.s32 $0x5F3759DF, s6;
	v61 =	vld [tilespmem:s9+$0x70];
	[tilespmem:s10+$0x0] =	vst v37  }
0x7c0: {  	s7 =	smul.f32 s1, s0;
	v36 =	vld [tilespmem:$0x1F1C0];
	[tilespmem:s10+$0x10] =	vst v35  }
0x7c1: {  	v35 =	vld [tilespmem:$0x1F1F0]  }
0x7c2: {  	s4 =	smul.f32 s1, s7;
	v42 =	vld [tilespmem:$0x1F230];
	_ =	sdelay $0x1  }
0x7c3: {  	s4 =	ssub.f32 $1.500000000e+00, s4  }
0x7c4: {  	v38 =	vmul.f32 s31, v54;
	v36 =	vmul.f32 s21, v36  }
0x7c5: {  	s1 =	smul.f32 s1, s4;
	v35 =	vmul.f32 s21, v35  }
0x7c6: {  	v32 =	vadd.f32 v38, v61;
	[tilespmem:s10+$0x20] =	vst v36;
	v38 =	vmul.f32 s21, v42  }
0x7c7: {  	s0 =	smul.f32 s1, s0;
	[tilespmem:s10+$0x30] =	vst v35  }
0x7c8: {  	v35 =	vld [tilespmem:$0x1F310];
	[tilespmem:s10+$0x40] =	vst v38  }
0x7c9: {  	s0 =	smul.f32 s0, s1;
	v47 =	vld [tilespmem:$0x1F370]  }
0x7ca: {  	s8 =	spop (v2sf)  }
0x7cb: {  	s4 =	smax.f32 s8, $1.000000020e-24;
	s0 =	ssub.f32 $1.500000000e+00, s0  }
0x7cc: {  	s11 =	sshrl.u32 s4, $0x1;
	s4 =	smul.f32 $5.000000000e-01, s4  }
0x7cd: {  	s0 =	smul.f32 s0, s1;
	v48 =	vld [tilespmem:s9+$0x60];
	s5 =	ssub.s32 $0x5F3759DF, s11;
	v35 =	vmul.f32 s21, v35  }
0x7ce: {  	s13 =	smul.f32 s5, s4;
	v36 =	vmul.f32 s21, v47  }
0x7cf: {  	v4 =	vmul.f32 s31, v4;
	v33 =	vmul.f32 s0, v33;
	[tilespmem:s10+$0x50] =	vst v35  }
0x7d0: {  	v6 =	vmul.f32 s31, v6;
	s31 =	sadd.s32 $0x200, s16;
	v3 =	vmul.f32 s0, v3;
	s20 =	smul.f32 s5, s13;
	v35 =	vld [tilespmem:$0x1F3A0];
	[tilespmem:s10+$0x60] =	vst v36  }
0x7d1: {  	v0 =	vmul.f32 s0, v0;
	[tilespmem:s31+$0xF0] =	vst v33  }
0x7d2: {  	v6 =	vadd.f32 v6, v48;
	v48 =	vmul.f32 s0, v45;
	s6 =	ssub.f32 $1.500000000e+00, s20;
	[tilespmem:s31+$0x80] =	vst v3  }
0x7d3: {  	v51 =	vmul.f32 s0, v51;
	[tilespmem:s31+$0x90] =	vst v0  }
0x7d4: {  	v1 =	vmul.f32 s0, v1;
	s5 =	smul.f32 s5, s6;
	[tilespmem:s31+$0xA0] =	vst v48  }
0x7d5: {  	v54 =	vmul.f32 s0, v2;
	[tilespmem:s31+$0xB0] =	vst v51  }
0x7d6: {  	s4 =	smul.f32 s5, s4;
	[tilespmem:s31+$0xC0] =	vst v1;
	v35 =	vmul.f32 s21, v35  }
0x7d7: {  	[tilespmem:s31+$0xD0] =	vst v54  }
0x7d8: {  	s4 =	smul.f32 s4, s5;
	[tilespmem:s10+$0x70] =	vst v35  }
0x7d9: {  	s12 =	spop (v2sf);
	v4 =	vadd.f32 v4, v59;
	v59 =	vmul.f32 s0, v5;
	v0 =	vld [tilespmem:$0x1F480]  }
0x7da: {  	s14 =	smax.f32 s12, $1.000000020e-24;
	s4 =	ssub.f32 $1.500000000e+00, s4  }
0x7db: {  	s1 =	smul.f32 $5.000000000e-01, s14;
	s22 =	sshrl.u32 s14, $0x1;
	[tilespmem:s31+$0xE0] =	vst v59  }
0x7dc: {  	s4 =	smul.f32 s4, s5;
	s7 =	ssub.s32 $0x5F3759DF, s22;
	v1 =	vld [tilespmem:$0x1F490]  }
0x7dd: {  	s24 =	smul.f32 s7, s1  }
0x7de: {  	v0 =	vmul.f32 s4, v0  }
0x7df: {  	s9 =	smul.f32 s7, s24  }
0x7e0: {  	[tilespmem:s16+$0xFFFFFF00] =	vst v0  }
0x7e1: {  	s9 =	ssub.f32 $1.500000000e+00, s9;
	v1 =	vmul.f32 s4, v1;
	v0 =	vld [tilespmem:$0x1F500];
	_ =	sdelay $0x1  }
0x7e2: {  	s7 =	smul.f32 s7, s9;
	[tilespmem:s16+$0xFFFFFF10] =	vst v1  }
0x7e3: {  	v1 =	vld [tilespmem:$0x1F530]  }
0x7e4: {  	s5 =	smul.f32 s7, s1  }
0x7e5: {  	v0 =	vmul.f32 s4, v0  }
0x7e6: {  	s0 =	smul.f32 s5, s7  }
0x7e7: {  	v60 =	vmul.f32 v21, v21;
	[tilespmem:s16+$0xFFFFFF20] =	vst v0  }
0x7e8: {  	s0 =	ssub.f32 $1.500000000e+00, s0;
	v1 =	vmul.f32 s4, v1;
	v0 =	vld [tilespmem:$0x1F560]  }
0x7e9: {  	v34 =	vadd.f32 v63, v60;
	v61 =	vmul.f32 s4, v57;
	v63 =	vmul.f32 v4, v4  }
0x7ea: {  	v62 =	vmul.f32 s4, v56;
	s0 =	smul.f32 s0, s7;
	[tilespmem:s16+$0xFFFFFF30] =	vst v1  }
0x7eb: {  	v34 =	vadd.f32 v34, v63;
	v63 =	vmul.f32 s4, v30;
	[tilespmem:s16+$0xFFFFFF50] =	vst v61  }
0x7ec: {  	v5 =	vmul.f32 s0, v55;
	[tilespmem:s16+$0xFFFFFF60] =	vst v62  }
0x7ed: {  	v46, _, _ =	vpop (xrf2);
	[tilespmem:s16+$0xFFFFFF70] =	vst v63;
	v0 =	vmul.f32 s4, v0  }
0x7ee: {  	s15 =	spop (v2sf);
	(v2sf) =	vpush v46, $0xF;
	[tilespmem:s16+$0xFFFFFF80] =	vst v5  }
0x7ef: {  	v41 =	vmul.f32 v6, v6;
	[tilespmem:s16+$0xFFFFFF40] =	vst v0  }
0x7f0: {  	v0 =	vld [tilespmem:$0x1F510]  }
0x7f1: {  	s3 =	smax.f32 s15, $1.000000020e-24;
	v44 =	vmul.f32 v32, v32;
	v34 =	vadd.f32 v34, v41  }
0x7f2: {  	s23 =	smul.f32 $5.000000000e-01, s3;
	s3 =	sshrl.u32 s3, $0x1;
	v30 =	vmul.f32 s0, v53  }
0x7f3: {  	s25 =	ssub.s32 $0x5F3759DF, s3;
	v34 =	vadd.f32 v34, v44  }
0x7f4: {  	s28 =	smul.f32 s25, s23;
	[tilespmem:s16+$0xFFFFFF90] =	vst v30  }
0x7f5: {  	(xrf2) =	vadd.scan.msk.f32 $0xffff, v34;
	v1 =	vld [tilespmem:$0x1F540];
	v0 =	vmul.f32 s0, v0  }
0x7f6: {  	s6 =	smul.f32 s25, s28;
	v50, _, _ =	vpop (xrf2)  }
0x7f7: {  	(v2sf) =	vpush v50, $0xF;
	[tilespmem:s16+$0xFFFFFFA0] =	vst v0  }
0x7f8: {  	s6 =	ssub.f32 $1.500000000e+00, s6;
	v0 =	vld [tilespmem:$0x1F570];
	_ =	sdelay $0x1  }
0x7f9: {  	s1 =	smul.f32 s25, s6;
	v1 =	vmul.f32 s0, v1  }
0x7fa: {  	v33 =	vmul.f32 s0, v52  }
0x7fb: {  	s8 =	smul.f32 s1, s23;
	v34 =	vmul.f32 s0, v43;
	[tilespmem:s16+$0xFFFFFFB0] =	vst v1  }
0x7fc: {  	s9 =	spop (v2sf);
	[tilespmem:s16+$0xFFFFFFD0] =	vst v33;
	v0 =	vmul.f32 s0, v0  }
0x7fd: {  	s6 =	smax.f32 s9, $1.000000020e-24;
	s5 =	smul.f32 s8, s1;
	[tilespmem:s16+$0xFFFFFFE0] =	vst v34  }
0x7fe: {  	v60, _, _ =	vpop (xrf2);
	s10 =	sshrl.u32 s6, $0x1;
	s6 =	smul.f32 $5.000000000e-01, s6;
	[tilespmem:s16+$0xFFFFFFC0] =	vst v0  }
0x7ff: {  	(v2sf) =	vpush v60, $0xF;
	s5 =	ssub.f32 $1.500000000e+00, s5;
	s11 =	ssub.s32 $0x5F3759DF, s10;
	v0 =	vld [tilespmem:$0x1F4A0]  }
0x800: {  	s7 =	smul.f32 s11, s6  }
0x801: {  	s1 =	smul.f32 s5, s1  }
0x802: {  	s7 =	smul.f32 s11, s7  }
0x803: {  	v35 =	vmul.f32 s0, v19  }
0x804: {  	s7 =	ssub.f32 $1.500000000e+00, s7;
	v0 =	vmul.f32 s1, v0  }
0x805: {  	s12 =	spop (v2sf);
	[tilespmem:s16+$0xFFFFFFF0] =	vst v35  }
0x806: {  	s5 =	smax.f32 s12, $1.000000020e-24;
	s4 =	smul.f32 s11, s7;
	v1 =	vld [tilespmem:$0x1F4B0];
	[tilespmem:s16+$0x0] =	vst v0  }
0x807: {  	s13 =	sshrl.u32 s5, $0x1;
	s5 =	smul.f32 $5.000000000e-01, s5;
	v0 =	vld [tilespmem:$0x1F520]  }
0x808: {  	s8 =	ssub.s32 $0x5F3759DF, s13;
	s6 =	smul.f32 s4, s6  }
0x809: {  	s14 =	smul.f32 s8, s5  }
0x80a: {  	s6 =	smul.f32 s6, s4  }
0x80b: {  	s0 =	smul.f32 s8, s14;
	v1 =	vmul.f32 s1, v1  }
0x80c: {  	s6 =	ssub.f32 $1.500000000e+00, s6;
	v0 =	vmul.f32 s1, v0  }
0x80d: {  	v36 =	vmul.f32 s1, v58;
	s0 =	ssub.f32 $1.500000000e+00, s0;
	[tilespmem:s16+$0x10] =	vst v1  }
0x80e: {  	v37 =	vmul.f32 s1, v49;
	s15 =	spop (v2sf);
	s4 =	smul.f32 s6, s4;
	[tilespmem:s16+$0x20] =	vst v0  }
0x80f: {  	v38 =	vmul.f32 s1, v9;
	s7 =	smax.f32 s15, $1.000000020e-24;
	s0 =	smul.f32 s8, s0;
	v0 =	vld [tilespmem:$0x1F590];
	[tilespmem:s16+$0x30] =	vst v36  }
0x810: {  	v39 =	vmul.f32 s1, v11;
	s20 =	smul.f32 $5.000000000e-01, s7;
	s7 =	sshrl.u32 s7, $0x1;
	[tilespmem:s16+$0x50] =	vst v37  }
0x811: {  	s7 =	ssub.s32 $0x5F3759DF, s7;
	v40 =	vmul.f32 s4, v22;
	s5 =	smul.f32 s0, s5;
	[tilespmem:s16+$0x60] =	vst v38  }
0x812: {  	s21 =	smul.f32 s7, s20;
	v41 =	vmul.f32 s4, v23;
	[tilespmem:s16+$0x70] =	vst v39  }
0x813: {  	v42 =	vmul.f32 s4, v26;
	s5 =	smul.f32 s5, s0;
	[tilespmem:s31+$0xFFFFFF00] =	vst v40  }
0x814: {  	v43 =	vmul.f32 s4, v27;
	[tilespmem:s31+$0xFFFFFF10] =	vst v41;
	v0 =	vmul.f32 s1, v0;
	s1 =	smul.f32 s7, s21  }
0x815: {  	v44 =	vmul.f32 s4, v28;
	s5 =	ssub.f32 $1.500000000e+00, s5;
	[tilespmem:s31+$0xFFFFFF20] =	vst v42  }
0x816: {  	v45 =	vmul.f32 s4, v8;
	[tilespmem:s31+$0xFFFFFF30] =	vst v43;
	s1 =	ssub.f32 $1.500000000e+00, s1  }
0x817: {  	v46 =	vmul.f32 s4, v13;
	s0 =	smul.f32 s5, s0;
	[tilespmem:s31+$0xFFFFFF40] =	vst v44  }
0x818: {  	v47 =	vmul.f32 s4, v29;
	[tilespmem:s31+$0xFFFFFF50] =	vst v45;
	s1 =	smul.f32 s7, s1  }
0x819: {  	v48 =	vmul.f32 s0, v17;
	[tilespmem:s31+$0xFFFFFF60] =	vst v46  }
0x81a: {  	v49 =	vmul.f32 s0, v16;
	[tilespmem:s31+$0xFFFFFF70] =	vst v47;
	s22 =	smul.f32 s1, s20  }
0x81b: {  	v50 =	vmul.f32 s0, v20;
	[tilespmem:s31+$0xFFFFFF80] =	vst v48  }
0x81c: {  	v51 =	vmul.f32 s0, v25;
	[tilespmem:s31+$0xFFFFFF90] =	vst v49;
	s4 =	smul.f32 s22, s1  }
0x81d: {  	v52 =	vmul.f32 s0, v24;
	[tilespmem:s31+$0xFFFFFFA0] =	vst v50  }
0x81e: {  	v53 =	vmul.f32 s0, v7;
	[tilespmem:s31+$0xFFFFFFB0] =	vst v51;
	s4 =	ssub.f32 $1.500000000e+00, s4  }
0x81f: {  	v54 =	vmul.f32 s0, v10;
	[tilespmem:s31+$0xFFFFFFC0] =	vst v52  }
0x820: {  	v55 =	vmul.f32 s0, v31;
	[tilespmem:s31+$0xFFFFFFD0] =	vst v53;
	s1 =	smul.f32 s4, s1  }
0x821: {  	[tilespmem:s31+$0xFFFFFFE0] =	vst v54  }
0x822: {  	[tilespmem:s31+$0xFFFFFFF0] =	vst v55;
	v56 =	vmul.f32 s1, v14  }
0x823: {  	[tilespmem:s16+$0x40] =	vst v0;
	v57 =	vmul.f32 s1, v12  }
0x824: {  	v58 =	vmul.f32 s1, v15;
	[tilespmem:s31+$0x0] =	vst v56  }
0x825: {  	v59 =	vmul.f32 s1, v18;
	[tilespmem:s31+$0x10] =	vst v57  }
0x826: {  	v60 =	vmul.f32 s1, v21;
	[tilespmem:s31+$0x20] =	vst v58  }
0x827: {  	v61 =	vmul.f32 s1, v4;
	[tilespmem:s31+$0x30] =	vst v59  }
0x828: {  	[tilespmem:s31+$0x40] =	vst v60  }
0x829: {  	[tilespmem:s31+$0x50] =	vst v61  }
0x82a: {  	v62 =	vmul.f32 s1, v6;
	s23 =	rddreg [dreg:$0x9]  }
0x82b: {  	s18 =	sadd.s32 $0x1, s18;
	v63 =	vmul.f32 s1, v32;
	s0 =	sadd.s32 s23, s19  }
0x82c: {  	s28 =	simm.s32 $0x12600;
	s24 =	rddreg [dreg:$0x7];
	[tilespmem:s31+$0x60] =	vst v62;
	s0 =	sshll.u32 s0, $0x4  }
0x82d: {  	s25 =	simm.s32 $0x0;
	[tilespmem:s31+$0x70] =	vst v63;
	s31 =	simm.s32 $0x3;
	s0 =	sadd.s32 s24, s0  }
0x82e: {  	[hbm4b:s0+s25] =	stream.linear.scatter [tilespmem:s28], [sflag:$0x4], $0x2000, $0x38;
	[tilespmem:$0x14600] =	vst v63  }
0x82f: {  	p0 =	sne.s32 s18, $0x4;
	_ =	swait.ge [sflag:s31], $0x2000  }
.Ltmp3:
0x830: {  	[sflag:s31] =	ssyncset.done $0x0;
	(pc) =	sbr.rel @p0 .LBB2_4-.Ltmp3, $4  }
0x831: {  	[sflag:s31] =	ssyncadd.s32 $0xFFFFE000  }
0x832: {  	_ =	swait.ge [sflag:s2], $0x2000  }
0x833: {  	[sflag:s2] =	ssyncset.done $0x0  }
0x834: {  	[sflag:s2] =	ssyncadd.s32 $0xFFFFE000  }
0x835: {  	s1 =	rddreg [dreg:$0xf]  }
0x836: {  	s0 =	rddreg [dreg:$0xe];
	s1 =	sadd.s32 $0x1, s1  }
0x837: {  	p0 =	sne.s32 s1, s0  }
.Ltmp4:
0x838: {  	_ = 	snop;
	(pc) =	sbr.rel @p0 .LBB2_1-.Ltmp4, $2  }
0x839: {  	_ =	sdelay $0x2  }
0x83a: {  	s4 =	simm.s32 $0x200;
	s5 =	simm.s32 $0x400  }
0x83b: {  	_ =	sfence.sel $0x180000  }
0x83c: {  	[bflag:$0x0] =	sbarrier.arrive $0xFFFF  }
0x83d: {  	_ =	strace $0x90000047  }
0x83e: {  	s0 =	stileid.u32;
	[bflag:$0x2] =	sbarrier.arrive $0xFFFF  }
0x83f: {  	p0 =	sne.s32 s0, $0x0;
	s0 =	rddreg [dreg:$0x8]  }
0x840: {  	s0 =	sadd.s32 @!p0 $0x100000, s0  }
0x841: {  	[sflag:s0] =	ssyncadd.tile.s32 @!p0 $0x1;
	_ =	shalt  }
.Lfunc_end2:
_tile_overlayer_lowered:
.L_overlay_start_2:
0x842: {  	(tag) =	ssettag $0x2  }
0x843: {  	s0 =	rddreg [dreg:$0x0];
	s2 =	stileid.u32  }
0x844: {  	s1 =	rddreg [dreg:$0x1];
	p0 =	sne.s32 s2, $0x0  }
0x845: {  	s3 =	rddreg [dreg:$0x2];
	[bflag:$0x3] =	sbarrier.arrive $0xFFFF;
	s2 =	simm.s32 @!p0 $0x1C05  }
0x846: {  	[timem:s3], [sflag:s2] =	dma.local @!p0 [hbm:s0], s1  }
0x847: {  	s0 =	simm.s32 @!p0 $0x5  }
0x848: {  	_ =	swait.ge @!p0 [sflag:s0], s1  }
0x849: {  	s1 =	ssub.s32 @!p0 $0x0, s1;
	[sflag:s0] =	ssyncset.done @!p0 $0x0  }
0x84a: {  	[sflag:s0] =	ssyncadd.s32 @!p0 s1  }
0x84b: {  	[bflag:$0x3] =	sbarrier.arrive $0xFFFF  }
0x84c: {  	_ =	shalt  }

</sc_bundles>
